<compile_context>
chip_gen: v7x
topology: tpu7x:2x2x1
jax: 0.10.2.dev20260603
libtpu: 0.0.44.dev20260713+nightly
codegen_flags: <defaults>
</compile_context>

<pallas_src>
import functools

import jax
import jax.numpy as jnp
import numpy as np
from jax import lax
from jax.experimental import pallas as pl
from jax.experimental.pallas import tpu as pltpu
from jax.experimental.pallas import tpu_sc as plsc

_SQRT_HALF = 0.7071067811865476

N = 10000
E = 320000
D = 128
ED = 16

NC = 2
NS = 16
NW = NC * NS
K = 128
H = K // 2
EPT = 10240
NCHUNK = EPT // K
EPAD = NW * EPT
NPAD = 10240
RPT = NPAD // NS
RBF = 2048
RBY = 2000
BE = 3200



def _gelu(x):
    return 0.5 * x * (1.0 + lax.erf(x * _SQRT_HALF))


def _node_matmul_body(x_ref, w_ref, y_ref):
    y_ref[...] = lax.dot_general(
        x_ref[...], w_ref[...], (((1,), (1,)), ((), ())),
        preferred_element_type=jnp.float32)


def _gate_body(ea_ref, w1_ref, b1_ref, w2_ref, b2_ref, g_ref):
    h = lax.dot_general(ea_ref[...], w1_ref[...], (((1,), (1,)), ((), ())),
                        preferred_element_type=jnp.float32)
    h = _gelu(h + b1_ref[...])
    pre = lax.dot_general(w2_ref[...], h, (((1,), (1,)), ((), ())),
                          preferred_element_type=jnp.float32)
    pre = pre + b2_ref[0:1, 0:1]
    g_ref[...] = jax.nn.sigmoid(pre)


def _final_body(msg_ref, deg_ref, x_ref, w_ref, b_ref, lg_ref, lb_ref, o_ref):
    m = msg_ref[0] + msg_ref[1]
    dg = jnp.maximum(jnp.sum(deg_ref[...], axis=0), 1.0)
    m = (m.reshape(RBF // 128, 128, D) / dg[:, :, None]).reshape(RBF, D)
    z = lax.dot_general(x_ref[...], w_ref[...], (((1,), (1,)), ((), ())),
                        preferred_element_type=jnp.float32) + b_ref[...]
    res = m + z
    mu = jnp.mean(res, axis=-1, keepdims=True)
    var = jnp.mean((res - mu) ** 2, axis=-1, keepdims=True)
    y = (res - mu) / jnp.sqrt(var + 1e-5) * lg_ref[...] + lb_ref[...]
    o_ref[...] = _gelu(y)


def _sc_body(y_hbm, s_hbm, d_hbm, g_hbm, msg_out, deg_out,
             s_v, d_v, g_v, buf_a, buf_b, deg_v, acc_msg,
             gsem_a, gsem_b, ssem_a, ssem_b):
    cid = lax.axis_index("c")
    sid = lax.axis_index("s")
    wid = sid * NC + cid
    base = sid * RPT

    zeros16 = jnp.zeros((16,), jnp.float32)

    def fill_row(r, carry):
        for j in range(D // 16):
            buf_a[r, pl.ds(j * 16, 16)] = zeros16
        return carry

    lax.fori_loop(0, K, fill_row, 0)

    def zdeg_row(r, carry):
        for j in range(8):
            deg_v[r, pl.ds(j * 16, 16)] = zeros16
        return carry

    lax.fori_loop(0, NPAD // 128, zdeg_row, 0)

    def zmsg(t, carry):
        pltpu.sync_copy(buf_a, acc_msg.at[pl.ds(base + t * K, K)])
        return carry

    lax.fori_loop(0, RPT // K, zmsg, 0)
    plsc.subcore_barrier()

    splat_idx = [jnp.full((16,), j, jnp.int32) for j in range(16)]
    ones16 = jnp.ones((16,), jnp.float32)
    dummy_g = y_hbm.at[pl.ds(0, K)]

    def gather2(cc, buf, sem):
        idx = s_v.at[cc]
        Q = K // 4
        for q in range(4):
            pltpu.async_copy(y_hbm.at[idx.at[pl.ds(q * Q, Q)]],
                             buf.at[pl.ds(q * Q, Q)], sem)

    def do_scale(buf, cc):
        def scale_grp(kk, carry2):
            e0 = kk * 16
            gvec = g_v[cc, pl.ds(e0, 16)]
            dvec = d_v[cc, pl.ds(e0, 16)]
            plsc.addupdate_scatter(
                deg_v, [lax.shift_right_logical(dvec, 7),
                        lax.bitwise_and(dvec, 127)], ones16)
            for j in range(16):
                gs = gvec.at[splat_idx[j]].get(mode="promise_in_bounds")
                k = e0 + j
                for b in range(D // 16):
                    sl = pl.ds(b * 16, 16)
                    buf[k, sl] = buf[k, sl] * gs
            return carry2

        lax.fori_loop(0, K // 16, scale_grp, 0)

    def phase(cc, buf, gsem_cur, obuf, gsem_oth, ssem_cur, ssem_oth):
        pltpu.make_async_copy(dummy_g, buf, gsem_cur).wait()

        @pl.when(cc >= 1)
        def _():
            pltpu.make_async_copy(dummy_g, obuf, ssem_oth).wait()

        @pl.when(cc + 1 < 8)
        def _():
            gather2(cc + 1, obuf, gsem_oth)

        do_scale(buf, cc)
        pltpu.async_copy(buf, acc_msg.at[d_v.at[cc]], ssem_cur, add=True)

    def cgroup(cg, carry):
        pltpu.sync_copy(s_hbm.at[wid, cg], s_v)
        pltpu.sync_copy(d_hbm.at[wid, cg], d_v)
        pltpu.sync_copy(g_hbm.at[wid, cg], g_v)
        gather2(0, buf_a, gsem_a)

        def pipe(p2, carry1):
            phase(p2 * 2, buf_a, gsem_a, buf_b, gsem_b, ssem_a, ssem_b)
            phase(p2 * 2 + 1, buf_b, gsem_b, buf_a, gsem_a, ssem_b, ssem_a)
            return carry1

        lax.fori_loop(0, 4, pipe, 0)
        pltpu.make_async_copy(dummy_g, buf_b, ssem_b).wait()
        return carry

    lax.fori_loop(0, NCHUNK // 8, cgroup, 0)
    plsc.subcore_barrier()

    pltpu.sync_copy(acc_msg.at[pl.ds(base, RPT)],
                    msg_out.at[pl.ds(cid * NPAD + base, RPT)])
    pltpu.sync_copy(deg_v, deg_out.at[wid])


@jax.jit
def kernel(x_src, x_dst, edge_index, edge_attr,
           W_src, W_dst, b_dst, gW1, gb1, gW2, gb2, ln_g, ln_b):
    f32 = jnp.float32

    Y = pl.pallas_call(
        _node_matmul_body,
        grid=(N // RBY,),
        in_specs=[
            pl.BlockSpec((RBY, D), lambda i: (i, 0)),
            pl.BlockSpec((D, D), lambda i: (0, 0)),
        ],
        out_specs=pl.BlockSpec((RBY, D), lambda i: (i, 0)),
        out_shape=jax.ShapeDtypeStruct((N, D), f32),
    )(x_src, W_src)

    gateT = pl.pallas_call(
        _gate_body,
        grid=(E // BE,),
        in_specs=[
            pl.BlockSpec((BE, ED), lambda i: (i, 0)),
            pl.BlockSpec((D, ED), lambda i: (0, 0)),
            pl.BlockSpec((1, D), lambda i: (0, 0)),
            pl.BlockSpec((1, D), lambda i: (0, 0)),
            pl.BlockSpec((1, 1), lambda i: (0, 0)),
        ],
        out_specs=pl.BlockSpec((1, BE), lambda i: (0, i)),
        out_shape=jax.ShapeDtypeStruct((1, E), f32),
    )(edge_attr, gW1, gb1.reshape(1, D), gW2, gb2.reshape(1, 1))

    pad = EPAD - E
    s = edge_index[0]
    d = edge_index[1]
    s3 = jnp.pad(s, (0, pad)).reshape(NW, NCHUNK // 8, 8, K)
    d3 = jnp.pad(d, (0, pad), constant_values=N).reshape(NW, NCHUNK // 8, 8, K)
    g3 = jnp.pad(gateT.reshape(E), (0, pad)).reshape(NW, NCHUNK // 8, 8, K)

    mesh = plsc.VectorSubcoreMesh(core_axis_name="c", subcore_axis_name="s",
                                  num_cores=NC, num_subcores=NS)
    sc_fn = pl.kernel(
        _sc_body,
        out_type=(jax.ShapeDtypeStruct((NC * NPAD, D), f32),
                  jax.ShapeDtypeStruct((NW, NPAD // 128, 128), f32)),
        mesh=mesh,
        compiler_params=pltpu.CompilerParams(needs_layout_passes=False),
        scratch_types=[
            pltpu.VMEM((8, K), jnp.int32),
            pltpu.VMEM((8, K), jnp.int32),
            pltpu.VMEM((8, K), f32),
            pltpu.VMEM((K, D), f32),
            pltpu.VMEM((K, D), f32),
            pltpu.VMEM((NPAD // 128, 128), f32),
            pltpu.VMEM_SHARED((NPAD, D), f32),
            pltpu.SemaphoreType.DMA,
            pltpu.SemaphoreType.DMA,
            pltpu.SemaphoreType.DMA,
            pltpu.SemaphoreType.DMA,
        ],
    )
    msgf, deg3 = sc_fn(Y, s3, d3, g3)
    msg3 = msgf.reshape(NC, NPAD, D)

    outp = pl.pallas_call(
        _final_body,
        grid=(NPAD // RBF,),
        in_specs=[
            pl.BlockSpec((NC, RBF, D), lambda i: (0, i, 0)),
            pl.BlockSpec((NW, RBF // 128, 128), lambda i: (0, i, 0)),
            pl.BlockSpec((RBF, D), lambda i: (i, 0)),
            pl.BlockSpec((D, D), lambda i: (0, 0)),
            pl.BlockSpec((1, D), lambda i: (0, 0)),
            pl.BlockSpec((1, D), lambda i: (0, 0)),
            pl.BlockSpec((1, D), lambda i: (0, 0)),
        ],
        out_specs=pl.BlockSpec((RBF, D), lambda i: (i, 0)),
        out_shape=jax.ShapeDtypeStruct((N, D), f32),
    )(msg3, deg3, x_dst, W_dst, b_dst.reshape(1, D),
      ln_g.reshape(1, D), ln_b.reshape(1, D))
    return outp

# --- scband reference (transcript-rebuilt; emitter-appended) ---
"""Pipeline reference for scband-edge-gated-sagelayer-15006615732398 (READ-ONLY COPY).

The authoritative reference and input builder live on the scoring server;
editing this copy changes nothing except your own understanding.
"""

import jax, jax.numpy as jnp
import numpy as np

N = 10000
E = 320000
D = 128
ED = 16


def setup_inputs(seed: int = 0) -> dict:
    key = jax.random.key(seed)
    ks = jax.random.split(key, 12)
    x_src = jax.random.normal(ks[0], (N, D), dtype=jnp.float32)
    x_dst = jax.random.normal(ks[1], (N, D), dtype=jnp.float32)
    edge_index = jax.random.randint(ks[2], (2, E), 0, N, dtype=jnp.int32)
    edge_attr = jax.random.normal(ks[3], (E, ED), dtype=jnp.float32)
    # parameters
    W_src = jax.random.normal(ks[4], (D, D), dtype=jnp.float32) * (1.0 / np.sqrt(D))
    W_dst = jax.random.normal(ks[5], (D, D), dtype=jnp.float32) * (1.0 / np.sqrt(D))
    b_dst = jnp.zeros((D,), dtype=jnp.float32)
    gW1 = jax.random.normal(ks[6], (D, ED), dtype=jnp.float32) * (1.0 / np.sqrt(ED))
    gb1 = jnp.zeros((D,), dtype=jnp.float32)
    gW2 = jax.random.normal(ks[7], (1, D), dtype=jnp.float32) * (1.0 / np.sqrt(D))
    gb2 = jnp.zeros((1,), dtype=jnp.float32)
    ln_g = jnp.ones((D,), dtype=jnp.float32)
    ln_b = jnp.zeros((D,), dtype=jnp.float32)
    return {
        'x_src': x_src, 'x_dst': x_dst, 'edge_index': edge_index, 'edge_attr': edge_attr,
        'W_src': W_src, 'W_dst': W_dst, 'b_dst': b_dst,
        'gW1': gW1, 'gb1': gb1, 'gW2': gW2, 'gb2': gb2,
        'ln_g': ln_g, 'ln_b': ln_b,
    }


def _layernorm(x, g, b, eps=1e-5):
    mu = jnp.mean(x, axis=-1, keepdims=True)
    var = jnp.mean((x - mu) ** 2, axis=-1, keepdims=True)
    return (x - mu) / jnp.sqrt(var + eps) * g + b


def reference(x_src, x_dst, edge_index, edge_attr, W_src, W_dst, b_dst, gW1, gb1, gW2, gb2, ln_g, ln_b):
    s = edge_index[0]
    d = edge_index[1]
    # msg = Linear(no bias)(x_src[s])  -- gather then matmul
    msg = jnp.take(x_src, s, axis=0) @ W_src.T
    # edge gate: MLP(edge_dim -> d_model -> 1), gelu, no norm, dropout inactive (eval)
    h = edge_attr @ gW1.T + gb1
    h = jax.nn.gelu(h, approximate=False)
    gate = jax.nn.sigmoid(h @ gW2.T + gb2)
    msg = msg * gate
    # scatter-add into dst nodes
    out = jnp.zeros((N, D), dtype=msg.dtype).at[d].add(msg)
    deg = jnp.bincount(d, length=N)
    deg = jnp.clip(deg, 1, None).astype(jnp.float32)[:, None]
    out = out / deg
    res = out + (x_dst @ W_dst.T + b_dst)
    out = _layernorm(res, ln_g, ln_b)
    return jax.nn.gelu(out, approximate=False)

if __name__ == "__main__":
    import jax
    _d = setup_inputs()
    print(jax.jit(kernel)(*tuple(_d.values())))

</pallas_src>

<mosaic_0001>
#map = affine_map<(d0, d1) -> (0, 0)>
#map1 = affine_map<(d0, d1) -> (0, 0, 0, 0)>
#map2 = affine_map<(d0, d1) -> (0, 0, 0)>
module attributes {stable_mosaic.version = 14 : i64} {
  func.func @_sc_body(%arg0: i32, %arg1: i32, %arg2: memref<10000x128xf32, #tpu.memory_space<hbm>>, %arg3: memref<32x10x8x128xi32, #tpu.memory_space<hbm>>, %arg4: memref<32x10x8x128xi32, #tpu.memory_space<hbm>>, %arg5: memref<32x10x8x128xf32, #tpu.memory_space<hbm>>, %arg6: memref<20480x128xf32, #tpu.memory_space<hbm>>, %arg7: memref<32x80x128xf32, #tpu.memory_space<hbm>>, %arg8: memref<8x128xi32, #tpu.memory_space<vmem>>, %arg9: memref<8x128xi32, #tpu.memory_space<vmem>>, %arg10: memref<8x128xf32, #tpu.memory_space<vmem>>, %arg11: memref<128x128xf32, #tpu.memory_space<vmem>>, %arg12: memref<128x128xf32, #tpu.memory_space<vmem>>, %arg13: memref<80x128xf32, #tpu.memory_space<vmem>>, %arg14: memref<10240x128xf32, #tpu.memory_space<vmem_shared>>, %arg15: memref<!tpu.dma_semaphore, #tpu.memory_space<semaphore_mem>>, %arg16: memref<!tpu.dma_semaphore, #tpu.memory_space<semaphore_mem>>, %arg17: memref<!tpu.dma_semaphore, #tpu.memory_space<semaphore_mem>>, %arg18: memref<!tpu.dma_semaphore, #tpu.memory_space<semaphore_mem>>) attributes {dimension_semantics = [#tpu.dimension_semantics<core_parallel>, #tpu.dimension_semantics<subcore_parallel>], iteration_bounds = array<i64: 2, 16>, scalar_prefetch = 0 : i64, scratch_operands = 11 : i64, tpu.core_type = #tpu.core_type<sc_vector_subcore>, window_params = [{transform_indices = #map}, {transform_indices = #map1}, {transform_indices = #map1}, {transform_indices = #map1}, {transform_indices = #map}, {transform_indices = #map2}]} {
    %mul3A = arith.constant 2 : i32
    %mul3A_0 = arith.muli %arg1, %mul3A : i32
    %add3A = arith.addi %mul3A_0, %arg0 : i32
    %mul3A_1 = arith.constant 640 : i32
    %mul3A_2 = arith.muli %arg1, %mul3A_1 : i32
    %broadcast_in_dim3A = arith.constant 0.000000e+00 : f32
    %broadcast_in_dim3A_3 = vector.broadcast %broadcast_in_dim3A : f32 to vector<16xf32>
    %scan3A = arith.constant 0 : i32
    %scan3A_4 = arith.constant 0 : i32
    %scan3A_5 = arith.constant 128 : i32
    %scan3A_6 = arith.addi %scan3A_4, %scan3A_5 : i32
    %scan3A_7 = arith.constant 1 : i32
    scf.for %scan3A_65 = %scan3A_4 to %scan3A_6 step %scan3A_7  : i32 {
      %swap3A = arith.index_cast %scan3A_65 : i32 to index
      %swap3A_66 = arith.constant 0 : index
      %swap3A_67 = tpu.vector_load %arg11[%swap3A, %swap3A_66] {strides = array<i32>} : memref<128x128xf32, #tpu.memory_space<vmem>>, vector<16xf32>,
      tpu.vector_store %arg11[%swap3A, %swap3A_66], %broadcast_in_dim3A_3 {strides = array<i32>} : memref<128x128xf32, #tpu.memory_space<vmem>>, vector<16xf32>,
      %swap3A_68 = arith.index_cast %scan3A_65 : i32 to index
      %swap3A_69 = arith.constant 16 : index
      %swap3A_70 = tpu.vector_load %arg11[%swap3A_68, %swap3A_69] {strides = array<i32>} : memref<128x128xf32, #tpu.memory_space<vmem>>, vector<16xf32>,
      tpu.vector_store %arg11[%swap3A_68, %swap3A_69], %broadcast_in_dim3A_3 {strides = array<i32>} : memref<128x128xf32, #tpu.memory_space<vmem>>, vector<16xf32>,
      %swap3A_71 = arith.index_cast %scan3A_65 : i32 to index
      %swap3A_72 = arith.constant 32 : index
      %swap3A_73 = tpu.vector_load %arg11[%swap3A_71, %swap3A_72] {strides = array<i32>} : memref<128x128xf32, #tpu.memory_space<vmem>>, vector<16xf32>,
      tpu.vector_store %arg11[%swap3A_71, %swap3A_72], %broadcast_in_dim3A_3 {strides = array<i32>} : memref<128x128xf32, #tpu.memory_space<vmem>>, vector<16xf32>,
      %swap3A_74 = arith.index_cast %scan3A_65 : i32 to index
      %swap3A_75 = arith.constant 48 : index
      %swap3A_76 = tpu.vector_load %arg11[%swap3A_74, %swap3A_75] {strides = array<i32>} : memref<128x128xf32, #tpu.memory_space<vmem>>, vector<16xf32>,
      tpu.vector_store %arg11[%swap3A_74, %swap3A_75], %broadcast_in_dim3A_3 {strides = array<i32>} : memref<128x128xf32, #tpu.memory_space<vmem>>, vector<16xf32>,
      %swap3A_77 = arith.index_cast %scan3A_65 : i32 to index
      %swap3A_78 = arith.constant 64 : index
      %swap3A_79 = tpu.vector_load %arg11[%swap3A_77, %swap3A_78] {strides = array<i32>} : memref<128x128xf32, #tpu.memory_space<vmem>>, vector<16xf32>,
      tpu.vector_store %arg11[%swap3A_77, %swap3A_78], %broadcast_in_dim3A_3 {strides = array<i32>} : memref<128x128xf32, #tpu.memory_space<vmem>>, vector<16xf32>,
      %swap3A_80 = arith.index_cast %scan3A_65 : i32 to index
      %swap3A_81 = arith.constant 80 : index
      %swap3A_82 = tpu.vector_load %arg11[%swap3A_80, %swap3A_81] {strides = array<i32>} : memref<128x128xf32, #tpu.memory_space<vmem>>, vector<16xf32>,
      tpu.vector_store %arg11[%swap3A_80, %swap3A_81], %broadcast_in_dim3A_3 {strides = array<i32>} : memref<128x128xf32, #tpu.memory_space<vmem>>, vector<16xf32>,
      %swap3A_83 = arith.index_cast %scan3A_65 : i32 to index
      %swap3A_84 = arith.constant 96 : index
      %swap3A_85 = tpu.vector_load %arg11[%swap3A_83, %swap3A_84] {strides = array<i32>} : memref<128x128xf32, #tpu.memory_space<vmem>>, vector<16xf32>,
      tpu.vector_store %arg11[%swap3A_83, %swap3A_84], %broadcast_in_dim3A_3 {strides = array<i32>} : memref<128x128xf32, #tpu.memory_space<vmem>>, vector<16xf32>,
      %swap3A_86 = arith.index_cast %scan3A_65 : i32 to index
      %swap3A_87 = arith.constant 112 : index
      %swap3A_88 = tpu.vector_load %arg11[%swap3A_86, %swap3A_87] {strides = array<i32>} : memref<128x128xf32, #tpu.memory_space<vmem>>, vector<16xf32>,
      tpu.vector_store %arg11[%swap3A_86, %swap3A_87], %broadcast_in_dim3A_3 {strides = array<i32>} : memref<128x128xf32, #tpu.memory_space<vmem>>, vector<16xf32>,
    }
    %scan3A_8 = arith.constant 128 : i32
    %scan3A_9 = arith.constant 0 : i32
    %scan3A_10 = arith.constant 0 : i32
    %scan3A_11 = arith.constant 80 : i32
    %scan3A_12 = arith.addi %scan3A_10, %scan3A_11 : i32
    %scan3A_13 = arith.constant 1 : i32
    scf.for %scan3A_65 = %scan3A_10 to %scan3A_12 step %scan3A_13  : i32 {
      %swap3A = arith.index_cast %scan3A_65 : i32 to index
      %swap3A_66 = arith.constant 0 : index
      %swap3A_67 = tpu.vector_load %arg13[%swap3A, %swap3A_66] {strides = array<i32>} : memref<80x128xf32, #tpu.memory_space<vmem>>, vector<16xf32>,
      tpu.vector_store %arg13[%swap3A, %swap3A_66], %broadcast_in_dim3A_3 {strides = array<i32>} : memref<80x128xf32, #tpu.memory_space<vmem>>, vector<16xf32>,
      %swap3A_68 = arith.index_cast %scan3A_65 : i32 to index
      %swap3A_69 = arith.constant 16 : index
      %swap3A_70 = tpu.vector_load %arg13[%swap3A_68, %swap3A_69] {strides = array<i32>} : memref<80x128xf32, #tpu.memory_space<vmem>>, vector<16xf32>,
      tpu.vector_store %arg13[%swap3A_68, %swap3A_69], %broadcast_in_dim3A_3 {strides = array<i32>} : memref<80x128xf32, #tpu.memory_space<vmem>>, vector<16xf32>,
      %swap3A_71 = arith.index_cast %scan3A_65 : i32 to index
      %swap3A_72 = arith.constant 32 : index
      %swap3A_73 = tpu.vector_load %arg13[%swap3A_71, %swap3A_72] {strides = array<i32>} : memref<80x128xf32, #tpu.memory_space<vmem>>, vector<16xf32>,
      tpu.vector_store %arg13[%swap3A_71, %swap3A_72], %broadcast_in_dim3A_3 {strides = array<i32>} : memref<80x128xf32, #tpu.memory_space<vmem>>, vector<16xf32>,
      %swap3A_74 = arith.index_cast %scan3A_65 : i32 to index
      %swap3A_75 = arith.constant 48 : index
      %swap3A_76 = tpu.vector_load %arg13[%swap3A_74, %swap3A_75] {strides = array<i32>} : memref<80x128xf32, #tpu.memory_space<vmem>>, vector<16xf32>,
      tpu.vector_store %arg13[%swap3A_74, %swap3A_75], %broadcast_in_dim3A_3 {strides = array<i32>} : memref<80x128xf32, #tpu.memory_space<vmem>>, vector<16xf32>,
      %swap3A_77 = arith.index_cast %scan3A_65 : i32 to index
      %swap3A_78 = arith.constant 64 : index
      %swap3A_79 = tpu.vector_load %arg13[%swap3A_77, %swap3A_78] {strides = array<i32>} : memref<80x128xf32, #tpu.memory_space<vmem>>, vector<16xf32>,
      tpu.vector_store %arg13[%swap3A_77, %swap3A_78], %broadcast_in_dim3A_3 {strides = array<i32>} : memref<80x128xf32, #tpu.memory_space<vmem>>, vector<16xf32>,
      %swap3A_80 = arith.index_cast %scan3A_65 : i32 to index
      %swap3A_81 = arith.constant 80 : index
      %swap3A_82 = tpu.vector_load %arg13[%swap3A_80, %swap3A_81] {strides = array<i32>} : memref<80x128xf32, #tpu.memory_space<vmem>>, vector<16xf32>,
      tpu.vector_store %arg13[%swap3A_80, %swap3A_81], %broadcast_in_dim3A_3 {strides = array<i32>} : memref<80x128xf32, #tpu.memory_space<vmem>>, vector<16xf32>,
      %swap3A_83 = arith.index_cast %scan3A_65 : i32 to index
      %swap3A_84 = arith.constant 96 : index
      %swap3A_85 = tpu.vector_load %arg13[%swap3A_83, %swap3A_84] {strides = array<i32>} : memref<80x128xf32, #tpu.memory_space<vmem>>, vector<16xf32>,
      tpu.vector_store %arg13[%swap3A_83, %swap3A_84], %broadcast_in_dim3A_3 {strides = array<i32>} : memref<80x128xf32, #tpu.memory_space<vmem>>, vector<16xf32>,
      %swap3A_86 = arith.index_cast %scan3A_65 : i32 to index
      %swap3A_87 = arith.constant 112 : index
      %swap3A_88 = tpu.vector_load %arg13[%swap3A_86, %swap3A_87] {strides = array<i32>} : memref<80x128xf32, #tpu.memory_space<vmem>>, vector<16xf32>,
      tpu.vector_store %arg13[%swap3A_86, %swap3A_87], %broadcast_in_dim3A_3 {strides = array<i32>} : memref<80x128xf32, #tpu.memory_space<vmem>>, vector<16xf32>,
    }
    %scan3A_14 = arith.constant 80 : i32
    %scan3A_15 = arith.constant 0 : i32
    %scan3A_16 = arith.constant 0 : i32
    %scan3A_17 = arith.constant 5 : i32
    %scan3A_18 = arith.addi %scan3A_16, %scan3A_17 : i32
    %scan3A_19 = arith.constant 1 : i32
    scf.for %scan3A_65 = %scan3A_16 to %scan3A_18 step %scan3A_19  : i32 {
      %mul3A_66 = arith.constant 128 : i32
      %mul3A_67 = arith.muli %scan3A_65, %mul3A_66 : i32
      %add3A_68 = arith.addi %mul3A_2, %mul3A_67 : i32
      "tpu.region"() ({
        %run_scoped3A = tpu.sem_alloc : memref<!tpu.dma_semaphore, #tpu.memory_space<semaphore_mem>>
        %dma_start3A = arith.constant 0 : i32
        %dma_start3A_69 = tpu.memref_slice %arg14[%add3A_68, %dma_start3A] : memref<10240x128xf32, #tpu.memory_space<vmem_shared>> -> memref<128x128xf32, #tpu.memory_space<vmem_shared>>
        %dma_start3A_70 = arith.constant 0 : i32
        %dma_start3A_71 = tpu.memref_slice %arg14[%add3A_68, %dma_start3A_70] : memref<10240x128xf32, #tpu.memory_space<vmem_shared>> -> memref<128x128xf32, #tpu.memory_space<vmem_shared>>
        tpu.enqueue_dma source(%arg11 : memref<128x128xf32, #tpu.memory_space<vmem>>) target(%dma_start3A_71 : memref<128x128xf32, #tpu.memory_space<vmem_shared>>) target_semaphore(%run_scoped3A : memref<!tpu.dma_semaphore, #tpu.memory_space<semaphore_mem>>)
        %dma_wait3A = arith.constant 0 : i32
        %dma_wait3A_72 = tpu.memref_slice %arg14[%add3A_68, %dma_wait3A] : memref<10240x128xf32, #tpu.memory_space<vmem_shared>> -> memref<128x128xf32, #tpu.memory_space<vmem_shared>>
        %dma_wait3A_73 = arith.constant 0 : i32
        %dma_wait3A_74 = tpu.memref_slice %arg14[%add3A_68, %dma_wait3A_73] : memref<10240x128xf32, #tpu.memory_space<vmem_shared>> -> memref<128x128xf32, #tpu.memory_space<vmem_shared>>
        tpu.wait_dma2 semaphore(%run_scoped3A : memref<!tpu.dma_semaphore, #tpu.memory_space<semaphore_mem>>) src(%arg11 : memref<128x128xf32, #tpu.memory_space<vmem>>) dst(%dma_wait3A_74 : memref<128x128xf32, #tpu.memory_space<vmem_shared>>)
        tpu.yield
      }) : () -> ()
    }
    %scan3A_20 = arith.constant 5 : i32
    %barrier3A = arith.constant 0 : index
    tpu.barrier barrier_id(%barrier3A)
    %broadcast_in_dim3A_21 = arith.constant 0 : i32
    %broadcast_in_dim3A_22 = vector.broadcast %broadcast_in_dim3A_21 : i32 to vector<16xi32>
    %broadcast_in_dim3A_23 = arith.constant 1 : i32
    %broadcast_in_dim3A_24 = vector.broadcast %broadcast_in_dim3A_23 : i32 to vector<16xi32>
    %broadcast_in_dim3A_25 = arith.constant 2 : i32
    %broadcast_in_dim3A_26 = vector.broadcast %broadcast_in_dim3A_25 : i32 to vector<16xi32>
    %broadcast_in_dim3A_27 = arith.constant 3 : i32
    %broadcast_in_dim3A_28 = vector.broadcast %broadcast_in_dim3A_27 : i32 to vector<16xi32>
    %broadcast_in_dim3A_29 = arith.constant 4 : i32
    %broadcast_in_dim3A_30 = vector.broadcast %broadcast_in_dim3A_29 : i32 to vector<16xi32>
    %broadcast_in_dim3A_31 = arith.constant 5 : i32
    %broadcast_in_dim3A_32 = vector.broadcast %broadcast_in_dim3A_31 : i32 to vector<16xi32>
    %broadcast_in_dim3A_33 = arith.constant 6 : i32
    %broadcast_in_dim3A_34 = vector.broadcast %broadcast_in_dim3A_33 : i32 to vector<16xi32>
    %broadcast_in_dim3A_35 = arith.constant 7 : i32
    %broadcast_in_dim3A_36 = vector.broadcast %broadcast_in_dim3A_35 : i32 to vector<16xi32>
    %broadcast_in_dim3A_37 = arith.constant 8 : i32
    %broadcast_in_dim3A_38 = vector.broadcast %broadcast_in_dim3A_37 : i32 to vector<16xi32>
    %broadcast_in_dim3A_39 = arith.constant 9 : i32
    %broadcast_in_dim3A_40 = vector.broadcast %broadcast_in_dim3A_39 : i32 to vector<16xi32>
    %broadcast_in_dim3A_41 = arith.constant 10 : i32
    %broadcast_in_dim3A_42 = vector.broadcast %broadcast_in_dim3A_41 : i32 to vector<16xi32>
    %broadcast_in_dim3A_43 = arith.constant 11 : i32
    %broadcast_in_dim3A_44 = vector.broadcast %broadcast_in_dim3A_43 : i32 to vector<16xi32>
    %broadcast_in_dim3A_45 = arith.constant 12 : i32
    %broadcast_in_dim3A_46 = vector.broadcast %broadcast_in_dim3A_45 : i32 to vector<16xi32>
    %broadcast_in_dim3A_47 = arith.constant 13 : i32
    %broadcast_in_dim3A_48 = vector.broadcast %broadcast_in_dim3A_47 : i32 to vector<16xi32>
    %broadcast_in_dim3A_49 = arith.constant 14 : i32
    %broadcast_in_dim3A_50 = vector.broadcast %broadcast_in_dim3A_49 : i32 to vector<16xi32>
    %broadcast_in_dim3A_51 = arith.constant 15 : i32
    %broadcast_in_dim3A_52 = vector.broadcast %broadcast_in_dim3A_51 : i32 to vector<16xi32>
    %broadcast_in_dim3A_53 = arith.constant 1.000000e+00 : f32
    %broadcast_in_dim3A_54 = vector.broadcast %broadcast_in_dim3A_53 : f32 to vector<16xf32>
    %scan3A_55 = arith.constant 0 : i32
    %scan3A_56 = arith.constant 0 : i32
    %scan3A_57 = arith.constant 10 : i32
    %scan3A_58 = arith.addi %scan3A_56, %scan3A_57 : i32
    %scan3A_59 = arith.constant 1 : i32
    scf.for %scan3A_65 = %scan3A_56 to %scan3A_58 step %scan3A_59  : i32 {
      "tpu.region"() ({
        %run_scoped3A = tpu.sem_alloc : memref<!tpu.dma_semaphore, #tpu.memory_space<semaphore_mem>>
        %dma_start3A_124 = arith.constant 0 : i32
        %dma_start3A_125 = arith.constant 0 : i32
        %dma_start3A_126 = tpu.memref_slice %arg3[%add3A, %scan3A_65, %dma_start3A_124, %dma_start3A_125] : memref<32x10x8x128xi32, #tpu.memory_space<hbm>> -> memref<1x1x8x128xi32, #tpu.memory_space<hbm>>
        %dma_start3A_127 = tpu.memref_squeeze %dma_start3A_126 : memref<1x1x8x128xi32, #tpu.memory_space<hbm>> -> memref<8x128xi32, #tpu.memory_space<hbm>>
        %dma_start3A_128 = arith.constant 0 : i32
        %dma_start3A_129 = arith.constant 0 : i32
        %dma_start3A_130 = tpu.memref_slice %arg3[%add3A, %scan3A_65, %dma_start3A_128, %dma_start3A_129] : memref<32x10x8x128xi32, #tpu.memory_space<hbm>> -> memref<1x1x8x128xi32, #tpu.memory_space<hbm>>
        %dma_start3A_131 = tpu.memref_squeeze %dma_start3A_130 : memref<1x1x8x128xi32, #tpu.memory_space<hbm>> -> memref<8x128xi32, #tpu.memory_space<hbm>>
        tpu.enqueue_dma source(%dma_start3A_131 : memref<8x128xi32, #tpu.memory_space<hbm>>) target(%arg8 : memref<8x128xi32, #tpu.memory_space<vmem>>) target_semaphore(%run_scoped3A : memref<!tpu.dma_semaphore, #tpu.memory_space<semaphore_mem>>)
        %dma_wait3A_132 = arith.constant 0 : i32
        %dma_wait3A_133 = arith.constant 0 : i32
        %dma_wait3A_134 = tpu.memref_slice %arg3[%add3A, %scan3A_65, %dma_wait3A_132, %dma_wait3A_133] : memref<32x10x8x128xi32, #tpu.memory_space<hbm>> -> memref<1x1x8x128xi32, #tpu.memory_space<hbm>>
        %dma_wait3A_135 = tpu.memref_squeeze %dma_wait3A_134 : memref<1x1x8x128xi32, #tpu.memory_space<hbm>> -> memref<8x128xi32, #tpu.memory_space<hbm>>
        %dma_wait3A_136 = arith.constant 0 : i32
        %dma_wait3A_137 = arith.constant 0 : i32
        %dma_wait3A_138 = tpu.memref_slice %arg3[%add3A, %scan3A_65, %dma_wait3A_136, %dma_wait3A_137] : memref<32x10x8x128xi32, #tpu.memory_space<hbm>> -> memref<1x1x8x128xi32, #tpu.memory_space<hbm>>
        %dma_wait3A_139 = tpu.memref_squeeze %dma_wait3A_138 : memref<1x1x8x128xi32, #tpu.memory_space<hbm>> -> memref<8x128xi32, #tpu.memory_space<hbm>>
        tpu.wait_dma2 semaphore(%run_scoped3A : memref<!tpu.dma_semaphore, #tpu.memory_space<semaphore_mem>>) src(%dma_wait3A_139 : memref<8x128xi32, #tpu.memory_space<hbm>>) dst(%arg8 : memref<8x128xi32, #tpu.memory_space<vmem>>)
        tpu.yield
      }) : () -> ()
      "tpu.region"() ({
        %run_scoped3A = tpu.sem_alloc : memref<!tpu.dma_semaphore, #tpu.memory_space<semaphore_mem>>
        %dma_start3A_124 = arith.constant 0 : i32
        %dma_start3A_125 = arith.constant 0 : i32
        %dma_start3A_126 = tpu.memref_slice %arg4[%add3A, %scan3A_65, %dma_start3A_124, %dma_start3A_125] : memref<32x10x8x128xi32, #tpu.memory_space<hbm>> -> memref<1x1x8x128xi32, #tpu.memory_space<hbm>>
        %dma_start3A_127 = tpu.memref_squeeze %dma_start3A_126 : memref<1x1x8x128xi32, #tpu.memory_space<hbm>> -> memref<8x128xi32, #tpu.memory_space<hbm>>
        %dma_start3A_128 = arith.constant 0 : i32
        %dma_start3A_129 = arith.constant 0 : i32
        %dma_start3A_130 = tpu.memref_slice %arg4[%add3A, %scan3A_65, %dma_start3A_128, %dma_start3A_129] : memref<32x10x8x128xi32, #tpu.memory_space<hbm>> -> memref<1x1x8x128xi32, #tpu.memory_space<hbm>>
        %dma_start3A_131 = tpu.memref_squeeze %dma_start3A_130 : memref<1x1x8x128xi32, #tpu.memory_space<hbm>> -> memref<8x128xi32, #tpu.memory_space<hbm>>
        tpu.enqueue_dma source(%dma_start3A_131 : memref<8x128xi32, #tpu.memory_space<hbm>>) target(%arg9 : memref<8x128xi32, #tpu.memory_space<vmem>>) target_semaphore(%run_scoped3A : memref<!tpu.dma_semaphore, #tpu.memory_space<semaphore_mem>>)
        %dma_wait3A_132 = arith.constant 0 : i32
        %dma_wait3A_133 = arith.constant 0 : i32
        %dma_wait3A_134 = tpu.memref_slice %arg4[%add3A, %scan3A_65, %dma_wait3A_132, %dma_wait3A_133] : memref<32x10x8x128xi32, #tpu.memory_space<hbm>> -> memref<1x1x8x128xi32, #tpu.memory_space<hbm>>
        %dma_wait3A_135 = tpu.memref_squeeze %dma_wait3A_134 : memref<1x1x8x128xi32, #tpu.memory_space<hbm>> -> memref<8x128xi32, #tpu.memory_space<hbm>>
        %dma_wait3A_136 = arith.constant 0 : i32
        %dma_wait3A_137 = arith.constant 0 : i32
        %dma_wait3A_138 = tpu.memref_slice %arg4[%add3A, %scan3A_65, %dma_wait3A_136, %dma_wait3A_137] : memref<32x10x8x128xi32, #tpu.memory_space<hbm>> -> memref<1x1x8x128xi32, #tpu.memory_space<hbm>>
        %dma_wait3A_139 = tpu.memref_squeeze %dma_wait3A_138 : memref<1x1x8x128xi32, #tpu.memory_space<hbm>> -> memref<8x128xi32, #tpu.memory_space<hbm>>
        tpu.wait_dma2 semaphore(%run_scoped3A : memref<!tpu.dma_semaphore, #tpu.memory_space<semaphore_mem>>) src(%dma_wait3A_139 : memref<8x128xi32, #tpu.memory_space<hbm>>) dst(%arg9 : memref<8x128xi32, #tpu.memory_space<vmem>>)
        tpu.yield
      }) : () -> ()
      "tpu.region"() ({
        %run_scoped3A = tpu.sem_alloc : memref<!tpu.dma_semaphore, #tpu.memory_space<semaphore_mem>>
        %dma_start3A_124 = arith.constant 0 : i32
        %dma_start3A_125 = arith.constant 0 : i32
        %dma_start3A_126 = tpu.memref_slice %arg5[%add3A, %scan3A_65, %dma_start3A_124, %dma_start3A_125] : memref<32x10x8x128xf32, #tpu.memory_space<hbm>> -> memref<1x1x8x128xf32, #tpu.memory_space<hbm>>
        %dma_start3A_127 = tpu.memref_squeeze %dma_start3A_126 : memref<1x1x8x128xf32, #tpu.memory_space<hbm>> -> memref<8x128xf32, #tpu.memory_space<hbm>>
        %dma_start3A_128 = arith.constant 0 : i32
        %dma_start3A_129 = arith.constant 0 : i32
        %dma_start3A_130 = tpu.memref_slice %arg5[%add3A, %scan3A_65, %dma_start3A_128, %dma_start3A_129] : memref<32x10x8x128xf32, #tpu.memory_space<hbm>> -> memref<1x1x8x128xf32, #tpu.memory_space<hbm>>
        %dma_start3A_131 = tpu.memref_squeeze %dma_start3A_130 : memref<1x1x8x128xf32, #tpu.memory_space<hbm>> -> memref<8x128xf32, #tpu.memory_space<hbm>>
        tpu.enqueue_dma source(%dma_start3A_131 : memref<8x128xf32, #tpu.memory_space<hbm>>) target(%arg10 : memref<8x128xf32, #tpu.memory_space<vmem>>) target_semaphore(%run_scoped3A : memref<!tpu.dma_semaphore, #tpu.memory_space<semaphore_mem>>)
        %dma_wait3A_132 = arith.constant 0 : i32
        %dma_wait3A_133 = arith.constant 0 : i32
        %dma_wait3A_134 = tpu.memref_slice %arg5[%add3A, %scan3A_65, %dma_wait3A_132, %dma_wait3A_133] : memref<32x10x8x128xf32, #tpu.memory_space<hbm>> -> memref<1x1x8x128xf32, #tpu.memory_space<hbm>>
        %dma_wait3A_135 = tpu.memref_squeeze %dma_wait3A_134 : memref<1x1x8x128xf32, #tpu.memory_space<hbm>> -> memref<8x128xf32, #tpu.memory_space<hbm>>
        %dma_wait3A_136 = arith.constant 0 : i32
        %dma_wait3A_137 = arith.constant 0 : i32
        %dma_wait3A_138 = tpu.memref_slice %arg5[%add3A, %scan3A_65, %dma_wait3A_136, %dma_wait3A_137] : memref<32x10x8x128xf32, #tpu.memory_space<hbm>> -> memref<1x1x8x128xf32, #tpu.memory_space<hbm>>
        %dma_wait3A_139 = tpu.memref_squeeze %dma_wait3A_138 : memref<1x1x8x128xf32, #tpu.memory_space<hbm>> -> memref<8x128xf32, #tpu.memory_space<hbm>>
        tpu.wait_dma2 semaphore(%run_scoped3A : memref<!tpu.dma_semaphore, #tpu.memory_space<semaphore_mem>>) src(%dma_wait3A_139 : memref<8x128xf32, #tpu.memory_space<hbm>>) dst(%arg10 : memref<8x128xf32, #tpu.memory_space<vmem>>)
        tpu.yield
      }) : () -> ()
      %dma_start3A = arith.constant 0 : i32
      %dma_start3A_66 = arith.constant 0 : i32
      %dma_start3A_67 = arith.constant 0 : i32
      %dma_start3A_68 = tpu.memref_slice %arg11[%dma_start3A_66, %dma_start3A_67] : memref<128x128xf32, #tpu.memory_space<vmem>> -> memref<32x128xf32, #tpu.memory_space<vmem>>
      %dma_start3A_69 = arith.constant 0 : i32
      %dma_start3A_70 = tpu.memref_slice %arg8[%dma_start3A, %dma_start3A_69] : memref<8x128xi32, #tpu.memory_space<vmem>> -> memref<1x128xi32, #tpu.memory_space<vmem>>
      %dma_start3A_71 = tpu.memref_squeeze %dma_start3A_70 : memref<1x128xi32, #tpu.memory_space<vmem>> -> memref<128xi32, #tpu.memory_space<vmem>>
      %dma_start3A_72 = arith.constant 0 : i32
      %dma_start3A_73 = tpu.memref_slice %dma_start3A_71[%dma_start3A_72] : memref<128xi32, #tpu.memory_space<vmem>> -> memref<32xi32, #tpu.memory_space<vmem>>
      %dma_start3A_74 = arith.constant 0 : i32
      %dma_start3A_75 = arith.constant 0 : i32
      %dma_start3A_76 = tpu.memref_slice %arg2[%dma_start3A_74, %dma_start3A_75] : memref<10000x128xf32, #tpu.memory_space<hbm>> -> memref<10000x128xf32, #tpu.memory_space<hbm>>
      tpu.enqueue_indirect_dma source(%dma_start3A_76 : memref<10000x128xf32, #tpu.memory_space<hbm>>) target(%dma_start3A_68 : memref<32x128xf32, #tpu.memory_space<vmem>>) offsets(%dma_start3A_73 : memref<32xi32, #tpu.memory_space<vmem>>) semaphore(%arg15 : memref<!tpu.dma_semaphore, #tpu.memory_space<semaphore_mem>>)
      %dma_start3A_77 = arith.constant 0 : i32
      %dma_start3A_78 = arith.constant 32 : i32
      %dma_start3A_79 = arith.constant 0 : i32
      %dma_start3A_80 = tpu.memref_slice %arg11[%dma_start3A_78, %dma_start3A_79] : memref<128x128xf32, #tpu.memory_space<vmem>> -> memref<32x128xf32, #tpu.memory_space<vmem>>
      %dma_start3A_81 = arith.constant 0 : i32
      %dma_start3A_82 = tpu.memref_slice %arg8[%dma_start3A_77, %dma_start3A_81] : memref<8x128xi32, #tpu.memory_space<vmem>> -> memref<1x128xi32, #tpu.memory_space<vmem>>
      %dma_start3A_83 = tpu.memref_squeeze %dma_start3A_82 : memref<1x128xi32, #tpu.memory_space<vmem>> -> memref<128xi32, #tpu.memory_space<vmem>>
      %dma_start3A_84 = arith.constant 32 : i32
      %dma_start3A_85 = tpu.memref_slice %dma_start3A_83[%dma_start3A_84] : memref<128xi32, #tpu.memory_space<vmem>> -> memref<32xi32, #tpu.memory_space<vmem>>
      %dma_start3A_86 = arith.constant 0 : i32
      %dma_start3A_87 = arith.constant 0 : i32
      %dma_start3A_88 = tpu.memref_slice %arg2[%dma_start3A_86, %dma_start3A_87] : memref<10000x128xf32, #tpu.memory_space<hbm>> -> memref<10000x128xf32, #tpu.memory_space<hbm>>
      tpu.enqueue_indirect_dma source(%dma_start3A_88 : memref<10000x128xf32, #tpu.memory_space<hbm>>) target(%dma_start3A_80 : memref<32x128xf32, #tpu.memory_space<vmem>>) offsets(%dma_start3A_85 : memref<32xi32, #tpu.memory_space<vmem>>) semaphore(%arg15 : memref<!tpu.dma_semaphore, #tpu.memory_space<semaphore_mem>>)
      %dma_start3A_89 = arith.constant 0 : i32
      %dma_start3A_90 = arith.constant 64 : i32
      %dma_start3A_91 = arith.constant 0 : i32
      %dma_start3A_92 = tpu.memref_slice %arg11[%dma_start3A_90, %dma_start3A_91] : memref<128x128xf32, #tpu.memory_space<vmem>> -> memref<32x128xf32, #tpu.memory_space<vmem>>
      %dma_start3A_93 = arith.constant 0 : i32
      %dma_start3A_94 = tpu.memref_slice %arg8[%dma_start3A_89, %dma_start3A_93] : memref<8x128xi32, #tpu.memory_space<vmem>> -> memref<1x128xi32, #tpu.memory_space<vmem>>
      %dma_start3A_95 = tpu.memref_squeeze %dma_start3A_94 : memref<1x128xi32, #tpu.memory_space<vmem>> -> memref<128xi32, #tpu.memory_space<vmem>>
      %dma_start3A_96 = arith.constant 64 : i32
      %dma_start3A_97 = tpu.memref_slice %dma_start3A_95[%dma_start3A_96] : memref<128xi32, #tpu.memory_space<vmem>> -> memref<32xi32, #tpu.memory_space<vmem>>
      %dma_start3A_98 = arith.constant 0 : i32
      %dma_start3A_99 = arith.constant 0 : i32
      %dma_start3A_100 = tpu.memref_slice %arg2[%dma_start3A_98, %dma_start3A_99] : memref<10000x128xf32, #tpu.memory_space<hbm>> -> memref<10000x128xf32, #tpu.memory_space<hbm>>
      tpu.enqueue_indirect_dma source(%dma_start3A_100 : memref<10000x128xf32, #tpu.memory_space<hbm>>) target(%dma_start3A_92 : memref<32x128xf32, #tpu.memory_space<vmem>>) offsets(%dma_start3A_97 : memref<32xi32, #tpu.memory_space<vmem>>) semaphore(%arg15 : memref<!tpu.dma_semaphore, #tpu.memory_space<semaphore_mem>>)
      %dma_start3A_101 = arith.constant 0 : i32
      %dma_start3A_102 = arith.constant 96 : i32
      %dma_start3A_103 = arith.constant 0 : i32
      %dma_start3A_104 = tpu.memref_slice %arg11[%dma_start3A_102, %dma_start3A_103] : memref<128x128xf32, #tpu.memory_space<vmem>> -> memref<32x128xf32, #tpu.memory_space<vmem>>
      %dma_start3A_105 = arith.constant 0 : i32
      %dma_start3A_106 = tpu.memref_slice %arg8[%dma_start3A_101, %dma_start3A_105] : memref<8x128xi32, #tpu.memory_space<vmem>> -> memref<1x128xi32, #tpu.memory_space<vmem>>
      %dma_start3A_107 = tpu.memref_squeeze %dma_start3A_106 : memref<1x128xi32, #tpu.memory_space<vmem>> -> memref<128xi32, #tpu.memory_space<vmem>>
      %dma_start3A_108 = arith.constant 96 : i32
      %dma_start3A_109 = tpu.memref_slice %dma_start3A_107[%dma_start3A_108] : memref<128xi32, #tpu.memory_space<vmem>> -> memref<32xi32, #tpu.memory_space<vmem>>
      %dma_start3A_110 = arith.constant 0 : i32
      %dma_start3A_111 = arith.constant 0 : i32
      %dma_start3A_112 = tpu.memref_slice %arg2[%dma_start3A_110, %dma_start3A_111] : memref<10000x128xf32, #tpu.memory_space<hbm>> -> memref<10000x128xf32, #tpu.memory_space<hbm>>
      tpu.enqueue_indirect_dma source(%dma_start3A_112 : memref<10000x128xf32, #tpu.memory_space<hbm>>) target(%dma_start3A_104 : memref<32x128xf32, #tpu.memory_space<vmem>>) offsets(%dma_start3A_109 : memref<32xi32, #tpu.memory_space<vmem>>) semaphore(%arg15 : memref<!tpu.dma_semaphore, #tpu.memory_space<semaphore_mem>>)
      %scan3A_113 = arith.constant 0 : i32
      %scan3A_114 = arith.constant 0 : i32
      %scan3A_115 = arith.constant 4 : i32
      %scan3A_116 = arith.addi %scan3A_114, %scan3A_115 : i32
      %scan3A_117 = arith.constant 1 : i32
      scf.for %scan3A_124 = %scan3A_114 to %scan3A_116 step %scan3A_117  : i32 {
        %mul3A_125 = arith.constant 2 : i32
        %mul3A_126 = arith.muli %scan3A_124, %mul3A_125 : i32
        %dma_wait3A_127 = arith.constant 0 : i32
        %dma_wait3A_128 = arith.constant 0 : i32
        %dma_wait3A_129 = tpu.memref_slice %arg2[%dma_wait3A_127, %dma_wait3A_128] : memref<10000x128xf32, #tpu.memory_space<hbm>> -> memref<128x128xf32, #tpu.memory_space<hbm>>
        %dma_wait3A_130 = arith.constant 0 : i32
        %dma_wait3A_131 = arith.constant 0 : i32
        %dma_wait3A_132 = tpu.memref_slice %arg2[%dma_wait3A_130, %dma_wait3A_131] : memref<10000x128xf32, #tpu.memory_space<hbm>> -> memref<128x128xf32, #tpu.memory_space<hbm>>
        tpu.wait_dma2 semaphore(%arg15 : memref<!tpu.dma_semaphore, #tpu.memory_space<semaphore_mem>>) src(%dma_wait3A_132 : memref<128x128xf32, #tpu.memory_space<hbm>>) dst(%arg11 : memref<128x128xf32, #tpu.memory_space<vmem>>)
        %ge3A = arith.constant 1 : i32
        %ge3A_133 = arith.cmpi sge, %mul3A_126, %ge3A : i32
        %convert_element_type3A = arith.extui %ge3A_133 : i1 to i32
        %cond3A = arith.constant 0 : i32
        %cond3A_134 = arith.cmpi ne, %convert_element_type3A, %cond3A : i32
        scf.if %cond3A_134 {
          %dma_wait3A_187 = arith.constant 0 : i32
          %dma_wait3A_188 = arith.constant 0 : i32
          %dma_wait3A_189 = tpu.memref_slice %arg2[%dma_wait3A_187, %dma_wait3A_188] : memref<10000x128xf32, #tpu.memory_space<hbm>> -> memref<128x128xf32, #tpu.memory_space<hbm>>
          %dma_wait3A_190 = arith.constant 0 : i32
          %dma_wait3A_191 = arith.constant 0 : i32
          %dma_wait3A_192 = tpu.memref_slice %arg2[%dma_wait3A_190, %dma_wait3A_191] : memref<10000x128xf32, #tpu.memory_space<hbm>> -> memref<128x128xf32, #tpu.memory_space<hbm>>
          tpu.wait_dma2 semaphore(%arg18 : memref<!tpu.dma_semaphore, #tpu.memory_space<semaphore_mem>>) src(%dma_wait3A_192 : memref<128x128xf32, #tpu.memory_space<hbm>>) dst(%arg12 : memref<128x128xf32, #tpu.memory_space<vmem>>)
        } else {
        }
        %add3A_135 = arith.constant 1 : i32
        %add3A_136 = arith.addi %mul3A_126, %add3A_135 : i32
        %lt3A = arith.constant 8 : i32
        %lt3A_137 = arith.cmpi slt, %add3A_136, %lt3A : i32
        %convert_element_type3A_138 = arith.extui %lt3A_137 : i1 to i32
        %cond3A_139 = arith.constant 0 : i32
        %cond3A_140 = arith.cmpi ne, %convert_element_type3A_138, %cond3A_139 : i32
        scf.if %cond3A_140 {
          %add3A_187 = arith.constant 1 : i32
          %add3A_188 = arith.addi %mul3A_126, %add3A_187 : i32
          %dma_start3A_189 = arith.constant 0 : i32
          %dma_start3A_190 = arith.constant 0 : i32
          %dma_start3A_191 = tpu.memref_slice %arg12[%dma_start3A_189, %dma_start3A_190] : memref<128x128xf32, #tpu.memory_space<vmem>> -> memref<32x128xf32, #tpu.memory_space<vmem>>
          %dma_start3A_192 = arith.constant 0 : i32
          %dma_start3A_193 = tpu.memref_slice %arg8[%add3A_188, %dma_start3A_192] : memref<8x128xi32, #tpu.memory_space<vmem>> -> memref<1x128xi32, #tpu.memory_space<vmem>>
          %dma_start3A_194 = tpu.memref_squeeze %dma_start3A_193 : memref<1x128xi32, #tpu.memory_space<vmem>> -> memref<128xi32, #tpu.memory_space<vmem>>
          %dma_start3A_195 = arith.constant 0 : i32
          %dma_start3A_196 = tpu.memref_slice %dma_start3A_194[%dma_start3A_195] : memref<128xi32, #tpu.memory_space<vmem>> -> memref<32xi32, #tpu.memory_space<vmem>>
          %dma_start3A_197 = arith.constant 0 : i32
          %dma_start3A_198 = arith.constant 0 : i32
          %dma_start3A_199 = tpu.memref_slice %arg2[%dma_start3A_197, %dma_start3A_198] : memref<10000x128xf32, #tpu.memory_space<hbm>> -> memref<10000x128xf32, #tpu.memory_space<hbm>>
          tpu.enqueue_indirect_dma source(%dma_start3A_199 : memref<10000x128xf32, #tpu.memory_space<hbm>>) target(%dma_start3A_191 : memref<32x128xf32, #tpu.memory_space<vmem>>) offsets(%dma_start3A_196 : memref<32xi32, #tpu.memory_space<vmem>>) semaphore(%arg16 : memref<!tpu.dma_semaphore, #tpu.memory_space<semaphore_mem>>)
          %dma_start3A_200 = arith.constant 32 : i32
          %dma_start3A_201 = arith.constant 0 : i32
          %dma_start3A_202 = tpu.memref_slice %arg12[%dma_start3A_200, %dma_start3A_201] : memref<128x128xf32, #tpu.memory_space<vmem>> -> memref<32x128xf32, #tpu.memory_space<vmem>>
          %dma_start3A_203 = arith.constant 0 : i32
          %dma_start3A_204 = tpu.memref_slice %arg8[%add3A_188, %dma_start3A_203] : memref<8x128xi32, #tpu.memory_space<vmem>> -> memref<1x128xi32, #tpu.memory_space<vmem>>
          %dma_start3A_205 = tpu.memref_squeeze %dma_start3A_204 : memref<1x128xi32, #tpu.memory_space<vmem>> -> memref<128xi32, #tpu.memory_space<vmem>>
          %dma_start3A_206 = arith.constant 32 : i32
          %dma_start3A_207 = tpu.memref_slice %dma_start3A_205[%dma_start3A_206] : memref<128xi32, #tpu.memory_space<vmem>> -> memref<32xi32, #tpu.memory_space<vmem>>
          %dma_start3A_208 = arith.constant 0 : i32
          %dma_start3A_209 = arith.constant 0 : i32
          %dma_start3A_210 = tpu.memref_slice %arg2[%dma_start3A_208, %dma_start3A_209] : memref<10000x128xf32, #tpu.memory_space<hbm>> -> memref<10000x128xf32, #tpu.memory_space<hbm>>
          tpu.enqueue_indirect_dma source(%dma_start3A_210 : memref<10000x128xf32, #tpu.memory_space<hbm>>) target(%dma_start3A_202 : memref<32x128xf32, #tpu.memory_space<vmem>>) offsets(%dma_start3A_207 : memref<32xi32, #tpu.memory_space<vmem>>) semaphore(%arg16 : memref<!tpu.dma_semaphore, #tpu.memory_space<semaphore_mem>>)
          %dma_start3A_211 = arith.constant 64 : i32
          %dma_start3A_212 = arith.constant 0 : i32
          %dma_start3A_213 = tpu.memref_slice %arg12[%dma_start3A_211, %dma_start3A_212] : memref<128x128xf32, #tpu.memory_space<vmem>> -> memref<32x128xf32, #tpu.memory_space<vmem>>
          %dma_start3A_214 = arith.constant 0 : i32
          %dma_start3A_215 = tpu.memref_slice %arg8[%add3A_188, %dma_start3A_214] : memref<8x128xi32, #tpu.memory_space<vmem>> -> memref<1x128xi32, #tpu.memory_space<vmem>>
          %dma_start3A_216 = tpu.memref_squeeze %dma_start3A_215 : memref<1x128xi32, #tpu.memory_space<vmem>> -> memref<128xi32, #tpu.memory_space<vmem>>
          %dma_start3A_217 = arith.constant 64 : i32
          %dma_start3A_218 = tpu.memref_slice %dma_start3A_216[%dma_start3A_217] : memref<128xi32, #tpu.memory_space<vmem>> -> memref<32xi32, #tpu.memory_space<vmem>>
          %dma_start3A_219 = arith.constant 0 : i32
          %dma_start3A_220 = arith.constant 0 : i32
          %dma_start3A_221 = tpu.memref_slice %arg2[%dma_start3A_219, %dma_start3A_220] : memref<10000x128xf32, #tpu.memory_space<hbm>> -> memref<10000x128xf32, #tpu.memory_space<hbm>>
          tpu.enqueue_indirect_dma source(%dma_start3A_221 : memref<10000x128xf32, #tpu.memory_space<hbm>>) target(%dma_start3A_213 : memref<32x128xf32, #tpu.memory_space<vmem>>) offsets(%dma_start3A_218 : memref<32xi32, #tpu.memory_space<vmem>>) semaphore(%arg16 : memref<!tpu.dma_semaphore, #tpu.memory_space<semaphore_mem>>)
          %dma_start3A_222 = arith.constant 96 : i32
          %dma_start3A_223 = arith.constant 0 : i32
          %dma_start3A_224 = tpu.memref_slice %arg12[%dma_start3A_222, %dma_start3A_223] : memref<128x128xf32, #tpu.memory_space<vmem>> -> memref<32x128xf32, #tpu.memory_space<vmem>>
          %dma_start3A_225 = arith.constant 0 : i32
          %dma_start3A_226 = tpu.memref_slice %arg8[%add3A_188, %dma_start3A_225] : memref<8x128xi32, #tpu.memory_space<vmem>> -> memref<1x128xi32, #tpu.memory_space<vmem>>
          %dma_start3A_227 = tpu.memref_squeeze %dma_start3A_226 : memref<1x128xi32, #tpu.memory_space<vmem>> -> memref<128xi32, #tpu.memory_space<vmem>>
          %dma_start3A_228 = arith.constant 96 : i32
          %dma_start3A_229 = tpu.memref_slice %dma_start3A_227[%dma_start3A_228] : memref<128xi32, #tpu.memory_space<vmem>> -> memref<32xi32, #tpu.memory_space<vmem>>
          %dma_start3A_230 = arith.constant 0 : i32
          %dma_start3A_231 = arith.constant 0 : i32
          %dma_start3A_232 = tpu.memref_slice %arg2[%dma_start3A_230, %dma_start3A_231] : memref<10000x128xf32, #tpu.memory_space<hbm>> -> memref<10000x128xf32, #tpu.memory_space<hbm>>
          tpu.enqueue_indirect_dma source(%dma_start3A_232 : memref<10000x128xf32, #tpu.memory_space<hbm>>) target(%dma_start3A_224 : memref<32x128xf32, #tpu.memory_space<vmem>>) offsets(%dma_start3A_229 : memref<32xi32, #tpu.memory_space<vmem>>) semaphore(%arg16 : memref<!tpu.dma_semaphore, #tpu.memory_space<semaphore_mem>>)
        } else {
        }
        %scan3A_141 = arith.constant 0 : i32
        %scan3A_142 = arith.constant 0 : i32
        %scan3A_143 = arith.constant 8 : i32
        %scan3A_144 = arith.addi %scan3A_142, %scan3A_143 : i32
        %scan3A_145 = arith.constant 1 : i32
        scf.for %scan3A_187 = %scan3A_142 to %scan3A_144 step %scan3A_145  : i32 {
          %mul3A_188 = arith.constant 16 : i32
          %mul3A_189 = arith.muli %scan3A_187, %mul3A_188 : i32
          %get3A = arith.index_cast %mul3A_126 : i32 to index
          %get3A_190 = arith.index_cast %mul3A_189 : i32 to index
          %get3A_191 = tpu.vector_load %arg10[%get3A, %get3A_190] {strides = array<i32>} : memref<8x128xf32, #tpu.memory_space<vmem>>, vector<16xf32>,
          %get3A_192 = arith.index_cast %mul3A_126 : i32 to index
          %get3A_193 = arith.index_cast %mul3A_189 : i32 to index
          %get3A_194 = tpu.vector_load %arg9[%get3A_192, %get3A_193] {strides = array<i32>} : memref<8x128xi32, #tpu.memory_space<vmem>>, vector<16xi32>,
          %shift_right_logical3A = arith.constant 7 : i32
          %shift_right_logical3A_195 = vector.broadcast %shift_right_logical3A : i32 to vector<16xi32>
          %shift_right_logical3A_196 = arith.shrui %get3A_194, %shift_right_logical3A_195 : vector<16xi32>
          %and3A = arith.constant 127 : i32
          %and3A_197 = vector.broadcast %and3A : i32 to vector<16xi32>
          %and3A_198 = arith.andi %get3A_194, %and3A_197 : vector<16xi32>
          tpu.vector_store_idx %arg13[%shift_right_logical3A_196, %and3A_198], %broadcast_in_dim3A_54 {add = true} : memref<80x128xf32, #tpu.memory_space<vmem>>[vector<16xi32>, vector<16xi32>], vector<16xf32>,
          %lt3A_199 = arith.constant 0 : i32
          %lt3A_200 = vector.broadcast %lt3A_199 : i32 to vector<16xi32>
          %lt3A_201 = arith.cmpi slt, %broadcast_in_dim3A_22, %lt3A_200 : vector<16xi32>
          %add3A_202 = arith.constant 16 : i32
          %add3A_203 = vector.broadcast %add3A_202 : i32 to vector<16xi32>
          %add3A_204 = arith.addi %broadcast_in_dim3A_22, %add3A_203 : vector<16xi32>
          %select_n3A = arith.select %lt3A_201, %add3A_204, %broadcast_in_dim3A_22 : vector<16xi1>, vector<16xi32>
          %broadcast_in_dim3A_205 = vector.shape_cast %select_n3A : vector<16xi32> to vector<16x1xi32>
          %gather3A = vector.shape_cast %broadcast_in_dim3A_205 : vector<16x1xi32> to vector<16xi32>
          %gather3A_206 = tpu.dynamic_gather %get3A_191[%gather3A] in [0] : vector<16xf32>, vector<16xi32> -> vector<16xf32>
          %add3A_207 = arith.constant 0 : i32
          %add3A_208 = arith.addi %mul3A_189, %add3A_207 : i32
          %get3A_209 = arith.index_cast %add3A_208 : i32 to index
          %get3A_210 = arith.constant 0 : index
          %get3A_211 = tpu.vector_load %arg11[%get3A_209, %get3A_210] {strides = array<i32>} : memref<128x128xf32, #tpu.memory_space<vmem>>, vector<16xf32>,
          %mul3A_212 = arith.mulf %get3A_211, %gather3A_206 : vector<16xf32>
          %swap3A = arith.index_cast %add3A_208 : i32 to index
          %swap3A_213 = arith.constant 0 : index
          %swap3A_214 = tpu.vector_load %arg11[%swap3A, %swap3A_213] {strides = array<i32>} : memref<128x128xf32, #tpu.memory_space<vmem>>, vector<16xf32>,
          tpu.vector_store %arg11[%swap3A, %swap3A_213], %mul3A_212 {strides = array<i32>} : memref<128x128xf32, #tpu.memory_space<vmem>>, vector<16xf32>,
          %get3A_215 = arith.index_cast %add3A_208 : i32 to index
          %get3A_216 = arith.constant 16 : index
          %get3A_217 = tpu.vector_load %arg11[%get3A_215, %get3A_216] {strides = array<i32>} : memref<128x128xf32, #tpu.memory_space<vmem>>, vector<16xf32>,
          %mul3A_218 = arith.mulf %get3A_217, %gather3A_206 : vector<16xf32>
          %swap3A_219 = arith.index_cast %add3A_208 : i32 to index
          %swap3A_220 = arith.constant 16 : index
          %swap3A_221 = tpu.vector_load %arg11[%swap3A_219, %swap3A_220] {strides = array<i32>} : memref<128x128xf32, #tpu.memory_space<vmem>>, vector<16xf32>,
          tpu.vector_store %arg11[%swap3A_219, %swap3A_220], %mul3A_218 {strides = array<i32>} : memref<128x128xf32, #tpu.memory_space<vmem>>, vector<16xf32>,
          %get3A_222 = arith.index_cast %add3A_208 : i32 to index
          %get3A_223 = arith.constant 32 : index
          %get3A_224 = tpu.vector_load %arg11[%get3A_222, %get3A_223] {strides = array<i32>} : memref<128x128xf32, #tpu.memory_space<vmem>>, vector<16xf32>,
          %mul3A_225 = arith.mulf %get3A_224, %gather3A_206 : vector<16xf32>
          %swap3A_226 = arith.index_cast %add3A_208 : i32 to index
          %swap3A_227 = arith.constant 32 : index
          %swap3A_228 = tpu.vector_load %arg11[%swap3A_226, %swap3A_227] {strides = array<i32>} : memref<128x128xf32, #tpu.memory_space<vmem>>, vector<16xf32>,
          tpu.vector_store %arg11[%swap3A_226, %swap3A_227], %mul3A_225 {strides = array<i32>} : memref<128x128xf32, #tpu.memory_space<vmem>>, vector<16xf32>,
          %get3A_229 = arith.index_cast %add3A_208 : i32 to index
          %get3A_230 = arith.constant 48 : index
          %get3A_231 = tpu.vector_load %arg11[%get3A_229, %get3A_230] {strides = array<i32>} : memref<128x128xf32, #tpu.memory_space<vmem>>, vector<16xf32>,
          %mul3A_232 = arith.mulf %get3A_231, %gather3A_206 : vector<16xf32>
          %swap3A_233 = arith.index_cast %add3A_208 : i32 to index
          %swap3A_234 = arith.constant 48 : index
          %swap3A_235 = tpu.vector_load %arg11[%swap3A_233, %swap3A_234] {strides = array<i32>} : memref<128x128xf32, #tpu.memory_space<vmem>>, vector<16xf32>,
          tpu.vector_store %arg11[%swap3A_233, %swap3A_234], %mul3A_232 {strides = array<i32>} : memref<128x128xf32, #tpu.memory_space<vmem>>, vector<16xf32>,
          %get3A_236 = arith.index_cast %add3A_208 : i32 to index
          %get3A_237 = arith.constant 64 : index
          %get3A_238 = tpu.vector_load %arg11[%get3A_236, %get3A_237] {strides = array<i32>} : memref<128x128xf32, #tpu.memory_space<vmem>>, vector<16xf32>,
          %mul3A_239 = arith.mulf %get3A_238, %gather3A_206 : vector<16xf32>
          %swap3A_240 = arith.index_cast %add3A_208 : i32 to index
          %swap3A_241 = arith.constant 64 : index
          %swap3A_242 = tpu.vector_load %arg11[%swap3A_240, %swap3A_241] {strides = array<i32>} : memref<128x128xf32, #tpu.memory_space<vmem>>, vector<16xf32>,
          tpu.vector_store %arg11[%swap3A_240, %swap3A_241], %mul3A_239 {strides = array<i32>} : memref<128x128xf32, #tpu.memory_space<vmem>>, vector<16xf32>,
          %get3A_243 = arith.index_cast %add3A_208 : i32 to index
          %get3A_244 = arith.constant 80 : index
          %get3A_245 = tpu.vector_load %arg11[%get3A_243, %get3A_244] {strides = array<i32>} : memref<128x128xf32, #tpu.memory_space<vmem>>, vector<16xf32>,
          %mul3A_246 = arith.mulf %get3A_245, %gather3A_206 : vector<16xf32>
          %swap3A_247 = arith.index_cast %add3A_208 : i32 to index
          %swap3A_248 = arith.constant 80 : index
          %swap3A_249 = tpu.vector_load %arg11[%swap3A_247, %swap3A_248] {strides = array<i32>} : memref<128x128xf32, #tpu.memory_space<vmem>>, vector<16xf32>,
          tpu.vector_store %arg11[%swap3A_247, %swap3A_248], %mul3A_246 {strides = array<i32>} : memref<128x128xf32, #tpu.memory_space<vmem>>, vector<16xf32>,
          %get3A_250 = arith.index_cast %add3A_208 : i32 to index
          %get3A_251 = arith.constant 96 : index
          %get3A_252 = tpu.vector_load %arg11[%get3A_250, %get3A_251] {strides = array<i32>} : memref<128x128xf32, #tpu.memory_space<vmem>>, vector<16xf32>,
          %mul3A_253 = arith.mulf %get3A_252, %gather3A_206 : vector<16xf32>
          %swap3A_254 = arith.index_cast %add3A_208 : i32 to index
          %swap3A_255 = arith.constant 96 : index
          %swap3A_256 = tpu.vector_load %arg11[%swap3A_254, %swap3A_255] {strides = array<i32>} : memref<128x128xf32, #tpu.memory_space<vmem>>, vector<16xf32>,
          tpu.vector_store %arg11[%swap3A_254, %swap3A_255], %mul3A_253 {strides = array<i32>} : memref<128x128xf32, #tpu.memory_space<vmem>>, vector<16xf32>,
          %get3A_257 = arith.index_cast %add3A_208 : i32 to index
          %get3A_258 = arith.constant 112 : index
          %get3A_259 = tpu.vector_load %arg11[%get3A_257, %get3A_258] {strides = array<i32>} : memref<128x128xf32, #tpu.memory_space<vmem>>, vector<16xf32>,
          %mul3A_260 = arith.mulf %get3A_259, %gather3A_206 : vector<16xf32>
          %swap3A_261 = arith.index_cast %add3A_208 : i32 to index
          %swap3A_262 = arith.constant 112 : index
          %swap3A_263 = tpu.vector_load %arg11[%swap3A_261, %swap3A_262] {strides = array<i32>} : memref<128x128xf32, #tpu.memory_space<vmem>>, vector<16xf32>,
          tpu.vector_store %arg11[%swap3A_261, %swap3A_262], %mul3A_260 {strides = array<i32>} : memref<128x128xf32, #tpu.memory_space<vmem>>, vector<16xf32>,
          %lt3A_264 = arith.constant 0 : i32
          %lt3A_265 = vector.broadcast %lt3A_264 : i32 to vector<16xi32>
          %lt3A_266 = arith.cmpi slt, %broadcast_in_dim3A_24, %lt3A_265 : vector<16xi32>
          %add3A_267 = arith.constant 16 : i32
          %add3A_268 = vector.broadcast %add3A_267 : i32 to vector<16xi32>
          %add3A_269 = arith.addi %broadcast_in_dim3A_24, %add3A_268 : vector<16xi32>
          %select_n3A_270 = arith.select %lt3A_266, %add3A_269, %broadcast_in_dim3A_24 : vector<16xi1>, vector<16xi32>
          %broadcast_in_dim3A_271 = vector.shape_cast %select_n3A_270 : vector<16xi32> to vector<16x1xi32>
          %gather3A_272 = vector.shape_cast %broadcast_in_dim3A_271 : vector<16x1xi32> to vector<16xi32>
          %gather3A_273 = tpu.dynamic_gather %get3A_191[%gather3A_272] in [0] : vector<16xf32>, vector<16xi32> -> vector<16xf32>
          %add3A_274 = arith.constant 1 : i32
          %add3A_275 = arith.addi %mul3A_189, %add3A_274 : i32
          %get3A_276 = arith.index_cast %add3A_275 : i32 to index
          %get3A_277 = arith.constant 0 : index
          %get3A_278 = tpu.vector_load %arg11[%get3A_276, %get3A_277] {strides = array<i32>} : memref<128x128xf32, #tpu.memory_space<vmem>>, vector<16xf32>,
          %mul3A_279 = arith.mulf %get3A_278, %gather3A_273 : vector<16xf32>
          %swap3A_280 = arith.index_cast %add3A_275 : i32 to index
          %swap3A_281 = arith.constant 0 : index
          %swap3A_282 = tpu.vector_load %arg11[%swap3A_280, %swap3A_281] {strides = array<i32>} : memref<128x128xf32, #tpu.memory_space<vmem>>, vector<16xf32>,
          tpu.vector_store %arg11[%swap3A_280, %swap3A_281], %mul3A_279 {strides = array<i32>} : memref<128x128xf32, #tpu.memory_space<vmem>>, vector<16xf32>,
          %get3A_283 = arith.index_cast %add3A_275 : i32 to index
          %get3A_284 = arith.constant 16 : index
          %get3A_285 = tpu.vector_load %arg11[%get3A_283, %get3A_284] {strides = array<i32>} : memref<128x128xf32, #tpu.memory_space<vmem>>, vector<16xf32>,
          %mul3A_286 = arith.mulf %get3A_285, %gather3A_273 : vector<16xf32>
          %swap3A_287 = arith.index_cast %add3A_275 : i32 to index
          %swap3A_288 = arith.constant 16 : index
          %swap3A_289 = tpu.vector_load %arg11[%swap3A_287, %swap3A_288] {strides = array<i32>} : memref<128x128xf32, #tpu.memory_space<vmem>>, vector<16xf32>,
          tpu.vector_store %arg11[%swap3A_287, %swap3A_288], %mul3A_286 {strides = array<i32>} : memref<128x128xf32, #tpu.memory_space<vmem>>, vector<16xf32>,
          %get3A_290 = arith.index_cast %add3A_275 : i32 to index
          %get3A_291 = arith.constant 32 : index
          %get3A_292 = tpu.vector_load %arg11[%get3A_290, %get3A_291] {strides = array<i32>} : memref<128x128xf32, #tpu.memory_space<vmem>>, vector<16xf32>,
          %mul3A_293 = arith.mulf %get3A_292, %gather3A_273 : vector<16xf32>
          %swap3A_294 = arith.index_cast %add3A_275 : i32 to index
          %swap3A_295 = arith.constant 32 : index
          %swap3A_296 = tpu.vector_load %arg11[%swap3A_294, %swap3A_295] {strides = array<i32>} : memref<128x128xf32, #tpu.memory_space<vmem>>, vector<16xf32>,
          tpu.vector_store %arg11[%swap3A_294, %swap3A_295], %mul3A_293 {strides = array<i32>} : memref<128x128xf32, #tpu.memory_space<vmem>>, vector<16xf32>,
          %get3A_297 = arith.index_cast %add3A_275 : i32 to index
          %get3A_298 = arith.constant 48 : index
          %get3A_299 = tpu.vector_load %arg11[%get3A_297, %get3A_298] {strides = array<i32>} : memref<128x128xf32, #tpu.memory_space<vmem>>, vector<16xf32>,
          %mul3A_300 = arith.mulf %get3A_299, %gather3A_273 : vector<16xf32>
          %swap3A_301 = arith.index_cast %add3A_275 : i32 to index
          %swap3A_302 = arith.constant 48 : index
          %swap3A_303 = tpu.vector_load %arg11[%swap3A_301, %swap3A_302] {strides = array<i32>} : memref<128x128xf32, #tpu.memory_space<vmem>>, vector<16xf32>,
          tpu.vector_store %arg11[%swap3A_301, %swap3A_302], %mul3A_300 {strides = array<i32>} : memref<128x128xf32, #tpu.memory_space<vmem>>, vector<16xf32>,
          %get3A_304 = arith.index_cast %add3A_275 : i32 to index
          %get3A_305 = arith.constant 64 : index
          %get3A_306 = tpu.vector_load %arg11[%get3A_304, %get3A_305] {strides = array<i32>} : memref<128x128xf32, #tpu.memory_space<vmem>>, vector<16xf32>,
          %mul3A_307 = arith.mulf %get3A_306, %gather3A_273 : vector<16xf32>
          %swap3A_308 = arith.index_cast %add3A_275 : i32 to index
          %swap3A_309 = arith.constant 64 : index
          %swap3A_310 = tpu.vector_load %arg11[%swap3A_308, %swap3A_309] {strides = array<i32>} : memref<128x128xf32, #tpu.memory_space<vmem>>, vector<16xf32>,
          tpu.vector_store %arg11[%swap3A_308, %swap3A_309], %mul3A_307 {strides = array<i32>} : memref<128x128xf32, #tpu.memory_space<vmem>>, vector<16xf32>,
          %get3A_311 = arith.index_cast %add3A_275 : i32 to index
          %get3A_312 = arith.constant 80 : index
          %get3A_313 = tpu.vector_load %arg11[%get3A_311, %get3A_312] {strides = array<i32>} : memref<128x128xf32, #tpu.memory_space<vmem>>, vector<16xf32>,
          %mul3A_314 = arith.mulf %get3A_313, %gather3A_273 : vector<16xf32>
          %swap3A_315 = arith.index_cast %add3A_275 : i32 to index
          %swap3A_316 = arith.constant 80 : index
          %swap3A_317 = tpu.vector_load %arg11[%swap3A_315, %swap3A_316] {strides = array<i32>} : memref<128x128xf32, #tpu.memory_space<vmem>>, vector<16xf32>,
          tpu.vector_store %arg11[%swap3A_315, %swap3A_316], %mul3A_314 {strides = array<i32>} : memref<128x128xf32, #tpu.memory_space<vmem>>, vector<16xf32>,
          %get3A_318 = arith.index_cast %add3A_275 : i32 to index
          %get3A_319 = arith.constant 96 : index
          %get3A_320 = tpu.vector_load %arg11[%get3A_318, %get3A_319] {strides = array<i32>} : memref<128x128xf32, #tpu.memory_space<vmem>>, vector<16xf32>,
          %mul3A_321 = arith.mulf %get3A_320, %gather3A_273 : vector<16xf32>
          %swap3A_322 = arith.index_cast %add3A_275 : i32 to index
          %swap3A_323 = arith.constant 96 : index
          %swap3A_324 = tpu.vector_load %arg11[%swap3A_322, %swap3A_323] {strides = array<i32>} : memref<128x128xf32, #tpu.memory_space<vmem>>, vector<16xf32>,
          tpu.vector_store %arg11[%swap3A_322, %swap3A_323], %mul3A_321 {strides = array<i32>} : memref<128x128xf32, #tpu.memory_space<vmem>>, vector<16xf32>,
          %get3A_325 = arith.index_cast %add3A_275 : i32 to index
          %get3A_326 = arith.constant 112 : index
          %get3A_327 = tpu.vector_load %arg11[%get3A_325, %get3A_326] {strides = array<i32>} : memref<128x128xf32, #tpu.memory_space<vmem>>, vector<16xf32>,
          %mul3A_328 = arith.mulf %get3A_327, %gather3A_273 : vector<16xf32>
          %swap3A_329 = arith.index_cast %add3A_275 : i32 to index
          %swap3A_330 = arith.constant 112 : index
          %swap3A_331 = tpu.vector_load %arg11[%swap3A_329, %swap3A_330] {strides = array<i32>} : memref<128x128xf32, #tpu.memory_space<vmem>>, vector<16xf32>,
          tpu.vector_store %arg11[%swap3A_329, %swap3A_330], %mul3A_328 {strides = array<i32>} : memref<128x128xf32, #tpu.memory_space<vmem>>, vector<16xf32>,
          %lt3A_332 = arith.constant 0 : i32
          %lt3A_333 = vector.broadcast %lt3A_332 : i32 to vector<16xi32>
          %lt3A_334 = arith.cmpi slt, %broadcast_in_dim3A_26, %lt3A_333 : vector<16xi32>
          %add3A_335 = arith.constant 16 : i32
          %add3A_336 = vector.broadcast %add3A_335 : i32 to vector<16xi32>
          %add3A_337 = arith.addi %broadcast_in_dim3A_26, %add3A_336 : vector<16xi32>
          %select_n3A_338 = arith.select %lt3A_334, %add3A_337, %broadcast_in_dim3A_26 : vector<16xi1>, vector<16xi32>
          %broadcast_in_dim3A_339 = vector.shape_cast %select_n3A_338 : vector<16xi32> to vector<16x1xi32>
          %gather3A_340 = vector.shape_cast %broadcast_in_dim3A_339 : vector<16x1xi32> to vector<16xi32>
          %gather3A_341 = tpu.dynamic_gather %get3A_191[%gather3A_340] in [0] : vector<16xf32>, vector<16xi32> -> vector<16xf32>
          %add3A_342 = arith.constant 2 : i32
          %add3A_343 = arith.addi %mul3A_189, %add3A_342 : i32
          %get3A_344 = arith.index_cast %add3A_343 : i32 to index
          %get3A_345 = arith.constant 0 : index
          %get3A_346 = tpu.vector_load %arg11[%get3A_344, %get3A_345] {strides = array<i32>} : memref<128x128xf32, #tpu.memory_space<vmem>>, vector<16xf32>,
          %mul3A_347 = arith.mulf %get3A_346, %gather3A_341 : vector<16xf32>
          %swap3A_348 = arith.index_cast %add3A_343 : i32 to index
          %swap3A_349 = arith.constant 0 : index
          %swap3A_350 = tpu.vector_load %arg11[%swap3A_348, %swap3A_349] {strides = array<i32>} : memref<128x128xf32, #tpu.memory_space<vmem>>, vector<16xf32>,
          tpu.vector_store %arg11[%swap3A_348, %swap3A_349], %mul3A_347 {strides = array<i32>} : memref<128x128xf32, #tpu.memory_space<vmem>>, vector<16xf32>,
          %get3A_351 = arith.index_cast %add3A_343 : i32 to index
          %get3A_352 = arith.constant 16 : index
          %get3A_353 = tpu.vector_load %arg11[%get3A_351, %get3A_352] {strides = array<i32>} : memref<128x128xf32, #tpu.memory_space<vmem>>, vector<16xf32>,
          %mul3A_354 = arith.mulf %get3A_353, %gather3A_341 : vector<16xf32>
          %swap3A_355 = arith.index_cast %add3A_343 : i32 to index
          %swap3A_356 = arith.constant 16 : index
          %swap3A_357 = tpu.vector_load %arg11[%swap3A_355, %swap3A_356] {strides = array<i32>} : memref<128x128xf32, #tpu.memory_space<vmem>>, vector<16xf32>,
          tpu.vector_store %arg11[%swap3A_355, %swap3A_356], %mul3A_354 {strides = array<i32>} : memref<128x128xf32, #tpu.memory_space<vmem>>, vector<16xf32>,
          %get3A_358 = arith.index_cast %add3A_343 : i32 to index
          %get3A_359 = arith.constant 32 : index
          %get3A_360 = tpu.vector_load %arg11[%get3A_358, %get3A_359] {strides = array<i32>} : memref<128x128xf32, #tpu.memory_space<vmem>>, vector<16xf32>,
          %mul3A_361 = arith.mulf %get3A_360, %gather3A_341 : vector<16xf32>
          %swap3A_362 = arith.index_cast %add3A_343 : i32 to index
          %swap3A_363 = arith.constant 32 : index
          %swap3A_364 = tpu.vector_load %arg11[%swap3A_362, %swap3A_363] {strides = array<i32>} : memref<128x128xf32, #tpu.memory_space<vmem>>, vector<16xf32>,
          tpu.vector_store %arg11[%swap3A_362, %swap3A_363], %mul3A_361 {strides = array<i32>} : memref<128x128xf32, #tpu.memory_space<vmem>>, vector<16xf32>,
          %get3A_365 = arith.index_cast %add3A_343 : i32 to index
          %get3A_366 = arith.constant 48 : index
          %get3A_367 = tpu.vector_load %arg11[%get3A_365, %get3A_366] {strides = array<i32>} : memref<128x128xf32, #tpu.memory_space<vmem>>, vector<16xf32>,
          %mul3A_368 = arith.mulf %get3A_367, %gather3A_341 : vector<16xf32>
          %swap3A_369 = arith.index_cast %add3A_343 : i32 to index
          %swap3A_370 = arith.constant 48 : index
          %swap3A_371 = tpu.vector_load %arg11[%swap3A_369, %swap3A_370] {strides = array<i32>} : memref<128x128xf32, #tpu.memory_space<vmem>>, vector<16xf32>,
          tpu.vector_store %arg11[%swap3A_369, %swap3A_370], %mul3A_368 {strides = array<i32>} : memref<128x128xf32, #tpu.memory_space<vmem>>, vector<16xf32>,
          %get3A_372 = arith.index_cast %add3A_343 : i32 to index
          %get3A_373 = arith.constant 64 : index
          %get3A_374 = tpu.vector_load %arg11[%get3A_372, %get3A_373] {strides = array<i32>} : memref<128x128xf32, #tpu.memory_space<vmem>>, vector<16xf32>,
          %mul3A_375 = arith.mulf %get3A_374, %gather3A_341 : vector<16xf32>
          %swap3A_376 = arith.index_cast %add3A_343 : i32 to index
          %swap3A_377 = arith.constant 64 : index
          %swap3A_378 = tpu.vector_load %arg11[%swap3A_376, %swap3A_377] {strides = array<i32>} : memref<128x128xf32, #tpu.memory_space<vmem>>, vector<16xf32>,
          tpu.vector_store %arg11[%swap3A_376, %swap3A_377], %mul3A_375 {strides = array<i32>} : memref<128x128xf32, #tpu.memory_space<vmem>>, vector<16xf32>,
          %get3A_379 = arith.index_cast %add3A_343 : i32 to index
          %get3A_380 = arith.constant 80 : index
          %get3A_381 = tpu.vector_load %arg11[%get3A_379, %get3A_380] {strides = array<i32>} : memref<128x128xf32, #tpu.memory_space<vmem>>, vector<16xf32>,
          %mul3A_382 = arith.mulf %get3A_381, %gather3A_341 : vector<16xf32>
          %swap3A_383 = arith.index_cast %add3A_343 : i32 to index
          %swap3A_384 = arith.constant 80 : index
          %swap3A_385 = tpu.vector_load %arg11[%swap3A_383, %swap3A_384] {strides = array<i32>} : memref<128x128xf32, #tpu.memory_space<vmem>>, vector<16xf32>,
          tpu.vector_store %arg11[%swap3A_383, %swap3A_384], %mul3A_382 {strides = array<i32>} : memref<128x128xf32, #tpu.memory_space<vmem>>, vector<16xf32>,
          %get3A_386 = arith.index_cast %add3A_343 : i32 to index
          %get3A_387 = arith.constant 96 : index
          %get3A_388 = tpu.vector_load %arg11[%get3A_386, %get3A_387] {strides = array<i32>} : memref<128x128xf32, #tpu.memory_space<vmem>>, vector<16xf32>,
          %mul3A_389 = arith.mulf %get3A_388, %gather3A_341 : vector<16xf32>
          %swap3A_390 = arith.index_cast %add3A_343 : i32 to index
          %swap3A_391 = arith.constant 96 : index
          %swap3A_392 = tpu.vector_load %arg11[%swap3A_390, %swap3A_391] {strides = array<i32>} : memref<128x128xf32, #tpu.memory_space<vmem>>, vector<16xf32>,
          tpu.vector_store %arg11[%swap3A_390, %swap3A_391], %mul3A_389 {strides = array<i32>} : memref<128x128xf32, #tpu.memory_space<vmem>>, vector<16xf32>,
          %get3A_393 = arith.index_cast %add3A_343 : i32 to index
          %get3A_394 = arith.constant 112 : index
          %get3A_395 = tpu.vector_load %arg11[%get3A_393, %get3A_394] {strides = array<i32>} : memref<128x128xf32, #tpu.memory_space<vmem>>, vector<16xf32>,
          %mul3A_396 = arith.mulf %get3A_395, %gather3A_341 : vector<16xf32>
          %swap3A_397 = arith.index_cast %add3A_343 : i32 to index
          %swap3A_398 = arith.constant 112 : index
          %swap3A_399 = tpu.vector_load %arg11[%swap3A_397, %swap3A_398] {strides = array<i32>} : memref<128x128xf32, #tpu.memory_space<vmem>>, vector<16xf32>,
          tpu.vector_store %arg11[%swap3A_397, %swap3A_398], %mul3A_396 {strides = array<i32>} : memref<128x128xf32, #tpu.memory_space<vmem>>, vector<16xf32>,
          %lt3A_400 = arith.constant 0 : i32
          %lt3A_401 = vector.broadcast %lt3A_400 : i32 to vector<16xi32>
          %lt3A_402 = arith.cmpi slt, %broadcast_in_dim3A_28, %lt3A_401 : vector<16xi32>
          %add3A_403 = arith.constant 16 : i32
          %add3A_404 = vector.broadcast %add3A_403 : i32 to vector<16xi32>
          %add3A_405 = arith.addi %broadcast_in_dim3A_28, %add3A_404 : vector<16xi32>
          %select_n3A_406 = arith.select %lt3A_402, %add3A_405, %broadcast_in_dim3A_28 : vector<16xi1>, vector<16xi32>
          %broadcast_in_dim3A_407 = vector.shape_cast %select_n3A_406 : vector<16xi32> to vector<16x1xi32>
          %gather3A_408 = vector.shape_cast %broadcast_in_dim3A_407 : vector<16x1xi32> to vector<16xi32>
          %gather3A_409 = tpu.dynamic_gather %get3A_191[%gather3A_408] in [0] : vector<16xf32>, vector<16xi32> -> vector<16xf32>
          %add3A_410 = arith.constant 3 : i32
          %add3A_411 = arith.addi %mul3A_189, %add3A_410 : i32
          %get3A_412 = arith.index_cast %add3A_411 : i32 to index
          %get3A_413 = arith.constant 0 : index
          %get3A_414 = tpu.vector_load %arg11[%get3A_412, %get3A_413] {strides = array<i32>} : memref<128x128xf32, #tpu.memory_space<vmem>>, vector<16xf32>,
          %mul3A_415 = arith.mulf %get3A_414, %gather3A_409 : vector<16xf32>
          %swap3A_416 = arith.index_cast %add3A_411 : i32 to index
          %swap3A_417 = arith.constant 0 : index
          %swap3A_418 = tpu.vector_load %arg11[%swap3A_416, %swap3A_417] {strides = array<i32>} : memref<128x128xf32, #tpu.memory_space<vmem>>, vector<16xf32>,
          tpu.vector_store %arg11[%swap3A_416, %swap3A_417], %mul3A_415 {strides = array<i32>} : memref<128x128xf32, #tpu.memory_space<vmem>>, vector<16xf32>,
          %get3A_419 = arith.index_cast %add3A_411 : i32 to index
          %get3A_420 = arith.constant 16 : index
          %get3A_421 = tpu.vector_load %arg11[%get3A_419, %get3A_420] {strides = array<i32>} : memref<128x128xf32, #tpu.memory_space<vmem>>, vector<16xf32>,
          %mul3A_422 = arith.mulf %get3A_421, %gather3A_409 : vector<16xf32>
          %swap3A_423 = arith.index_cast %add3A_411 : i32 to index
          %swap3A_424 = arith.constant 16 : index
          %swap3A_425 = tpu.vector_load %arg11[%swap3A_423, %swap3A_424] {strides = array<i32>} : memref<128x128xf32, #tpu.memory_space<vmem>>, vector<16xf32>,
          tpu.vector_store %arg11[%swap3A_423, %swap3A_424], %mul3A_422 {strides = array<i32>} : memref<128x128xf32, #tpu.memory_space<vmem>>, vector<16xf32>,
          %get3A_426 = arith.index_cast %add3A_411 : i32 to index
          %get3A_427 = arith.constant 32 : index
          %get3A_428 = tpu.vector_load %arg11[%get3A_426, %get3A_427] {strides = array<i32>} : memref<128x128xf32, #tpu.memory_space<vmem>>, vector<16xf32>,
          %mul3A_429 = arith.mulf %get3A_428, %gather3A_409 : vector<16xf32>
          %swap3A_430 = arith.index_cast %add3A_411 : i32 to index
          %swap3A_431 = arith.constant 32 : index
          %swap3A_432 = tpu.vector_load %arg11[%swap3A_430, %swap3A_431] {strides = array<i32>} : memref<128x128xf32, #tpu.memory_space<vmem>>, vector<16xf32>,
          tpu.vector_store %arg11[%swap3A_430, %swap3A_431], %mul3A_429 {strides = array<i32>} : memref<128x128xf32, #tpu.memory_space<vmem>>, vector<16xf32>,
          %get3A_433 = arith.index_cast %add3A_411 : i32 to index
          %get3A_434 = arith.constant 48 : index
          %get3A_435 = tpu.vector_load %arg11[%get3A_433, %get3A_434] {strides = array<i32>} : memref<128x128xf32, #tpu.memory_space<vmem>>, vector<16xf32>,
          %mul3A_436 = arith.mulf %get3A_435, %gather3A_409 : vector<16xf32>
          %swap3A_437 = arith.index_cast %add3A_411 : i32 to index
          %swap3A_438 = arith.constant 48 : index
          %swap3A_439 = tpu.vector_load %arg11[%swap3A_437, %swap3A_438] {strides = array<i32>} : memref<128x128xf32, #tpu.memory_space<vmem>>, vector<16xf32>,
          tpu.vector_store %arg11[%swap3A_437, %swap3A_438], %mul3A_436 {strides = array<i32>} : memref<128x128xf32, #tpu.memory_space<vmem>>, vector<16xf32>,
          %get3A_440 = arith.index_cast %add3A_411 : i32 to index
          %get3A_441 = arith.constant 64 : index
          %get3A_442 = tpu.vector_load %arg11[%get3A_440, %get3A_441] {strides = array<i32>} : memref<128x128xf32, #tpu.memory_space<vmem>>, vector<16xf32>,
          %mul3A_443 = arith.mulf %get3A_442, %gather3A_409 : vector<16xf32>
          %swap3A_444 = arith.index_cast %add3A_411 : i32 to index
          %swap3A_445 = arith.constant 64 : index
          %swap3A_446 = tpu.vector_load %arg11[%swap3A_444, %swap3A_445] {strides = array<i32>} : memref<128x128xf32, #tpu.memory_space<vmem>>, vector<16xf32>,
          tpu.vector_store %arg11[%swap3A_444, %swap3A_445], %mul3A_443 {strides = array<i32>} : memref<128x128xf32, #tpu.memory_space<vmem>>, vector<16xf32>,
          %get3A_447 = arith.index_cast %add3A_411 : i32 to index
          %get3A_448 = arith.constant 80 : index
          %get3A_449 = tpu.vector_load %arg11[%get3A_447, %get3A_448] {strides = array<i32>} : memref<128x128xf32, #tpu.memory_space<vmem>>, vector<16xf32>,
          %mul3A_450 = arith.mulf %get3A_449, %gather3A_409 : vector<16xf32>
          %swap3A_451 = arith.index_cast %add3A_411 : i32 to index
          %swap3A_452 = arith.constant 80 : index
          %swap3A_453 = tpu.vector_load %arg11[%swap3A_451, %swap3A_452] {strides = array<i32>} : memref<128x128xf32, #tpu.memory_space<vmem>>, vector<16xf32>,
          tpu.vector_store %arg11[%swap3A_451, %swap3A_452], %mul3A_450 {strides = array<i32>} : memref<128x128xf32, #tpu.memory_space<vmem>>, vector<16xf32>,
          %get3A_454 = arith.index_cast %add3A_411 : i32 to index
          %get3A_455 = arith.constant 96 : index
          %get3A_456 = tpu.vector_load %arg11[%get3A_454, %get3A_455] {strides = array<i32>} : memref<128x128xf32, #tpu.memory_space<vmem>>, vector<16xf32>,
          %mul3A_457 = arith.mulf %get3A_456, %gather3A_409 : vector<16xf32>
          %swap3A_458 = arith.index_cast %add3A_411 : i32 to index
          %swap3A_459 = arith.constant 96 : index
          %swap3A_460 = tpu.vector_load %arg11[%swap3A_458, %swap3A_459] {strides = array<i32>} : memref<128x128xf32, #tpu.memory_space<vmem>>, vector<16xf32>,
          tpu.vector_store %arg11[%swap3A_458, %swap3A_459], %mul3A_457 {strides = array<i32>} : memref<128x128xf32, #tpu.memory_space<vmem>>, vector<16xf32>,
          %get3A_461 = arith.index_cast %add3A_411 : i32 to index
          %get3A_462 = arith.constant 112 : index
          %get3A_463 = tpu.vector_load %arg11[%get3A_461, %get3A_462] {strides = array<i32>} : memref<128x128xf32, #tpu.memory_space<vmem>>, vector<16xf32>,
          %mul3A_464 = arith.mulf %get3A_463, %gather3A_409 : vector<16xf32>
          %swap3A_465 = arith.index_cast %add3A_411 : i32 to index
          %swap3A_466 = arith.constant 112 : index
          %swap3A_467 = tpu.vector_load %arg11[%swap3A_465, %swap3A_466] {strides = array<i32>} : memref<128x128xf32, #tpu.memory_space<vmem>>, vector<16xf32>,
          tpu.vector_store %arg11[%swap3A_465, %swap3A_466], %mul3A_464 {strides = array<i32>} : memref<128x128xf32, #tpu.memory_space<vmem>>, vector<16xf32>,
          %lt3A_468 = arith.constant 0 : i32
          %lt3A_469 = vector.broadcast %lt3A_468 : i32 to vector<16xi32>
          %lt3A_470 = arith.cmpi slt, %broadcast_in_dim3A_30, %lt3A_469 : vector<16xi32>
          %add3A_471 = arith.constant 16 : i32
          %add3A_472 = vector.broadcast %add3A_471 : i32 to vector<16xi32>
          %add3A_473 = arith.addi %broadcast_in_dim3A_30, %add3A_472 : vector<16xi32>
          %select_n3A_474 = arith.select %lt3A_470, %add3A_473, %broadcast_in_dim3A_30 : vector<16xi1>, vector<16xi32>
          %broadcast_in_dim3A_475 = vector.shape_cast %select_n3A_474 : vector<16xi32> to vector<16x1xi32>
          %gather3A_476 = vector.shape_cast %broadcast_in_dim3A_475 : vector<16x1xi32> to vector<16xi32>
          %gather3A_477 = tpu.dynamic_gather %get3A_191[%gather3A_476] in [0] : vector<16xf32>, vector<16xi32> -> vector<16xf32>
          %add3A_478 = arith.constant 4 : i32
          %add3A_479 = arith.addi %mul3A_189, %add3A_478 : i32
          %get3A_480 = arith.index_cast %add3A_479 : i32 to index
          %get3A_481 = arith.constant 0 : index
          %get3A_482 = tpu.vector_load %arg11[%get3A_480, %get3A_481] {strides = array<i32>} : memref<128x128xf32, #tpu.memory_space<vmem>>, vector<16xf32>,
          %mul3A_483 = arith.mulf %get3A_482, %gather3A_477 : vector<16xf32>
          %swap3A_484 = arith.index_cast %add3A_479 : i32 to index
          %swap3A_485 = arith.constant 0 : index
          %swap3A_486 = tpu.vector_load %arg11[%swap3A_484, %swap3A_485] {strides = array<i32>} : memref<128x128xf32, #tpu.memory_space<vmem>>, vector<16xf32>,
          tpu.vector_store %arg11[%swap3A_484, %swap3A_485], %mul3A_483 {strides = array<i32>} : memref<128x128xf32, #tpu.memory_space<vmem>>, vector<16xf32>,
          %get3A_487 = arith.index_cast %add3A_479 : i32 to index
          %get3A_488 = arith.constant 16 : index
          %get3A_489 = tpu.vector_load %arg11[%get3A_487, %get3A_488] {strides = array<i32>} : memref<128x128xf32, #tpu.memory_space<vmem>>, vector<16xf32>,
          %mul3A_490 = arith.mulf %get3A_489, %gather3A_477 : vector<16xf32>
          %swap3A_491 = arith.index_cast %add3A_479 : i32 to index
          %swap3A_492 = arith.constant 16 : index
          %swap3A_493 = tpu.vector_load %arg11[%swap3A_491, %swap3A_492] {strides = array<i32>} : memref<128x128xf32, #tpu.memory_space<vmem>>, vector<16xf32>,
          tpu.vector_store %arg11[%swap3A_491, %swap3A_492], %mul3A_490 {strides = array<i32>} : memref<128x128xf32, #tpu.memory_space<vmem>>, vector<16xf32>,
          %get3A_494 = arith.index_cast %add3A_479 : i32 to index
          %get3A_495 = arith.constant 32 : index
          %get3A_496 = tpu.vector_load %arg11[%get3A_494, %get3A_495] {strides = array<i32>} : memref<128x128xf32, #tpu.memory_space<vmem>>, vector<16xf32>,
          %mul3A_497 = arith.mulf %get3A_496, %gather3A_477 : vector<16xf32>
          %swap3A_498 = arith.index_cast %add3A_479 : i32 to index
          %swap3A_499 = arith.constant 32 : index
          %swap3A_500 = tpu.vector_load %arg11[%swap3A_498, %swap3A_499] {strides = array<i32>} : memref<128x128xf32, #tpu.memory_space<vmem>>, vector<16xf32>,
          tpu.vector_store %arg11[%swap3A_498, %swap3A_499], %mul3A_497 {strides = array<i32>} : memref<128x128xf32, #tpu.memory_space<vmem>>, vector<16xf32>,
          %get3A_501 = arith.index_cast %add3A_479 : i32 to index
          %get3A_502 = arith.constant 48 : index
          %get3A_503 = tpu.vector_load %arg11[%get3A_501, %get3A_502] {strides = array<i32>} : memref<128x128xf32, #tpu.memory_space<vmem>>, vector<16xf32>,
          %mul3A_504 = arith.mulf %get3A_503, %gather3A_477 : vector<16xf32>
          %swap3A_505 = arith.index_cast %add3A_479 : i32 to index
          %swap3A_506 = arith.constant 48 : index
          %swap3A_507 = tpu.vector_load %arg11[%swap3A_505, %swap3A_506] {strides = array<i32>} : memref<128x128xf32, #tpu.memory_space<vmem>>, vector<16xf32>,
          tpu.vector_store %arg11[%swap3A_505, %swap3A_506], %mul3A_504 {strides = array<i32>} : memref<128x128xf32, #tpu.memory_space<vmem>>, vector<16xf32>,
          %get3A_508 = arith.index_cast %add3A_479 : i32 to index
          %get3A_509 = arith.constant 64 : index
          %get3A_510 = tpu.vector_load %arg11[%get3A_508, %get3A_509] {strides = array<i32>} : memref<128x128xf32, #tpu.memory_space<vmem>>, vector<16xf32>,
          %mul3A_511 = arith.mulf %get3A_510, %gather3A_477 : vector<16xf32>
          %swap3A_512 = arith.index_cast %add3A_479 : i32 to index
          %swap3A_513 = arith.constant 64 : index
          %swap3A_514 = tpu.vector_load %arg11[%swap3A_512, %swap3A_513] {strides = array<i32>} : memref<128x128xf32, #tpu.memory_space<vmem>>, vector<16xf32>,
          tpu.vector_store %arg11[%swap3A_512, %swap3A_513], %mul3A_511 {strides = array<i32>} : memref<128x128xf32, #tpu.memory_space<vmem>>, vector<16xf32>,
          %get3A_515 = arith.index_cast %add3A_479 : i32 to index
          %get3A_516 = arith.constant 80 : index
          %get3A_517 = tpu.vector_load %arg11[%get3A_515, %get3A_516] {strides = array<i32>} : memref<128x128xf32, #tpu.memory_space<vmem>>, vector<16xf32>,
          %mul3A_518 = arith.mulf %get3A_517, %gather3A_477 : vector<16xf32>
          %swap3A_519 = arith.index_cast %add3A_479 : i32 to index
          %swap3A_520 = arith.constant 80 : index
          %swap3A_521 = tpu.vector_load %arg11[%swap3A_519, %swap3A_520] {strides = array<i32>} : memref<128x128xf32, #tpu.memory_space<vmem>>, vector<16xf32>,
          tpu.vector_store %arg11[%swap3A_519, %swap3A_520], %mul3A_518 {strides = array<i32>} : memref<128x128xf32, #tpu.memory_space<vmem>>, vector<16xf32>,
          %get3A_522 = arith.index_cast %add3A_479 : i32 to index
          %get3A_523 = arith.constant 96 : index
          %get3A_524 = tpu.vector_load %arg11[%get3A_522, %get3A_523] {strides = array<i32>} : memref<128x128xf32, #tpu.memory_space<vmem>>, vector<16xf32>,
          %mul3A_525 = arith.mulf %get3A_524, %gather3A_477 : vector<16xf32>
          %swap3A_526 = arith.index_cast %add3A_479 : i32 to index
          %swap3A_527 = arith.constant 96 : index
          %swap3A_528 = tpu.vector_load %arg11[%swap3A_526, %swap3A_527] {strides = array<i32>} : memref<128x128xf32, #tpu.memory_space<vmem>>, vector<16xf32>,
          tpu.vector_store %arg11[%swap3A_526, %swap3A_527], %mul3A_525 {strides = array<i32>} : memref<128x128xf32, #tpu.memory_space<vmem>>, vector<16xf32>,
          %get3A_529 = arith.index_cast %add3A_479 : i32 to index
          %get3A_530 = arith.constant 112 : index
          %get3A_531 = tpu.vector_load %arg11[%get3A_529, %get3A_530] {strides = array<i32>} : memref<128x128xf32, #tpu.memory_space<vmem>>, vector<16xf32>,
          %mul3A_532 = arith.mulf %get3A_531, %gather3A_477 : vector<16xf32>
          %swap3A_533 = arith.index_cast %add3A_479 : i32 to index
          %swap3A_534 = arith.constant 112 : index
          %swap3A_535 = tpu.vector_load %arg11[%swap3A_533, %swap3A_534] {strides = array<i32>} : memref<128x128xf32, #tpu.memory_space<vmem>>, vector<16xf32>,
          tpu.vector_store %arg11[%swap3A_533, %swap3A_534], %mul3A_532 {strides = array<i32>} : memref<128x128xf32, #tpu.memory_space<vmem>>, vector<16xf32>,
          %lt3A_536 = arith.constant 0 : i32
          %lt3A_537 = vector.broadcast %lt3A_536 : i32 to vector<16xi32>
          %lt3A_538 = arith.cmpi slt, %broadcast_in_dim3A_32, %lt3A_537 : vector<16xi32>
          %add3A_539 = arith.constant 16 : i32
          %add3A_540 = vector.broadcast %add3A_539 : i32 to vector<16xi32>
          %add3A_541 = arith.addi %broadcast_in_dim3A_32, %add3A_540 : vector<16xi32>
          %select_n3A_542 = arith.select %lt3A_538, %add3A_541, %broadcast_in_dim3A_32 : vector<16xi1>, vector<16xi32>
          %broadcast_in_dim3A_543 = vector.shape_cast %select_n3A_542 : vector<16xi32> to vector<16x1xi32>
          %gather3A_544 = vector.shape_cast %broadcast_in_dim3A_543 : vector<16x1xi32> to vector<16xi32>
          %gather3A_545 = tpu.dynamic_gather %get3A_191[%gather3A_544] in [0] : vector<16xf32>, vector<16xi32> -> vector<16xf32>
          %add3A_546 = arith.constant 5 : i32
          %add3A_547 = arith.addi %mul3A_189, %add3A_546 : i32
          %get3A_548 = arith.index_cast %add3A_547 : i32 to index
          %get3A_549 = arith.constant 0 : index
          %get3A_550 = tpu.vector_load %arg11[%get3A_548, %get3A_549] {strides = array<i32>} : memref<128x128xf32, #tpu.memory_space<vmem>>, vector<16xf32>,
          %mul3A_551 = arith.mulf %get3A_550, %gather3A_545 : vector<16xf32>
          %swap3A_552 = arith.index_cast %add3A_547 : i32 to index
          %swap3A_553 = arith.constant 0 : index
          %swap3A_554 = tpu.vector_load %arg11[%swap3A_552, %swap3A_553] {strides = array<i32>} : memref<128x128xf32, #tpu.memory_space<vmem>>, vector<16xf32>,
          tpu.vector_store %arg11[%swap3A_552, %swap3A_553], %mul3A_551 {strides = array<i32>} : memref<128x128xf32, #tpu.memory_space<vmem>>, vector<16xf32>,
          %get3A_555 = arith.index_cast %add3A_547 : i32 to index
          %get3A_556 = arith.constant 16 : index
          %get3A_557 = tpu.vector_load %arg11[%get3A_555, %get3A_556] {strides = array<i32>} : memref<128x128xf32, #tpu.memory_space<vmem>>, vector<16xf32>,
          %mul3A_558 = arith.mulf %get3A_557, %gather3A_545 : vector<16xf32>
          %swap3A_559 = arith.index_cast %add3A_547 : i32 to index
          %swap3A_560 = arith.constant 16 : index
          %swap3A_561 = tpu.vector_load %arg11[%swap3A_559, %swap3A_560] {strides = array<i32>} : memref<128x128xf32, #tpu.memory_space<vmem>>, vector<16xf32>,
          tpu.vector_store %arg11[%swap3A_559, %swap3A_560], %mul3A_558 {strides = array<i32>} : memref<128x128xf32, #tpu.memory_space<vmem>>, vector<16xf32>,
          %get3A_562 = arith.index_cast %add3A_547 : i32 to index
          %get3A_563 = arith.constant 32 : index
          %get3A_564 = tpu.vector_load %arg11[%get3A_562, %get3A_563] {strides = array<i32>} : memref<128x128xf32, #tpu.memory_space<vmem>>, vector<16xf32>,
          %mul3A_565 = arith.mulf %get3A_564, %gather3A_545 : vector<16xf32>
          %swap3A_566 = arith.index_cast %add3A_547 : i32 to index
          %swap3A_567 = arith.constant 32 : index
          %swap3A_568 = tpu.vector_load %arg11[%swap3A_566, %swap3A_567] {strides = array<i32>} : memref<128x128xf32, #tpu.memory_space<vmem>>, vector<16xf32>,
          tpu.vector_store %arg11[%swap3A_566, %swap3A_567], %mul3A_565 {strides = array<i32>} : memref<128x128xf32, #tpu.memory_space<vmem>>, vector<16xf32>,
          %get3A_569 = arith.index_cast %add3A_547 : i32 to index
          %get3A_570 = arith.constant 48 : index
          %get3A_571 = tpu.vector_load %arg11[%get3A_569, %get3A_570] {strides = array<i32>} : memref<128x128xf32, #tpu.memory_space<vmem>>, vector<16xf32>,
          %mul3A_572 = arith.mulf %get3A_571, %gather3A_545 : vector<16xf32>
          %swap3A_573 = arith.index_cast %add3A_547 : i32 to index
          %swap3A_574 = arith.constant 48 : index
          %swap3A_575 = tpu.vector_load %arg11[%swap3A_573, %swap3A_574] {strides = array<i32>} : memref<128x128xf32, #tpu.memory_space<vmem>>, vector<16xf32>,
          tpu.vector_store %arg11[%swap3A_573, %swap3A_574], %mul3A_572 {strides = array<i32>} : memref<128x128xf32, #tpu.memory_space<vmem>>, vector<16xf32>,
          %get3A_576 = arith.index_cast %add3A_547 : i32 to index
          %get3A_577 = arith.constant 64 : index
          %get3A_578 = tpu.vector_load %arg11[%get3A_576, %get3A_577] {strides = array<i32>} : memref<128x128xf32, #tpu.memory_space<vmem>>, vector<16xf32>,
          %mul3A_579 = arith.mulf %get3A_578, %gather3A_545 : vector<16xf32>
          %swap3A_580 = arith.index_cast %add3A_547 : i32 to index
          %swap3A_581 = arith.constant 64 : index
          %swap3A_582 = tpu.vector_load %arg11[%swap3A_580, %swap3A_581] {strides = array<i32>} : memref<128x128xf32, #tpu.memory_space<vmem>>, vector<16xf32>,
          tpu.vector_store %arg11[%swap3A_580, %swap3A_581], %mul3A_579 {strides = array<i32>} : memref<128x128xf32, #tpu.memory_space<vmem>>, vector<16xf32>,
          %get3A_583 = arith.index_cast %add3A_547 : i32 to index
          %get3A_584 = arith.constant 80 : index
          %get3A_585 = tpu.vector_load %arg11[%get3A_583, %get3A_584] {strides = array<i32>} : memref<128x128xf32, #tpu.memory_space<vmem>>, vector<16xf32>,
          %mul3A_586 = arith.mulf %get3A_585, %gather3A_545 : vector<16xf32>
          %swap3A_587 = arith.index_cast %add3A_547 : i32 to index
          %swap3A_588 = arith.constant 80 : index
          %swap3A_589 = tpu.vector_load %arg11[%swap3A_587, %swap3A_588] {strides = array<i32>} : memref<128x128xf32, #tpu.memory_space<vmem>>, vector<16xf32>,
          tpu.vector_store %arg11[%swap3A_587, %swap3A_588], %mul3A_586 {strides = array<i32>} : memref<128x128xf32, #tpu.memory_space<vmem>>, vector<16xf32>,
          %get3A_590 = arith.index_cast %add3A_547 : i32 to index
          %get3A_591 = arith.constant 96 : index
          %get3A_592 = tpu.vector_load %arg11[%get3A_590, %get3A_591] {strides = array<i32>} : memref<128x128xf32, #tpu.memory_space<vmem>>, vector<16xf32>,
          %mul3A_593 = arith.mulf %get3A_592, %gather3A_545 : vector<16xf32>
          %swap3A_594 = arith.index_cast %add3A_547 : i32 to index
          %swap3A_595 = arith.constant 96 : index
          %swap3A_596 = tpu.vector_load %arg11[%swap3A_594, %swap3A_595] {strides = array<i32>} : memref<128x128xf32, #tpu.memory_space<vmem>>, vector<16xf32>,
          tpu.vector_store %arg11[%swap3A_594, %swap3A_595], %mul3A_593 {strides = array<i32>} : memref<128x128xf32, #tpu.memory_space<vmem>>, vector<16xf32>,
          %get3A_597 = arith.index_cast %add3A_547 : i32 to index
          %get3A_598 = arith.constant 112 : index
          %get3A_599 = tpu.vector_load %arg11[%get3A_597, %get3A_598] {strides = array<i32>} : memref<128x128xf32, #tpu.memory_space<vmem>>, vector<16xf32>,
          %mul3A_600 = arith.mulf %get3A_599, %gather3A_545 : vector<16xf32>
          %swap3A_601 = arith.index_cast %add3A_547 : i32 to index
          %swap3A_602 = arith.constant 112 : index
          %swap3A_603 = tpu.vector_load %arg11[%swap3A_601, %swap3A_602] {strides = array<i32>} : memref<128x128xf32, #tpu.memory_space<vmem>>, vector<16xf32>,
          tpu.vector_store %arg11[%swap3A_601, %swap3A_602], %mul3A_600 {strides = array<i32>} : memref<128x128xf32, #tpu.memory_space<vmem>>, vector<16xf32>,
          %lt3A_604 = arith.constant 0 : i32
          %lt3A_605 = vector.broadcast %lt3A_604 : i32 to vector<16xi32>
          %lt3A_606 = arith.cmpi slt, %broadcast_in_dim3A_34, %lt3A_605 : vector<16xi32>
          %add3A_607 = arith.constant 16 : i32
          %add3A_608 = vector.broadcast %add3A_607 : i32 to vector<16xi32>
          %add3A_609 = arith.addi %broadcast_in_dim3A_34, %add3A_608 : vector<16xi32>
          %select_n3A_610 = arith.select %lt3A_606, %add3A_609, %broadcast_in_dim3A_34 : vector<16xi1>, vector<16xi32>
          %broadcast_in_dim3A_611 = vector.shape_cast %select_n3A_610 : vector<16xi32> to vector<16x1xi32>
          %gather3A_612 = vector.shape_cast %broadcast_in_dim3A_611 : vector<16x1xi32> to vector<16xi32>
          %gather3A_613 = tpu.dynamic_gather %get3A_191[%gather3A_612] in [0] : vector<16xf32>, vector<16xi32> -> vector<16xf32>
          %add3A_614 = arith.constant 6 : i32
          %add3A_615 = arith.addi %mul3A_189, %add3A_614 : i32
          %get3A_616 = arith.index_cast %add3A_615 : i32 to index
          %get3A_617 = arith.constant 0 : index
          %get3A_618 = tpu.vector_load %arg11[%get3A_616, %get3A_617] {strides = array<i32>} : memref<128x128xf32, #tpu.memory_space<vmem>>, vector<16xf32>,
          %mul3A_619 = arith.mulf %get3A_618, %gather3A_613 : vector<16xf32>
          %swap3A_620 = arith.index_cast %add3A_615 : i32 to index
          %swap3A_621 = arith.constant 0 : index
          %swap3A_622 = tpu.vector_load %arg11[%swap3A_620, %swap3A_621] {strides = array<i32>} : memref<128x128xf32, #tpu.memory_space<vmem>>, vector<16xf32>,
          tpu.vector_store %arg11[%swap3A_620, %swap3A_621], %mul3A_619 {strides = array<i32>} : memref<128x128xf32, #tpu.memory_space<vmem>>, vector<16xf32>,
          %get3A_623 = arith.index_cast %add3A_615 : i32 to index
          %get3A_624 = arith.constant 16 : index
          %get3A_625 = tpu.vector_load %arg11[%get3A_623, %get3A_624] {strides = array<i32>} : memref<128x128xf32, #tpu.memory_space<vmem>>, vector<16xf32>,
          %mul3A_626 = arith.mulf %get3A_625, %gather3A_613 : vector<16xf32>
          %swap3A_627 = arith.index_cast %add3A_615 : i32 to index
          %swap3A_628 = arith.constant 16 : index
          %swap3A_629 = tpu.vector_load %arg11[%swap3A_627, %swap3A_628] {strides = array<i32>} : memref<128x128xf32, #tpu.memory_space<vmem>>, vector<16xf32>,
          tpu.vector_store %arg11[%swap3A_627, %swap3A_628], %mul3A_626 {strides = array<i32>} : memref<128x128xf32, #tpu.memory_space<vmem>>, vector<16xf32>,
          %get3A_630 = arith.index_cast %add3A_615 : i32 to index
          %get3A_631 = arith.constant 32 : index
          %get3A_632 = tpu.vector_load %arg11[%get3A_630, %get3A_631] {strides = array<i32>} : memref<128x128xf32, #tpu.memory_space<vmem>>, vector<16xf32>,
          %mul3A_633 = arith.mulf %get3A_632, %gather3A_613 : vector<16xf32>
          %swap3A_634 = arith.index_cast %add3A_615 : i32 to index
          %swap3A_635 = arith.constant 32 : index
          %swap3A_636 = tpu.vector_load %arg11[%swap3A_634, %swap3A_635] {strides = array<i32>} : memref<128x128xf32, #tpu.memory_space<vmem>>, vector<16xf32>,
          tpu.vector_store %arg11[%swap3A_634, %swap3A_635], %mul3A_633 {strides = array<i32>} : memref<128x128xf32, #tpu.memory_space<vmem>>, vector<16xf32>,
          %get3A_637 = arith.index_cast %add3A_615 : i32 to index
          %get3A_638 = arith.constant 48 : index
          %get3A_639 = tpu.vector_load %arg11[%get3A_637, %get3A_638] {strides = array<i32>} : memref<128x128xf32, #tpu.memory_space<vmem>>, vector<16xf32>,
          %mul3A_640 = arith.mulf %get3A_639, %gather3A_613 : vector<16xf32>
          %swap3A_641 = arith.index_cast %add3A_615 : i32 to index
          %swap3A_642 = arith.constant 48 : index
          %swap3A_643 = tpu.vector_load %arg11[%swap3A_641, %swap3A_642] {strides = array<i32>} : memref<128x128xf32, #tpu.memory_space<vmem>>, vector<16xf32>,
          tpu.vector_store %arg11[%swap3A_641, %swap3A_642], %mul3A_640 {strides = array<i32>} : memref<128x128xf32, #tpu.memory_space<vmem>>, vector<16xf32>,
          %get3A_644 = arith.index_cast %add3A_615 : i32 to index
          %get3A_645 = arith.constant 64 : index
          %get3A_646 = tpu.vector_load %arg11[%get3A_644, %get3A_645] {strides = array<i32>} : memref<128x128xf32, #tpu.memory_space<vmem>>, vector<16xf32>,
          %mul3A_647 = arith.mulf %get3A_646, %gather3A_613 : vector<16xf32>
          %swap3A_648 = arith.index_cast %add3A_615 : i32 to index
          %swap3A_649 = arith.constant 64 : index
          %swap3A_650 = tpu.vector_load %arg11[%swap3A_648, %swap3A_649] {strides = array<i32>} : memref<128x128xf32, #tpu.memory_space<vmem>>, vector<16xf32>,
          tpu.vector_store %arg11[%swap3A_648, %swap3A_649], %mul3A_647 {strides = array<i32>} : memref<128x128xf32, #tpu.memory_space<vmem>>, vector<16xf32>,
          %get3A_651 = arith.index_cast %add3A_615 : i32 to index
          %get3A_652 = arith.constant 80 : index
          %get3A_653 = tpu.vector_load %arg11[%get3A_651, %get3A_652] {strides = array<i32>} : memref<128x128xf32, #tpu.memory_space<vmem>>, vector<16xf32>,
          %mul3A_654 = arith.mulf %get3A_653, %gather3A_613 : vector<16xf32>
          %swap3A_655 = arith.index_cast %add3A_615 : i32 to index
          %swap3A_656 = arith.constant 80 : index
          %swap3A_657 = tpu.vector_load %arg11[%swap3A_655, %swap3A_656] {strides = array<i32>} : memref<128x128xf32, #tpu.memory_space<vmem>>, vector<16xf32>,
          tpu.vector_store %arg11[%swap3A_655, %swap3A_656], %mul3A_654 {strides = array<i32>} : memref<128x128xf32, #tpu.memory_space<vmem>>, vector<16xf32>,
          %get3A_658 = arith.index_cast %add3A_615 : i32 to index
          %get3A_659 = arith.constant 96 : index
          %get3A_660 = tpu.vector_load %arg11[%get3A_658, %get3A_659] {strides = array<i32>} : memref<128x128xf32, #tpu.memory_space<vmem>>, vector<16xf32>,
          %mul3A_661 = arith.mulf %get3A_660, %gather3A_613 : vector<16xf32>
          %swap3A_662 = arith.index_cast %add3A_615 : i32 to index
          %swap3A_663 = arith.constant 96 : index
          %swap3A_664 = tpu.vector_load %arg11[%swap3A_662, %swap3A_663] {strides = array<i32>} : memref<128x128xf32, #tpu.memory_space<vmem>>, vector<16xf32>,
          tpu.vector_store %arg11[%swap3A_662, %swap3A_663], %mul3A_661 {strides = array<i32>} : memref<128x128xf32, #tpu.memory_space<vmem>>, vector<16xf32>,
          %get3A_665 = arith.index_cast %add3A_615 : i32 to index
          %get3A_666 = arith.constant 112 : index
          %get3A_667 = tpu.vector_load %arg11[%get3A_665, %get3A_666] {strides = array<i32>} : memref<128x128xf32, #tpu.memory_space<vmem>>, vector<16xf32>,
          %mul3A_668 = arith.mulf %get3A_667, %gather3A_613 : vector<16xf32>
          %swap3A_669 = arith.index_cast %add3A_615 : i32 to index
          %swap3A_670 = arith.constant 112 : index
          %swap3A_671 = tpu.vector_load %arg11[%swap3A_669, %swap3A_670] {strides = array<i32>} : memref<128x128xf32, #tpu.memory_space<vmem>>, vector<16xf32>,
          tpu.vector_store %arg11[%swap3A_669, %swap3A_670], %mul3A_668 {strides = array<i32>} : memref<128x128xf32, #tpu.memory_space<vmem>>, vector<16xf32>,
          %lt3A_672 = arith.constant 0 : i32
          %lt3A_673 = vector.broadcast %lt3A_672 : i32 to vector<16xi32>
          %lt3A_674 = arith.cmpi slt, %broadcast_in_dim3A_36, %lt3A_673 : vector<16xi32>
          %add3A_675 = arith.constant 16 : i32
          %add3A_676 = vector.broadcast %add3A_675 : i32 to vector<16xi32>
          %add3A_677 = arith.addi %broadcast_in_dim3A_36, %add3A_676 : vector<16xi32>
          %select_n3A_678 = arith.select %lt3A_674, %add3A_677, %broadcast_in_dim3A_36 : vector<16xi1>, vector<16xi32>
          %broadcast_in_dim3A_679 = vector.shape_cast %select_n3A_678 : vector<16xi32> to vector<16x1xi32>
          %gather3A_680 = vector.shape_cast %broadcast_in_dim3A_679 : vector<16x1xi32> to vector<16xi32>
          %gather3A_681 = tpu.dynamic_gather %get3A_191[%gather3A_680] in [0] : vector<16xf32>, vector<16xi32> -> vector<16xf32>
          %add3A_682 = arith.constant 7 : i32
          %add3A_683 = arith.addi %mul3A_189, %add3A_682 : i32
          %get3A_684 = arith.index_cast %add3A_683 : i32 to index
          %get3A_685 = arith.constant 0 : index
          %get3A_686 = tpu.vector_load %arg11[%get3A_684, %get3A_685] {strides = array<i32>} : memref<128x128xf32, #tpu.memory_space<vmem>>, vector<16xf32>,
          %mul3A_687 = arith.mulf %get3A_686, %gather3A_681 : vector<16xf32>
          %swap3A_688 = arith.index_cast %add3A_683 : i32 to index
          %swap3A_689 = arith.constant 0 : index
          %swap3A_690 = tpu.vector_load %arg11[%swap3A_688, %swap3A_689] {strides = array<i32>} : memref<128x128xf32, #tpu.memory_space<vmem>>, vector<16xf32>,
          tpu.vector_store %arg11[%swap3A_688, %swap3A_689], %mul3A_687 {strides = array<i32>} : memref<128x128xf32, #tpu.memory_space<vmem>>, vector<16xf32>,
          %get3A_691 = arith.index_cast %add3A_683 : i32 to index
          %get3A_692 = arith.constant 16 : index
          %get3A_693 = tpu.vector_load %arg11[%get3A_691, %get3A_692] {strides = array<i32>} : memref<128x128xf32, #tpu.memory_space<vmem>>, vector<16xf32>,
          %mul3A_694 = arith.mulf %get3A_693, %gather3A_681 : vector<16xf32>
          %swap3A_695 = arith.index_cast %add3A_683 : i32 to index
          %swap3A_696 = arith.constant 16 : index
          %swap3A_697 = tpu.vector_load %arg11[%swap3A_695, %swap3A_696] {strides = array<i32>} : memref<128x128xf32, #tpu.memory_space<vmem>>, vector<16xf32>,
          tpu.vector_store %arg11[%swap3A_695, %swap3A_696], %mul3A_694 {strides = array<i32>} : memref<128x128xf32, #tpu.memory_space<vmem>>, vector<16xf32>,
          %get3A_698 = arith.index_cast %add3A_683 : i32 to index
          %get3A_699 = arith.constant 32 : index
          %get3A_700 = tpu.vector_load %arg11[%get3A_698, %get3A_699] {strides = array<i32>} : memref<128x128xf32, #tpu.memory_space<vmem>>, vector<16xf32>,
          %mul3A_701 = arith.mulf %get3A_700, %gather3A_681 : vector<16xf32>
          %swap3A_702 = arith.index_cast %add3A_683 : i32 to index
          %swap3A_703 = arith.constant 32 : index
          %swap3A_704 = tpu.vector_load %arg11[%swap3A_702, %swap3A_703] {strides = array<i32>} : memref<128x128xf32, #tpu.memory_space<vmem>>, vector<16xf32>,
          tpu.vector_store %arg11[%swap3A_702, %swap3A_703], %mul3A_701 {strides = array<i32>} : memref<128x128xf32, #tpu.memory_space<vmem>>, vector<16xf32>,
          %get3A_705 = arith.index_cast %add3A_683 : i32 to index
          %get3A_706 = arith.constant 48 : index
          %get3A_707 = tpu.vector_load %arg11[%get3A_705, %get3A_706] {strides = array<i32>} : memref<128x128xf32, #tpu.memory_space<vmem>>, vector<16xf32>,
          %mul3A_708 = arith.mulf %get3A_707, %gather3A_681 : vector<16xf32>
          %swap3A_709 = arith.index_cast %add3A_683 : i32 to index
          %swap3A_710 = arith.constant 48 : index
          %swap3A_711 = tpu.vector_load %arg11[%swap3A_709, %swap3A_710] {strides = array<i32>} : memref<128x128xf32, #tpu.memory_space<vmem>>, vector<16xf32>,
          tpu.vector_store %arg11[%swap3A_709, %swap3A_710], %mul3A_708 {strides = array<i32>} : memref<128x128xf32, #tpu.memory_space<vmem>>, vector<16xf32>,
          %get3A_712 = arith.index_cast %add3A_683 : i32 to index
          %get3A_713 = arith.constant 64 : index
          %get3A_714 = tpu.vector_load %arg11[%get3A_712, %get3A_713] {strides = array<i32>} : memref<128x128xf32, #tpu.memory_space<vmem>>, vector<16xf32>,
          %mul3A_715 = arith.mulf %get3A_714, %gather3A_681 : vector<16xf32>
          %swap3A_716 = arith.index_cast %add3A_683 : i32 to index
          %swap3A_717 = arith.constant 64 : index
          %swap3A_718 = tpu.vector_load %arg11[%swap3A_716, %swap3A_717] {strides = array<i32>} : memref<128x128xf32, #tpu.memory_space<vmem>>, vector<16xf32>,
          tpu.vector_store %arg11[%swap3A_716, %swap3A_717], %mul3A_715 {strides = array<i32>} : memref<128x128xf32, #tpu.memory_space<vmem>>, vector<16xf32>,
          %get3A_719 = arith.index_cast %add3A_683 : i32 to index
          %get3A_720 = arith.constant 80 : index
          %get3A_721 = tpu.vector_load %arg11[%get3A_719, %get3A_720] {strides = array<i32>} : memref<128x128xf32, #tpu.memory_space<vmem>>, vector<16xf32>,
          %mul3A_722 = arith.mulf %get3A_721, %gather3A_681 : vector<16xf32>
          %swap3A_723 = arith.index_cast %add3A_683 : i32 to index
          %swap3A_724 = arith.constant 80 : index
          %swap3A_725 = tpu.vector_load %arg11[%swap3A_723, %swap3A_724] {strides = array<i32>} : memref<128x128xf32, #tpu.memory_space<vmem>>, vector<16xf32>,
          tpu.vector_store %arg11[%swap3A_723, %swap3A_724], %mul3A_722 {strides = array<i32>} : memref<128x128xf32, #tpu.memory_space<vmem>>, vector<16xf32>,
          %get3A_726 = arith.index_cast %add3A_683 : i32 to index
          %get3A_727 = arith.constant 96 : index
          %get3A_728 = tpu.vector_load %arg11[%get3A_726, %get3A_727] {strides = array<i32>} : memref<128x128xf32, #tpu.memory_space<vmem>>, vector<16xf32>,
          %mul3A_729 = arith.mulf %get3A_728, %gather3A_681 : vector<16xf32>
          %swap3A_730 = arith.index_cast %add3A_683 : i32 to index
          %swap3A_731 = arith.constant 96 : index
          %swap3A_732 = tpu.vector_load %arg11[%swap3A_730, %swap3A_731] {strides = array<i32>} : memref<128x128xf32, #tpu.memory_space<vmem>>, vector<16xf32>,
          tpu.vector_store %arg11[%swap3A_730, %swap3A_731], %mul3A_729 {strides = array<i32>} : memref<128x128xf32, #tpu.memory_space<vmem>>, vector<16xf32>,
          %get3A_733 = arith.index_cast %add3A_683 : i32 to index
          %get3A_734 = arith.constant 112 : index
          %get3A_735 = tpu.vector_load %arg11[%get3A_733, %get3A_734] {strides = array<i32>} : memref<128x128xf32, #tpu.memory_space<vmem>>, vector<16xf32>,
          %mul3A_736 = arith.mulf %get3A_735, %gather3A_681 : vector<16xf32>
          %swap3A_737 = arith.index_cast %add3A_683 : i32 to index
          %swap3A_738 = arith.constant 112 : index
          %swap3A_739 = tpu.vector_load %arg11[%swap3A_737, %swap3A_738] {strides = array<i32>} : memref<128x128xf32, #tpu.memory_space<vmem>>, vector<16xf32>,
          tpu.vector_store %arg11[%swap3A_737, %swap3A_738], %mul3A_736 {strides = array<i32>} : memref<128x128xf32, #tpu.memory_space<vmem>>, vector<16xf32>,
          %lt3A_740 = arith.constant 0 : i32
          %lt3A_741 = vector.broadcast %lt3A_740 : i32 to vector<16xi32>
          %lt3A_742 = arith.cmpi slt, %broadcast_in_dim3A_38, %lt3A_741 : vector<16xi32>
          %add3A_743 = arith.constant 16 : i32
          %add3A_744 = vector.broadcast %add3A_743 : i32 to vector<16xi32>
          %add3A_745 = arith.addi %broadcast_in_dim3A_38, %add3A_744 : vector<16xi32>
          %select_n3A_746 = arith.select %lt3A_742, %add3A_745, %broadcast_in_dim3A_38 : vector<16xi1>, vector<16xi32>
          %broadcast_in_dim3A_747 = vector.shape_cast %select_n3A_746 : vector<16xi32> to vector<16x1xi32>
          %gather3A_748 = vector.shape_cast %broadcast_in_dim3A_747 : vector<16x1xi32> to vector<16xi32>
          %gather3A_749 = tpu.dynamic_gather %get3A_191[%gather3A_748] in [0] : vector<16xf32>, vector<16xi32> -> vector<16xf32>
          %add3A_750 = arith.constant 8 : i32
          %add3A_751 = arith.addi %mul3A_189, %add3A_750 : i32
          %get3A_752 = arith.index_cast %add3A_751 : i32 to index
          %get3A_753 = arith.constant 0 : index
          %get3A_754 = tpu.vector_load %arg11[%get3A_752, %get3A_753] {strides = array<i32>} : memref<128x128xf32, #tpu.memory_space<vmem>>, vector<16xf32>,
          %mul3A_755 = arith.mulf %get3A_754, %gather3A_749 : vector<16xf32>
          %swap3A_756 = arith.index_cast %add3A_751 : i32 to index
          %swap3A_757 = arith.constant 0 : index
          %swap3A_758 = tpu.vector_load %arg11[%swap3A_756, %swap3A_757] {strides = array<i32>} : memref<128x128xf32, #tpu.memory_space<vmem>>, vector<16xf32>,
          tpu.vector_store %arg11[%swap3A_756, %swap3A_757], %mul3A_755 {strides = array<i32>} : memref<128x128xf32, #tpu.memory_space<vmem>>, vector<16xf32>,
          %get3A_759 = arith.index_cast %add3A_751 : i32 to index
          %get3A_760 = arith.constant 16 : index
          %get3A_761 = tpu.vector_load %arg11[%get3A_759, %get3A_760] {strides = array<i32>} : memref<128x128xf32, #tpu.memory_space<vmem>>, vector<16xf32>,
          %mul3A_762 = arith.mulf %get3A_761, %gather3A_749 : vector<16xf32>
          %swap3A_763 = arith.index_cast %add3A_751 : i32 to index
          %swap3A_764 = arith.constant 16 : index
          %swap3A_765 = tpu.vector_load %arg11[%swap3A_763, %swap3A_764] {strides = array<i32>} : memref<128x128xf32, #tpu.memory_space<vmem>>, vector<16xf32>,
          tpu.vector_store %arg11[%swap3A_763, %swap3A_764], %mul3A_762 {strides = array<i32>} : memref<128x128xf32, #tpu.memory_space<vmem>>, vector<16xf32>,
          %get3A_766 = arith.index_cast %add3A_751 : i32 to index
          %get3A_767 = arith.constant 32 : index
          %get3A_768 = tpu.vector_load %arg11[%get3A_766, %get3A_767] {strides = array<i32>} : memref<128x128xf32, #tpu.memory_space<vmem>>, vector<16xf32>,
          %mul3A_769 = arith.mulf %get3A_768, %gather3A_749 : vector<16xf32>
          %swap3A_770 = arith.index_cast %add3A_751 : i32 to index
          %swap3A_771 = arith.constant 32 : index
          %swap3A_772 = tpu.vector_load %arg11[%swap3A_770, %swap3A_771] {strides = array<i32>} : memref<128x128xf32, #tpu.memory_space<vmem>>, vector<16xf32>,
          tpu.vector_store %arg11[%swap3A_770, %swap3A_771], %mul3A_769 {strides = array<i32>} : memref<128x128xf32, #tpu.memory_space<vmem>>, vector<16xf32>,
          %get3A_773 = arith.index_cast %add3A_751 : i32 to index
          %get3A_774 = arith.constant 48 : index
          %get3A_775 = tpu.vector_load %arg11[%get3A_773, %get3A_774] {strides = array<i32>} : memref<128x128xf32, #tpu.memory_space<vmem>>, vector<16xf32>,
          %mul3A_776 = arith.mulf %get3A_775, %gather3A_749 : vector<16xf32>
          %swap3A_777 = arith.index_cast %add3A_751 : i32 to index
          %swap3A_778 = arith.constant 48 : index
          %swap3A_779 = tpu.vector_load %arg11[%swap3A_777, %swap3A_778] {strides = array<i32>} : memref<128x128xf32, #tpu.memory_space<vmem>>, vector<16xf32>,
          tpu.vector_store %arg11[%swap3A_777, %swap3A_778], %mul3A_776 {strides = array<i32>} : memref<128x128xf32, #tpu.memory_space<vmem>>, vector<16xf32>,
          %get3A_780 = arith.index_cast %add3A_751 : i32 to index
          %get3A_781 = arith.constant 64 : index
          %get3A_782 = tpu.vector_load %arg11[%get3A_780, %get3A_781] {strides = array<i32>} : memref<128x128xf32, #tpu.memory_space<vmem>>, vector<16xf32>,
          %mul3A_783 = arith.mulf %get3A_782, %gather3A_749 : vector<16xf32>
          %swap3A_784 = arith.index_cast %add3A_751 : i32 to index
          %swap3A_785 = arith.constant 64 : index
          %swap3A_786 = tpu.vector_load %arg11[%swap3A_784, %swap3A_785] {strides = array<i32>} : memref<128x128xf32, #tpu.memory_space<vmem>>, vector<16xf32>,
          tpu.vector_store %arg11[%swap3A_784, %swap3A_785], %mul3A_783 {strides = array<i32>} : memref<128x128xf32, #tpu.memory_space<vmem>>, vector<16xf32>,
          %get3A_787 = arith.index_cast %add3A_751 : i32 to index
          %get3A_788 = arith.constant 80 : index
          %get3A_789 = tpu.vector_load %arg11[%get3A_787, %get3A_788] {strides = array<i32>} : memref<128x128xf32, #tpu.memory_space<vmem>>, vector<16xf32>,
          %mul3A_790 = arith.mulf %get3A_789, %gather3A_749 : vector<16xf32>
          %swap3A_791 = arith.index_cast %add3A_751 : i32 to index
          %swap3A_792 = arith.constant 80 : index
          %swap3A_793 = tpu.vector_load %arg11[%swap3A_791, %swap3A_792] {strides = array<i32>} : memref<128x128xf32, #tpu.memory_space<vmem>>, vector<16xf32>,
          tpu.vector_store %arg11[%swap3A_791, %swap3A_792], %mul3A_790 {strides = array<i32>} : memref<128x128xf32, #tpu.memory_space<vmem>>, vector<16xf32>,
          %get3A_794 = arith.index_cast %add3A_751 : i32 to index
          %get3A_795 = arith.constant 96 : index
          %get3A_796 = tpu.vector_load %arg11[%get3A_794, %get3A_795] {strides = array<i32>} : memref<128x128xf32, #tpu.memory_space<vmem>>, vector<16xf32>,
          %mul3A_797 = arith.mulf %get3A_796, %gather3A_749 : vector<16xf32>
          %swap3A_798 = arith.index_cast %add3A_751 : i32 to index
          %swap3A_799 = arith.constant 96 : index
          %swap3A_800 = tpu.vector_load %arg11[%swap3A_798, %swap3A_799] {strides = array<i32>} : memref<128x128xf32, #tpu.memory_space<vmem>>, vector<16xf32>,
          tpu.vector_store %arg11[%swap3A_798, %swap3A_799], %mul3A_797 {strides = array<i32>} : memref<128x128xf32, #tpu.memory_space<vmem>>, vector<16xf32>,
          %get3A_801 = arith.index_cast %add3A_751 : i32 to index
          %get3A_802 = arith.constant 112 : index
          %get3A_803 = tpu.vector_load %arg11[%get3A_801, %get3A_802] {strides = array<i32>} : memref<128x128xf32, #tpu.memory_space<vmem>>, vector<16xf32>,
          %mul3A_804 = arith.mulf %get3A_803, %gather3A_749 : vector<16xf32>
          %swap3A_805 = arith.index_cast %add3A_751 : i32 to index
          %swap3A_806 = arith.constant 112 : index
          %swap3A_807 = tpu.vector_load %arg11[%swap3A_805, %swap3A_806] {strides = array<i32>} : memref<128x128xf32, #tpu.memory_space<vmem>>, vector<16xf32>,
          tpu.vector_store %arg11[%swap3A_805, %swap3A_806], %mul3A_804 {strides = array<i32>} : memref<128x128xf32, #tpu.memory_space<vmem>>, vector<16xf32>,
          %lt3A_808 = arith.constant 0 : i32
          %lt3A_809 = vector.broadcast %lt3A_808 : i32 to vector<16xi32>
          %lt3A_810 = arith.cmpi slt, %broadcast_in_dim3A_40, %lt3A_809 : vector<16xi32>
          %add3A_811 = arith.constant 16 : i32
          %add3A_812 = vector.broadcast %add3A_811 : i32 to vector<16xi32>
          %add3A_813 = arith.addi %broadcast_in_dim3A_40, %add3A_812 : vector<16xi32>
          %select_n3A_814 = arith.select %lt3A_810, %add3A_813, %broadcast_in_dim3A_40 : vector<16xi1>, vector<16xi32>
          %broadcast_in_dim3A_815 = vector.shape_cast %select_n3A_814 : vector<16xi32> to vector<16x1xi32>
          %gather3A_816 = vector.shape_cast %broadcast_in_dim3A_815 : vector<16x1xi32> to vector<16xi32>
          %gather3A_817 = tpu.dynamic_gather %get3A_191[%gather3A_816] in [0] : vector<16xf32>, vector<16xi32> -> vector<16xf32>
          %add3A_818 = arith.constant 9 : i32
          %add3A_819 = arith.addi %mul3A_189, %add3A_818 : i32
          %get3A_820 = arith.index_cast %add3A_819 : i32 to index
          %get3A_821 = arith.constant 0 : index
          %get3A_822 = tpu.vector_load %arg11[%get3A_820, %get3A_821] {strides = array<i32>} : memref<128x128xf32, #tpu.memory_space<vmem>>, vector<16xf32>,
          %mul3A_823 = arith.mulf %get3A_822, %gather3A_817 : vector<16xf32>
          %swap3A_824 = arith.index_cast %add3A_819 : i32 to index
          %swap3A_825 = arith.constant 0 : index
          %swap3A_826 = tpu.vector_load %arg11[%swap3A_824, %swap3A_825] {strides = array<i32>} : memref<128x128xf32, #tpu.memory_space<vmem>>, vector<16xf32>,
          tpu.vector_store %arg11[%swap3A_824, %swap3A_825], %mul3A_823 {strides = array<i32>} : memref<128x128xf32, #tpu.memory_space<vmem>>, vector<16xf32>,
          %get3A_827 = arith.index_cast %add3A_819 : i32 to index
          %get3A_828 = arith.constant 16 : index
          %get3A_829 = tpu.vector_load %arg11[%get3A_827, %get3A_828] {strides = array<i32>} : memref<128x128xf32, #tpu.memory_space<vmem>>, vector<16xf32>,
          %mul3A_830 = arith.mulf %get3A_829, %gather3A_817 : vector<16xf32>
          %swap3A_831 = arith.index_cast %add3A_819 : i32 to index
          %swap3A_832 = arith.constant 16 : index
          %swap3A_833 = tpu.vector_load %arg11[%swap3A_831, %swap3A_832] {strides = array<i32>} : memref<128x128xf32, #tpu.memory_space<vmem>>, vector<16xf32>,
          tpu.vector_store %arg11[%swap3A_831, %swap3A_832], %mul3A_830 {strides = array<i32>} : memref<128x128xf32, #tpu.memory_space<vmem>>, vector<16xf32>,
          %get3A_834 = arith.index_cast %add3A_819 : i32 to index
          %get3A_835 = arith.constant 32 : index
          %get3A_836 = tpu.vector_load %arg11[%get3A_834, %get3A_835] {strides = array<i32>} : memref<128x128xf32, #tpu.memory_space<vmem>>, vector<16xf32>,
          %mul3A_837 = arith.mulf %get3A_836, %gather3A_817 : vector<16xf32>
          %swap3A_838 = arith.index_cast %add3A_819 : i32 to index
          %swap3A_839 = arith.constant 32 : index
          %swap3A_840 = tpu.vector_load %arg11[%swap3A_838, %swap3A_839] {strides = array<i32>} : memref<128x128xf32, #tpu.memory_space<vmem>>, vector<16xf32>,
          tpu.vector_store %arg11[%swap3A_838, %swap3A_839], %mul3A_837 {strides = array<i32>} : memref<128x128xf32, #tpu.memory_space<vmem>>, vector<16xf32>,
          %get3A_841 = arith.index_cast %add3A_819 : i32 to index
          %get3A_842 = arith.constant 48 : index
          %get3A_843 = tpu.vector_load %arg11[%get3A_841, %get3A_842] {strides = array<i32>} : memref<128x128xf32, #tpu.memory_space<vmem>>, vector<16xf32>,
          %mul3A_844 = arith.mulf %get3A_843, %gather3A_817 : vector<16xf32>
          %swap3A_845 = arith.index_cast %add3A_819 : i32 to index
          %swap3A_846 = arith.constant 48 : index
          %swap3A_847 = tpu.vector_load %arg11[%swap3A_845, %swap3A_846] {strides = array<i32>} : memref<128x128xf32, #tpu.memory_space<vmem>>, vector<16xf32>,
          tpu.vector_store %arg11[%swap3A_845, %swap3A_846], %mul3A_844 {strides = array<i32>} : memref<128x128xf32, #tpu.memory_space<vmem>>, vector<16xf32>,
          %get3A_848 = arith.index_cast %add3A_819 : i32 to index
          %get3A_849 = arith.constant 64 : index
          %get3A_850 = tpu.vector_load %arg11[%get3A_848, %get3A_849] {strides = array<i32>} : memref<128x128xf32, #tpu.memory_space<vmem>>, vector<16xf32>,
          %mul3A_851 = arith.mulf %get3A_850, %gather3A_817 : vector<16xf32>
          %swap3A_852 = arith.index_cast %add3A_819 : i32 to index
          %swap3A_853 = arith.constant 64 : index
          %swap3A_854 = tpu.vector_load %arg11[%swap3A_852, %swap3A_853] {strides = array<i32>} : memref<128x128xf32, #tpu.memory_space<vmem>>, vector<16xf32>,
          tpu.vector_store %arg11[%swap3A_852, %swap3A_853], %mul3A_851 {strides = array<i32>} : memref<128x128xf32, #tpu.memory_space<vmem>>, vector<16xf32>,
          %get3A_855 = arith.index_cast %add3A_819 : i32 to index
          %get3A_856 = arith.constant 80 : index
          %get3A_857 = tpu.vector_load %arg11[%get3A_855, %get3A_856] {strides = array<i32>} : memref<128x128xf32, #tpu.memory_space<vmem>>, vector<16xf32>,
          %mul3A_858 = arith.mulf %get3A_857, %gather3A_817 : vector<16xf32>
          %swap3A_859 = arith.index_cast %add3A_819 : i32 to index
          %swap3A_860 = arith.constant 80 : index
          %swap3A_861 = tpu.vector_load %arg11[%swap3A_859, %swap3A_860] {strides = array<i32>} : memref<128x128xf32, #tpu.memory_space<vmem>>, vector<16xf32>,
          tpu.vector_store %arg11[%swap3A_859, %swap3A_860], %mul3A_858 {strides = array<i32>} : memref<128x128xf32, #tpu.memory_space<vmem>>, vector<16xf32>,
          %get3A_862 = arith.index_cast %add3A_819 : i32 to index
          %get3A_863 = arith.constant 96 : index
          %get3A_864 = tpu.vector_load %arg11[%get3A_862, %get3A_863] {strides = array<i32>} : memref<128x128xf32, #tpu.memory_space<vmem>>, vector<16xf32>,
          %mul3A_865 = arith.mulf %get3A_864, %gather3A_817 : vector<16xf32>
          %swap3A_866 = arith.index_cast %add3A_819 : i32 to index
          %swap3A_867 = arith.constant 96 : index
          %swap3A_868 = tpu.vector_load %arg11[%swap3A_866, %swap3A_867] {strides = array<i32>} : memref<128x128xf32, #tpu.memory_space<vmem>>, vector<16xf32>,
          tpu.vector_store %arg11[%swap3A_866, %swap3A_867], %mul3A_865 {strides = array<i32>} : memref<128x128xf32, #tpu.memory_space<vmem>>, vector<16xf32>,
          %get3A_869 = arith.index_cast %add3A_819 : i32 to index
          %get3A_870 = arith.constant 112 : index
          %get3A_871 = tpu.vector_load %arg11[%get3A_869, %get3A_870] {strides = array<i32>} : memref<128x128xf32, #tpu.memory_space<vmem>>, vector<16xf32>,
          %mul3A_872 = arith.mulf %get3A_871, %gather3A_817 : vector<16xf32>
          %swap3A_873 = arith.index_cast %add3A_819 : i32 to index
          %swap3A_874 = arith.constant 112 : index
          %swap3A_875 = tpu.vector_load %arg11[%swap3A_873, %swap3A_874] {strides = array<i32>} : memref<128x128xf32, #tpu.memory_space<vmem>>, vector<16xf32>,
          tpu.vector_store %arg11[%swap3A_873, %swap3A_874], %mul3A_872 {strides = array<i32>} : memref<128x128xf32, #tpu.memory_space<vmem>>, vector<16xf32>,
          %lt3A_876 = arith.constant 0 : i32
          %lt3A_877 = vector.broadcast %lt3A_876 : i32 to vector<16xi32>
          %lt3A_878 = arith.cmpi slt, %broadcast_in_dim3A_42, %lt3A_877 : vector<16xi32>
          %add3A_879 = arith.constant 16 : i32
          %add3A_880 = vector.broadcast %add3A_879 : i32 to vector<16xi32>
          %add3A_881 = arith.addi %broadcast_in_dim3A_42, %add3A_880 : vector<16xi32>
          %select_n3A_882 = arith.select %lt3A_878, %add3A_881, %broadcast_in_dim3A_42 : vector<16xi1>, vector<16xi32>
          %broadcast_in_dim3A_883 = vector.shape_cast %select_n3A_882 : vector<16xi32> to vector<16x1xi32>
          %gather3A_884 = vector.shape_cast %broadcast_in_dim3A_883 : vector<16x1xi32> to vector<16xi32>
          %gather3A_885 = tpu.dynamic_gather %get3A_191[%gather3A_884] in [0] : vector<16xf32>, vector<16xi32> -> vector<16xf32>
          %add3A_886 = arith.constant 10 : i32
          %add3A_887 = arith.addi %mul3A_189, %add3A_886 : i32
          %get3A_888 = arith.index_cast %add3A_887 : i32 to index
          %get3A_889 = arith.constant 0 : index
          %get3A_890 = tpu.vector_load %arg11[%get3A_888, %get3A_889] {strides = array<i32>} : memref<128x128xf32, #tpu.memory_space<vmem>>, vector<16xf32>,
          %mul3A_891 = arith.mulf %get3A_890, %gather3A_885 : vector<16xf32>
          %swap3A_892 = arith.index_cast %add3A_887 : i32 to index
          %swap3A_893 = arith.constant 0 : index
          %swap3A_894 = tpu.vector_load %arg11[%swap3A_892, %swap3A_893] {strides = array<i32>} : memref<128x128xf32, #tpu.memory_space<vmem>>, vector<16xf32>,
          tpu.vector_store %arg11[%swap3A_892, %swap3A_893], %mul3A_891 {strides = array<i32>} : memref<128x128xf32, #tpu.memory_space<vmem>>, vector<16xf32>,
          %get3A_895 = arith.index_cast %add3A_887 : i32 to index
          %get3A_896 = arith.constant 16 : index
          %get3A_897 = tpu.vector_load %arg11[%get3A_895, %get3A_896] {strides = array<i32>} : memref<128x128xf32, #tpu.memory_space<vmem>>, vector<16xf32>,
          %mul3A_898 = arith.mulf %get3A_897, %gather3A_885 : vector<16xf32>
          %swap3A_899 = arith.index_cast %add3A_887 : i32 to index
          %swap3A_900 = arith.constant 16 : index
          %swap3A_901 = tpu.vector_load %arg11[%swap3A_899, %swap3A_900] {strides = array<i32>} : memref<128x128xf32, #tpu.memory_space<vmem>>, vector<16xf32>,
          tpu.vector_store %arg11[%swap3A_899, %swap3A_900], %mul3A_898 {strides = array<i32>} : memref<128x128xf32, #tpu.memory_space<vmem>>, vector<16xf32>,
          %get3A_902 = arith.index_cast %add3A_887 : i32 to index
          %get3A_903 = arith.constant 32 : index
          %get3A_904 = tpu.vector_load %arg11[%get3A_902, %get3A_903] {strides = array<i32>} : memref<128x128xf32, #tpu.memory_space<vmem>>, vector<16xf32>,
          %mul3A_905 = arith.mulf %get3A_904, %gather3A_885 : vector<16xf32>
          %swap3A_906 = arith.index_cast %add3A_887 : i32 to index
          %swap3A_907 = arith.constant 32 : index
          %swap3A_908 = tpu.vector_load %arg11[%swap3A_906, %swap3A_907] {strides = array<i32>} : memref<128x128xf32, #tpu.memory_space<vmem>>, vector<16xf32>,
          tpu.vector_store %arg11[%swap3A_906, %swap3A_907], %mul3A_905 {strides = array<i32>} : memref<128x128xf32, #tpu.memory_space<vmem>>, vector<16xf32>,
          %get3A_909 = arith.index_cast %add3A_887 : i32 to index
          %get3A_910 = arith.constant 48 : index
          %get3A_911 = tpu.vector_load %arg11[%get3A_909, %get3A_910] {strides = array<i32>} : memref<128x128xf32, #tpu.memory_space<vmem>>, vector<16xf32>,
          %mul3A_912 = arith.mulf %get3A_911, %gather3A_885 : vector<16xf32>
          %swap3A_913 = arith.index_cast %add3A_887 : i32 to index
          %swap3A_914 = arith.constant 48 : index
          %swap3A_915 = tpu.vector_load %arg11[%swap3A_913, %swap3A_914] {strides = array<i32>} : memref<128x128xf32, #tpu.memory_space<vmem>>, vector<16xf32>,
          tpu.vector_store %arg11[%swap3A_913, %swap3A_914], %mul3A_912 {strides = array<i32>} : memref<128x128xf32, #tpu.memory_space<vmem>>, vector<16xf32>,
          %get3A_916 = arith.index_cast %add3A_887 : i32 to index
          %get3A_917 = arith.constant 64 : index
          %get3A_918 = tpu.vector_load %arg11[%get3A_916, %get3A_917] {strides = array<i32>} : memref<128x128xf32, #tpu.memory_space<vmem>>, vector<16xf32>,
          %mul3A_919 = arith.mulf %get3A_918, %gather3A_885 : vector<16xf32>
          %swap3A_920 = arith.index_cast %add3A_887 : i32 to index
          %swap3A_921 = arith.constant 64 : index
          %swap3A_922 = tpu.vector_load %arg11[%swap3A_920, %swap3A_921] {strides = array<i32>} : memref<128x128xf32, #tpu.memory_space<vmem>>, vector<16xf32>,
          tpu.vector_store %arg11[%swap3A_920, %swap3A_921], %mul3A_919 {strides = array<i32>} : memref<128x128xf32, #tpu.memory_space<vmem>>, vector<16xf32>,
          %get3A_923 = arith.index_cast %add3A_887 : i32 to index
          %get3A_924 = arith.constant 80 : index
          %get3A_925 = tpu.vector_load %arg11[%get3A_923, %get3A_924] {strides = array<i32>} : memref<128x128xf32, #tpu.memory_space<vmem>>, vector<16xf32>,
          %mul3A_926 = arith.mulf %get3A_925, %gather3A_885 : vector<16xf32>
          %swap3A_927 = arith.index_cast %add3A_887 : i32 to index
          %swap3A_928 = arith.constant 80 : index
          %swap3A_929 = tpu.vector_load %arg11[%swap3A_927, %swap3A_928] {strides = array<i32>} : memref<128x128xf32, #tpu.memory_space<vmem>>, vector<16xf32>,
          tpu.vector_store %arg11[%swap3A_927, %swap3A_928], %mul3A_926 {strides = array<i32>} : memref<128x128xf32, #tpu.memory_space<vmem>>, vector<16xf32>,
          %get3A_930 = arith.index_cast %add3A_887 : i32 to index
          %get3A_931 = arith.constant 96 : index
          %get3A_932 = tpu.vector_load %arg11[%get3A_930, %get3A_931] {strides = array<i32>} : memref<128x128xf32, #tpu.memory_space<vmem>>, vector<16xf32>,
          %mul3A_933 = arith.mulf %get3A_932, %gather3A_885 : vector<16xf32>
          %swap3A_934 = arith.index_cast %add3A_887 : i32 to index
          %swap3A_935 = arith.constant 96 : index
          %swap3A_936 = tpu.vector_load %arg11[%swap3A_934, %swap3A_935] {strides = array<i32>} : memref<128x128xf32, #tpu.memory_space<vmem>>, vector<16xf32>,
          tpu.vector_store %arg11[%swap3A_934, %swap3A_935], %mul3A_933 {strides = array<i32>} : memref<128x128xf32, #tpu.memory_space<vmem>>, vector<16xf32>,
          %get3A_937 = arith.index_cast %add3A_887 : i32 to index
          %get3A_938 = arith.constant 112 : index
          %get3A_939 = tpu.vector_load %arg11[%get3A_937, %get3A_938] {strides = array<i32>} : memref<128x128xf32, #tpu.memory_space<vmem>>, vector<16xf32>,
          %mul3A_940 = arith.mulf %get3A_939, %gather3A_885 : vector<16xf32>
          %swap3A_941 = arith.index_cast %add3A_887 : i32 to index
          %swap3A_942 = arith.constant 112 : index
          %swap3A_943 = tpu.vector_load %arg11[%swap3A_941, %swap3A_942] {strides = array<i32>} : memref<128x128xf32, #tpu.memory_space<vmem>>, vector<16xf32>,
          tpu.vector_store %arg11[%swap3A_941, %swap3A_942], %mul3A_940 {strides = array<i32>} : memref<128x128xf32, #tpu.memory_space<vmem>>, vector<16xf32>,
          %lt3A_944 = arith.constant 0 : i32
          %lt3A_945 = vector.broadcast %lt3A_944 : i32 to vector<16xi32>
          %lt3A_946 = arith.cmpi slt, %broadcast_in_dim3A_44, %lt3A_945 : vector<16xi32>
          %add3A_947 = arith.constant 16 : i32
          %add3A_948 = vector.broadcast %add3A_947 : i32 to vector<16xi32>
          %add3A_949 = arith.addi %broadcast_in_dim3A_44, %add3A_948 : vector<16xi32>
          %select_n3A_950 = arith.select %lt3A_946, %add3A_949, %broadcast_in_dim3A_44 : vector<16xi1>, vector<16xi32>
          %broadcast_in_dim3A_951 = vector.shape_cast %select_n3A_950 : vector<16xi32> to vector<16x1xi32>
          %gather3A_952 = vector.shape_cast %broadcast_in_dim3A_951 : vector<16x1xi32> to vector<16xi32>
          %gather3A_953 = tpu.dynamic_gather %get3A_191[%gather3A_952] in [0] : vector<16xf32>, vector<16xi32> -> vector<16xf32>
          %add3A_954 = arith.constant 11 : i32
          %add3A_955 = arith.addi %mul3A_189, %add3A_954 : i32
          %get3A_956 = arith.index_cast %add3A_955 : i32 to index
          %get3A_957 = arith.constant 0 : index
          %get3A_958 = tpu.vector_load %arg11[%get3A_956, %get3A_957] {strides = array<i32>} : memref<128x128xf32, #tpu.memory_space<vmem>>, vector<16xf32>,
          %mul3A_959 = arith.mulf %get3A_958, %gather3A_953 : vector<16xf32>
          %swap3A_960 = arith.index_cast %add3A_955 : i32 to index
          %swap3A_961 = arith.constant 0 : index
          %swap3A_962 = tpu.vector_load %arg11[%swap3A_960, %swap3A_961] {strides = array<i32>} : memref<128x128xf32, #tpu.memory_space<vmem>>, vector<16xf32>,
          tpu.vector_store %arg11[%swap3A_960, %swap3A_961], %mul3A_959 {strides = array<i32>} : memref<128x128xf32, #tpu.memory_space<vmem>>, vector<16xf32>,
          %get3A_963 = arith.index_cast %add3A_955 : i32 to index
          %get3A_964 = arith.constant 16 : index
          %get3A_965 = tpu.vector_load %arg11[%get3A_963, %get3A_964] {strides = array<i32>} : memref<128x128xf32, #tpu.memory_space<vmem>>, vector<16xf32>,
          %mul3A_966 = arith.mulf %get3A_965, %gather3A_953 : vector<16xf32>
          %swap3A_967 = arith.index_cast %add3A_955 : i32 to index
          %swap3A_968 = arith.constant 16 : index
          %swap3A_969 = tpu.vector_load %arg11[%swap3A_967, %swap3A_968] {strides = array<i32>} : memref<128x128xf32, #tpu.memory_space<vmem>>, vector<16xf32>,
          tpu.vector_store %arg11[%swap3A_967, %swap3A_968], %mul3A_966 {strides = array<i32>} : memref<128x128xf32, #tpu.memory_space<vmem>>, vector<16xf32>,
          %get3A_970 = arith.index_cast %add3A_955 : i32 to index
          %get3A_971 = arith.constant 32 : index
          %get3A_972 = tpu.vector_load %arg11[%get3A_970, %get3A_971] {strides = array<i32>} : memref<128x128xf32, #tpu.memory_space<vmem>>, vector<16xf32>,
          %mul3A_973 = arith.mulf %get3A_972, %gather3A_953 : vector<16xf32>
          %swap3A_974 = arith.index_cast %add3A_955 : i32 to index
          %swap3A_975 = arith.constant 32 : index
          %swap3A_976 = tpu.vector_load %arg11[%swap3A_974, %swap3A_975] {strides = array<i32>} : memref<128x128xf32, #tpu.memory_space<vmem>>, vector<16xf32>,
          tpu.vector_store %arg11[%swap3A_974, %swap3A_975], %mul3A_973 {strides = array<i32>} : memref<128x128xf32, #tpu.memory_space<vmem>>, vector<16xf32>,
          %get3A_977 = arith.index_cast %add3A_955 : i32 to index
          %get3A_978 = arith.constant 48 : index
          %get3A_979 = tpu.vector_load %arg11[%get3A_977, %get3A_978] {strides = array<i32>} : memref<128x128xf32, #tpu.memory_space<vmem>>, vector<16xf32>,
          %mul3A_980 = arith.mulf %get3A_979, %gather3A_953 : vector<16xf32>
          %swap3A_981 = arith.index_cast %add3A_955 : i32 to index
          %swap3A_982 = arith.constant 48 : index
          %swap3A_983 = tpu.vector_load %arg11[%swap3A_981, %swap3A_982] {strides = array<i32>} : memref<128x128xf32, #tpu.memory_space<vmem>>, vector<16xf32>,
          tpu.vector_store %arg11[%swap3A_981, %swap3A_982], %mul3A_980 {strides = array<i32>} : memref<128x128xf32, #tpu.memory_space<vmem>>, vector<16xf32>,
          %get3A_984 = arith.index_cast %add3A_955 : i32 to index
          %get3A_985 = arith.constant 64 : index
          %get3A_986 = tpu.vector_load %arg11[%get3A_984, %get3A_985] {strides = array<i32>} : memref<128x128xf32, #tpu.memory_space<vmem>>, vector<16xf32>,
          %mul3A_987 = arith.mulf %get3A_986, %gather3A_953 : vector<16xf32>
          %swap3A_988 = arith.index_cast %add3A_955 : i32 to index
          %swap3A_989 = arith.constant 64 : index
          %swap3A_990 = tpu.vector_load %arg11[%swap3A_988, %swap3A_989] {strides = array<i32>} : memref<128x128xf32, #tpu.memory_space<vmem>>, vector<16xf32>,
          tpu.vector_store %arg11[%swap3A_988, %swap3A_989], %mul3A_987 {strides = array<i32>} : memref<128x128xf32, #tpu.memory_space<vmem>>, vector<16xf32>,
          %get3A_991 = arith.index_cast %add3A_955 : i32 to index
          %get3A_992 = arith.constant 80 : index
          %get3A_993 = tpu.vector_load %arg11[%get3A_991, %get3A_992] {strides = array<i32>} : memref<128x128xf32, #tpu.memory_space<vmem>>, vector<16xf32>,
          %mul3A_994 = arith.mulf %get3A_993, %gather3A_953 : vector<16xf32>
          %swap3A_995 = arith.index_cast %add3A_955 : i32 to index
          %swap3A_996 = arith.constant 80 : index
          %swap3A_997 = tpu.vector_load %arg11[%swap3A_995, %swap3A_996] {strides = array<i32>} : memref<128x128xf32, #tpu.memory_space<vmem>>, vector<16xf32>,
          tpu.vector_store %arg11[%swap3A_995, %swap3A_996], %mul3A_994 {strides = array<i32>} : memref<128x128xf32, #tpu.memory_space<vmem>>, vector<16xf32>,
          %get3A_998 = arith.index_cast %add3A_955 : i32 to index
          %get3A_999 = arith.constant 96 : index
          %get3A_1000 = tpu.vector_load %arg11[%get3A_998, %get3A_999] {strides = array<i32>} : memref<128x128xf32, #tpu.memory_space<vmem>>, vector<16xf32>,
          %mul3A_1001 = arith.mulf %get3A_1000, %gather3A_953 : vector<16xf32>
          %swap3A_1002 = arith.index_cast %add3A_955 : i32 to index
          %swap3A_1003 = arith.constant 96 : index
          %swap3A_1004 = tpu.vector_load %arg11[%swap3A_1002, %swap3A_1003] {strides = array<i32>} : memref<128x128xf32, #tpu.memory_space<vmem>>, vector<16xf32>,
          tpu.vector_store %arg11[%swap3A_1002, %swap3A_1003], %mul3A_1001 {strides = array<i32>} : memref<128x128xf32, #tpu.memory_space<vmem>>, vector<16xf32>,
          %get3A_1005 = arith.index_cast %add3A_955 : i32 to index
          %get3A_1006 = arith.constant 112 : index
          %get3A_1007 = tpu.vector_load %arg11[%get3A_1005, %get3A_1006] {strides = array<i32>} : memref<128x128xf32, #tpu.memory_space<vmem>>, vector<16xf32>,
          %mul3A_1008 = arith.mulf %get3A_1007, %gather3A_953 : vector<16xf32>
          %swap3A_1009 = arith.index_cast %add3A_955 : i32 to index
          %swap3A_1010 = arith.constant 112 : index
          %swap3A_1011 = tpu.vector_load %arg11[%swap3A_1009, %swap3A_1010] {strides = array<i32>} : memref<128x128xf32, #tpu.memory_space<vmem>>, vector<16xf32>,
          tpu.vector_store %arg11[%swap3A_1009, %swap3A_1010], %mul3A_1008 {strides = array<i32>} : memref<128x128xf32, #tpu.memory_space<vmem>>, vector<16xf32>,
          %lt3A_1012 = arith.constant 0 : i32
          %lt3A_1013 = vector.broadcast %lt3A_1012 : i32 to vector<16xi32>
          %lt3A_1014 = arith.cmpi slt, %broadcast_in_dim3A_46, %lt3A_1013 : vector<16xi32>
          %add3A_1015 = arith.constant 16 : i32
          %add3A_1016 = vector.broadcast %add3A_1015 : i32 to vector<16xi32>
          %add3A_1017 = arith.addi %broadcast_in_dim3A_46, %add3A_1016 : vector<16xi32>
          %select_n3A_1018 = arith.select %lt3A_1014, %add3A_1017, %broadcast_in_dim3A_46 : vector<16xi1>, vector<16xi32>
          %broadcast_in_dim3A_1019 = vector.shape_cast %select_n3A_1018 : vector<16xi32> to vector<16x1xi32>
          %gather3A_1020 = vector.shape_cast %broadcast_in_dim3A_1019 : vector<16x1xi32> to vector<16xi32>
          %gather3A_1021 = tpu.dynamic_gather %get3A_191[%gather3A_1020] in [0] : vector<16xf32>, vector<16xi32> -> vector<16xf32>
          %add3A_1022 = arith.constant 12 : i32
          %add3A_1023 = arith.addi %mul3A_189, %add3A_1022 : i32
          %get3A_1024 = arith.index_cast %add3A_1023 : i32 to index
          %get3A_1025 = arith.constant 0 : index
          %get3A_1026 = tpu.vector_load %arg11[%get3A_1024, %get3A_1025] {strides = array<i32>} : memref<128x128xf32, #tpu.memory_space<vmem>>, vector<16xf32>,
          %mul3A_1027 = arith.mulf %get3A_1026, %gather3A_1021 : vector<16xf32>
          %swap3A_1028 = arith.index_cast %add3A_1023 : i32 to index
          %swap3A_1029 = arith.constant 0 : index
          %swap3A_1030 = tpu.vector_load %arg11[%swap3A_1028, %swap3A_1029] {strides = array<i32>} : memref<128x128xf32, #tpu.memory_space<vmem>>, vector<16xf32>,
          tpu.vector_store %arg11[%swap3A_1028, %swap3A_1029], %mul3A_1027 {strides = array<i32>} : memref<128x128xf32, #tpu.memory_space<vmem>>, vector<16xf32>,
          %get3A_1031 = arith.index_cast %add3A_1023 : i32 to index
          %get3A_1032 = arith.constant 16 : index
          %get3A_1033 = tpu.vector_load %arg11[%get3A_1031, %get3A_1032] {strides = array<i32>} : memref<128x128xf32, #tpu.memory_space<vmem>>, vector<16xf32>,
          %mul3A_1034 = arith.mulf %get3A_1033, %gather3A_1021 : vector<16xf32>
          %swap3A_1035 = arith.index_cast %add3A_1023 : i32 to index
          %swap3A_1036 = arith.constant 16 : index
          %swap3A_1037 = tpu.vector_load %arg11[%swap3A_1035, %swap3A_1036] {strides = array<i32>} : memref<128x128xf32, #tpu.memory_space<vmem>>, vector<16xf32>,
          tpu.vector_store %arg11[%swap3A_1035, %swap3A_1036], %mul3A_1034 {strides = array<i32>} : memref<128x128xf32, #tpu.memory_space<vmem>>, vector<16xf32>,
          %get3A_1038 = arith.index_cast %add3A_1023 : i32 to index
          %get3A_1039 = arith.constant 32 : index
          %get3A_1040 = tpu.vector_load %arg11[%get3A_1038, %get3A_1039] {strides = array<i32>} : memref<128x128xf32, #tpu.memory_space<vmem>>, vector<16xf32>,
          %mul3A_1041 = arith.mulf %get3A_1040, %gather3A_1021 : vector<16xf32>
          %swap3A_1042 = arith.index_cast %add3A_1023 : i32 to index
          %swap3A_1043 = arith.constant 32 : index
          %swap3A_1044 = tpu.vector_load %arg11[%swap3A_1042, %swap3A_1043] {strides = array<i32>} : memref<128x128xf32, #tpu.memory_space<vmem>>, vector<16xf32>,
          tpu.vector_store %arg11[%swap3A_1042, %swap3A_1043], %mul3A_1041 {strides = array<i32>} : memref<128x128xf32, #tpu.memory_space<vmem>>, vector<16xf32>,
          %get3A_1045 = arith.index_cast %add3A_1023 : i32 to index
          %get3A_1046 = arith.constant 48 : index
          %get3A_1047 = tpu.vector_load %arg11[%get3A_1045, %get3A_1046] {strides = array<i32>} : memref<128x128xf32, #tpu.memory_space<vmem>>, vector<16xf32>,
          %mul3A_1048 = arith.mulf %get3A_1047, %gather3A_1021 : vector<16xf32>
          %swap3A_1049 = arith.index_cast %add3A_1023 : i32 to index
          %swap3A_1050 = arith.constant 48 : index
          %swap3A_1051 = tpu.vector_load %arg11[%swap3A_1049, %swap3A_1050] {strides = array<i32>} : memref<128x128xf32, #tpu.memory_space<vmem>>, vector<16xf32>,
          tpu.vector_store %arg11[%swap3A_1049, %swap3A_1050], %mul3A_1048 {strides = array<i32>} : memref<128x128xf32, #tpu.memory_space<vmem>>, vector<16xf32>,
          %get3A_1052 = arith.index_cast %add3A_1023 : i32 to index
          %get3A_1053 = arith.constant 64 : index
          %get3A_1054 = tpu.vector_load %arg11[%get3A_1052, %get3A_1053] {strides = array<i32>} : memref<128x128xf32, #tpu.memory_space<vmem>>, vector<16xf32>,
          %mul3A_1055 = arith.mulf %get3A_1054, %gather3A_1021 : vector<16xf32>
          %swap3A_1056 = arith.index_cast %add3A_1023 : i32 to index
          %swap3A_1057 = arith.constant 64 : index
          %swap3A_1058 = tpu.vector_load %arg11[%swap3A_1056, %swap3A_1057] {strides = array<i32>} : memref<128x128xf32, #tpu.memory_space<vmem>>, vector<16xf32>,
          tpu.vector_store %arg11[%swap3A_1056, %swap3A_1057], %mul3A_1055 {strides = array<i32>} : memref<128x128xf32, #tpu.memory_space<vmem>>, vector<16xf32>,
          %get3A_1059 = arith.index_cast %add3A_1023 : i32 to index
          %get3A_1060 = arith.constant 80 : index
          %get3A_1061 = tpu.vector_load %arg11[%get3A_1059, %get3A_1060] {strides = array<i32>} : memref<128x128xf32, #tpu.memory_space<vmem>>, vector<16xf32>,
          %mul3A_1062 = arith.mulf %get3A_1061, %gather3A_1021 : vector<16xf32>
          %swap3A_1063 = arith.index_cast %add3A_1023 : i32 to index
          %swap3A_1064 = arith.constant 80 : index
          %swap3A_1065 = tpu.vector_load %arg11[%swap3A_1063, %swap3A_1064] {strides = array<i32>} : memref<128x128xf32, #tpu.memory_space<vmem>>, vector<16xf32>,
          tpu.vector_store %arg11[%swap3A_1063, %swap3A_1064], %mul3A_1062 {strides = array<i32>} : memref<128x128xf32, #tpu.memory_space<vmem>>, vector<16xf32>,
          %get3A_1066 = arith.index_cast %add3A_1023 : i32 to index
          %get3A_1067 = arith.constant 96 : index
          %get3A_1068 = tpu.vector_load %arg11[%get3A_1066, %get3A_1067] {strides = array<i32>} : memref<128x128xf32, #tpu.memory_space<vmem>>, vector<16xf32>,
          %mul3A_1069 = arith.mulf %get3A_1068, %gather3A_1021 : vector<16xf32>
          %swap3A_1070 = arith.index_cast %add3A_1023 : i32 to index
          %swap3A_1071 = arith.constant 96 : index
          %swap3A_1072 = tpu.vector_load %arg11[%swap3A_1070, %swap3A_1071] {strides = array<i32>} : memref<128x128xf32, #tpu.memory_space<vmem>>, vector<16xf32>,
          tpu.vector_store %arg11[%swap3A_1070, %swap3A_1071], %mul3A_1069 {strides = array<i32>} : memref<128x128xf32, #tpu.memory_space<vmem>>, vector<16xf32>,
          %get3A_1073 = arith.index_cast %add3A_1023 : i32 to index
          %get3A_1074 = arith.constant 112 : index
          %get3A_1075 = tpu.vector_load %arg11[%get3A_1073, %get3A_1074] {strides = array<i32>} : memref<128x128xf32, #tpu.memory_space<vmem>>, vector<16xf32>,
          %mul3A_1076 = arith.mulf %get3A_1075, %gather3A_1021 : vector<16xf32>
          %swap3A_1077 = arith.index_cast %add3A_1023 : i32 to index
          %swap3A_1078 = arith.constant 112 : index
          %swap3A_1079 = tpu.vector_load %arg11[%swap3A_1077, %swap3A_1078] {strides = array<i32>} : memref<128x128xf32, #tpu.memory_space<vmem>>, vector<16xf32>,
          tpu.vector_store %arg11[%swap3A_1077, %swap3A_1078], %mul3A_1076 {strides = array<i32>} : memref<128x128xf32, #tpu.memory_space<vmem>>, vector<16xf32>,
          %lt3A_1080 = arith.constant 0 : i32
          %lt3A_1081 = vector.broadcast %lt3A_1080 : i32 to vector<16xi32>
          %lt3A_1082 = arith.cmpi slt, %broadcast_in_dim3A_48, %lt3A_1081 : vector<16xi32>
          %add3A_1083 = arith.constant 16 : i32
          %add3A_1084 = vector.broadcast %add3A_1083 : i32 to vector<16xi32>
          %add3A_1085 = arith.addi %broadcast_in_dim3A_48, %add3A_1084 : vector<16xi32>
          %select_n3A_1086 = arith.select %lt3A_1082, %add3A_1085, %broadcast_in_dim3A_48 : vector<16xi1>, vector<16xi32>
          %broadcast_in_dim3A_1087 = vector.shape_cast %select_n3A_1086 : vector<16xi32> to vector<16x1xi32>
          %gather3A_1088 = vector.shape_cast %broadcast_in_dim3A_1087 : vector<16x1xi32> to vector<16xi32>
          %gather3A_1089 = tpu.dynamic_gather %get3A_191[%gather3A_1088] in [0] : vector<16xf32>, vector<16xi32> -> vector<16xf32>
          %add3A_1090 = arith.constant 13 : i32
          %add3A_1091 = arith.addi %mul3A_189, %add3A_1090 : i32
          %get3A_1092 = arith.index_cast %add3A_1091 : i32 to index
          %get3A_1093 = arith.constant 0 : index
          %get3A_1094 = tpu.vector_load %arg11[%get3A_1092, %get3A_1093] {strides = array<i32>} : memref<128x128xf32, #tpu.memory_space<vmem>>, vector<16xf32>,
          %mul3A_1095 = arith.mulf %get3A_1094, %gather3A_1089 : vector<16xf32>
          %swap3A_1096 = arith.index_cast %add3A_1091 : i32 to index
          %swap3A_1097 = arith.constant 0 : index
          %swap3A_1098 = tpu.vector_load %arg11[%swap3A_1096, %swap3A_1097] {strides = array<i32>} : memref<128x128xf32, #tpu.memory_space<vmem>>, vector<16xf32>,
          tpu.vector_store %arg11[%swap3A_1096, %swap3A_1097], %mul3A_1095 {strides = array<i32>} : memref<128x128xf32, #tpu.memory_space<vmem>>, vector<16xf32>,
          %get3A_1099 = arith.index_cast %add3A_1091 : i32 to index
          %get3A_1100 = arith.constant 16 : index
          %get3A_1101 = tpu.vector_load %arg11[%get3A_1099, %get3A_1100] {strides = array<i32>} : memref<128x128xf32, #tpu.memory_space<vmem>>, vector<16xf32>,
          %mul3A_1102 = arith.mulf %get3A_1101, %gather3A_1089 : vector<16xf32>
          %swap3A_1103 = arith.index_cast %add3A_1091 : i32 to index
          %swap3A_1104 = arith.constant 16 : index
          %swap3A_1105 = tpu.vector_load %arg11[%swap3A_1103, %swap3A_1104] {strides = array<i32>} : memref<128x128xf32, #tpu.memory_space<vmem>>, vector<16xf32>,
          tpu.vector_store %arg11[%swap3A_1103, %swap3A_1104], %mul3A_1102 {strides = array<i32>} : memref<128x128xf32, #tpu.memory_space<vmem>>, vector<16xf32>,
          %get3A_1106 = arith.index_cast %add3A_1091 : i32 to index
          %get3A_1107 = arith.constant 32 : index
          %get3A_1108 = tpu.vector_load %arg11[%get3A_1106, %get3A_1107] {strides = array<i32>} : memref<128x128xf32, #tpu.memory_space<vmem>>, vector<16xf32>,
          %mul3A_1109 = arith.mulf %get3A_1108, %gather3A_1089 : vector<16xf32>
          %swap3A_1110 = arith.index_cast %add3A_1091 : i32 to index
          %swap3A_1111 = arith.constant 32 : index
          %swap3A_1112 = tpu.vector_load %arg11[%swap3A_1110, %swap3A_1111] {strides = array<i32>} : memref<128x128xf32, #tpu.memory_space<vmem>>, vector<16xf32>,
          tpu.vector_store %arg11[%swap3A_1110, %swap3A_1111], %mul3A_1109 {strides = array<i32>} : memref<128x128xf32, #tpu.memory_space<vmem>>, vector<16xf32>,
          %get3A_1113 = arith.index_cast %add3A_1091 : i32 to index
          %get3A_1114 = arith.constant 48 : index
          %get3A_1115 = tpu.vector_load %arg11[%get3A_1113, %get3A_1114] {strides = array<i32>} : memref<128x128xf32, #tpu.memory_space<vmem>>, vector<16xf32>,
          %mul3A_1116 = arith.mulf %get3A_1115, %gather3A_1089 : vector<16xf32>
          %swap3A_1117 = arith.index_cast %add3A_1091 : i32 to index
          %swap3A_1118 = arith.constant 48 : index
          %swap3A_1119 = tpu.vector_load %arg11[%swap3A_1117, %swap3A_1118] {strides = array<i32>} : memref<128x128xf32, #tpu.memory_space<vmem>>, vector<16xf32>,
          tpu.vector_store %arg11[%swap3A_1117, %swap3A_1118], %mul3A_1116 {strides = array<i32>} : memref<128x128xf32, #tpu.memory_space<vmem>>, vector<16xf32>,
          %get3A_1120 = arith.index_cast %add3A_1091 : i32 to index
          %get3A_1121 = arith.constant 64 : index
          %get3A_1122 = tpu.vector_load %arg11[%get3A_1120, %get3A_1121] {strides = array<i32>} : memref<128x128xf32, #tpu.memory_space<vmem>>, vector<16xf32>,
          %mul3A_1123 = arith.mulf %get3A_1122, %gather3A_1089 : vector<16xf32>
          %swap3A_1124 = arith.index_cast %add3A_1091 : i32 to index
          %swap3A_1125 = arith.constant 64 : index
          %swap3A_1126 = tpu.vector_load %arg11[%swap3A_1124, %swap3A_1125] {strides = array<i32>} : memref<128x128xf32, #tpu.memory_space<vmem>>, vector<16xf32>,
          tpu.vector_store %arg11[%swap3A_1124, %swap3A_1125], %mul3A_1123 {strides = array<i32>} : memref<128x128xf32, #tpu.memory_space<vmem>>, vector<16xf32>,
          %get3A_1127 = arith.index_cast %add3A_1091 : i32 to index
          %get3A_1128 = arith.constant 80 : index
          %get3A_1129 = tpu.vector_load %arg11[%get3A_1127, %get3A_1128] {strides = array<i32>} : memref<128x128xf32, #tpu.memory_space<vmem>>, vector<16xf32>,
          %mul3A_1130 = arith.mulf %get3A_1129, %gather3A_1089 : vector<16xf32>
          %swap3A_1131 = arith.index_cast %add3A_1091 : i32 to index
          %swap3A_1132 = arith.constant 80 : index
          %swap3A_1133 = tpu.vector_load %arg11[%swap3A_1131, %swap3A_1132] {strides = array<i32>} : memref<128x128xf32, #tpu.memory_space<vmem>>, vector<16xf32>,
          tpu.vector_store %arg11[%swap3A_1131, %swap3A_1132], %mul3A_1130 {strides = array<i32>} : memref<128x128xf32, #tpu.memory_space<vmem>>, vector<16xf32>,
          %get3A_1134 = arith.index_cast %add3A_1091 : i32 to index
          %get3A_1135 = arith.constant 96 : index
          %get3A_1136 = tpu.vector_load %arg11[%get3A_1134, %get3A_1135] {strides = array<i32>} : memref<128x128xf32, #tpu.memory_space<vmem>>, vector<16xf32>,
          %mul3A_1137 = arith.mulf %get3A_1136, %gather3A_1089 : vector<16xf32>
          %swap3A_1138 = arith.index_cast %add3A_1091 : i32 to index
          %swap3A_1139 = arith.constant 96 : index
          %swap3A_1140 = tpu.vector_load %arg11[%swap3A_1138, %swap3A_1139] {strides = array<i32>} : memref<128x128xf32, #tpu.memory_space<vmem>>, vector<16xf32>,
          tpu.vector_store %arg11[%swap3A_1138, %swap3A_1139], %mul3A_1137 {strides = array<i32>} : memref<128x128xf32, #tpu.memory_space<vmem>>, vector<16xf32>,
          %get3A_1141 = arith.index_cast %add3A_1091 : i32 to index
          %get3A_1142 = arith.constant 112 : index
          %get3A_1143 = tpu.vector_load %arg11[%get3A_1141, %get3A_1142] {strides = array<i32>} : memref<128x128xf32, #tpu.memory_space<vmem>>, vector<16xf32>,
          %mul3A_1144 = arith.mulf %get3A_1143, %gather3A_1089 : vector<16xf32>
          %swap3A_1145 = arith.index_cast %add3A_1091 : i32 to index
          %swap3A_1146 = arith.constant 112 : index
          %swap3A_1147 = tpu.vector_load %arg11[%swap3A_1145, %swap3A_1146] {strides = array<i32>} : memref<128x128xf32, #tpu.memory_space<vmem>>, vector<16xf32>,
          tpu.vector_store %arg11[%swap3A_1145, %swap3A_1146], %mul3A_1144 {strides = array<i32>} : memref<128x128xf32, #tpu.memory_space<vmem>>, vector<16xf32>,
          %lt3A_1148 = arith.constant 0 : i32
          %lt3A_1149 = vector.broadcast %lt3A_1148 : i32 to vector<16xi32>
          %lt3A_1150 = arith.cmpi slt, %broadcast_in_dim3A_50, %lt3A_1149 : vector<16xi32>
          %add3A_1151 = arith.constant 16 : i32
          %add3A_1152 = vector.broadcast %add3A_1151 : i32 to vector<16xi32>
          %add3A_1153 = arith.addi %broadcast_in_dim3A_50, %add3A_1152 : vector<16xi32>
          %select_n3A_1154 = arith.select %lt3A_1150, %add3A_1153, %broadcast_in_dim3A_50 : vector<16xi1>, vector<16xi32>
          %broadcast_in_dim3A_1155 = vector.shape_cast %select_n3A_1154 : vector<16xi32> to vector<16x1xi32>
          %gather3A_1156 = vector.shape_cast %broadcast_in_dim3A_1155 : vector<16x1xi32> to vector<16xi32>
          %gather3A_1157 = tpu.dynamic_gather %get3A_191[%gather3A_1156] in [0] : vector<16xf32>, vector<16xi32> -> vector<16xf32>
          %add3A_1158 = arith.constant 14 : i32
          %add3A_1159 = arith.addi %mul3A_189, %add3A_1158 : i32
          %get3A_1160 = arith.index_cast %add3A_1159 : i32 to index
          %get3A_1161 = arith.constant 0 : index
          %get3A_1162 = tpu.vector_load %arg11[%get3A_1160, %get3A_1161] {strides = array<i32>} : memref<128x128xf32, #tpu.memory_space<vmem>>, vector<16xf32>,
          %mul3A_1163 = arith.mulf %get3A_1162, %gather3A_1157 : vector<16xf32>
          %swap3A_1164 = arith.index_cast %add3A_1159 : i32 to index
          %swap3A_1165 = arith.constant 0 : index
          %swap3A_1166 = tpu.vector_load %arg11[%swap3A_1164, %swap3A_1165] {strides = array<i32>} : memref<128x128xf32, #tpu.memory_space<vmem>>, vector<16xf32>,
          tpu.vector_store %arg11[%swap3A_1164, %swap3A_1165], %mul3A_1163 {strides = array<i32>} : memref<128x128xf32, #tpu.memory_space<vmem>>, vector<16xf32>,
          %get3A_1167 = arith.index_cast %add3A_1159 : i32 to index
          %get3A_1168 = arith.constant 16 : index
          %get3A_1169 = tpu.vector_load %arg11[%get3A_1167, %get3A_1168] {strides = array<i32>} : memref<128x128xf32, #tpu.memory_space<vmem>>, vector<16xf32>,
          %mul3A_1170 = arith.mulf %get3A_1169, %gather3A_1157 : vector<16xf32>
          %swap3A_1171 = arith.index_cast %add3A_1159 : i32 to index
          %swap3A_1172 = arith.constant 16 : index
          %swap3A_1173 = tpu.vector_load %arg11[%swap3A_1171, %swap3A_1172] {strides = array<i32>} : memref<128x128xf32, #tpu.memory_space<vmem>>, vector<16xf32>,
          tpu.vector_store %arg11[%swap3A_1171, %swap3A_1172], %mul3A_1170 {strides = array<i32>} : memref<128x128xf32, #tpu.memory_space<vmem>>, vector<16xf32>,
          %get3A_1174 = arith.index_cast %add3A_1159 : i32 to index
          %get3A_1175 = arith.constant 32 : index
          %get3A_1176 = tpu.vector_load %arg11[%get3A_1174, %get3A_1175] {strides = array<i32>} : memref<128x128xf32, #tpu.memory_space<vmem>>, vector<16xf32>,
          %mul3A_1177 = arith.mulf %get3A_1176, %gather3A_1157 : vector<16xf32>
          %swap3A_1178 = arith.index_cast %add3A_1159 : i32 to index
          %swap3A_1179 = arith.constant 32 : index
          %swap3A_1180 = tpu.vector_load %arg11[%swap3A_1178, %swap3A_1179] {strides = array<i32>} : memref<128x128xf32, #tpu.memory_space<vmem>>, vector<16xf32>,
          tpu.vector_store %arg11[%swap3A_1178, %swap3A_1179], %mul3A_1177 {strides = array<i32>} : memref<128x128xf32, #tpu.memory_space<vmem>>, vector<16xf32>,
          %get3A_1181 = arith.index_cast %add3A_1159 : i32 to index
          %get3A_1182 = arith.constant 48 : index
          %get3A_1183 = tpu.vector_load %arg11[%get3A_1181, %get3A_1182] {strides = array<i32>} : memref<128x128xf32, #tpu.memory_space<vmem>>, vector<16xf32>,
          %mul3A_1184 = arith.mulf %get3A_1183, %gather3A_1157 : vector<16xf32>
          %swap3A_1185 = arith.index_cast %add3A_1159 : i32 to index
          %swap3A_1186 = arith.constant 48 : index
          %swap3A_1187 = tpu.vector_load %arg11[%swap3A_1185, %swap3A_1186] {strides = array<i32>} : memref<128x128xf32, #tpu.memory_space<vmem>>, vector<16xf32>,
          tpu.vector_store %arg11[%swap3A_1185, %swap3A_1186], %mul3A_1184 {strides = array<i32>} : memref<128x128xf32, #tpu.memory_space<vmem>>, vector<16xf32>,
          %get3A_1188 = arith.index_cast %add3A_1159 : i32 to index
          %get3A_1189 = arith.constant 64 : index
          %get3A_1190 = tpu.vector_load %arg11[%get3A_1188, %get3A_1189] {strides = array<i32>} : memref<128x128xf32, #tpu.memory_space<vmem>>, vector<16xf32>,
          %mul3A_1191 = arith.mulf %get3A_1190, %gather3A_1157 : vector<16xf32>
          %swap3A_1192 = arith.index_cast %add3A_1159 : i32 to index
          %swap3A_1193 = arith.constant 64 : index
          %swap3A_1194 = tpu.vector_load %arg11[%swap3A_1192, %swap3A_1193] {strides = array<i32>} : memref<128x128xf32, #tpu.memory_space<vmem>>, vector<16xf32>,
          tpu.vector_store %arg11[%swap3A_1192, %swap3A_1193], %mul3A_1191 {strides = array<i32>} : memref<128x128xf32, #tpu.memory_space<vmem>>, vector<16xf32>,
          %get3A_1195 = arith.index_cast %add3A_1159 : i32 to index
          %get3A_1196 = arith.constant 80 : index
          %get3A_1197 = tpu.vector_load %arg11[%get3A_1195, %get3A_1196] {strides = array<i32>} : memref<128x128xf32, #tpu.memory_space<vmem>>, vector<16xf32>,
          %mul3A_1198 = arith.mulf %get3A_1197, %gather3A_1157 : vector<16xf32>
          %swap3A_1199 = arith.index_cast %add3A_1159 : i32 to index
          %swap3A_1200 = arith.constant 80 : index
          %swap3A_1201 = tpu.vector_load %arg11[%swap3A_1199, %swap3A_1200] {strides = array<i32>} : memref<128x128xf32, #tpu.memory_space<vmem>>, vector<16xf32>,
          tpu.vector_store %arg11[%swap3A_1199, %swap3A_1200], %mul3A_1198 {strides = array<i32>} : memref<128x128xf32, #tpu.memory_space<vmem>>, vector<16xf32>,
          %get3A_1202 = arith.index_cast %add3A_1159 : i32 to index
          %get3A_1203 = arith.constant 96 : index
          %get3A_1204 = tpu.vector_load %arg11[%get3A_1202, %get3A_1203] {strides = array<i32>} : memref<128x128xf32, #tpu.memory_space<vmem>>, vector<16xf32>,
          %mul3A_1205 = arith.mulf %get3A_1204, %gather3A_1157 : vector<16xf32>
          %swap3A_1206 = arith.index_cast %add3A_1159 : i32 to index
          %swap3A_1207 = arith.constant 96 : index
          %swap3A_1208 = tpu.vector_load %arg11[%swap3A_1206, %swap3A_1207] {strides = array<i32>} : memref<128x128xf32, #tpu.memory_space<vmem>>, vector<16xf32>,
          tpu.vector_store %arg11[%swap3A_1206, %swap3A_1207], %mul3A_1205 {strides = array<i32>} : memref<128x128xf32, #tpu.memory_space<vmem>>, vector<16xf32>,
          %get3A_1209 = arith.index_cast %add3A_1159 : i32 to index
          %get3A_1210 = arith.constant 112 : index
          %get3A_1211 = tpu.vector_load %arg11[%get3A_1209, %get3A_1210] {strides = array<i32>} : memref<128x128xf32, #tpu.memory_space<vmem>>, vector<16xf32>,
          %mul3A_1212 = arith.mulf %get3A_1211, %gather3A_1157 : vector<16xf32>
          %swap3A_1213 = arith.index_cast %add3A_1159 : i32 to index
          %swap3A_1214 = arith.constant 112 : index
          %swap3A_1215 = tpu.vector_load %arg11[%swap3A_1213, %swap3A_1214] {strides = array<i32>} : memref<128x128xf32, #tpu.memory_space<vmem>>, vector<16xf32>,
          tpu.vector_store %arg11[%swap3A_1213, %swap3A_1214], %mul3A_1212 {strides = array<i32>} : memref<128x128xf32, #tpu.memory_space<vmem>>, vector<16xf32>,
          %lt3A_1216 = arith.constant 0 : i32
          %lt3A_1217 = vector.broadcast %lt3A_1216 : i32 to vector<16xi32>
          %lt3A_1218 = arith.cmpi slt, %broadcast_in_dim3A_52, %lt3A_1217 : vector<16xi32>
          %add3A_1219 = arith.constant 16 : i32
          %add3A_1220 = vector.broadcast %add3A_1219 : i32 to vector<16xi32>
          %add3A_1221 = arith.addi %broadcast_in_dim3A_52, %add3A_1220 : vector<16xi32>
          %select_n3A_1222 = arith.select %lt3A_1218, %add3A_1221, %broadcast_in_dim3A_52 : vector<16xi1>, vector<16xi32>
          %broadcast_in_dim3A_1223 = vector.shape_cast %select_n3A_1222 : vector<16xi32> to vector<16x1xi32>
          %gather3A_1224 = vector.shape_cast %broadcast_in_dim3A_1223 : vector<16x1xi32> to vector<16xi32>
          %gather3A_1225 = tpu.dynamic_gather %get3A_191[%gather3A_1224] in [0] : vector<16xf32>, vector<16xi32> -> vector<16xf32>
          %add3A_1226 = arith.constant 15 : i32
          %add3A_1227 = arith.addi %mul3A_189, %add3A_1226 : i32
          %get3A_1228 = arith.index_cast %add3A_1227 : i32 to index
          %get3A_1229 = arith.constant 0 : index
          %get3A_1230 = tpu.vector_load %arg11[%get3A_1228, %get3A_1229] {strides = array<i32>} : memref<128x128xf32, #tpu.memory_space<vmem>>, vector<16xf32>,
          %mul3A_1231 = arith.mulf %get3A_1230, %gather3A_1225 : vector<16xf32>
          %swap3A_1232 = arith.index_cast %add3A_1227 : i32 to index
          %swap3A_1233 = arith.constant 0 : index
          %swap3A_1234 = tpu.vector_load %arg11[%swap3A_1232, %swap3A_1233] {strides = array<i32>} : memref<128x128xf32, #tpu.memory_space<vmem>>, vector<16xf32>,
          tpu.vector_store %arg11[%swap3A_1232, %swap3A_1233], %mul3A_1231 {strides = array<i32>} : memref<128x128xf32, #tpu.memory_space<vmem>>, vector<16xf32>,
          %get3A_1235 = arith.index_cast %add3A_1227 : i32 to index
          %get3A_1236 = arith.constant 16 : index
          %get3A_1237 = tpu.vector_load %arg11[%get3A_1235, %get3A_1236] {strides = array<i32>} : memref<128x128xf32, #tpu.memory_space<vmem>>, vector<16xf32>,
          %mul3A_1238 = arith.mulf %get3A_1237, %gather3A_1225 : vector<16xf32>
          %swap3A_1239 = arith.index_cast %add3A_1227 : i32 to index
          %swap3A_1240 = arith.constant 16 : index
          %swap3A_1241 = tpu.vector_load %arg11[%swap3A_1239, %swap3A_1240] {strides = array<i32>} : memref<128x128xf32, #tpu.memory_space<vmem>>, vector<16xf32>,
          tpu.vector_store %arg11[%swap3A_1239, %swap3A_1240], %mul3A_1238 {strides = array<i32>} : memref<128x128xf32, #tpu.memory_space<vmem>>, vector<16xf32>,
          %get3A_1242 = arith.index_cast %add3A_1227 : i32 to index
          %get3A_1243 = arith.constant 32 : index
          %get3A_1244 = tpu.vector_load %arg11[%get3A_1242, %get3A_1243] {strides = array<i32>} : memref<128x128xf32, #tpu.memory_space<vmem>>, vector<16xf32>,
          %mul3A_1245 = arith.mulf %get3A_1244, %gather3A_1225 : vector<16xf32>
          %swap3A_1246 = arith.index_cast %add3A_1227 : i32 to index
          %swap3A_1247 = arith.constant 32 : index
          %swap3A_1248 = tpu.vector_load %arg11[%swap3A_1246, %swap3A_1247] {strides = array<i32>} : memref<128x128xf32, #tpu.memory_space<vmem>>, vector<16xf32>,
          tpu.vector_store %arg11[%swap3A_1246, %swap3A_1247], %mul3A_1245 {strides = array<i32>} : memref<128x128xf32, #tpu.memory_space<vmem>>, vector<16xf32>,
          %get3A_1249 = arith.index_cast %add3A_1227 : i32 to index
          %get3A_1250 = arith.constant 48 : index
          %get3A_1251 = tpu.vector_load %arg11[%get3A_1249, %get3A_1250] {strides = array<i32>} : memref<128x128xf32, #tpu.memory_space<vmem>>, vector<16xf32>,
          %mul3A_1252 = arith.mulf %get3A_1251, %gather3A_1225 : vector<16xf32>
          %swap3A_1253 = arith.index_cast %add3A_1227 : i32 to index
          %swap3A_1254 = arith.constant 48 : index
          %swap3A_1255 = tpu.vector_load %arg11[%swap3A_1253, %swap3A_1254] {strides = array<i32>} : memref<128x128xf32, #tpu.memory_space<vmem>>, vector<16xf32>,
          tpu.vector_store %arg11[%swap3A_1253, %swap3A_1254], %mul3A_1252 {strides = array<i32>} : memref<128x128xf32, #tpu.memory_space<vmem>>, vector<16xf32>,
          %get3A_1256 = arith.index_cast %add3A_1227 : i32 to index
          %get3A_1257 = arith.constant 64 : index
          %get3A_1258 = tpu.vector_load %arg11[%get3A_1256, %get3A_1257] {strides = array<i32>} : memref<128x128xf32, #tpu.memory_space<vmem>>, vector<16xf32>,
          %mul3A_1259 = arith.mulf %get3A_1258, %gather3A_1225 : vector<16xf32>
          %swap3A_1260 = arith.index_cast %add3A_1227 : i32 to index
          %swap3A_1261 = arith.constant 64 : index
          %swap3A_1262 = tpu.vector_load %arg11[%swap3A_1260, %swap3A_1261] {strides = array<i32>} : memref<128x128xf32, #tpu.memory_space<vmem>>, vector<16xf32>,
          tpu.vector_store %arg11[%swap3A_1260, %swap3A_1261], %mul3A_1259 {strides = array<i32>} : memref<128x128xf32, #tpu.memory_space<vmem>>, vector<16xf32>,
          %get3A_1263 = arith.index_cast %add3A_1227 : i32 to index
          %get3A_1264 = arith.constant 80 : index
          %get3A_1265 = tpu.vector_load %arg11[%get3A_1263, %get3A_1264] {strides = array<i32>} : memref<128x128xf32, #tpu.memory_space<vmem>>, vector<16xf32>,
          %mul3A_1266 = arith.mulf %get3A_1265, %gather3A_1225 : vector<16xf32>
          %swap3A_1267 = arith.index_cast %add3A_1227 : i32 to index
          %swap3A_1268 = arith.constant 80 : index
          %swap3A_1269 = tpu.vector_load %arg11[%swap3A_1267, %swap3A_1268] {strides = array<i32>} : memref<128x128xf32, #tpu.memory_space<vmem>>, vector<16xf32>,
          tpu.vector_store %arg11[%swap3A_1267, %swap3A_1268], %mul3A_1266 {strides = array<i32>} : memref<128x128xf32, #tpu.memory_space<vmem>>, vector<16xf32>,
          %get3A_1270 = arith.index_cast %add3A_1227 : i32 to index
          %get3A_1271 = arith.constant 96 : index
          %get3A_1272 = tpu.vector_load %arg11[%get3A_1270, %get3A_1271] {strides = array<i32>} : memref<128x128xf32, #tpu.memory_space<vmem>>, vector<16xf32>,
          %mul3A_1273 = arith.mulf %get3A_1272, %gather3A_1225 : vector<16xf32>
          %swap3A_1274 = arith.index_cast %add3A_1227 : i32 to index
          %swap3A_1275 = arith.constant 96 : index
          %swap3A_1276 = tpu.vector_load %arg11[%swap3A_1274, %swap3A_1275] {strides = array<i32>} : memref<128x128xf32, #tpu.memory_space<vmem>>, vector<16xf32>,
          tpu.vector_store %arg11[%swap3A_1274, %swap3A_1275], %mul3A_1273 {strides = array<i32>} : memref<128x128xf32, #tpu.memory_space<vmem>>, vector<16xf32>,
          %get3A_1277 = arith.index_cast %add3A_1227 : i32 to index
          %get3A_1278 = arith.constant 112 : index
          %get3A_1279 = tpu.vector_load %arg11[%get3A_1277, %get3A_1278] {strides = array<i32>} : memref<128x128xf32, #tpu.memory_space<vmem>>, vector<16xf32>,
          %mul3A_1280 = arith.mulf %get3A_1279, %gather3A_1225 : vector<16xf32>
          %swap3A_1281 = arith.index_cast %add3A_1227 : i32 to index
          %swap3A_1282 = arith.constant 112 : index
          %swap3A_1283 = tpu.vector_load %arg11[%swap3A_1281, %swap3A_1282] {strides = array<i32>} : memref<128x128xf32, #tpu.memory_space<vmem>>, vector<16xf32>,
          tpu.vector_store %arg11[%swap3A_1281, %swap3A_1282], %mul3A_1280 {strides = array<i32>} : memref<128x128xf32, #tpu.memory_space<vmem>>, vector<16xf32>,
        }
        %scan3A_146 = arith.constant 8 : i32
        %dma_start3A_147 = arith.constant 0 : i32
        %dma_start3A_148 = tpu.memref_slice %arg9[%mul3A_126, %dma_start3A_147] : memref<8x128xi32, #tpu.memory_space<vmem>> -> memref<1x128xi32, #tpu.memory_space<vmem>>
        %dma_start3A_149 = tpu.memref_squeeze %dma_start3A_148 : memref<1x128xi32, #tpu.memory_space<vmem>> -> memref<128xi32, #tpu.memory_space<vmem>>
        %dma_start3A_150 = arith.constant 0 : i32
        %dma_start3A_151 = arith.constant 0 : i32
        %dma_start3A_152 = tpu.memref_slice %arg14[%dma_start3A_150, %dma_start3A_151] : memref<10240x128xf32, #tpu.memory_space<vmem_shared>> -> memref<10240x128xf32, #tpu.memory_space<vmem_shared>>
        tpu.enqueue_indirect_dma source(%arg11 : memref<128x128xf32, #tpu.memory_space<vmem>>) target(%dma_start3A_152 : memref<10240x128xf32, #tpu.memory_space<vmem_shared>>) offsets(%dma_start3A_149 : memref<128xi32, #tpu.memory_space<vmem>>) semaphore(%arg17 : memref<!tpu.dma_semaphore, #tpu.memory_space<semaphore_mem>>) {add = true}
        %mul3A_153 = arith.constant 2 : i32
        %mul3A_154 = arith.muli %scan3A_124, %mul3A_153 : i32
        %add3A_155 = arith.constant 1 : i32
        %add3A_156 = arith.addi %mul3A_154, %add3A_155 : i32
        %dma_wait3A_157 = arith.constant 0 : i32
        %dma_wait3A_158 = arith.constant 0 : i32
        %dma_wait3A_159 = tpu.memref_slice %arg2[%dma_wait3A_157, %dma_wait3A_158] : memref<10000x128xf32, #tpu.memory_space<hbm>> -> memref<128x128xf32, #tpu.memory_space<hbm>>
        %dma_wait3A_160 = arith.constant 0 : i32
        %dma_wait3A_161 = arith.constant 0 : i32
        %dma_wait3A_162 = tpu.memref_slice %arg2[%dma_wait3A_160, %dma_wait3A_161] : memref<10000x128xf32, #tpu.memory_space<hbm>> -> memref<128x128xf32, #tpu.memory_space<hbm>>
        tpu.wait_dma2 semaphore(%arg16 : memref<!tpu.dma_semaphore, #tpu.memory_space<semaphore_mem>>) src(%dma_wait3A_162 : memref<128x128xf32, #tpu.memory_space<hbm>>) dst(%arg12 : memref<128x128xf32, #tpu.memory_space<vmem>>)
        %ge3A_163 = arith.constant 1 : i32
        %ge3A_164 = arith.cmpi sge, %add3A_156, %ge3A_163 : i32
        %convert_element_type3A_165 = arith.extui %ge3A_164 : i1 to i32
        %cond3A_166 = arith.constant 0 : i32
        %cond3A_167 = arith.cmpi ne, %convert_element_type3A_165, %cond3A_166 : i32
        scf.if %cond3A_167 {
          %dma_wait3A_187 = arith.constant 0 : i32
          %dma_wait3A_188 = arith.constant 0 : i32
          %dma_wait3A_189 = tpu.memref_slice %arg2[%dma_wait3A_187, %dma_wait3A_188] : memref<10000x128xf32, #tpu.memory_space<hbm>> -> memref<128x128xf32, #tpu.memory_space<hbm>>
          %dma_wait3A_190 = arith.constant 0 : i32
          %dma_wait3A_191 = arith.constant 0 : i32
          %dma_wait3A_192 = tpu.memref_slice %arg2[%dma_wait3A_190, %dma_wait3A_191] : memref<10000x128xf32, #tpu.memory_space<hbm>> -> memref<128x128xf32, #tpu.memory_space<hbm>>
          tpu.wait_dma2 semaphore(%arg17 : memref<!tpu.dma_semaphore, #tpu.memory_space<semaphore_mem>>) src(%dma_wait3A_192 : memref<128x128xf32, #tpu.memory_space<hbm>>) dst(%arg11 : memref<128x128xf32, #tpu.memory_space<vmem>>)
        } else {
        }
        %add3A_168 = arith.constant 1 : i32
        %add3A_169 = arith.addi %add3A_156, %add3A_168 : i32
        %lt3A_170 = arith.constant 8 : i32
        %lt3A_171 = arith.cmpi slt, %add3A_169, %lt3A_170 : i32
        %convert_element_type3A_172 = arith.extui %lt3A_171 : i1 to i32
        %cond3A_173 = arith.constant 0 : i32
        %cond3A_174 = arith.cmpi ne, %convert_element_type3A_172, %cond3A_173 : i32
        scf.if %cond3A_174 {
          %add3A_187 = arith.constant 1 : i32
          %add3A_188 = arith.addi %add3A_156, %add3A_187 : i32
          %dma_start3A_189 = arith.constant 0 : i32
          %dma_start3A_190 = arith.constant 0 : i32
          %dma_start3A_191 = tpu.memref_slice %arg11[%dma_start3A_189, %dma_start3A_190] : memref<128x128xf32, #tpu.memory_space<vmem>> -> memref<32x128xf32, #tpu.memory_space<vmem>>
          %dma_start3A_192 = arith.constant 0 : i32
          %dma_start3A_193 = tpu.memref_slice %arg8[%add3A_188, %dma_start3A_192] : memref<8x128xi32, #tpu.memory_space<vmem>> -> memref<1x128xi32, #tpu.memory_space<vmem>>
          %dma_start3A_194 = tpu.memref_squeeze %dma_start3A_193 : memref<1x128xi32, #tpu.memory_space<vmem>> -> memref<128xi32, #tpu.memory_space<vmem>>
          %dma_start3A_195 = arith.constant 0 : i32
          %dma_start3A_196 = tpu.memref_slice %dma_start3A_194[%dma_start3A_195] : memref<128xi32, #tpu.memory_space<vmem>> -> memref<32xi32, #tpu.memory_space<vmem>>
          %dma_start3A_197 = arith.constant 0 : i32
          %dma_start3A_198 = arith.constant 0 : i32
          %dma_start3A_199 = tpu.memref_slice %arg2[%dma_start3A_197, %dma_start3A_198] : memref<10000x128xf32, #tpu.memory_space<hbm>> -> memref<10000x128xf32, #tpu.memory_space<hbm>>
          tpu.enqueue_indirect_dma source(%dma_start3A_199 : memref<10000x128xf32, #tpu.memory_space<hbm>>) target(%dma_start3A_191 : memref<32x128xf32, #tpu.memory_space<vmem>>) offsets(%dma_start3A_196 : memref<32xi32, #tpu.memory_space<vmem>>) semaphore(%arg15 : memref<!tpu.dma_semaphore, #tpu.memory_space<semaphore_mem>>)
          %dma_start3A_200 = arith.constant 32 : i32
          %dma_start3A_201 = arith.constant 0 : i32
          %dma_start3A_202 = tpu.memref_slice %arg11[%dma_start3A_200, %dma_start3A_201] : memref<128x128xf32, #tpu.memory_space<vmem>> -> memref<32x128xf32, #tpu.memory_space<vmem>>
          %dma_start3A_203 = arith.constant 0 : i32
          %dma_start3A_204 = tpu.memref_slice %arg8[%add3A_188, %dma_start3A_203] : memref<8x128xi32, #tpu.memory_space<vmem>> -> memref<1x128xi32, #tpu.memory_space<vmem>>
          %dma_start3A_205 = tpu.memref_squeeze %dma_start3A_204 : memref<1x128xi32, #tpu.memory_space<vmem>> -> memref<128xi32, #tpu.memory_space<vmem>>
          %dma_start3A_206 = arith.constant 32 : i32
          %dma_start3A_207 = tpu.memref_slice %dma_start3A_205[%dma_start3A_206] : memref<128xi32, #tpu.memory_space<vmem>> -> memref<32xi32, #tpu.memory_space<vmem>>
          %dma_start3A_208 = arith.constant 0 : i32
          %dma_start3A_209 = arith.constant 0 : i32
          %dma_start3A_210 = tpu.memref_slice %arg2[%dma_start3A_208, %dma_start3A_209] : memref<10000x128xf32, #tpu.memory_space<hbm>> -> memref<10000x128xf32, #tpu.memory_space<hbm>>
          tpu.enqueue_indirect_dma source(%dma_start3A_210 : memref<10000x128xf32, #tpu.memory_space<hbm>>) target(%dma_start3A_202 : memref<32x128xf32, #tpu.memory_space<vmem>>) offsets(%dma_start3A_207 : memref<32xi32, #tpu.memory_space<vmem>>) semaphore(%arg15 : memref<!tpu.dma_semaphore, #tpu.memory_space<semaphore_mem>>)
          %dma_start3A_211 = arith.constant 64 : i32
          %dma_start3A_212 = arith.constant 0 : i32
          %dma_start3A_213 = tpu.memref_slice %arg11[%dma_start3A_211, %dma_start3A_212] : memref<128x128xf32, #tpu.memory_space<vmem>> -> memref<32x128xf32, #tpu.memory_space<vmem>>
          %dma_start3A_214 = arith.constant 0 : i32
          %dma_start3A_215 = tpu.memref_slice %arg8[%add3A_188, %dma_start3A_214] : memref<8x128xi32, #tpu.memory_space<vmem>> -> memref<1x128xi32, #tpu.memory_space<vmem>>
          %dma_start3A_216 = tpu.memref_squeeze %dma_start3A_215 : memref<1x128xi32, #tpu.memory_space<vmem>> -> memref<128xi32, #tpu.memory_space<vmem>>
          %dma_start3A_217 = arith.constant 64 : i32
          %dma_start3A_218 = tpu.memref_slice %dma_start3A_216[%dma_start3A_217] : memref<128xi32, #tpu.memory_space<vmem>> -> memref<32xi32, #tpu.memory_space<vmem>>
          %dma_start3A_219 = arith.constant 0 : i32
          %dma_start3A_220 = arith.constant 0 : i32
          %dma_start3A_221 = tpu.memref_slice %arg2[%dma_start3A_219, %dma_start3A_220] : memref<10000x128xf32, #tpu.memory_space<hbm>> -> memref<10000x128xf32, #tpu.memory_space<hbm>>
          tpu.enqueue_indirect_dma source(%dma_start3A_221 : memref<10000x128xf32, #tpu.memory_space<hbm>>) target(%dma_start3A_213 : memref<32x128xf32, #tpu.memory_space<vmem>>) offsets(%dma_start3A_218 : memref<32xi32, #tpu.memory_space<vmem>>) semaphore(%arg15 : memref<!tpu.dma_semaphore, #tpu.memory_space<semaphore_mem>>)
          %dma_start3A_222 = arith.constant 96 : i32
          %dma_start3A_223 = arith.constant 0 : i32
          %dma_start3A_224 = tpu.memref_slice %arg11[%dma_start3A_222, %dma_start3A_223] : memref<128x128xf32, #tpu.memory_space<vmem>> -> memref<32x128xf32, #tpu.memory_space<vmem>>
          %dma_start3A_225 = arith.constant 0 : i32
          %dma_start3A_226 = tpu.memref_slice %arg8[%add3A_188, %dma_start3A_225] : memref<8x128xi32, #tpu.memory_space<vmem>> -> memref<1x128xi32, #tpu.memory_space<vmem>>
          %dma_start3A_227 = tpu.memref_squeeze %dma_start3A_226 : memref<1x128xi32, #tpu.memory_space<vmem>> -> memref<128xi32, #tpu.memory_space<vmem>>
          %dma_start3A_228 = arith.constant 96 : i32
          %dma_start3A_229 = tpu.memref_slice %dma_start3A_227[%dma_start3A_228] : memref<128xi32, #tpu.memory_space<vmem>> -> memref<32xi32, #tpu.memory_space<vmem>>
          %dma_start3A_230 = arith.constant 0 : i32
          %dma_start3A_231 = arith.constant 0 : i32
          %dma_start3A_232 = tpu.memref_slice %arg2[%dma_start3A_230, %dma_start3A_231] : memref<10000x128xf32, #tpu.memory_space<hbm>> -> memref<10000x128xf32, #tpu.memory_space<hbm>>
          tpu.enqueue_indirect_dma source(%dma_start3A_232 : memref<10000x128xf32, #tpu.memory_space<hbm>>) target(%dma_start3A_224 : memref<32x128xf32, #tpu.memory_space<vmem>>) offsets(%dma_start3A_229 : memref<32xi32, #tpu.memory_space<vmem>>) semaphore(%arg15 : memref<!tpu.dma_semaphore, #tpu.memory_space<semaphore_mem>>)
        } else {
        }
        %scan3A_175 = arith.constant 0 : i32
        %scan3A_176 = arith.constant 0 : i32
        %scan3A_177 = arith.constant 8 : i32
        %scan3A_178 = arith.addi %scan3A_176, %scan3A_177 : i32
        %scan3A_179 = arith.constant 1 : i32
        scf.for %scan3A_187 = %scan3A_176 to %scan3A_178 step %scan3A_179  : i32 {
          %mul3A_188 = arith.constant 16 : i32
          %mul3A_189 = arith.muli %scan3A_187, %mul3A_188 : i32
          %get3A = arith.index_cast %add3A_156 : i32 to index
          %get3A_190 = arith.index_cast %mul3A_189 : i32 to index
          %get3A_191 = tpu.vector_load %arg10[%get3A, %get3A_190] {strides = array<i32>} : memref<8x128xf32, #tpu.memory_space<vmem>>, vector<16xf32>,
          %get3A_192 = arith.index_cast %add3A_156 : i32 to index
          %get3A_193 = arith.index_cast %mul3A_189 : i32 to index
          %get3A_194 = tpu.vector_load %arg9[%get3A_192, %get3A_193] {strides = array<i32>} : memref<8x128xi32, #tpu.memory_space<vmem>>, vector<16xi32>,
          %shift_right_logical3A = arith.constant 7 : i32
          %shift_right_logical3A_195 = vector.broadcast %shift_right_logical3A : i32 to vector<16xi32>
          %shift_right_logical3A_196 = arith.shrui %get3A_194, %shift_right_logical3A_195 : vector<16xi32>
          %and3A = arith.constant 127 : i32
          %and3A_197 = vector.broadcast %and3A : i32 to vector<16xi32>
          %and3A_198 = arith.andi %get3A_194, %and3A_197 : vector<16xi32>
          tpu.vector_store_idx %arg13[%shift_right_logical3A_196, %and3A_198], %broadcast_in_dim3A_54 {add = true} : memref<80x128xf32, #tpu.memory_space<vmem>>[vector<16xi32>, vector<16xi32>], vector<16xf32>,
          %lt3A_199 = arith.constant 0 : i32
          %lt3A_200 = vector.broadcast %lt3A_199 : i32 to vector<16xi32>
          %lt3A_201 = arith.cmpi slt, %broadcast_in_dim3A_22, %lt3A_200 : vector<16xi32>
          %add3A_202 = arith.constant 16 : i32
          %add3A_203 = vector.broadcast %add3A_202 : i32 to vector<16xi32>
          %add3A_204 = arith.addi %broadcast_in_dim3A_22, %add3A_203 : vector<16xi32>
          %select_n3A = arith.select %lt3A_201, %add3A_204, %broadcast_in_dim3A_22 : vector<16xi1>, vector<16xi32>
          %broadcast_in_dim3A_205 = vector.shape_cast %select_n3A : vector<16xi32> to vector<16x1xi32>
          %gather3A = vector.shape_cast %broadcast_in_dim3A_205 : vector<16x1xi32> to vector<16xi32>
          %gather3A_206 = tpu.dynamic_gather %get3A_191[%gather3A] in [0] : vector<16xf32>, vector<16xi32> -> vector<16xf32>
          %add3A_207 = arith.constant 0 : i32
          %add3A_208 = arith.addi %mul3A_189, %add3A_207 : i32
          %get3A_209 = arith.index_cast %add3A_208 : i32 to index
          %get3A_210 = arith.constant 0 : index
          %get3A_211 = tpu.vector_load %arg12[%get3A_209, %get3A_210] {strides = array<i32>} : memref<128x128xf32, #tpu.memory_space<vmem>>, vector<16xf32>,
          %mul3A_212 = arith.mulf %get3A_211, %gather3A_206 : vector<16xf32>
          %swap3A = arith.index_cast %add3A_208 : i32 to index
          %swap3A_213 = arith.constant 0 : index
          %swap3A_214 = tpu.vector_load %arg12[%swap3A, %swap3A_213] {strides = array<i32>} : memref<128x128xf32, #tpu.memory_space<vmem>>, vector<16xf32>,
          tpu.vector_store %arg12[%swap3A, %swap3A_213], %mul3A_212 {strides = array<i32>} : memref<128x128xf32, #tpu.memory_space<vmem>>, vector<16xf32>,
          %get3A_215 = arith.index_cast %add3A_208 : i32 to index
          %get3A_216 = arith.constant 16 : index
          %get3A_217 = tpu.vector_load %arg12[%get3A_215, %get3A_216] {strides = array<i32>} : memref<128x128xf32, #tpu.memory_space<vmem>>, vector<16xf32>,
          %mul3A_218 = arith.mulf %get3A_217, %gather3A_206 : vector<16xf32>
          %swap3A_219 = arith.index_cast %add3A_208 : i32 to index
          %swap3A_220 = arith.constant 16 : index
          %swap3A_221 = tpu.vector_load %arg12[%swap3A_219, %swap3A_220] {strides = array<i32>} : memref<128x128xf32, #tpu.memory_space<vmem>>, vector<16xf32>,
          tpu.vector_store %arg12[%swap3A_219, %swap3A_220], %mul3A_218 {strides = array<i32>} : memref<128x128xf32, #tpu.memory_space<vmem>>, vector<16xf32>,
          %get3A_222 = arith.index_cast %add3A_208 : i32 to index
          %get3A_223 = arith.constant 32 : index
          %get3A_224 = tpu.vector_load %arg12[%get3A_222, %get3A_223] {strides = array<i32>} : memref<128x128xf32, #tpu.memory_space<vmem>>, vector<16xf32>,
          %mul3A_225 = arith.mulf %get3A_224, %gather3A_206 : vector<16xf32>
          %swap3A_226 = arith.index_cast %add3A_208 : i32 to index
          %swap3A_227 = arith.constant 32 : index
          %swap3A_228 = tpu.vector_load %arg12[%swap3A_226, %swap3A_227] {strides = array<i32>} : memref<128x128xf32, #tpu.memory_space<vmem>>, vector<16xf32>,
          tpu.vector_store %arg12[%swap3A_226, %swap3A_227], %mul3A_225 {strides = array<i32>} : memref<128x128xf32, #tpu.memory_space<vmem>>, vector<16xf32>,
          %get3A_229 = arith.index_cast %add3A_208 : i32 to index
          %get3A_230 = arith.constant 48 : index
          %get3A_231 = tpu.vector_load %arg12[%get3A_229, %get3A_230] {strides = array<i32>} : memref<128x128xf32, #tpu.memory_space<vmem>>, vector<16xf32>,
          %mul3A_232 = arith.mulf %get3A_231, %gather3A_206 : vector<16xf32>
          %swap3A_233 = arith.index_cast %add3A_208 : i32 to index
          %swap3A_234 = arith.constant 48 : index
          %swap3A_235 = tpu.vector_load %arg12[%swap3A_233, %swap3A_234] {strides = array<i32>} : memref<128x128xf32, #tpu.memory_space<vmem>>, vector<16xf32>,
          tpu.vector_store %arg12[%swap3A_233, %swap3A_234], %mul3A_232 {strides = array<i32>} : memref<128x128xf32, #tpu.memory_space<vmem>>, vector<16xf32>,
          %get3A_236 = arith.index_cast %add3A_208 : i32 to index
          %get3A_237 = arith.constant 64 : index
          %get3A_238 = tpu.vector_load %arg12[%get3A_236, %get3A_237] {strides = array<i32>} : memref<128x128xf32, #tpu.memory_space<vmem>>, vector<16xf32>,
          %mul3A_239 = arith.mulf %get3A_238, %gather3A_206 : vector<16xf32>
          %swap3A_240 = arith.index_cast %add3A_208 : i32 to index
          %swap3A_241 = arith.constant 64 : index
          %swap3A_242 = tpu.vector_load %arg12[%swap3A_240, %swap3A_241] {strides = array<i32>} : memref<128x128xf32, #tpu.memory_space<vmem>>, vector<16xf32>,
          tpu.vector_store %arg12[%swap3A_240, %swap3A_241], %mul3A_239 {strides = array<i32>} : memref<128x128xf32, #tpu.memory_space<vmem>>, vector<16xf32>,
          %get3A_243 = arith.index_cast %add3A_208 : i32 to index
          %get3A_244 = arith.constant 80 : index
          %get3A_245 = tpu.vector_load %arg12[%get3A_243, %get3A_244] {strides = array<i32>} : memref<128x128xf32, #tpu.memory_space<vmem>>, vector<16xf32>,
          %mul3A_246 = arith.mulf %get3A_245, %gather3A_206 : vector<16xf32>
          %swap3A_247 = arith.index_cast %add3A_208 : i32 to index
          %swap3A_248 = arith.constant 80 : index
          %swap3A_249 = tpu.vector_load %arg12[%swap3A_247, %swap3A_248] {strides = array<i32>} : memref<128x128xf32, #tpu.memory_space<vmem>>, vector<16xf32>,
          tpu.vector_store %arg12[%swap3A_247, %swap3A_248], %mul3A_246 {strides = array<i32>} : memref<128x128xf32, #tpu.memory_space<vmem>>, vector<16xf32>,
          %get3A_250 = arith.index_cast %add3A_208 : i32 to index
          %get3A_251 = arith.constant 96 : index
          %get3A_252 = tpu.vector_load %arg12[%get3A_250, %get3A_251] {strides = array<i32>} : memref<128x128xf32, #tpu.memory_space<vmem>>, vector<16xf32>,
          %mul3A_253 = arith.mulf %get3A_252, %gather3A_206 : vector<16xf32>
          %swap3A_254 = arith.index_cast %add3A_208 : i32 to index
          %swap3A_255 = arith.constant 96 : index
          %swap3A_256 = tpu.vector_load %arg12[%swap3A_254, %swap3A_255] {strides = array<i32>} : memref<128x128xf32, #tpu.memory_space<vmem>>, vector<16xf32>,
          tpu.vector_store %arg12[%swap3A_254, %swap3A_255], %mul3A_253 {strides = array<i32>} : memref<128x128xf32, #tpu.memory_space<vmem>>, vector<16xf32>,
          %get3A_257 = arith.index_cast %add3A_208 : i32 to index
          %get3A_258 = arith.constant 112 : index
          %get3A_259 = tpu.vector_load %arg12[%get3A_257, %get3A_258] {strides = array<i32>} : memref<128x128xf32, #tpu.memory_space<vmem>>, vector<16xf32>,
          %mul3A_260 = arith.mulf %get3A_259, %gather3A_206 : vector<16xf32>
          %swap3A_261 = arith.index_cast %add3A_208 : i32 to index
          %swap3A_262 = arith.constant 112 : index
          %swap3A_263 = tpu.vector_load %arg12[%swap3A_261, %swap3A_262] {strides = array<i32>} : memref<128x128xf32, #tpu.memory_space<vmem>>, vector<16xf32>,
          tpu.vector_store %arg12[%swap3A_261, %swap3A_262], %mul3A_260 {strides = array<i32>} : memref<128x128xf32, #tpu.memory_space<vmem>>, vector<16xf32>,
          %lt3A_264 = arith.constant 0 : i32
          %lt3A_265 = vector.broadcast %lt3A_264 : i32 to vector<16xi32>
          %lt3A_266 = arith.cmpi slt, %broadcast_in_dim3A_24, %lt3A_265 : vector<16xi32>
          %add3A_267 = arith.constant 16 : i32
          %add3A_268 = vector.broadcast %add3A_267 : i32 to vector<16xi32>
          %add3A_269 = arith.addi %broadcast_in_dim3A_24, %add3A_268 : vector<16xi32>
          %select_n3A_270 = arith.select %lt3A_266, %add3A_269, %broadcast_in_dim3A_24 : vector<16xi1>, vector<16xi32>
          %broadcast_in_dim3A_271 = vector.shape_cast %select_n3A_270 : vector<16xi32> to vector<16x1xi32>
          %gather3A_272 = vector.shape_cast %broadcast_in_dim3A_271 : vector<16x1xi32> to vector<16xi32>
          %gather3A_273 = tpu.dynamic_gather %get3A_191[%gather3A_272] in [0] : vector<16xf32>, vector<16xi32> -> vector<16xf32>
          %add3A_274 = arith.constant 1 : i32
          %add3A_275 = arith.addi %mul3A_189, %add3A_274 : i32
          %get3A_276 = arith.index_cast %add3A_275 : i32 to index
          %get3A_277 = arith.constant 0 : index
          %get3A_278 = tpu.vector_load %arg12[%get3A_276, %get3A_277] {strides = array<i32>} : memref<128x128xf32, #tpu.memory_space<vmem>>, vector<16xf32>,
          %mul3A_279 = arith.mulf %get3A_278, %gather3A_273 : vector<16xf32>
          %swap3A_280 = arith.index_cast %add3A_275 : i32 to index
          %swap3A_281 = arith.constant 0 : index
          %swap3A_282 = tpu.vector_load %arg12[%swap3A_280, %swap3A_281] {strides = array<i32>} : memref<128x128xf32, #tpu.memory_space<vmem>>, vector<16xf32>,
          tpu.vector_store %arg12[%swap3A_280, %swap3A_281], %mul3A_279 {strides = array<i32>} : memref<128x128xf32, #tpu.memory_space<vmem>>, vector<16xf32>,
          %get3A_283 = arith.index_cast %add3A_275 : i32 to index
          %get3A_284 = arith.constant 16 : index
          %get3A_285 = tpu.vector_load %arg12[%get3A_283, %get3A_284] {strides = array<i32>} : memref<128x128xf32, #tpu.memory_space<vmem>>, vector<16xf32>,
          %mul3A_286 = arith.mulf %get3A_285, %gather3A_273 : vector<16xf32>
          %swap3A_287 = arith.index_cast %add3A_275 : i32 to index
          %swap3A_288 = arith.constant 16 : index
          %swap3A_289 = tpu.vector_load %arg12[%swap3A_287, %swap3A_288] {strides = array<i32>} : memref<128x128xf32, #tpu.memory_space<vmem>>, vector<16xf32>,
          tpu.vector_store %arg12[%swap3A_287, %swap3A_288], %mul3A_286 {strides = array<i32>} : memref<128x128xf32, #tpu.memory_space<vmem>>, vector<16xf32>,
          %get3A_290 = arith.index_cast %add3A_275 : i32 to index
          %get3A_291 = arith.constant 32 : index
          %get3A_292 = tpu.vector_load %arg12[%get3A_290, %get3A_291] {strides = array<i32>} : memref<128x128xf32, #tpu.memory_space<vmem>>, vector<16xf32>,
          %mul3A_293 = arith.mulf %get3A_292, %gather3A_273 : vector<16xf32>
          %swap3A_294 = arith.index_cast %add3A_275 : i32 to index
          %swap3A_295 = arith.constant 32 : index
          %swap3A_296 = tpu.vector_load %arg12[%swap3A_294, %swap3A_295] {strides = array<i32>} : memref<128x128xf32, #tpu.memory_space<vmem>>, vector<16xf32>,
          tpu.vector_store %arg12[%swap3A_294, %swap3A_295], %mul3A_293 {strides = array<i32>} : memref<128x128xf32, #tpu.memory_space<vmem>>, vector<16xf32>,
          %get3A_297 = arith.index_cast %add3A_275 : i32 to index
          %get3A_298 = arith.constant 48 : index
          %get3A_299 = tpu.vector_load %arg12[%get3A_297, %get3A_298] {strides = array<i32>} : memref<128x128xf32, #tpu.memory_space<vmem>>, vector<16xf32>,
          %mul3A_300 = arith.mulf %get3A_299, %gather3A_273 : vector<16xf32>
          %swap3A_301 = arith.index_cast %add3A_275 : i32 to index
          %swap3A_302 = arith.constant 48 : index
          %swap3A_303 = tpu.vector_load %arg12[%swap3A_301, %swap3A_302] {strides = array<i32>} : memref<128x128xf32, #tpu.memory_space<vmem>>, vector<16xf32>,
          tpu.vector_store %arg12[%swap3A_301, %swap3A_302], %mul3A_300 {strides = array<i32>} : memref<128x128xf32, #tpu.memory_space<vmem>>, vector<16xf32>,
          %get3A_304 = arith.index_cast %add3A_275 : i32 to index
          %get3A_305 = arith.constant 64 : index
          %get3A_306 = tpu.vector_load %arg12[%get3A_304, %get3A_305] {strides = array<i32>} : memref<128x128xf32, #tpu.memory_space<vmem>>, vector<16xf32>,
          %mul3A_307 = arith.mulf %get3A_306, %gather3A_273 : vector<16xf32>
          %swap3A_308 = arith.index_cast %add3A_275 : i32 to index
          %swap3A_309 = arith.constant 64 : index
          %swap3A_310 = tpu.vector_load %arg12[%swap3A_308, %swap3A_309] {strides = array<i32>} : memref<128x128xf32, #tpu.memory_space<vmem>>, vector<16xf32>,
          tpu.vector_store %arg12[%swap3A_308, %swap3A_309], %mul3A_307 {strides = array<i32>} : memref<128x128xf32, #tpu.memory_space<vmem>>, vector<16xf32>,
          %get3A_311 = arith.index_cast %add3A_275 : i32 to index
          %get3A_312 = arith.constant 80 : index
          %get3A_313 = tpu.vector_load %arg12[%get3A_311, %get3A_312] {strides = array<i32>} : memref<128x128xf32, #tpu.memory_space<vmem>>, vector<16xf32>,
          %mul3A_314 = arith.mulf %get3A_313, %gather3A_273 : vector<16xf32>
          %swap3A_315 = arith.index_cast %add3A_275 : i32 to index
          %swap3A_316 = arith.constant 80 : index
          %swap3A_317 = tpu.vector_load %arg12[%swap3A_315, %swap3A_316] {strides = array<i32>} : memref<128x128xf32, #tpu.memory_space<vmem>>, vector<16xf32>,
          tpu.vector_store %arg12[%swap3A_315, %swap3A_316], %mul3A_314 {strides = array<i32>} : memref<128x128xf32, #tpu.memory_space<vmem>>, vector<16xf32>,
          %get3A_318 = arith.index_cast %add3A_275 : i32 to index
          %get3A_319 = arith.constant 96 : index
          %get3A_320 = tpu.vector_load %arg12[%get3A_318, %get3A_319] {strides = array<i32>} : memref<128x128xf32, #tpu.memory_space<vmem>>, vector<16xf32>,
          %mul3A_321 = arith.mulf %get3A_320, %gather3A_273 : vector<16xf32>
          %swap3A_322 = arith.index_cast %add3A_275 : i32 to index
          %swap3A_323 = arith.constant 96 : index
          %swap3A_324 = tpu.vector_load %arg12[%swap3A_322, %swap3A_323] {strides = array<i32>} : memref<128x128xf32, #tpu.memory_space<vmem>>, vector<16xf32>,
          tpu.vector_store %arg12[%swap3A_322, %swap3A_323], %mul3A_321 {strides = array<i32>} : memref<128x128xf32, #tpu.memory_space<vmem>>, vector<16xf32>,
          %get3A_325 = arith.index_cast %add3A_275 : i32 to index
          %get3A_326 = arith.constant 112 : index
          %get3A_327 = tpu.vector_load %arg12[%get3A_325, %get3A_326] {strides = array<i32>} : memref<128x128xf32, #tpu.memory_space<vmem>>, vector<16xf32>,
          %mul3A_328 = arith.mulf %get3A_327, %gather3A_273 : vector<16xf32>
          %swap3A_329 = arith.index_cast %add3A_275 : i32 to index
          %swap3A_330 = arith.constant 112 : index
          %swap3A_331 = tpu.vector_load %arg12[%swap3A_329, %swap3A_330] {strides = array<i32>} : memref<128x128xf32, #tpu.memory_space<vmem>>, vector<16xf32>,
          tpu.vector_store %arg12[%swap3A_329, %swap3A_330], %mul3A_328 {strides = array<i32>} : memref<128x128xf32, #tpu.memory_space<vmem>>, vector<16xf32>,
          %lt3A_332 = arith.constant 0 : i32
          %lt3A_333 = vector.broadcast %lt3A_332 : i32 to vector<16xi32>
          %lt3A_334 = arith.cmpi slt, %broadcast_in_dim3A_26, %lt3A_333 : vector<16xi32>
          %add3A_335 = arith.constant 16 : i32
          %add3A_336 = vector.broadcast %add3A_335 : i32 to vector<16xi32>
          %add3A_337 = arith.addi %broadcast_in_dim3A_26, %add3A_336 : vector<16xi32>
          %select_n3A_338 = arith.select %lt3A_334, %add3A_337, %broadcast_in_dim3A_26 : vector<16xi1>, vector<16xi32>
          %broadcast_in_dim3A_339 = vector.shape_cast %select_n3A_338 : vector<16xi32> to vector<16x1xi32>
          %gather3A_340 = vector.shape_cast %broadcast_in_dim3A_339 : vector<16x1xi32> to vector<16xi32>
          %gather3A_341 = tpu.dynamic_gather %get3A_191[%gather3A_340] in [0] : vector<16xf32>, vector<16xi32> -> vector<16xf32>
          %add3A_342 = arith.constant 2 : i32
          %add3A_343 = arith.addi %mul3A_189, %add3A_342 : i32
          %get3A_344 = arith.index_cast %add3A_343 : i32 to index
          %get3A_345 = arith.constant 0 : index
          %get3A_346 = tpu.vector_load %arg12[%get3A_344, %get3A_345] {strides = array<i32>} : memref<128x128xf32, #tpu.memory_space<vmem>>, vector<16xf32>,
          %mul3A_347 = arith.mulf %get3A_346, %gather3A_341 : vector<16xf32>
          %swap3A_348 = arith.index_cast %add3A_343 : i32 to index
          %swap3A_349 = arith.constant 0 : index
          %swap3A_350 = tpu.vector_load %arg12[%swap3A_348, %swap3A_349] {strides = array<i32>} : memref<128x128xf32, #tpu.memory_space<vmem>>, vector<16xf32>,
          tpu.vector_store %arg12[%swap3A_348, %swap3A_349], %mul3A_347 {strides = array<i32>} : memref<128x128xf32, #tpu.memory_space<vmem>>, vector<16xf32>,
          %get3A_351 = arith.index_cast %add3A_343 : i32 to index
          %get3A_352 = arith.constant 16 : index
          %get3A_353 = tpu.vector_load %arg12[%get3A_351, %get3A_352] {strides = array<i32>} : memref<128x128xf32, #tpu.memory_space<vmem>>, vector<16xf32>,
          %mul3A_354 = arith.mulf %get3A_353, %gather3A_341 : vector<16xf32>
          %swap3A_355 = arith.index_cast %add3A_343 : i32 to index
          %swap3A_356 = arith.constant 16 : index
          %swap3A_357 = tpu.vector_load %arg12[%swap3A_355, %swap3A_356] {strides = array<i32>} : memref<128x128xf32, #tpu.memory_space<vmem>>, vector<16xf32>,
          tpu.vector_store %arg12[%swap3A_355, %swap3A_356], %mul3A_354 {strides = array<i32>} : memref<128x128xf32, #tpu.memory_space<vmem>>, vector<16xf32>,
          %get3A_358 = arith.index_cast %add3A_343 : i32 to index
          %get3A_359 = arith.constant 32 : index
          %get3A_360 = tpu.vector_load %arg12[%get3A_358, %get3A_359] {strides = array<i32>} : memref<128x128xf32, #tpu.memory_space<vmem>>, vector<16xf32>,
          %mul3A_361 = arith.mulf %get3A_360, %gather3A_341 : vector<16xf32>
          %swap3A_362 = arith.index_cast %add3A_343 : i32 to index
          %swap3A_363 = arith.constant 32 : index
          %swap3A_364 = tpu.vector_load %arg12[%swap3A_362, %swap3A_363] {strides = array<i32>} : memref<128x128xf32, #tpu.memory_space<vmem>>, vector<16xf32>,
          tpu.vector_store %arg12[%swap3A_362, %swap3A_363], %mul3A_361 {strides = array<i32>} : memref<128x128xf32, #tpu.memory_space<vmem>>, vector<16xf32>,
          %get3A_365 = arith.index_cast %add3A_343 : i32 to index
          %get3A_366 = arith.constant 48 : index
          %get3A_367 = tpu.vector_load %arg12[%get3A_365, %get3A_366] {strides = array<i32>} : memref<128x128xf32, #tpu.memory_space<vmem>>, vector<16xf32>,
          %mul3A_368 = arith.mulf %get3A_367, %gather3A_341 : vector<16xf32>
          %swap3A_369 = arith.index_cast %add3A_343 : i32 to index
          %swap3A_370 = arith.constant 48 : index
          %swap3A_371 = tpu.vector_load %arg12[%swap3A_369, %swap3A_370] {strides = array<i32>} : memref<128x128xf32, #tpu.memory_space<vmem>>, vector<16xf32>,
          tpu.vector_store %arg12[%swap3A_369, %swap3A_370], %mul3A_368 {strides = array<i32>} : memref<128x128xf32, #tpu.memory_space<vmem>>, vector<16xf32>,
          %get3A_372 = arith.index_cast %add3A_343 : i32 to index
          %get3A_373 = arith.constant 64 : index
          %get3A_374 = tpu.vector_load %arg12[%get3A_372, %get3A_373] {strides = array<i32>} : memref<128x128xf32, #tpu.memory_space<vmem>>, vector<16xf32>,
          %mul3A_375 = arith.mulf %get3A_374, %gather3A_341 : vector<16xf32>
          %swap3A_376 = arith.index_cast %add3A_343 : i32 to index
          %swap3A_377 = arith.constant 64 : index
          %swap3A_378 = tpu.vector_load %arg12[%swap3A_376, %swap3A_377] {strides = array<i32>} : memref<128x128xf32, #tpu.memory_space<vmem>>, vector<16xf32>,
          tpu.vector_store %arg12[%swap3A_376, %swap3A_377], %mul3A_375 {strides = array<i32>} : memref<128x128xf32, #tpu.memory_space<vmem>>, vector<16xf32>,
          %get3A_379 = arith.index_cast %add3A_343 : i32 to index
          %get3A_380 = arith.constant 80 : index
          %get3A_381 = tpu.vector_load %arg12[%get3A_379, %get3A_380] {strides = array<i32>} : memref<128x128xf32, #tpu.memory_space<vmem>>, vector<16xf32>,
          %mul3A_382 = arith.mulf %get3A_381, %gather3A_341 : vector<16xf32>
          %swap3A_383 = arith.index_cast %add3A_343 : i32 to index
          %swap3A_384 = arith.constant 80 : index
          %swap3A_385 = tpu.vector_load %arg12[%swap3A_383, %swap3A_384] {strides = array<i32>} : memref<128x128xf32, #tpu.memory_space<vmem>>, vector<16xf32>,
          tpu.vector_store %arg12[%swap3A_383, %swap3A_384], %mul3A_382 {strides = array<i32>} : memref<128x128xf32, #tpu.memory_space<vmem>>, vector<16xf32>,
          %get3A_386 = arith.index_cast %add3A_343 : i32 to index
          %get3A_387 = arith.constant 96 : index
          %get3A_388 = tpu.vector_load %arg12[%get3A_386, %get3A_387] {strides = array<i32>} : memref<128x128xf32, #tpu.memory_space<vmem>>, vector<16xf32>,
          %mul3A_389 = arith.mulf %get3A_388, %gather3A_341 : vector<16xf32>
          %swap3A_390 = arith.index_cast %add3A_343 : i32 to index
          %swap3A_391 = arith.constant 96 : index
          %swap3A_392 = tpu.vector_load %arg12[%swap3A_390, %swap3A_391] {strides = array<i32>} : memref<128x128xf32, #tpu.memory_space<vmem>>, vector<16xf32>,
          tpu.vector_store %arg12[%swap3A_390, %swap3A_391], %mul3A_389 {strides = array<i32>} : memref<128x128xf32, #tpu.memory_space<vmem>>, vector<16xf32>,
          %get3A_393 = arith.index_cast %add3A_343 : i32 to index
          %get3A_394 = arith.constant 112 : index
          %get3A_395 = tpu.vector_load %arg12[%get3A_393, %get3A_394] {strides = array<i32>} : memref<128x128xf32, #tpu.memory_space<vmem>>, vector<16xf32>,
          %mul3A_396 = arith.mulf %get3A_395, %gather3A_341 : vector<16xf32>
          %swap3A_397 = arith.index_cast %add3A_343 : i32 to index
          %swap3A_398 = arith.constant 112 : index
          %swap3A_399 = tpu.vector_load %arg12[%swap3A_397, %swap3A_398] {strides = array<i32>} : memref<128x128xf32, #tpu.memory_space<vmem>>, vector<16xf32>,
          tpu.vector_store %arg12[%swap3A_397, %swap3A_398], %mul3A_396 {strides = array<i32>} : memref<128x128xf32, #tpu.memory_space<vmem>>, vector<16xf32>,
          %lt3A_400 = arith.constant 0 : i32
          %lt3A_401 = vector.broadcast %lt3A_400 : i32 to vector<16xi32>
          %lt3A_402 = arith.cmpi slt, %broadcast_in_dim3A_28, %lt3A_401 : vector<16xi32>
          %add3A_403 = arith.constant 16 : i32
          %add3A_404 = vector.broadcast %add3A_403 : i32 to vector<16xi32>
          %add3A_405 = arith.addi %broadcast_in_dim3A_28, %add3A_404 : vector<16xi32>
          %select_n3A_406 = arith.select %lt3A_402, %add3A_405, %broadcast_in_dim3A_28 : vector<16xi1>, vector<16xi32>
          %broadcast_in_dim3A_407 = vector.shape_cast %select_n3A_406 : vector<16xi32> to vector<16x1xi32>
          %gather3A_408 = vector.shape_cast %broadcast_in_dim3A_407 : vector<16x1xi32> to vector<16xi32>
          %gather3A_409 = tpu.dynamic_gather %get3A_191[%gather3A_408] in [0] : vector<16xf32>, vector<16xi32> -> vector<16xf32>
          %add3A_410 = arith.constant 3 : i32
          %add3A_411 = arith.addi %mul3A_189, %add3A_410 : i32
          %get3A_412 = arith.index_cast %add3A_411 : i32 to index
          %get3A_413 = arith.constant 0 : index
          %get3A_414 = tpu.vector_load %arg12[%get3A_412, %get3A_413] {strides = array<i32>} : memref<128x128xf32, #tpu.memory_space<vmem>>, vector<16xf32>,
          %mul3A_415 = arith.mulf %get3A_414, %gather3A_409 : vector<16xf32>
          %swap3A_416 = arith.index_cast %add3A_411 : i32 to index
          %swap3A_417 = arith.constant 0 : index
          %swap3A_418 = tpu.vector_load %arg12[%swap3A_416, %swap3A_417] {strides = array<i32>} : memref<128x128xf32, #tpu.memory_space<vmem>>, vector<16xf32>,
          tpu.vector_store %arg12[%swap3A_416, %swap3A_417], %mul3A_415 {strides = array<i32>} : memref<128x128xf32, #tpu.memory_space<vmem>>, vector<16xf32>,
          %get3A_419 = arith.index_cast %add3A_411 : i32 to index
          %get3A_420 = arith.constant 16 : index
          %get3A_421 = tpu.vector_load %arg12[%get3A_419, %get3A_420] {strides = array<i32>} : memref<128x128xf32, #tpu.memory_space<vmem>>, vector<16xf32>,
          %mul3A_422 = arith.mulf %get3A_421, %gather3A_409 : vector<16xf32>
          %swap3A_423 = arith.index_cast %add3A_411 : i32 to index
          %swap3A_424 = arith.constant 16 : index
          %swap3A_425 = tpu.vector_load %arg12[%swap3A_423, %swap3A_424] {strides = array<i32>} : memref<128x128xf32, #tpu.memory_space<vmem>>, vector<16xf32>,
          tpu.vector_store %arg12[%swap3A_423, %swap3A_424], %mul3A_422 {strides = array<i32>} : memref<128x128xf32, #tpu.memory_space<vmem>>, vector<16xf32>,
          %get3A_426 = arith.index_cast %add3A_411 : i32 to index
          %get3A_427 = arith.constant 32 : index
          %get3A_428 = tpu.vector_load %arg12[%get3A_426, %get3A_427] {strides = array<i32>} : memref<128x128xf32, #tpu.memory_space<vmem>>, vector<16xf32>,
          %mul3A_429 = arith.mulf %get3A_428, %gather3A_409 : vector<16xf32>
          %swap3A_430 = arith.index_cast %add3A_411 : i32 to index
          %swap3A_431 = arith.constant 32 : index
          %swap3A_432 = tpu.vector_load %arg12[%swap3A_430, %swap3A_431] {strides = array<i32>} : memref<128x128xf32, #tpu.memory_space<vmem>>, vector<16xf32>,
          tpu.vector_store %arg12[%swap3A_430, %swap3A_431], %mul3A_429 {strides = array<i32>} : memref<128x128xf32, #tpu.memory_space<vmem>>, vector<16xf32>,
          %get3A_433 = arith.index_cast %add3A_411 : i32 to index
          %get3A_434 = arith.constant 48 : index
          %get3A_435 = tpu.vector_load %arg12[%get3A_433, %get3A_434] {strides = array<i32>} : memref<128x128xf32, #tpu.memory_space<vmem>>, vector<16xf32>,
          %mul3A_436 = arith.mulf %get3A_435, %gather3A_409 : vector<16xf32>
          %swap3A_437 = arith.index_cast %add3A_411 : i32 to index
          %swap3A_438 = arith.constant 48 : index
          %swap3A_439 = tpu.vector_load %arg12[%swap3A_437, %swap3A_438] {strides = array<i32>} : memref<128x128xf32, #tpu.memory_space<vmem>>, vector<16xf32>,
          tpu.vector_store %arg12[%swap3A_437, %swap3A_438], %mul3A_436 {strides = array<i32>} : memref<128x128xf32, #tpu.memory_space<vmem>>, vector<16xf32>,
          %get3A_440 = arith.index_cast %add3A_411 : i32 to index
          %get3A_441 = arith.constant 64 : index
          %get3A_442 = tpu.vector_load %arg12[%get3A_440, %get3A_441] {strides = array<i32>} : memref<128x128xf32, #tpu.memory_space<vmem>>, vector<16xf32>,
          %mul3A_443 = arith.mulf %get3A_442, %gather3A_409 : vector<16xf32>
          %swap3A_444 = arith.index_cast %add3A_411 : i32 to index
          %swap3A_445 = arith.constant 64 : index
          %swap3A_446 = tpu.vector_load %arg12[%swap3A_444, %swap3A_445] {strides = array<i32>} : memref<128x128xf32, #tpu.memory_space<vmem>>, vector<16xf32>,
          tpu.vector_store %arg12[%swap3A_444, %swap3A_445], %mul3A_443 {strides = array<i32>} : memref<128x128xf32, #tpu.memory_space<vmem>>, vector<16xf32>,
          %get3A_447 = arith.index_cast %add3A_411 : i32 to index
          %get3A_448 = arith.constant 80 : index
          %get3A_449 = tpu.vector_load %arg12[%get3A_447, %get3A_448] {strides = array<i32>} : memref<128x128xf32, #tpu.memory_space<vmem>>, vector<16xf32>,
          %mul3A_450 = arith.mulf %get3A_449, %gather3A_409 : vector<16xf32>
          %swap3A_451 = arith.index_cast %add3A_411 : i32 to index
          %swap3A_452 = arith.constant 80 : index
          %swap3A_453 = tpu.vector_load %arg12[%swap3A_451, %swap3A_452] {strides = array<i32>} : memref<128x128xf32, #tpu.memory_space<vmem>>, vector<16xf32>,
          tpu.vector_store %arg12[%swap3A_451, %swap3A_452], %mul3A_450 {strides = array<i32>} : memref<128x128xf32, #tpu.memory_space<vmem>>, vector<16xf32>,
          %get3A_454 = arith.index_cast %add3A_411 : i32 to index
          %get3A_455 = arith.constant 96 : index
          %get3A_456 = tpu.vector_load %arg12[%get3A_454, %get3A_455] {strides = array<i32>} : memref<128x128xf32, #tpu.memory_space<vmem>>, vector<16xf32>,
          %mul3A_457 = arith.mulf %get3A_456, %gather3A_409 : vector<16xf32>
          %swap3A_458 = arith.index_cast %add3A_411 : i32 to index
          %swap3A_459 = arith.constant 96 : index
          %swap3A_460 = tpu.vector_load %arg12[%swap3A_458, %swap3A_459] {strides = array<i32>} : memref<128x128xf32, #tpu.memory_space<vmem>>, vector<16xf32>,
          tpu.vector_store %arg12[%swap3A_458, %swap3A_459], %mul3A_457 {strides = array<i32>} : memref<128x128xf32, #tpu.memory_space<vmem>>, vector<16xf32>,
          %get3A_461 = arith.index_cast %add3A_411 : i32 to index
          %get3A_462 = arith.constant 112 : index
          %get3A_463 = tpu.vector_load %arg12[%get3A_461, %get3A_462] {strides = array<i32>} : memref<128x128xf32, #tpu.memory_space<vmem>>, vector<16xf32>,
          %mul3A_464 = arith.mulf %get3A_463, %gather3A_409 : vector<16xf32>
          %swap3A_465 = arith.index_cast %add3A_411 : i32 to index
          %swap3A_466 = arith.constant 112 : index
          %swap3A_467 = tpu.vector_load %arg12[%swap3A_465, %swap3A_466] {strides = array<i32>} : memref<128x128xf32, #tpu.memory_space<vmem>>, vector<16xf32>,
          tpu.vector_store %arg12[%swap3A_465, %swap3A_466], %mul3A_464 {strides = array<i32>} : memref<128x128xf32, #tpu.memory_space<vmem>>, vector<16xf32>,
          %lt3A_468 = arith.constant 0 : i32
          %lt3A_469 = vector.broadcast %lt3A_468 : i32 to vector<16xi32>
          %lt3A_470 = arith.cmpi slt, %broadcast_in_dim3A_30, %lt3A_469 : vector<16xi32>
          %add3A_471 = arith.constant 16 : i32
          %add3A_472 = vector.broadcast %add3A_471 : i32 to vector<16xi32>
          %add3A_473 = arith.addi %broadcast_in_dim3A_30, %add3A_472 : vector<16xi32>
          %select_n3A_474 = arith.select %lt3A_470, %add3A_473, %broadcast_in_dim3A_30 : vector<16xi1>, vector<16xi32>
          %broadcast_in_dim3A_475 = vector.shape_cast %select_n3A_474 : vector<16xi32> to vector<16x1xi32>
          %gather3A_476 = vector.shape_cast %broadcast_in_dim3A_475 : vector<16x1xi32> to vector<16xi32>
          %gather3A_477 = tpu.dynamic_gather %get3A_191[%gather3A_476] in [0] : vector<16xf32>, vector<16xi32> -> vector<16xf32>
          %add3A_478 = arith.constant 4 : i32
          %add3A_479 = arith.addi %mul3A_189, %add3A_478 : i32
          %get3A_480 = arith.index_cast %add3A_479 : i32 to index
          %get3A_481 = arith.constant 0 : index
          %get3A_482 = tpu.vector_load %arg12[%get3A_480, %get3A_481] {strides = array<i32>} : memref<128x128xf32, #tpu.memory_space<vmem>>, vector<16xf32>,
          %mul3A_483 = arith.mulf %get3A_482, %gather3A_477 : vector<16xf32>
          %swap3A_484 = arith.index_cast %add3A_479 : i32 to index
          %swap3A_485 = arith.constant 0 : index
          %swap3A_486 = tpu.vector_load %arg12[%swap3A_484, %swap3A_485] {strides = array<i32>} : memref<128x128xf32, #tpu.memory_space<vmem>>, vector<16xf32>,
          tpu.vector_store %arg12[%swap3A_484, %swap3A_485], %mul3A_483 {strides = array<i32>} : memref<128x128xf32, #tpu.memory_space<vmem>>, vector<16xf32>,
          %get3A_487 = arith.index_cast %add3A_479 : i32 to index
          %get3A_488 = arith.constant 16 : index
          %get3A_489 = tpu.vector_load %arg12[%get3A_487, %get3A_488] {strides = array<i32>} : memref<128x128xf32, #tpu.memory_space<vmem>>, vector<16xf32>,
          %mul3A_490 = arith.mulf %get3A_489, %gather3A_477 : vector<16xf32>
          %swap3A_491 = arith.index_cast %add3A_479 : i32 to index
          %swap3A_492 = arith.constant 16 : index
          %swap3A_493 = tpu.vector_load %arg12[%swap3A_491, %swap3A_492] {strides = array<i32>} : memref<128x128xf32, #tpu.memory_space<vmem>>, vector<16xf32>,
          tpu.vector_store %arg12[%swap3A_491, %swap3A_492], %mul3A_490 {strides = array<i32>} : memref<128x128xf32, #tpu.memory_space<vmem>>, vector<16xf32>,
          %get3A_494 = arith.index_cast %add3A_479 : i32 to index
          %get3A_495 = arith.constant 32 : index
          %get3A_496 = tpu.vector_load %arg12[%get3A_494, %get3A_495] {strides = array<i32>} : memref<128x128xf32, #tpu.memory_space<vmem>>, vector<16xf32>,
          %mul3A_497 = arith.mulf %get3A_496, %gather3A_477 : vector<16xf32>
          %swap3A_498 = arith.index_cast %add3A_479 : i32 to index
          %swap3A_499 = arith.constant 32 : index
          %swap3A_500 = tpu.vector_load %arg12[%swap3A_498, %swap3A_499] {strides = array<i32>} : memref<128x128xf32, #tpu.memory_space<vmem>>, vector<16xf32>,
          tpu.vector_store %arg12[%swap3A_498, %swap3A_499], %mul3A_497 {strides = array<i32>} : memref<128x128xf32, #tpu.memory_space<vmem>>, vector<16xf32>,
          %get3A_501 = arith.index_cast %add3A_479 : i32 to index
          %get3A_502 = arith.constant 48 : index
          %get3A_503 = tpu.vector_load %arg12[%get3A_501, %get3A_502] {strides = array<i32>} : memref<128x128xf32, #tpu.memory_space<vmem>>, vector<16xf32>,
          %mul3A_504 = arith.mulf %get3A_503, %gather3A_477 : vector<16xf32>
          %swap3A_505 = arith.index_cast %add3A_479 : i32 to index
          %swap3A_506 = arith.constant 48 : index
          %swap3A_507 = tpu.vector_load %arg12[%swap3A_505, %swap3A_506] {strides = array<i32>} : memref<128x128xf32, #tpu.memory_space<vmem>>, vector<16xf32>,
          tpu.vector_store %arg12[%swap3A_505, %swap3A_506], %mul3A_504 {strides = array<i32>} : memref<128x128xf32, #tpu.memory_space<vmem>>, vector<16xf32>,
          %get3A_508 = arith.index_cast %add3A_479 : i32 to index
          %get3A_509 = arith.constant 64 : index
          %get3A_510 = tpu.vector_load %arg12[%get3A_508, %get3A_509] {strides = array<i32>} : memref<128x128xf32, #tpu.memory_space<vmem>>, vector<16xf32>,
          %mul3A_511 = arith.mulf %get3A_510, %gather3A_477 : vector<16xf32>
          %swap3A_512 = arith.index_cast %add3A_479 : i32 to index
          %swap3A_513 = arith.constant 64 : index
          %swap3A_514 = tpu.vector_load %arg12[%swap3A_512, %swap3A_513] {strides = array<i32>} : memref<128x128xf32, #tpu.memory_space<vmem>>, vector<16xf32>,
          tpu.vector_store %arg12[%swap3A_512, %swap3A_513], %mul3A_511 {strides = array<i32>} : memref<128x128xf32, #tpu.memory_space<vmem>>, vector<16xf32>,
          %get3A_515 = arith.index_cast %add3A_479 : i32 to index
          %get3A_516 = arith.constant 80 : index
          %get3A_517 = tpu.vector_load %arg12[%get3A_515, %get3A_516] {strides = array<i32>} : memref<128x128xf32, #tpu.memory_space<vmem>>, vector<16xf32>,
          %mul3A_518 = arith.mulf %get3A_517, %gather3A_477 : vector<16xf32>
          %swap3A_519 = arith.index_cast %add3A_479 : i32 to index
          %swap3A_520 = arith.constant 80 : index
          %swap3A_521 = tpu.vector_load %arg12[%swap3A_519, %swap3A_520] {strides = array<i32>} : memref<128x128xf32, #tpu.memory_space<vmem>>, vector<16xf32>,
          tpu.vector_store %arg12[%swap3A_519, %swap3A_520], %mul3A_518 {strides = array<i32>} : memref<128x128xf32, #tpu.memory_space<vmem>>, vector<16xf32>,
          %get3A_522 = arith.index_cast %add3A_479 : i32 to index
          %get3A_523 = arith.constant 96 : index
          %get3A_524 = tpu.vector_load %arg12[%get3A_522, %get3A_523] {strides = array<i32>} : memref<128x128xf32, #tpu.memory_space<vmem>>, vector<16xf32>,
          %mul3A_525 = arith.mulf %get3A_524, %gather3A_477 : vector<16xf32>
          %swap3A_526 = arith.index_cast %add3A_479 : i32 to index
          %swap3A_527 = arith.constant 96 : index
          %swap3A_528 = tpu.vector_load %arg12[%swap3A_526, %swap3A_527] {strides = array<i32>} : memref<128x128xf32, #tpu.memory_space<vmem>>, vector<16xf32>,
          tpu.vector_store %arg12[%swap3A_526, %swap3A_527], %mul3A_525 {strides = array<i32>} : memref<128x128xf32, #tpu.memory_space<vmem>>, vector<16xf32>,
          %get3A_529 = arith.index_cast %add3A_479 : i32 to index
          %get3A_530 = arith.constant 112 : index
          %get3A_531 = tpu.vector_load %arg12[%get3A_529, %get3A_530] {strides = array<i32>} : memref<128x128xf32, #tpu.memory_space<vmem>>, vector<16xf32>,
          %mul3A_532 = arith.mulf %get3A_531, %gather3A_477 : vector<16xf32>
          %swap3A_533 = arith.index_cast %add3A_479 : i32 to index
          %swap3A_534 = arith.constant 112 : index
          %swap3A_535 = tpu.vector_load %arg12[%swap3A_533, %swap3A_534] {strides = array<i32>} : memref<128x128xf32, #tpu.memory_space<vmem>>, vector<16xf32>,
          tpu.vector_store %arg12[%swap3A_533, %swap3A_534], %mul3A_532 {strides = array<i32>} : memref<128x128xf32, #tpu.memory_space<vmem>>, vector<16xf32>,
          %lt3A_536 = arith.constant 0 : i32
          %lt3A_537 = vector.broadcast %lt3A_536 : i32 to vector<16xi32>
          %lt3A_538 = arith.cmpi slt, %broadcast_in_dim3A_32, %lt3A_537 : vector<16xi32>
          %add3A_539 = arith.constant 16 : i32
          %add3A_540 = vector.broadcast %add3A_539 : i32 to vector<16xi32>
          %add3A_541 = arith.addi %broadcast_in_dim3A_32, %add3A_540 : vector<16xi32>
          %select_n3A_542 = arith.select %lt3A_538, %add3A_541, %broadcast_in_dim3A_32 : vector<16xi1>, vector<16xi32>
          %broadcast_in_dim3A_543 = vector.shape_cast %select_n3A_542 : vector<16xi32> to vector<16x1xi32>
          %gather3A_544 = vector.shape_cast %broadcast_in_dim3A_543 : vector<16x1xi32> to vector<16xi32>
          %gather3A_545 = tpu.dynamic_gather %get3A_191[%gather3A_544] in [0] : vector<16xf32>, vector<16xi32> -> vector<16xf32>
          %add3A_546 = arith.constant 5 : i32
          %add3A_547 = arith.addi %mul3A_189, %add3A_546 : i32
          %get3A_548 = arith.index_cast %add3A_547 : i32 to index
          %get3A_549 = arith.constant 0 : index
          %get3A_550 = tpu.vector_load %arg12[%get3A_548, %get3A_549] {strides = array<i32>} : memref<128x128xf32, #tpu.memory_space<vmem>>, vector<16xf32>,
          %mul3A_551 = arith.mulf %get3A_550, %gather3A_545 : vector<16xf32>
          %swap3A_552 = arith.index_cast %add3A_547 : i32 to index
          %swap3A_553 = arith.constant 0 : index
          %swap3A_554 = tpu.vector_load %arg12[%swap3A_552, %swap3A_553] {strides = array<i32>} : memref<128x128xf32, #tpu.memory_space<vmem>>, vector<16xf32>,
          tpu.vector_store %arg12[%swap3A_552, %swap3A_553], %mul3A_551 {strides = array<i32>} : memref<128x128xf32, #tpu.memory_space<vmem>>, vector<16xf32>,
          %get3A_555 = arith.index_cast %add3A_547 : i32 to index
          %get3A_556 = arith.constant 16 : index
          %get3A_557 = tpu.vector_load %arg12[%get3A_555, %get3A_556] {strides = array<i32>} : memref<128x128xf32, #tpu.memory_space<vmem>>, vector<16xf32>,
          %mul3A_558 = arith.mulf %get3A_557, %gather3A_545 : vector<16xf32>
          %swap3A_559 = arith.index_cast %add3A_547 : i32 to index
          %swap3A_560 = arith.constant 16 : index
          %swap3A_561 = tpu.vector_load %arg12[%swap3A_559, %swap3A_560] {strides = array<i32>} : memref<128x128xf32, #tpu.memory_space<vmem>>, vector<16xf32>,
          tpu.vector_store %arg12[%swap3A_559, %swap3A_560], %mul3A_558 {strides = array<i32>} : memref<128x128xf32, #tpu.memory_space<vmem>>, vector<16xf32>,
          %get3A_562 = arith.index_cast %add3A_547 : i32 to index
          %get3A_563 = arith.constant 32 : index
          %get3A_564 = tpu.vector_load %arg12[%get3A_562, %get3A_563] {strides = array<i32>} : memref<128x128xf32, #tpu.memory_space<vmem>>, vector<16xf32>,
          %mul3A_565 = arith.mulf %get3A_564, %gather3A_545 : vector<16xf32>
          %swap3A_566 = arith.index_cast %add3A_547 : i32 to index
          %swap3A_567 = arith.constant 32 : index
          %swap3A_568 = tpu.vector_load %arg12[%swap3A_566, %swap3A_567] {strides = array<i32>} : memref<128x128xf32, #tpu.memory_space<vmem>>, vector<16xf32>,
          tpu.vector_store %arg12[%swap3A_566, %swap3A_567], %mul3A_565 {strides = array<i32>} : memref<128x128xf32, #tpu.memory_space<vmem>>, vector<16xf32>,
          %get3A_569 = arith.index_cast %add3A_547 : i32 to index
          %get3A_570 = arith.constant 48 : index
          %get3A_571 = tpu.vector_load %arg12[%get3A_569, %get3A_570] {strides = array<i32>} : memref<128x128xf32, #tpu.memory_space<vmem>>, vector<16xf32>,
          %mul3A_572 = arith.mulf %get3A_571, %gather3A_545 : vector<16xf32>
          %swap3A_573 = arith.index_cast %add3A_547 : i32 to index
          %swap3A_574 = arith.constant 48 : index
          %swap3A_575 = tpu.vector_load %arg12[%swap3A_573, %swap3A_574] {strides = array<i32>} : memref<128x128xf32, #tpu.memory_space<vmem>>, vector<16xf32>,
          tpu.vector_store %arg12[%swap3A_573, %swap3A_574], %mul3A_572 {strides = array<i32>} : memref<128x128xf32, #tpu.memory_space<vmem>>, vector<16xf32>,
          %get3A_576 = arith.index_cast %add3A_547 : i32 to index
          %get3A_577 = arith.constant 64 : index
          %get3A_578 = tpu.vector_load %arg12[%get3A_576, %get3A_577] {strides = array<i32>} : memref<128x128xf32, #tpu.memory_space<vmem>>, vector<16xf32>,
          %mul3A_579 = arith.mulf %get3A_578, %gather3A_545 : vector<16xf32>
          %swap3A_580 = arith.index_cast %add3A_547 : i32 to index
          %swap3A_581 = arith.constant 64 : index
          %swap3A_582 = tpu.vector_load %arg12[%swap3A_580, %swap3A_581] {strides = array<i32>} : memref<128x128xf32, #tpu.memory_space<vmem>>, vector<16xf32>,
          tpu.vector_store %arg12[%swap3A_580, %swap3A_581], %mul3A_579 {strides = array<i32>} : memref<128x128xf32, #tpu.memory_space<vmem>>, vector<16xf32>,
          %get3A_583 = arith.index_cast %add3A_547 : i32 to index
          %get3A_584 = arith.constant 80 : index
          %get3A_585 = tpu.vector_load %arg12[%get3A_583, %get3A_584] {strides = array<i32>} : memref<128x128xf32, #tpu.memory_space<vmem>>, vector<16xf32>,
          %mul3A_586 = arith.mulf %get3A_585, %gather3A_545 : vector<16xf32>
          %swap3A_587 = arith.index_cast %add3A_547 : i32 to index
          %swap3A_588 = arith.constant 80 : index
          %swap3A_589 = tpu.vector_load %arg12[%swap3A_587, %swap3A_588] {strides = array<i32>} : memref<128x128xf32, #tpu.memory_space<vmem>>, vector<16xf32>,
          tpu.vector_store %arg12[%swap3A_587, %swap3A_588], %mul3A_586 {strides = array<i32>} : memref<128x128xf32, #tpu.memory_space<vmem>>, vector<16xf32>,
          %get3A_590 = arith.index_cast %add3A_547 : i32 to index
          %get3A_591 = arith.constant 96 : index
          %get3A_592 = tpu.vector_load %arg12[%get3A_590, %get3A_591] {strides = array<i32>} : memref<128x128xf32, #tpu.memory_space<vmem>>, vector<16xf32>,
          %mul3A_593 = arith.mulf %get3A_592, %gather3A_545 : vector<16xf32>
          %swap3A_594 = arith.index_cast %add3A_547 : i32 to index
          %swap3A_595 = arith.constant 96 : index
          %swap3A_596 = tpu.vector_load %arg12[%swap3A_594, %swap3A_595] {strides = array<i32>} : memref<128x128xf32, #tpu.memory_space<vmem>>, vector<16xf32>,
          tpu.vector_store %arg12[%swap3A_594, %swap3A_595], %mul3A_593 {strides = array<i32>} : memref<128x128xf32, #tpu.memory_space<vmem>>, vector<16xf32>,
          %get3A_597 = arith.index_cast %add3A_547 : i32 to index
          %get3A_598 = arith.constant 112 : index
          %get3A_599 = tpu.vector_load %arg12[%get3A_597, %get3A_598] {strides = array<i32>} : memref<128x128xf32, #tpu.memory_space<vmem>>, vector<16xf32>,
          %mul3A_600 = arith.mulf %get3A_599, %gather3A_545 : vector<16xf32>
          %swap3A_601 = arith.index_cast %add3A_547 : i32 to index
          %swap3A_602 = arith.constant 112 : index
          %swap3A_603 = tpu.vector_load %arg12[%swap3A_601, %swap3A_602] {strides = array<i32>} : memref<128x128xf32, #tpu.memory_space<vmem>>, vector<16xf32>,
          tpu.vector_store %arg12[%swap3A_601, %swap3A_602], %mul3A_600 {strides = array<i32>} : memref<128x128xf32, #tpu.memory_space<vmem>>, vector<16xf32>,
          %lt3A_604 = arith.constant 0 : i32
          %lt3A_605 = vector.broadcast %lt3A_604 : i32 to vector<16xi32>
          %lt3A_606 = arith.cmpi slt, %broadcast_in_dim3A_34, %lt3A_605 : vector<16xi32>
          %add3A_607 = arith.constant 16 : i32
          %add3A_608 = vector.broadcast %add3A_607 : i32 to vector<16xi32>
          %add3A_609 = arith.addi %broadcast_in_dim3A_34, %add3A_608 : vector<16xi32>
          %select_n3A_610 = arith.select %lt3A_606, %add3A_609, %broadcast_in_dim3A_34 : vector<16xi1>, vector<16xi32>
          %broadcast_in_dim3A_611 = vector.shape_cast %select_n3A_610 : vector<16xi32> to vector<16x1xi32>
          %gather3A_612 = vector.shape_cast %broadcast_in_dim3A_611 : vector<16x1xi32> to vector<16xi32>
          %gather3A_613 = tpu.dynamic_gather %get3A_191[%gather3A_612] in [0] : vector<16xf32>, vector<16xi32> -> vector<16xf32>
          %add3A_614 = arith.constant 6 : i32
          %add3A_615 = arith.addi %mul3A_189, %add3A_614 : i32
          %get3A_616 = arith.index_cast %add3A_615 : i32 to index
          %get3A_617 = arith.constant 0 : index
          %get3A_618 = tpu.vector_load %arg12[%get3A_616, %get3A_617] {strides = array<i32>} : memref<128x128xf32, #tpu.memory_space<vmem>>, vector<16xf32>,
          %mul3A_619 = arith.mulf %get3A_618, %gather3A_613 : vector<16xf32>
          %swap3A_620 = arith.index_cast %add3A_615 : i32 to index
          %swap3A_621 = arith.constant 0 : index
          %swap3A_622 = tpu.vector_load %arg12[%swap3A_620, %swap3A_621] {strides = array<i32>} : memref<128x128xf32, #tpu.memory_space<vmem>>, vector<16xf32>,
          tpu.vector_store %arg12[%swap3A_620, %swap3A_621], %mul3A_619 {strides = array<i32>} : memref<128x128xf32, #tpu.memory_space<vmem>>, vector<16xf32>,
          %get3A_623 = arith.index_cast %add3A_615 : i32 to index
          %get3A_624 = arith.constant 16 : index
          %get3A_625 = tpu.vector_load %arg12[%get3A_623, %get3A_624] {strides = array<i32>} : memref<128x128xf32, #tpu.memory_space<vmem>>, vector<16xf32>,
          %mul3A_626 = arith.mulf %get3A_625, %gather3A_613 : vector<16xf32>
          %swap3A_627 = arith.index_cast %add3A_615 : i32 to index
          %swap3A_628 = arith.constant 16 : index
          %swap3A_629 = tpu.vector_load %arg12[%swap3A_627, %swap3A_628] {strides = array<i32>} : memref<128x128xf32, #tpu.memory_space<vmem>>, vector<16xf32>,
          tpu.vector_store %arg12[%swap3A_627, %swap3A_628], %mul3A_626 {strides = array<i32>} : memref<128x128xf32, #tpu.memory_space<vmem>>, vector<16xf32>,
          %get3A_630 = arith.index_cast %add3A_615 : i32 to index
          %get3A_631 = arith.constant 32 : index
          %get3A_632 = tpu.vector_load %arg12[%get3A_630, %get3A_631] {strides = array<i32>} : memref<128x128xf32, #tpu.memory_space<vmem>>, vector<16xf32>,
          %mul3A_633 = arith.mulf %get3A_632, %gather3A_613 : vector<16xf32>
          %swap3A_634 = arith.index_cast %add3A_615 : i32 to index
          %swap3A_635 = arith.constant 32 : index
          %swap3A_636 = tpu.vector_load %arg12[%swap3A_634, %swap3A_635] {strides = array<i32>} : memref<128x128xf32, #tpu.memory_space<vmem>>, vector<16xf32>,
          tpu.vector_store %arg12[%swap3A_634, %swap3A_635], %mul3A_633 {strides = array<i32>} : memref<128x128xf32, #tpu.memory_space<vmem>>, vector<16xf32>,
          %get3A_637 = arith.index_cast %add3A_615 : i32 to index
          %get3A_638 = arith.constant 48 : index
          %get3A_639 = tpu.vector_load %arg12[%get3A_637, %get3A_638] {strides = array<i32>} : memref<128x128xf32, #tpu.memory_space<vmem>>, vector<16xf32>,
          %mul3A_640 = arith.mulf %get3A_639, %gather3A_613 : vector<16xf32>
          %swap3A_641 = arith.index_cast %add3A_615 : i32 to index
          %swap3A_642 = arith.constant 48 : index
          %swap3A_643 = tpu.vector_load %arg12[%swap3A_641, %swap3A_642] {strides = array<i32>} : memref<128x128xf32, #tpu.memory_space<vmem>>, vector<16xf32>,
          tpu.vector_store %arg12[%swap3A_641, %swap3A_642], %mul3A_640 {strides = array<i32>} : memref<128x128xf32, #tpu.memory_space<vmem>>, vector<16xf32>,
          %get3A_644 = arith.index_cast %add3A_615 : i32 to index
          %get3A_645 = arith.constant 64 : index
          %get3A_646 = tpu.vector_load %arg12[%get3A_644, %get3A_645] {strides = array<i32>} : memref<128x128xf32, #tpu.memory_space<vmem>>, vector<16xf32>,
          %mul3A_647 = arith.mulf %get3A_646, %gather3A_613 : vector<16xf32>
          %swap3A_648 = arith.index_cast %add3A_615 : i32 to index
          %swap3A_649 = arith.constant 64 : index
          %swap3A_650 = tpu.vector_load %arg12[%swap3A_648, %swap3A_649] {strides = array<i32>} : memref<128x128xf32, #tpu.memory_space<vmem>>, vector<16xf32>,
          tpu.vector_store %arg12[%swap3A_648, %swap3A_649], %mul3A_647 {strides = array<i32>} : memref<128x128xf32, #tpu.memory_space<vmem>>, vector<16xf32>,
          %get3A_651 = arith.index_cast %add3A_615 : i32 to index
          %get3A_652 = arith.constant 80 : index
          %get3A_653 = tpu.vector_load %arg12[%get3A_651, %get3A_652] {strides = array<i32>} : memref<128x128xf32, #tpu.memory_space<vmem>>, vector<16xf32>,
          %mul3A_654 = arith.mulf %get3A_653, %gather3A_613 : vector<16xf32>
          %swap3A_655 = arith.index_cast %add3A_615 : i32 to index
          %swap3A_656 = arith.constant 80 : index
          %swap3A_657 = tpu.vector_load %arg12[%swap3A_655, %swap3A_656] {strides = array<i32>} : memref<128x128xf32, #tpu.memory_space<vmem>>, vector<16xf32>,
          tpu.vector_store %arg12[%swap3A_655, %swap3A_656], %mul3A_654 {strides = array<i32>} : memref<128x128xf32, #tpu.memory_space<vmem>>, vector<16xf32>,
          %get3A_658 = arith.index_cast %add3A_615 : i32 to index
          %get3A_659 = arith.constant 96 : index
          %get3A_660 = tpu.vector_load %arg12[%get3A_658, %get3A_659] {strides = array<i32>} : memref<128x128xf32, #tpu.memory_space<vmem>>, vector<16xf32>,
          %mul3A_661 = arith.mulf %get3A_660, %gather3A_613 : vector<16xf32>
          %swap3A_662 = arith.index_cast %add3A_615 : i32 to index
          %swap3A_663 = arith.constant 96 : index
          %swap3A_664 = tpu.vector_load %arg12[%swap3A_662, %swap3A_663] {strides = array<i32>} : memref<128x128xf32, #tpu.memory_space<vmem>>, vector<16xf32>,
          tpu.vector_store %arg12[%swap3A_662, %swap3A_663], %mul3A_661 {strides = array<i32>} : memref<128x128xf32, #tpu.memory_space<vmem>>, vector<16xf32>,
          %get3A_665 = arith.index_cast %add3A_615 : i32 to index
          %get3A_666 = arith.constant 112 : index
          %get3A_667 = tpu.vector_load %arg12[%get3A_665, %get3A_666] {strides = array<i32>} : memref<128x128xf32, #tpu.memory_space<vmem>>, vector<16xf32>,
          %mul3A_668 = arith.mulf %get3A_667, %gather3A_613 : vector<16xf32>
          %swap3A_669 = arith.index_cast %add3A_615 : i32 to index
          %swap3A_670 = arith.constant 112 : index
          %swap3A_671 = tpu.vector_load %arg12[%swap3A_669, %swap3A_670] {strides = array<i32>} : memref<128x128xf32, #tpu.memory_space<vmem>>, vector<16xf32>,
          tpu.vector_store %arg12[%swap3A_669, %swap3A_670], %mul3A_668 {strides = array<i32>} : memref<128x128xf32, #tpu.memory_space<vmem>>, vector<16xf32>,
          %lt3A_672 = arith.constant 0 : i32
          %lt3A_673 = vector.broadcast %lt3A_672 : i32 to vector<16xi32>
          %lt3A_674 = arith.cmpi slt, %broadcast_in_dim3A_36, %lt3A_673 : vector<16xi32>
          %add3A_675 = arith.constant 16 : i32
          %add3A_676 = vector.broadcast %add3A_675 : i32 to vector<16xi32>
          %add3A_677 = arith.addi %broadcast_in_dim3A_36, %add3A_676 : vector<16xi32>
          %select_n3A_678 = arith.select %lt3A_674, %add3A_677, %broadcast_in_dim3A_36 : vector<16xi1>, vector<16xi32>
          %broadcast_in_dim3A_679 = vector.shape_cast %select_n3A_678 : vector<16xi32> to vector<16x1xi32>
          %gather3A_680 = vector.shape_cast %broadcast_in_dim3A_679 : vector<16x1xi32> to vector<16xi32>
          %gather3A_681 = tpu.dynamic_gather %get3A_191[%gather3A_680] in [0] : vector<16xf32>, vector<16xi32> -> vector<16xf32>
          %add3A_682 = arith.constant 7 : i32
          %add3A_683 = arith.addi %mul3A_189, %add3A_682 : i32
          %get3A_684 = arith.index_cast %add3A_683 : i32 to index
          %get3A_685 = arith.constant 0 : index
          %get3A_686 = tpu.vector_load %arg12[%get3A_684, %get3A_685] {strides = array<i32>} : memref<128x128xf32, #tpu.memory_space<vmem>>, vector<16xf32>,
          %mul3A_687 = arith.mulf %get3A_686, %gather3A_681 : vector<16xf32>
          %swap3A_688 = arith.index_cast %add3A_683 : i32 to index
          %swap3A_689 = arith.constant 0 : index
          %swap3A_690 = tpu.vector_load %arg12[%swap3A_688, %swap3A_689] {strides = array<i32>} : memref<128x128xf32, #tpu.memory_space<vmem>>, vector<16xf32>,
          tpu.vector_store %arg12[%swap3A_688, %swap3A_689], %mul3A_687 {strides = array<i32>} : memref<128x128xf32, #tpu.memory_space<vmem>>, vector<16xf32>,
          %get3A_691 = arith.index_cast %add3A_683 : i32 to index
          %get3A_692 = arith.constant 16 : index
          %get3A_693 = tpu.vector_load %arg12[%get3A_691, %get3A_692] {strides = array<i32>} : memref<128x128xf32, #tpu.memory_space<vmem>>, vector<16xf32>,
          %mul3A_694 = arith.mulf %get3A_693, %gather3A_681 : vector<16xf32>
          %swap3A_695 = arith.index_cast %add3A_683 : i32 to index
          %swap3A_696 = arith.constant 16 : index
          %swap3A_697 = tpu.vector_load %arg12[%swap3A_695, %swap3A_696] {strides = array<i32>} : memref<128x128xf32, #tpu.memory_space<vmem>>, vector<16xf32>,
          tpu.vector_store %arg12[%swap3A_695, %swap3A_696], %mul3A_694 {strides = array<i32>} : memref<128x128xf32, #tpu.memory_space<vmem>>, vector<16xf32>,
          %get3A_698 = arith.index_cast %add3A_683 : i32 to index
          %get3A_699 = arith.constant 32 : index
          %get3A_700 = tpu.vector_load %arg12[%get3A_698, %get3A_699] {strides = array<i32>} : memref<128x128xf32, #tpu.memory_space<vmem>>, vector<16xf32>,
          %mul3A_701 = arith.mulf %get3A_700, %gather3A_681 : vector<16xf32>
          %swap3A_702 = arith.index_cast %add3A_683 : i32 to index
          %swap3A_703 = arith.constant 32 : index
          %swap3A_704 = tpu.vector_load %arg12[%swap3A_702, %swap3A_703] {strides = array<i32>} : memref<128x128xf32, #tpu.memory_space<vmem>>, vector<16xf32>,
          tpu.vector_store %arg12[%swap3A_702, %swap3A_703], %mul3A_701 {strides = array<i32>} : memref<128x128xf32, #tpu.memory_space<vmem>>, vector<16xf32>,
          %get3A_705 = arith.index_cast %add3A_683 : i32 to index
          %get3A_706 = arith.constant 48 : index
          %get3A_707 = tpu.vector_load %arg12[%get3A_705, %get3A_706] {strides = array<i32>} : memref<128x128xf32, #tpu.memory_space<vmem>>, vector<16xf32>,
          %mul3A_708 = arith.mulf %get3A_707, %gather3A_681 : vector<16xf32>
          %swap3A_709 = arith.index_cast %add3A_683 : i32 to index
          %swap3A_710 = arith.constant 48 : index
          %swap3A_711 = tpu.vector_load %arg12[%swap3A_709, %swap3A_710] {strides = array<i32>} : memref<128x128xf32, #tpu.memory_space<vmem>>, vector<16xf32>,
          tpu.vector_store %arg12[%swap3A_709, %swap3A_710], %mul3A_708 {strides = array<i32>} : memref<128x128xf32, #tpu.memory_space<vmem>>, vector<16xf32>,
          %get3A_712 = arith.index_cast %add3A_683 : i32 to index
          %get3A_713 = arith.constant 64 : index
          %get3A_714 = tpu.vector_load %arg12[%get3A_712, %get3A_713] {strides = array<i32>} : memref<128x128xf32, #tpu.memory_space<vmem>>, vector<16xf32>,
          %mul3A_715 = arith.mulf %get3A_714, %gather3A_681 : vector<16xf32>
          %swap3A_716 = arith.index_cast %add3A_683 : i32 to index
          %swap3A_717 = arith.constant 64 : index
          %swap3A_718 = tpu.vector_load %arg12[%swap3A_716, %swap3A_717] {strides = array<i32>} : memref<128x128xf32, #tpu.memory_space<vmem>>, vector<16xf32>,
          tpu.vector_store %arg12[%swap3A_716, %swap3A_717], %mul3A_715 {strides = array<i32>} : memref<128x128xf32, #tpu.memory_space<vmem>>, vector<16xf32>,
          %get3A_719 = arith.index_cast %add3A_683 : i32 to index
          %get3A_720 = arith.constant 80 : index
          %get3A_721 = tpu.vector_load %arg12[%get3A_719, %get3A_720] {strides = array<i32>} : memref<128x128xf32, #tpu.memory_space<vmem>>, vector<16xf32>,
          %mul3A_722 = arith.mulf %get3A_721, %gather3A_681 : vector<16xf32>
          %swap3A_723 = arith.index_cast %add3A_683 : i32 to index
          %swap3A_724 = arith.constant 80 : index
          %swap3A_725 = tpu.vector_load %arg12[%swap3A_723, %swap3A_724] {strides = array<i32>} : memref<128x128xf32, #tpu.memory_space<vmem>>, vector<16xf32>,
          tpu.vector_store %arg12[%swap3A_723, %swap3A_724], %mul3A_722 {strides = array<i32>} : memref<128x128xf32, #tpu.memory_space<vmem>>, vector<16xf32>,
          %get3A_726 = arith.index_cast %add3A_683 : i32 to index
          %get3A_727 = arith.constant 96 : index
          %get3A_728 = tpu.vector_load %arg12[%get3A_726, %get3A_727] {strides = array<i32>} : memref<128x128xf32, #tpu.memory_space<vmem>>, vector<16xf32>,
          %mul3A_729 = arith.mulf %get3A_728, %gather3A_681 : vector<16xf32>
          %swap3A_730 = arith.index_cast %add3A_683 : i32 to index
          %swap3A_731 = arith.constant 96 : index
          %swap3A_732 = tpu.vector_load %arg12[%swap3A_730, %swap3A_731] {strides = array<i32>} : memref<128x128xf32, #tpu.memory_space<vmem>>, vector<16xf32>,
          tpu.vector_store %arg12[%swap3A_730, %swap3A_731], %mul3A_729 {strides = array<i32>} : memref<128x128xf32, #tpu.memory_space<vmem>>, vector<16xf32>,
          %get3A_733 = arith.index_cast %add3A_683 : i32 to index
          %get3A_734 = arith.constant 112 : index
          %get3A_735 = tpu.vector_load %arg12[%get3A_733, %get3A_734] {strides = array<i32>} : memref<128x128xf32, #tpu.memory_space<vmem>>, vector<16xf32>,
          %mul3A_736 = arith.mulf %get3A_735, %gather3A_681 : vector<16xf32>
          %swap3A_737 = arith.index_cast %add3A_683 : i32 to index
          %swap3A_738 = arith.constant 112 : index
          %swap3A_739 = tpu.vector_load %arg12[%swap3A_737, %swap3A_738] {strides = array<i32>} : memref<128x128xf32, #tpu.memory_space<vmem>>, vector<16xf32>,
          tpu.vector_store %arg12[%swap3A_737, %swap3A_738], %mul3A_736 {strides = array<i32>} : memref<128x128xf32, #tpu.memory_space<vmem>>, vector<16xf32>,
          %lt3A_740 = arith.constant 0 : i32
          %lt3A_741 = vector.broadcast %lt3A_740 : i32 to vector<16xi32>
          %lt3A_742 = arith.cmpi slt, %broadcast_in_dim3A_38, %lt3A_741 : vector<16xi32>
          %add3A_743 = arith.constant 16 : i32
          %add3A_744 = vector.broadcast %add3A_743 : i32 to vector<16xi32>
          %add3A_745 = arith.addi %broadcast_in_dim3A_38, %add3A_744 : vector<16xi32>
          %select_n3A_746 = arith.select %lt3A_742, %add3A_745, %broadcast_in_dim3A_38 : vector<16xi1>, vector<16xi32>
          %broadcast_in_dim3A_747 = vector.shape_cast %select_n3A_746 : vector<16xi32> to vector<16x1xi32>
          %gather3A_748 = vector.shape_cast %broadcast_in_dim3A_747 : vector<16x1xi32> to vector<16xi32>
          %gather3A_749 = tpu.dynamic_gather %get3A_191[%gather3A_748] in [0] : vector<16xf32>, vector<16xi32> -> vector<16xf32>
          %add3A_750 = arith.constant 8 : i32
          %add3A_751 = arith.addi %mul3A_189, %add3A_750 : i32
          %get3A_752 = arith.index_cast %add3A_751 : i32 to index
          %get3A_753 = arith.constant 0 : index
          %get3A_754 = tpu.vector_load %arg12[%get3A_752, %get3A_753] {strides = array<i32>} : memref<128x128xf32, #tpu.memory_space<vmem>>, vector<16xf32>,
          %mul3A_755 = arith.mulf %get3A_754, %gather3A_749 : vector<16xf32>
          %swap3A_756 = arith.index_cast %add3A_751 : i32 to index
          %swap3A_757 = arith.constant 0 : index
          %swap3A_758 = tpu.vector_load %arg12[%swap3A_756, %swap3A_757] {strides = array<i32>} : memref<128x128xf32, #tpu.memory_space<vmem>>, vector<16xf32>,
          tpu.vector_store %arg12[%swap3A_756, %swap3A_757], %mul3A_755 {strides = array<i32>} : memref<128x128xf32, #tpu.memory_space<vmem>>, vector<16xf32>,
          %get3A_759 = arith.index_cast %add3A_751 : i32 to index
          %get3A_760 = arith.constant 16 : index
          %get3A_761 = tpu.vector_load %arg12[%get3A_759, %get3A_760] {strides = array<i32>} : memref<128x128xf32, #tpu.memory_space<vmem>>, vector<16xf32>,
          %mul3A_762 = arith.mulf %get3A_761, %gather3A_749 : vector<16xf32>
          %swap3A_763 = arith.index_cast %add3A_751 : i32 to index
          %swap3A_764 = arith.constant 16 : index
          %swap3A_765 = tpu.vector_load %arg12[%swap3A_763, %swap3A_764] {strides = array<i32>} : memref<128x128xf32, #tpu.memory_space<vmem>>, vector<16xf32>,
          tpu.vector_store %arg12[%swap3A_763, %swap3A_764], %mul3A_762 {strides = array<i32>} : memref<128x128xf32, #tpu.memory_space<vmem>>, vector<16xf32>,
          %get3A_766 = arith.index_cast %add3A_751 : i32 to index
          %get3A_767 = arith.constant 32 : index
          %get3A_768 = tpu.vector_load %arg12[%get3A_766, %get3A_767] {strides = array<i32>} : memref<128x128xf32, #tpu.memory_space<vmem>>, vector<16xf32>,
          %mul3A_769 = arith.mulf %get3A_768, %gather3A_749 : vector<16xf32>
          %swap3A_770 = arith.index_cast %add3A_751 : i32 to index
          %swap3A_771 = arith.constant 32 : index
          %swap3A_772 = tpu.vector_load %arg12[%swap3A_770, %swap3A_771] {strides = array<i32>} : memref<128x128xf32, #tpu.memory_space<vmem>>, vector<16xf32>,
          tpu.vector_store %arg12[%swap3A_770, %swap3A_771], %mul3A_769 {strides = array<i32>} : memref<128x128xf32, #tpu.memory_space<vmem>>, vector<16xf32>,
          %get3A_773 = arith.index_cast %add3A_751 : i32 to index
          %get3A_774 = arith.constant 48 : index
          %get3A_775 = tpu.vector_load %arg12[%get3A_773, %get3A_774] {strides = array<i32>} : memref<128x128xf32, #tpu.memory_space<vmem>>, vector<16xf32>,
          %mul3A_776 = arith.mulf %get3A_775, %gather3A_749 : vector<16xf32>
          %swap3A_777 = arith.index_cast %add3A_751 : i32 to index
          %swap3A_778 = arith.constant 48 : index
          %swap3A_779 = tpu.vector_load %arg12[%swap3A_777, %swap3A_778] {strides = array<i32>} : memref<128x128xf32, #tpu.memory_space<vmem>>, vector<16xf32>,
          tpu.vector_store %arg12[%swap3A_777, %swap3A_778], %mul3A_776 {strides = array<i32>} : memref<128x128xf32, #tpu.memory_space<vmem>>, vector<16xf32>,
          %get3A_780 = arith.index_cast %add3A_751 : i32 to index
          %get3A_781 = arith.constant 64 : index
          %get3A_782 = tpu.vector_load %arg12[%get3A_780, %get3A_781] {strides = array<i32>} : memref<128x128xf32, #tpu.memory_space<vmem>>, vector<16xf32>,
          %mul3A_783 = arith.mulf %get3A_782, %gather3A_749 : vector<16xf32>
          %swap3A_784 = arith.index_cast %add3A_751 : i32 to index
          %swap3A_785 = arith.constant 64 : index
          %swap3A_786 = tpu.vector_load %arg12[%swap3A_784, %swap3A_785] {strides = array<i32>} : memref<128x128xf32, #tpu.memory_space<vmem>>, vector<16xf32>,
          tpu.vector_store %arg12[%swap3A_784, %swap3A_785], %mul3A_783 {strides = array<i32>} : memref<128x128xf32, #tpu.memory_space<vmem>>, vector<16xf32>,
          %get3A_787 = arith.index_cast %add3A_751 : i32 to index
          %get3A_788 = arith.constant 80 : index
          %get3A_789 = tpu.vector_load %arg12[%get3A_787, %get3A_788] {strides = array<i32>} : memref<128x128xf32, #tpu.memory_space<vmem>>, vector<16xf32>,
          %mul3A_790 = arith.mulf %get3A_789, %gather3A_749 : vector<16xf32>
          %swap3A_791 = arith.index_cast %add3A_751 : i32 to index
          %swap3A_792 = arith.constant 80 : index
          %swap3A_793 = tpu.vector_load %arg12[%swap3A_791, %swap3A_792] {strides = array<i32>} : memref<128x128xf32, #tpu.memory_space<vmem>>, vector<16xf32>,
          tpu.vector_store %arg12[%swap3A_791, %swap3A_792], %mul3A_790 {strides = array<i32>} : memref<128x128xf32, #tpu.memory_space<vmem>>, vector<16xf32>,
          %get3A_794 = arith.index_cast %add3A_751 : i32 to index
          %get3A_795 = arith.constant 96 : index
          %get3A_796 = tpu.vector_load %arg12[%get3A_794, %get3A_795] {strides = array<i32>} : memref<128x128xf32, #tpu.memory_space<vmem>>, vector<16xf32>,
          %mul3A_797 = arith.mulf %get3A_796, %gather3A_749 : vector<16xf32>
          %swap3A_798 = arith.index_cast %add3A_751 : i32 to index
          %swap3A_799 = arith.constant 96 : index
          %swap3A_800 = tpu.vector_load %arg12[%swap3A_798, %swap3A_799] {strides = array<i32>} : memref<128x128xf32, #tpu.memory_space<vmem>>, vector<16xf32>,
          tpu.vector_store %arg12[%swap3A_798, %swap3A_799], %mul3A_797 {strides = array<i32>} : memref<128x128xf32, #tpu.memory_space<vmem>>, vector<16xf32>,
          %get3A_801 = arith.index_cast %add3A_751 : i32 to index
          %get3A_802 = arith.constant 112 : index
          %get3A_803 = tpu.vector_load %arg12[%get3A_801, %get3A_802] {strides = array<i32>} : memref<128x128xf32, #tpu.memory_space<vmem>>, vector<16xf32>,
          %mul3A_804 = arith.mulf %get3A_803, %gather3A_749 : vector<16xf32>
          %swap3A_805 = arith.index_cast %add3A_751 : i32 to index
          %swap3A_806 = arith.constant 112 : index
          %swap3A_807 = tpu.vector_load %arg12[%swap3A_805, %swap3A_806] {strides = array<i32>} : memref<128x128xf32, #tpu.memory_space<vmem>>, vector<16xf32>,
          tpu.vector_store %arg12[%swap3A_805, %swap3A_806], %mul3A_804 {strides = array<i32>} : memref<128x128xf32, #tpu.memory_space<vmem>>, vector<16xf32>,
          %lt3A_808 = arith.constant 0 : i32
          %lt3A_809 = vector.broadcast %lt3A_808 : i32 to vector<16xi32>
          %lt3A_810 = arith.cmpi slt, %broadcast_in_dim3A_40, %lt3A_809 : vector<16xi32>
          %add3A_811 = arith.constant 16 : i32
          %add3A_812 = vector.broadcast %add3A_811 : i32 to vector<16xi32>
          %add3A_813 = arith.addi %broadcast_in_dim3A_40, %add3A_812 : vector<16xi32>
          %select_n3A_814 = arith.select %lt3A_810, %add3A_813, %broadcast_in_dim3A_40 : vector<16xi1>, vector<16xi32>
          %broadcast_in_dim3A_815 = vector.shape_cast %select_n3A_814 : vector<16xi32> to vector<16x1xi32>
          %gather3A_816 = vector.shape_cast %broadcast_in_dim3A_815 : vector<16x1xi32> to vector<16xi32>
          %gather3A_817 = tpu.dynamic_gather %get3A_191[%gather3A_816] in [0] : vector<16xf32>, vector<16xi32> -> vector<16xf32>
          %add3A_818 = arith.constant 9 : i32
          %add3A_819 = arith.addi %mul3A_189, %add3A_818 : i32
          %get3A_820 = arith.index_cast %add3A_819 : i32 to index
          %get3A_821 = arith.constant 0 : index
          %get3A_822 = tpu.vector_load %arg12[%get3A_820, %get3A_821] {strides = array<i32>} : memref<128x128xf32, #tpu.memory_space<vmem>>, vector<16xf32>,
          %mul3A_823 = arith.mulf %get3A_822, %gather3A_817 : vector<16xf32>
          %swap3A_824 = arith.index_cast %add3A_819 : i32 to index
          %swap3A_825 = arith.constant 0 : index
          %swap3A_826 = tpu.vector_load %arg12[%swap3A_824, %swap3A_825] {strides = array<i32>} : memref<128x128xf32, #tpu.memory_space<vmem>>, vector<16xf32>,
          tpu.vector_store %arg12[%swap3A_824, %swap3A_825], %mul3A_823 {strides = array<i32>} : memref<128x128xf32, #tpu.memory_space<vmem>>, vector<16xf32>,
          %get3A_827 = arith.index_cast %add3A_819 : i32 to index
          %get3A_828 = arith.constant 16 : index
          %get3A_829 = tpu.vector_load %arg12[%get3A_827, %get3A_828] {strides = array<i32>} : memref<128x128xf32, #tpu.memory_space<vmem>>, vector<16xf32>,
          %mul3A_830 = arith.mulf %get3A_829, %gather3A_817 : vector<16xf32>
          %swap3A_831 = arith.index_cast %add3A_819 : i32 to index
          %swap3A_832 = arith.constant 16 : index
          %swap3A_833 = tpu.vector_load %arg12[%swap3A_831, %swap3A_832] {strides = array<i32>} : memref<128x128xf32, #tpu.memory_space<vmem>>, vector<16xf32>,
          tpu.vector_store %arg12[%swap3A_831, %swap3A_832], %mul3A_830 {strides = array<i32>} : memref<128x128xf32, #tpu.memory_space<vmem>>, vector<16xf32>,
          %get3A_834 = arith.index_cast %add3A_819 : i32 to index
          %get3A_835 = arith.constant 32 : index
          %get3A_836 = tpu.vector_load %arg12[%get3A_834, %get3A_835] {strides = array<i32>} : memref<128x128xf32, #tpu.memory_space<vmem>>, vector<16xf32>,
          %mul3A_837 = arith.mulf %get3A_836, %gather3A_817 : vector<16xf32>
          %swap3A_838 = arith.index_cast %add3A_819 : i32 to index
          %swap3A_839 = arith.constant 32 : index
          %swap3A_840 = tpu.vector_load %arg12[%swap3A_838, %swap3A_839] {strides = array<i32>} : memref<128x128xf32, #tpu.memory_space<vmem>>, vector<16xf32>,
          tpu.vector_store %arg12[%swap3A_838, %swap3A_839], %mul3A_837 {strides = array<i32>} : memref<128x128xf32, #tpu.memory_space<vmem>>, vector<16xf32>,
          %get3A_841 = arith.index_cast %add3A_819 : i32 to index
          %get3A_842 = arith.constant 48 : index
          %get3A_843 = tpu.vector_load %arg12[%get3A_841, %get3A_842] {strides = array<i32>} : memref<128x128xf32, #tpu.memory_space<vmem>>, vector<16xf32>,
          %mul3A_844 = arith.mulf %get3A_843, %gather3A_817 : vector<16xf32>
          %swap3A_845 = arith.index_cast %add3A_819 : i32 to index
          %swap3A_846 = arith.constant 48 : index
          %swap3A_847 = tpu.vector_load %arg12[%swap3A_845, %swap3A_846] {strides = array<i32>} : memref<128x128xf32, #tpu.memory_space<vmem>>, vector<16xf32>,
          tpu.vector_store %arg12[%swap3A_845, %swap3A_846], %mul3A_844 {strides = array<i32>} : memref<128x128xf32, #tpu.memory_space<vmem>>, vector<16xf32>,
          %get3A_848 = arith.index_cast %add3A_819 : i32 to index
          %get3A_849 = arith.constant 64 : index
          %get3A_850 = tpu.vector_load %arg12[%get3A_848, %get3A_849] {strides = array<i32>} : memref<128x128xf32, #tpu.memory_space<vmem>>, vector<16xf32>,
          %mul3A_851 = arith.mulf %get3A_850, %gather3A_817 : vector<16xf32>
          %swap3A_852 = arith.index_cast %add3A_819 : i32 to index
          %swap3A_853 = arith.constant 64 : index
          %swap3A_854 = tpu.vector_load %arg12[%swap3A_852, %swap3A_853] {strides = array<i32>} : memref<128x128xf32, #tpu.memory_space<vmem>>, vector<16xf32>,
          tpu.vector_store %arg12[%swap3A_852, %swap3A_853], %mul3A_851 {strides = array<i32>} : memref<128x128xf32, #tpu.memory_space<vmem>>, vector<16xf32>,
          %get3A_855 = arith.index_cast %add3A_819 : i32 to index
          %get3A_856 = arith.constant 80 : index
          %get3A_857 = tpu.vector_load %arg12[%get3A_855, %get3A_856] {strides = array<i32>} : memref<128x128xf32, #tpu.memory_space<vmem>>, vector<16xf32>,
          %mul3A_858 = arith.mulf %get3A_857, %gather3A_817 : vector<16xf32>
          %swap3A_859 = arith.index_cast %add3A_819 : i32 to index
          %swap3A_860 = arith.constant 80 : index
          %swap3A_861 = tpu.vector_load %arg12[%swap3A_859, %swap3A_860] {strides = array<i32>} : memref<128x128xf32, #tpu.memory_space<vmem>>, vector<16xf32>,
          tpu.vector_store %arg12[%swap3A_859, %swap3A_860], %mul3A_858 {strides = array<i32>} : memref<128x128xf32, #tpu.memory_space<vmem>>, vector<16xf32>,
          %get3A_862 = arith.index_cast %add3A_819 : i32 to index
          %get3A_863 = arith.constant 96 : index
          %get3A_864 = tpu.vector_load %arg12[%get3A_862, %get3A_863] {strides = array<i32>} : memref<128x128xf32, #tpu.memory_space<vmem>>, vector<16xf32>,
          %mul3A_865 = arith.mulf %get3A_864, %gather3A_817 : vector<16xf32>
          %swap3A_866 = arith.index_cast %add3A_819 : i32 to index
          %swap3A_867 = arith.constant 96 : index
          %swap3A_868 = tpu.vector_load %arg12[%swap3A_866, %swap3A_867] {strides = array<i32>} : memref<128x128xf32, #tpu.memory_space<vmem>>, vector<16xf32>,
          tpu.vector_store %arg12[%swap3A_866, %swap3A_867], %mul3A_865 {strides = array<i32>} : memref<128x128xf32, #tpu.memory_space<vmem>>, vector<16xf32>,
          %get3A_869 = arith.index_cast %add3A_819 : i32 to index
          %get3A_870 = arith.constant 112 : index
          %get3A_871 = tpu.vector_load %arg12[%get3A_869, %get3A_870] {strides = array<i32>} : memref<128x128xf32, #tpu.memory_space<vmem>>, vector<16xf32>,
          %mul3A_872 = arith.mulf %get3A_871, %gather3A_817 : vector<16xf32>
          %swap3A_873 = arith.index_cast %add3A_819 : i32 to index
          %swap3A_874 = arith.constant 112 : index
          %swap3A_875 = tpu.vector_load %arg12[%swap3A_873, %swap3A_874] {strides = array<i32>} : memref<128x128xf32, #tpu.memory_space<vmem>>, vector<16xf32>,
          tpu.vector_store %arg12[%swap3A_873, %swap3A_874], %mul3A_872 {strides = array<i32>} : memref<128x128xf32, #tpu.memory_space<vmem>>, vector<16xf32>,
          %lt3A_876 = arith.constant 0 : i32
          %lt3A_877 = vector.broadcast %lt3A_876 : i32 to vector<16xi32>
          %lt3A_878 = arith.cmpi slt, %broadcast_in_dim3A_42, %lt3A_877 : vector<16xi32>
          %add3A_879 = arith.constant 16 : i32
          %add3A_880 = vector.broadcast %add3A_879 : i32 to vector<16xi32>
          %add3A_881 = arith.addi %broadcast_in_dim3A_42, %add3A_880 : vector<16xi32>
          %select_n3A_882 = arith.select %lt3A_878, %add3A_881, %broadcast_in_dim3A_42 : vector<16xi1>, vector<16xi32>
          %broadcast_in_dim3A_883 = vector.shape_cast %select_n3A_882 : vector<16xi32> to vector<16x1xi32>
          %gather3A_884 = vector.shape_cast %broadcast_in_dim3A_883 : vector<16x1xi32> to vector<16xi32>
          %gather3A_885 = tpu.dynamic_gather %get3A_191[%gather3A_884] in [0] : vector<16xf32>, vector<16xi32> -> vector<16xf32>
          %add3A_886 = arith.constant 10 : i32
          %add3A_887 = arith.addi %mul3A_189, %add3A_886 : i32
          %get3A_888 = arith.index_cast %add3A_887 : i32 to index
          %get3A_889 = arith.constant 0 : index
          %get3A_890 = tpu.vector_load %arg12[%get3A_888, %get3A_889] {strides = array<i32>} : memref<128x128xf32, #tpu.memory_space<vmem>>, vector<16xf32>,
          %mul3A_891 = arith.mulf %get3A_890, %gather3A_885 : vector<16xf32>
          %swap3A_892 = arith.index_cast %add3A_887 : i32 to index
          %swap3A_893 = arith.constant 0 : index
          %swap3A_894 = tpu.vector_load %arg12[%swap3A_892, %swap3A_893] {strides = array<i32>} : memref<128x128xf32, #tpu.memory_space<vmem>>, vector<16xf32>,
          tpu.vector_store %arg12[%swap3A_892, %swap3A_893], %mul3A_891 {strides = array<i32>} : memref<128x128xf32, #tpu.memory_space<vmem>>, vector<16xf32>,
          %get3A_895 = arith.index_cast %add3A_887 : i32 to index
          %get3A_896 = arith.constant 16 : index
          %get3A_897 = tpu.vector_load %arg12[%get3A_895, %get3A_896] {strides = array<i32>} : memref<128x128xf32, #tpu.memory_space<vmem>>, vector<16xf32>,
          %mul3A_898 = arith.mulf %get3A_897, %gather3A_885 : vector<16xf32>
          %swap3A_899 = arith.index_cast %add3A_887 : i32 to index
          %swap3A_900 = arith.constant 16 : index
          %swap3A_901 = tpu.vector_load %arg12[%swap3A_899, %swap3A_900] {strides = array<i32>} : memref<128x128xf32, #tpu.memory_space<vmem>>, vector<16xf32>,
          tpu.vector_store %arg12[%swap3A_899, %swap3A_900], %mul3A_898 {strides = array<i32>} : memref<128x128xf32, #tpu.memory_space<vmem>>, vector<16xf32>,
          %get3A_902 = arith.index_cast %add3A_887 : i32 to index
          %get3A_903 = arith.constant 32 : index
          %get3A_904 = tpu.vector_load %arg12[%get3A_902, %get3A_903] {strides = array<i32>} : memref<128x128xf32, #tpu.memory_space<vmem>>, vector<16xf32>,
          %mul3A_905 = arith.mulf %get3A_904, %gather3A_885 : vector<16xf32>
          %swap3A_906 = arith.index_cast %add3A_887 : i32 to index
          %swap3A_907 = arith.constant 32 : index
          %swap3A_908 = tpu.vector_load %arg12[%swap3A_906, %swap3A_907] {strides = array<i32>} : memref<128x128xf32, #tpu.memory_space<vmem>>, vector<16xf32>,
          tpu.vector_store %arg12[%swap3A_906, %swap3A_907], %mul3A_905 {strides = array<i32>} : memref<128x128xf32, #tpu.memory_space<vmem>>, vector<16xf32>,
          %get3A_909 = arith.index_cast %add3A_887 : i32 to index
          %get3A_910 = arith.constant 48 : index
          %get3A_911 = tpu.vector_load %arg12[%get3A_909, %get3A_910] {strides = array<i32>} : memref<128x128xf32, #tpu.memory_space<vmem>>, vector<16xf32>,
          %mul3A_912 = arith.mulf %get3A_911, %gather3A_885 : vector<16xf32>
          %swap3A_913 = arith.index_cast %add3A_887 : i32 to index
          %swap3A_914 = arith.constant 48 : index
          %swap3A_915 = tpu.vector_load %arg12[%swap3A_913, %swap3A_914] {strides = array<i32>} : memref<128x128xf32, #tpu.memory_space<vmem>>, vector<16xf32>,
          tpu.vector_store %arg12[%swap3A_913, %swap3A_914], %mul3A_912 {strides = array<i32>} : memref<128x128xf32, #tpu.memory_space<vmem>>, vector<16xf32>,
          %get3A_916 = arith.index_cast %add3A_887 : i32 to index
          %get3A_917 = arith.constant 64 : index
          %get3A_918 = tpu.vector_load %arg12[%get3A_916, %get3A_917] {strides = array<i32>} : memref<128x128xf32, #tpu.memory_space<vmem>>, vector<16xf32>,
          %mul3A_919 = arith.mulf %get3A_918, %gather3A_885 : vector<16xf32>
          %swap3A_920 = arith.index_cast %add3A_887 : i32 to index
          %swap3A_921 = arith.constant 64 : index
          %swap3A_922 = tpu.vector_load %arg12[%swap3A_920, %swap3A_921] {strides = array<i32>} : memref<128x128xf32, #tpu.memory_space<vmem>>, vector<16xf32>,
          tpu.vector_store %arg12[%swap3A_920, %swap3A_921], %mul3A_919 {strides = array<i32>} : memref<128x128xf32, #tpu.memory_space<vmem>>, vector<16xf32>,
          %get3A_923 = arith.index_cast %add3A_887 : i32 to index
          %get3A_924 = arith.constant 80 : index
          %get3A_925 = tpu.vector_load %arg12[%get3A_923, %get3A_924] {strides = array<i32>} : memref<128x128xf32, #tpu.memory_space<vmem>>, vector<16xf32>,
          %mul3A_926 = arith.mulf %get3A_925, %gather3A_885 : vector<16xf32>
          %swap3A_927 = arith.index_cast %add3A_887 : i32 to index
          %swap3A_928 = arith.constant 80 : index
          %swap3A_929 = tpu.vector_load %arg12[%swap3A_927, %swap3A_928] {strides = array<i32>} : memref<128x128xf32, #tpu.memory_space<vmem>>, vector<16xf32>,
          tpu.vector_store %arg12[%swap3A_927, %swap3A_928], %mul3A_926 {strides = array<i32>} : memref<128x128xf32, #tpu.memory_space<vmem>>, vector<16xf32>,
          %get3A_930 = arith.index_cast %add3A_887 : i32 to index
          %get3A_931 = arith.constant 96 : index
          %get3A_932 = tpu.vector_load %arg12[%get3A_930, %get3A_931] {strides = array<i32>} : memref<128x128xf32, #tpu.memory_space<vmem>>, vector<16xf32>,
          %mul3A_933 = arith.mulf %get3A_932, %gather3A_885 : vector<16xf32>
          %swap3A_934 = arith.index_cast %add3A_887 : i32 to index
          %swap3A_935 = arith.constant 96 : index
          %swap3A_936 = tpu.vector_load %arg12[%swap3A_934, %swap3A_935] {strides = array<i32>} : memref<128x128xf32, #tpu.memory_space<vmem>>, vector<16xf32>,
          tpu.vector_store %arg12[%swap3A_934, %swap3A_935], %mul3A_933 {strides = array<i32>} : memref<128x128xf32, #tpu.memory_space<vmem>>, vector<16xf32>,
          %get3A_937 = arith.index_cast %add3A_887 : i32 to index
          %get3A_938 = arith.constant 112 : index
          %get3A_939 = tpu.vector_load %arg12[%get3A_937, %get3A_938] {strides = array<i32>} : memref<128x128xf32, #tpu.memory_space<vmem>>, vector<16xf32>,
          %mul3A_940 = arith.mulf %get3A_939, %gather3A_885 : vector<16xf32>
          %swap3A_941 = arith.index_cast %add3A_887 : i32 to index
          %swap3A_942 = arith.constant 112 : index
          %swap3A_943 = tpu.vector_load %arg12[%swap3A_941, %swap3A_942] {strides = array<i32>} : memref<128x128xf32, #tpu.memory_space<vmem>>, vector<16xf32>,
          tpu.vector_store %arg12[%swap3A_941, %swap3A_942], %mul3A_940 {strides = array<i32>} : memref<128x128xf32, #tpu.memory_space<vmem>>, vector<16xf32>,
          %lt3A_944 = arith.constant 0 : i32
          %lt3A_945 = vector.broadcast %lt3A_944 : i32 to vector<16xi32>
          %lt3A_946 = arith.cmpi slt, %broadcast_in_dim3A_44, %lt3A_945 : vector<16xi32>
          %add3A_947 = arith.constant 16 : i32
          %add3A_948 = vector.broadcast %add3A_947 : i32 to vector<16xi32>
          %add3A_949 = arith.addi %broadcast_in_dim3A_44, %add3A_948 : vector<16xi32>
          %select_n3A_950 = arith.select %lt3A_946, %add3A_949, %broadcast_in_dim3A_44 : vector<16xi1>, vector<16xi32>
          %broadcast_in_dim3A_951 = vector.shape_cast %select_n3A_950 : vector<16xi32> to vector<16x1xi32>
          %gather3A_952 = vector.shape_cast %broadcast_in_dim3A_951 : vector<16x1xi32> to vector<16xi32>
          %gather3A_953 = tpu.dynamic_gather %get3A_191[%gather3A_952] in [0] : vector<16xf32>, vector<16xi32> -> vector<16xf32>
          %add3A_954 = arith.constant 11 : i32
          %add3A_955 = arith.addi %mul3A_189, %add3A_954 : i32
          %get3A_956 = arith.index_cast %add3A_955 : i32 to index
          %get3A_957 = arith.constant 0 : index
          %get3A_958 = tpu.vector_load %arg12[%get3A_956, %get3A_957] {strides = array<i32>} : memref<128x128xf32, #tpu.memory_space<vmem>>, vector<16xf32>,
          %mul3A_959 = arith.mulf %get3A_958, %gather3A_953 : vector<16xf32>
          %swap3A_960 = arith.index_cast %add3A_955 : i32 to index
          %swap3A_961 = arith.constant 0 : index
          %swap3A_962 = tpu.vector_load %arg12[%swap3A_960, %swap3A_961] {strides = array<i32>} : memref<128x128xf32, #tpu.memory_space<vmem>>, vector<16xf32>,
          tpu.vector_store %arg12[%swap3A_960, %swap3A_961], %mul3A_959 {strides = array<i32>} : memref<128x128xf32, #tpu.memory_space<vmem>>, vector<16xf32>,
          %get3A_963 = arith.index_cast %add3A_955 : i32 to index
          %get3A_964 = arith.constant 16 : index
          %get3A_965 = tpu.vector_load %arg12[%get3A_963, %get3A_964] {strides = array<i32>} : memref<128x128xf32, #tpu.memory_space<vmem>>, vector<16xf32>,
          %mul3A_966 = arith.mulf %get3A_965, %gather3A_953 : vector<16xf32>
          %swap3A_967 = arith.index_cast %add3A_955 : i32 to index
          %swap3A_968 = arith.constant 16 : index
          %swap3A_969 = tpu.vector_load %arg12[%swap3A_967, %swap3A_968] {strides = array<i32>} : memref<128x128xf32, #tpu.memory_space<vmem>>, vector<16xf32>,
          tpu.vector_store %arg12[%swap3A_967, %swap3A_968], %mul3A_966 {strides = array<i32>} : memref<128x128xf32, #tpu.memory_space<vmem>>, vector<16xf32>,
          %get3A_970 = arith.index_cast %add3A_955 : i32 to index
          %get3A_971 = arith.constant 32 : index
          %get3A_972 = tpu.vector_load %arg12[%get3A_970, %get3A_971] {strides = array<i32>} : memref<128x128xf32, #tpu.memory_space<vmem>>, vector<16xf32>,
          %mul3A_973 = arith.mulf %get3A_972, %gather3A_953 : vector<16xf32>
          %swap3A_974 = arith.index_cast %add3A_955 : i32 to index
          %swap3A_975 = arith.constant 32 : index
          %swap3A_976 = tpu.vector_load %arg12[%swap3A_974, %swap3A_975] {strides = array<i32>} : memref<128x128xf32, #tpu.memory_space<vmem>>, vector<16xf32>,
          tpu.vector_store %arg12[%swap3A_974, %swap3A_975], %mul3A_973 {strides = array<i32>} : memref<128x128xf32, #tpu.memory_space<vmem>>, vector<16xf32>,
          %get3A_977 = arith.index_cast %add3A_955 : i32 to index
          %get3A_978 = arith.constant 48 : index
          %get3A_979 = tpu.vector_load %arg12[%get3A_977, %get3A_978] {strides = array<i32>} : memref<128x128xf32, #tpu.memory_space<vmem>>, vector<16xf32>,
          %mul3A_980 = arith.mulf %get3A_979, %gather3A_953 : vector<16xf32>
          %swap3A_981 = arith.index_cast %add3A_955 : i32 to index
          %swap3A_982 = arith.constant 48 : index
          %swap3A_983 = tpu.vector_load %arg12[%swap3A_981, %swap3A_982] {strides = array<i32>} : memref<128x128xf32, #tpu.memory_space<vmem>>, vector<16xf32>,
          tpu.vector_store %arg12[%swap3A_981, %swap3A_982], %mul3A_980 {strides = array<i32>} : memref<128x128xf32, #tpu.memory_space<vmem>>, vector<16xf32>,
          %get3A_984 = arith.index_cast %add3A_955 : i32 to index
          %get3A_985 = arith.constant 64 : index
          %get3A_986 = tpu.vector_load %arg12[%get3A_984, %get3A_985] {strides = array<i32>} : memref<128x128xf32, #tpu.memory_space<vmem>>, vector<16xf32>,
          %mul3A_987 = arith.mulf %get3A_986, %gather3A_953 : vector<16xf32>
          %swap3A_988 = arith.index_cast %add3A_955 : i32 to index
          %swap3A_989 = arith.constant 64 : index
          %swap3A_990 = tpu.vector_load %arg12[%swap3A_988, %swap3A_989] {strides = array<i32>} : memref<128x128xf32, #tpu.memory_space<vmem>>, vector<16xf32>,
          tpu.vector_store %arg12[%swap3A_988, %swap3A_989], %mul3A_987 {strides = array<i32>} : memref<128x128xf32, #tpu.memory_space<vmem>>, vector<16xf32>,
          %get3A_991 = arith.index_cast %add3A_955 : i32 to index
          %get3A_992 = arith.constant 80 : index
          %get3A_993 = tpu.vector_load %arg12[%get3A_991, %get3A_992] {strides = array<i32>} : memref<128x128xf32, #tpu.memory_space<vmem>>, vector<16xf32>,
          %mul3A_994 = arith.mulf %get3A_993, %gather3A_953 : vector<16xf32>
          %swap3A_995 = arith.index_cast %add3A_955 : i32 to index
          %swap3A_996 = arith.constant 80 : index
          %swap3A_997 = tpu.vector_load %arg12[%swap3A_995, %swap3A_996] {strides = array<i32>} : memref<128x128xf32, #tpu.memory_space<vmem>>, vector<16xf32>,
          tpu.vector_store %arg12[%swap3A_995, %swap3A_996], %mul3A_994 {strides = array<i32>} : memref<128x128xf32, #tpu.memory_space<vmem>>, vector<16xf32>,
          %get3A_998 = arith.index_cast %add3A_955 : i32 to index
          %get3A_999 = arith.constant 96 : index
          %get3A_1000 = tpu.vector_load %arg12[%get3A_998, %get3A_999] {strides = array<i32>} : memref<128x128xf32, #tpu.memory_space<vmem>>, vector<16xf32>,
          %mul3A_1001 = arith.mulf %get3A_1000, %gather3A_953 : vector<16xf32>
          %swap3A_1002 = arith.index_cast %add3A_955 : i32 to index
          %swap3A_1003 = arith.constant 96 : index
          %swap3A_1004 = tpu.vector_load %arg12[%swap3A_1002, %swap3A_1003] {strides = array<i32>} : memref<128x128xf32, #tpu.memory_space<vmem>>, vector<16xf32>,
          tpu.vector_store %arg12[%swap3A_1002, %swap3A_1003], %mul3A_1001 {strides = array<i32>} : memref<128x128xf32, #tpu.memory_space<vmem>>, vector<16xf32>,
          %get3A_1005 = arith.index_cast %add3A_955 : i32 to index
          %get3A_1006 = arith.constant 112 : index
          %get3A_1007 = tpu.vector_load %arg12[%get3A_1005, %get3A_1006] {strides = array<i32>} : memref<128x128xf32, #tpu.memory_space<vmem>>, vector<16xf32>,
          %mul3A_1008 = arith.mulf %get3A_1007, %gather3A_953 : vector<16xf32>
          %swap3A_1009 = arith.index_cast %add3A_955 : i32 to index
          %swap3A_1010 = arith.constant 112 : index
          %swap3A_1011 = tpu.vector_load %arg12[%swap3A_1009, %swap3A_1010] {strides = array<i32>} : memref<128x128xf32, #tpu.memory_space<vmem>>, vector<16xf32>,
          tpu.vector_store %arg12[%swap3A_1009, %swap3A_1010], %mul3A_1008 {strides = array<i32>} : memref<128x128xf32, #tpu.memory_space<vmem>>, vector<16xf32>,
          %lt3A_1012 = arith.constant 0 : i32
          %lt3A_1013 = vector.broadcast %lt3A_1012 : i32 to vector<16xi32>
          %lt3A_1014 = arith.cmpi slt, %broadcast_in_dim3A_46, %lt3A_1013 : vector<16xi32>
          %add3A_1015 = arith.constant 16 : i32
          %add3A_1016 = vector.broadcast %add3A_1015 : i32 to vector<16xi32>
          %add3A_1017 = arith.addi %broadcast_in_dim3A_46, %add3A_1016 : vector<16xi32>
          %select_n3A_1018 = arith.select %lt3A_1014, %add3A_1017, %broadcast_in_dim3A_46 : vector<16xi1>, vector<16xi32>
          %broadcast_in_dim3A_1019 = vector.shape_cast %select_n3A_1018 : vector<16xi32> to vector<16x1xi32>
          %gather3A_1020 = vector.shape_cast %broadcast_in_dim3A_1019 : vector<16x1xi32> to vector<16xi32>
          %gather3A_1021 = tpu.dynamic_gather %get3A_191[%gather3A_1020] in [0] : vector<16xf32>, vector<16xi32> -> vector<16xf32>
          %add3A_1022 = arith.constant 12 : i32
          %add3A_1023 = arith.addi %mul3A_189, %add3A_1022 : i32
          %get3A_1024 = arith.index_cast %add3A_1023 : i32 to index
          %get3A_1025 = arith.constant 0 : index
          %get3A_1026 = tpu.vector_load %arg12[%get3A_1024, %get3A_1025] {strides = array<i32>} : memref<128x128xf32, #tpu.memory_space<vmem>>, vector<16xf32>,
          %mul3A_1027 = arith.mulf %get3A_1026, %gather3A_1021 : vector<16xf32>
          %swap3A_1028 = arith.index_cast %add3A_1023 : i32 to index
          %swap3A_1029 = arith.constant 0 : index
          %swap3A_1030 = tpu.vector_load %arg12[%swap3A_1028, %swap3A_1029] {strides = array<i32>} : memref<128x128xf32, #tpu.memory_space<vmem>>, vector<16xf32>,
          tpu.vector_store %arg12[%swap3A_1028, %swap3A_1029], %mul3A_1027 {strides = array<i32>} : memref<128x128xf32, #tpu.memory_space<vmem>>, vector<16xf32>,
          %get3A_1031 = arith.index_cast %add3A_1023 : i32 to index
          %get3A_1032 = arith.constant 16 : index
          %get3A_1033 = tpu.vector_load %arg12[%get3A_1031, %get3A_1032] {strides = array<i32>} : memref<128x128xf32, #tpu.memory_space<vmem>>, vector<16xf32>,
          %mul3A_1034 = arith.mulf %get3A_1033, %gather3A_1021 : vector<16xf32>
          %swap3A_1035 = arith.index_cast %add3A_1023 : i32 to index
          %swap3A_1036 = arith.constant 16 : index
          %swap3A_1037 = tpu.vector_load %arg12[%swap3A_1035, %swap3A_1036] {strides = array<i32>} : memref<128x128xf32, #tpu.memory_space<vmem>>, vector<16xf32>,
          tpu.vector_store %arg12[%swap3A_1035, %swap3A_1036], %mul3A_1034 {strides = array<i32>} : memref<128x128xf32, #tpu.memory_space<vmem>>, vector<16xf32>,
          %get3A_1038 = arith.index_cast %add3A_1023 : i32 to index
          %get3A_1039 = arith.constant 32 : index
          %get3A_1040 = tpu.vector_load %arg12[%get3A_1038, %get3A_1039] {strides = array<i32>} : memref<128x128xf32, #tpu.memory_space<vmem>>, vector<16xf32>,
          %mul3A_1041 = arith.mulf %get3A_1040, %gather3A_1021 : vector<16xf32>
          %swap3A_1042 = arith.index_cast %add3A_1023 : i32 to index
          %swap3A_1043 = arith.constant 32 : index
          %swap3A_1044 = tpu.vector_load %arg12[%swap3A_1042, %swap3A_1043] {strides = array<i32>} : memref<128x128xf32, #tpu.memory_space<vmem>>, vector<16xf32>,
          tpu.vector_store %arg12[%swap3A_1042, %swap3A_1043], %mul3A_1041 {strides = array<i32>} : memref<128x128xf32, #tpu.memory_space<vmem>>, vector<16xf32>,
          %get3A_1045 = arith.index_cast %add3A_1023 : i32 to index
          %get3A_1046 = arith.constant 48 : index
          %get3A_1047 = tpu.vector_load %arg12[%get3A_1045, %get3A_1046] {strides = array<i32>} : memref<128x128xf32, #tpu.memory_space<vmem>>, vector<16xf32>,
          %mul3A_1048 = arith.mulf %get3A_1047, %gather3A_1021 : vector<16xf32>
          %swap3A_1049 = arith.index_cast %add3A_1023 : i32 to index
          %swap3A_1050 = arith.constant 48 : index
          %swap3A_1051 = tpu.vector_load %arg12[%swap3A_1049, %swap3A_1050] {strides = array<i32>} : memref<128x128xf32, #tpu.memory_space<vmem>>, vector<16xf32>,
          tpu.vector_store %arg12[%swap3A_1049, %swap3A_1050], %mul3A_1048 {strides = array<i32>} : memref<128x128xf32, #tpu.memory_space<vmem>>, vector<16xf32>,
          %get3A_1052 = arith.index_cast %add3A_1023 : i32 to index
          %get3A_1053 = arith.constant 64 : index
          %get3A_1054 = tpu.vector_load %arg12[%get3A_1052, %get3A_1053] {strides = array<i32>} : memref<128x128xf32, #tpu.memory_space<vmem>>, vector<16xf32>,
          %mul3A_1055 = arith.mulf %get3A_1054, %gather3A_1021 : vector<16xf32>
          %swap3A_1056 = arith.index_cast %add3A_1023 : i32 to index
          %swap3A_1057 = arith.constant 64 : index
          %swap3A_1058 = tpu.vector_load %arg12[%swap3A_1056, %swap3A_1057] {strides = array<i32>} : memref<128x128xf32, #tpu.memory_space<vmem>>, vector<16xf32>,
          tpu.vector_store %arg12[%swap3A_1056, %swap3A_1057], %mul3A_1055 {strides = array<i32>} : memref<128x128xf32, #tpu.memory_space<vmem>>, vector<16xf32>,
          %get3A_1059 = arith.index_cast %add3A_1023 : i32 to index
          %get3A_1060 = arith.constant 80 : index
          %get3A_1061 = tpu.vector_load %arg12[%get3A_1059, %get3A_1060] {strides = array<i32>} : memref<128x128xf32, #tpu.memory_space<vmem>>, vector<16xf32>,
          %mul3A_1062 = arith.mulf %get3A_1061, %gather3A_1021 : vector<16xf32>
          %swap3A_1063 = arith.index_cast %add3A_1023 : i32 to index
          %swap3A_1064 = arith.constant 80 : index
          %swap3A_1065 = tpu.vector_load %arg12[%swap3A_1063, %swap3A_1064] {strides = array<i32>} : memref<128x128xf32, #tpu.memory_space<vmem>>, vector<16xf32>,
          tpu.vector_store %arg12[%swap3A_1063, %swap3A_1064], %mul3A_1062 {strides = array<i32>} : memref<128x128xf32, #tpu.memory_space<vmem>>, vector<16xf32>,
          %get3A_1066 = arith.index_cast %add3A_1023 : i32 to index
          %get3A_1067 = arith.constant 96 : index
          %get3A_1068 = tpu.vector_load %arg12[%get3A_1066, %get3A_1067] {strides = array<i32>} : memref<128x128xf32, #tpu.memory_space<vmem>>, vector<16xf32>,
          %mul3A_1069 = arith.mulf %get3A_1068, %gather3A_1021 : vector<16xf32>
          %swap3A_1070 = arith.index_cast %add3A_1023 : i32 to index
          %swap3A_1071 = arith.constant 96 : index
          %swap3A_1072 = tpu.vector_load %arg12[%swap3A_1070, %swap3A_1071] {strides = array<i32>} : memref<128x128xf32, #tpu.memory_space<vmem>>, vector<16xf32>,
          tpu.vector_store %arg12[%swap3A_1070, %swap3A_1071], %mul3A_1069 {strides = array<i32>} : memref<128x128xf32, #tpu.memory_space<vmem>>, vector<16xf32>,
          %get3A_1073 = arith.index_cast %add3A_1023 : i32 to index
          %get3A_1074 = arith.constant 112 : index
          %get3A_1075 = tpu.vector_load %arg12[%get3A_1073, %get3A_1074] {strides = array<i32>} : memref<128x128xf32, #tpu.memory_space<vmem>>, vector<16xf32>,
          %mul3A_1076 = arith.mulf %get3A_1075, %gather3A_1021 : vector<16xf32>
          %swap3A_1077 = arith.index_cast %add3A_1023 : i32 to index
          %swap3A_1078 = arith.constant 112 : index
          %swap3A_1079 = tpu.vector_load %arg12[%swap3A_1077, %swap3A_1078] {strides = array<i32>} : memref<128x128xf32, #tpu.memory_space<vmem>>, vector<16xf32>,
          tpu.vector_store %arg12[%swap3A_1077, %swap3A_1078], %mul3A_1076 {strides = array<i32>} : memref<128x128xf32, #tpu.memory_space<vmem>>, vector<16xf32>,
          %lt3A_1080 = arith.constant 0 : i32
          %lt3A_1081 = vector.broadcast %lt3A_1080 : i32 to vector<16xi32>
          %lt3A_1082 = arith.cmpi slt, %broadcast_in_dim3A_48, %lt3A_1081 : vector<16xi32>
          %add3A_1083 = arith.constant 16 : i32
          %add3A_1084 = vector.broadcast %add3A_1083 : i32 to vector<16xi32>
          %add3A_1085 = arith.addi %broadcast_in_dim3A_48, %add3A_1084 : vector<16xi32>
          %select_n3A_1086 = arith.select %lt3A_1082, %add3A_1085, %broadcast_in_dim3A_48 : vector<16xi1>, vector<16xi32>
          %broadcast_in_dim3A_1087 = vector.shape_cast %select_n3A_1086 : vector<16xi32> to vector<16x1xi32>
          %gather3A_1088 = vector.shape_cast %broadcast_in_dim3A_1087 : vector<16x1xi32> to vector<16xi32>
          %gather3A_1089 = tpu.dynamic_gather %get3A_191[%gather3A_1088] in [0] : vector<16xf32>, vector<16xi32> -> vector<16xf32>
          %add3A_1090 = arith.constant 13 : i32
          %add3A_1091 = arith.addi %mul3A_189, %add3A_1090 : i32
          %get3A_1092 = arith.index_cast %add3A_1091 : i32 to index
          %get3A_1093 = arith.constant 0 : index
          %get3A_1094 = tpu.vector_load %arg12[%get3A_1092, %get3A_1093] {strides = array<i32>} : memref<128x128xf32, #tpu.memory_space<vmem>>, vector<16xf32>,
          %mul3A_1095 = arith.mulf %get3A_1094, %gather3A_1089 : vector<16xf32>
          %swap3A_1096 = arith.index_cast %add3A_1091 : i32 to index
          %swap3A_1097 = arith.constant 0 : index
          %swap3A_1098 = tpu.vector_load %arg12[%swap3A_1096, %swap3A_1097] {strides = array<i32>} : memref<128x128xf32, #tpu.memory_space<vmem>>, vector<16xf32>,
          tpu.vector_store %arg12[%swap3A_1096, %swap3A_1097], %mul3A_1095 {strides = array<i32>} : memref<128x128xf32, #tpu.memory_space<vmem>>, vector<16xf32>,
          %get3A_1099 = arith.index_cast %add3A_1091 : i32 to index
          %get3A_1100 = arith.constant 16 : index
          %get3A_1101 = tpu.vector_load %arg12[%get3A_1099, %get3A_1100] {strides = array<i32>} : memref<128x128xf32, #tpu.memory_space<vmem>>, vector<16xf32>,
          %mul3A_1102 = arith.mulf %get3A_1101, %gather3A_1089 : vector<16xf32>
          %swap3A_1103 = arith.index_cast %add3A_1091 : i32 to index
          %swap3A_1104 = arith.constant 16 : index
          %swap3A_1105 = tpu.vector_load %arg12[%swap3A_1103, %swap3A_1104] {strides = array<i32>} : memref<128x128xf32, #tpu.memory_space<vmem>>, vector<16xf32>,
          tpu.vector_store %arg12[%swap3A_1103, %swap3A_1104], %mul3A_1102 {strides = array<i32>} : memref<128x128xf32, #tpu.memory_space<vmem>>, vector<16xf32>,
          %get3A_1106 = arith.index_cast %add3A_1091 : i32 to index
          %get3A_1107 = arith.constant 32 : index
          %get3A_1108 = tpu.vector_load %arg12[%get3A_1106, %get3A_1107] {strides = array<i32>} : memref<128x128xf32, #tpu.memory_space<vmem>>, vector<16xf32>,
          %mul3A_1109 = arith.mulf %get3A_1108, %gather3A_1089 : vector<16xf32>
          %swap3A_1110 = arith.index_cast %add3A_1091 : i32 to index
          %swap3A_1111 = arith.constant 32 : index
          %swap3A_1112 = tpu.vector_load %arg12[%swap3A_1110, %swap3A_1111] {strides = array<i32>} : memref<128x128xf32, #tpu.memory_space<vmem>>, vector<16xf32>,
          tpu.vector_store %arg12[%swap3A_1110, %swap3A_1111], %mul3A_1109 {strides = array<i32>} : memref<128x128xf32, #tpu.memory_space<vmem>>, vector<16xf32>,
          %get3A_1113 = arith.index_cast %add3A_1091 : i32 to index
          %get3A_1114 = arith.constant 48 : index
          %get3A_1115 = tpu.vector_load %arg12[%get3A_1113, %get3A_1114] {strides = array<i32>} : memref<128x128xf32, #tpu.memory_space<vmem>>, vector<16xf32>,
          %mul3A_1116 = arith.mulf %get3A_1115, %gather3A_1089 : vector<16xf32>
          %swap3A_1117 = arith.index_cast %add3A_1091 : i32 to index
          %swap3A_1118 = arith.constant 48 : index
          %swap3A_1119 = tpu.vector_load %arg12[%swap3A_1117, %swap3A_1118] {strides = array<i32>} : memref<128x128xf32, #tpu.memory_space<vmem>>, vector<16xf32>,
          tpu.vector_store %arg12[%swap3A_1117, %swap3A_1118], %mul3A_1116 {strides = array<i32>} : memref<128x128xf32, #tpu.memory_space<vmem>>, vector<16xf32>,
          %get3A_1120 = arith.index_cast %add3A_1091 : i32 to index
          %get3A_1121 = arith.constant 64 : index
          %get3A_1122 = tpu.vector_load %arg12[%get3A_1120, %get3A_1121] {strides = array<i32>} : memref<128x128xf32, #tpu.memory_space<vmem>>, vector<16xf32>,
          %mul3A_1123 = arith.mulf %get3A_1122, %gather3A_1089 : vector<16xf32>
          %swap3A_1124 = arith.index_cast %add3A_1091 : i32 to index
          %swap3A_1125 = arith.constant 64 : index
          %swap3A_1126 = tpu.vector_load %arg12[%swap3A_1124, %swap3A_1125] {strides = array<i32>} : memref<128x128xf32, #tpu.memory_space<vmem>>, vector<16xf32>,
          tpu.vector_store %arg12[%swap3A_1124, %swap3A_1125], %mul3A_1123 {strides = array<i32>} : memref<128x128xf32, #tpu.memory_space<vmem>>, vector<16xf32>,
          %get3A_1127 = arith.index_cast %add3A_1091 : i32 to index
          %get3A_1128 = arith.constant 80 : index
          %get3A_1129 = tpu.vector_load %arg12[%get3A_1127, %get3A_1128] {strides = array<i32>} : memref<128x128xf32, #tpu.memory_space<vmem>>, vector<16xf32>,
          %mul3A_1130 = arith.mulf %get3A_1129, %gather3A_1089 : vector<16xf32>
          %swap3A_1131 = arith.index_cast %add3A_1091 : i32 to index
          %swap3A_1132 = arith.constant 80 : index
          %swap3A_1133 = tpu.vector_load %arg12[%swap3A_1131, %swap3A_1132] {strides = array<i32>} : memref<128x128xf32, #tpu.memory_space<vmem>>, vector<16xf32>,
          tpu.vector_store %arg12[%swap3A_1131, %swap3A_1132], %mul3A_1130 {strides = array<i32>} : memref<128x128xf32, #tpu.memory_space<vmem>>, vector<16xf32>,
          %get3A_1134 = arith.index_cast %add3A_1091 : i32 to index
          %get3A_1135 = arith.constant 96 : index
          %get3A_1136 = tpu.vector_load %arg12[%get3A_1134, %get3A_1135] {strides = array<i32>} : memref<128x128xf32, #tpu.memory_space<vmem>>, vector<16xf32>,
          %mul3A_1137 = arith.mulf %get3A_1136, %gather3A_1089 : vector<16xf32>
          %swap3A_1138 = arith.index_cast %add3A_1091 : i32 to index
          %swap3A_1139 = arith.constant 96 : index
          %swap3A_1140 = tpu.vector_load %arg12[%swap3A_1138, %swap3A_1139] {strides = array<i32>} : memref<128x128xf32, #tpu.memory_space<vmem>>, vector<16xf32>,
          tpu.vector_store %arg12[%swap3A_1138, %swap3A_1139], %mul3A_1137 {strides = array<i32>} : memref<128x128xf32, #tpu.memory_space<vmem>>, vector<16xf32>,
          %get3A_1141 = arith.index_cast %add3A_1091 : i32 to index
          %get3A_1142 = arith.constant 112 : index
          %get3A_1143 = tpu.vector_load %arg12[%get3A_1141, %get3A_1142] {strides = array<i32>} : memref<128x128xf32, #tpu.memory_space<vmem>>, vector<16xf32>,
          %mul3A_1144 = arith.mulf %get3A_1143, %gather3A_1089 : vector<16xf32>
          %swap3A_1145 = arith.index_cast %add3A_1091 : i32 to index
          %swap3A_1146 = arith.constant 112 : index
          %swap3A_1147 = tpu.vector_load %arg12[%swap3A_1145, %swap3A_1146] {strides = array<i32>} : memref<128x128xf32, #tpu.memory_space<vmem>>, vector<16xf32>,
          tpu.vector_store %arg12[%swap3A_1145, %swap3A_1146], %mul3A_1144 {strides = array<i32>} : memref<128x128xf32, #tpu.memory_space<vmem>>, vector<16xf32>,
          %lt3A_1148 = arith.constant 0 : i32
          %lt3A_1149 = vector.broadcast %lt3A_1148 : i32 to vector<16xi32>
          %lt3A_1150 = arith.cmpi slt, %broadcast_in_dim3A_50, %lt3A_1149 : vector<16xi32>
          %add3A_1151 = arith.constant 16 : i32
          %add3A_1152 = vector.broadcast %add3A_1151 : i32 to vector<16xi32>
          %add3A_1153 = arith.addi %broadcast_in_dim3A_50, %add3A_1152 : vector<16xi32>
          %select_n3A_1154 = arith.select %lt3A_1150, %add3A_1153, %broadcast_in_dim3A_50 : vector<16xi1>, vector<16xi32>
          %broadcast_in_dim3A_1155 = vector.shape_cast %select_n3A_1154 : vector<16xi32> to vector<16x1xi32>
          %gather3A_1156 = vector.shape_cast %broadcast_in_dim3A_1155 : vector<16x1xi32> to vector<16xi32>
          %gather3A_1157 = tpu.dynamic_gather %get3A_191[%gather3A_1156] in [0] : vector<16xf32>, vector<16xi32> -> vector<16xf32>
          %add3A_1158 = arith.constant 14 : i32
          %add3A_1159 = arith.addi %mul3A_189, %add3A_1158 : i32
          %get3A_1160 = arith.index_cast %add3A_1159 : i32 to index
          %get3A_1161 = arith.constant 0 : index
          %get3A_1162 = tpu.vector_load %arg12[%get3A_1160, %get3A_1161] {strides = array<i32>} : memref<128x128xf32, #tpu.memory_space<vmem>>, vector<16xf32>,
          %mul3A_1163 = arith.mulf %get3A_1162, %gather3A_1157 : vector<16xf32>
          %swap3A_1164 = arith.index_cast %add3A_1159 : i32 to index
          %swap3A_1165 = arith.constant 0 : index
          %swap3A_1166 = tpu.vector_load %arg12[%swap3A_1164, %swap3A_1165] {strides = array<i32>} : memref<128x128xf32, #tpu.memory_space<vmem>>, vector<16xf32>,
          tpu.vector_store %arg12[%swap3A_1164, %swap3A_1165], %mul3A_1163 {strides = array<i32>} : memref<128x128xf32, #tpu.memory_space<vmem>>, vector<16xf32>,
          %get3A_1167 = arith.index_cast %add3A_1159 : i32 to index
          %get3A_1168 = arith.constant 16 : index
          %get3A_1169 = tpu.vector_load %arg12[%get3A_1167, %get3A_1168] {strides = array<i32>} : memref<128x128xf32, #tpu.memory_space<vmem>>, vector<16xf32>,
          %mul3A_1170 = arith.mulf %get3A_1169, %gather3A_1157 : vector<16xf32>
          %swap3A_1171 = arith.index_cast %add3A_1159 : i32 to index
          %swap3A_1172 = arith.constant 16 : index
          %swap3A_1173 = tpu.vector_load %arg12[%swap3A_1171, %swap3A_1172] {strides = array<i32>} : memref<128x128xf32, #tpu.memory_space<vmem>>, vector<16xf32>,
          tpu.vector_store %arg12[%swap3A_1171, %swap3A_1172], %mul3A_1170 {strides = array<i32>} : memref<128x128xf32, #tpu.memory_space<vmem>>, vector<16xf32>,
          %get3A_1174 = arith.index_cast %add3A_1159 : i32 to index
          %get3A_1175 = arith.constant 32 : index
          %get3A_1176 = tpu.vector_load %arg12[%get3A_1174, %get3A_1175] {strides = array<i32>} : memref<128x128xf32, #tpu.memory_space<vmem>>, vector<16xf32>,
          %mul3A_1177 = arith.mulf %get3A_1176, %gather3A_1157 : vector<16xf32>
          %swap3A_1178 = arith.index_cast %add3A_1159 : i32 to index
          %swap3A_1179 = arith.constant 32 : index
          %swap3A_1180 = tpu.vector_load %arg12[%swap3A_1178, %swap3A_1179] {strides = array<i32>} : memref<128x128xf32, #tpu.memory_space<vmem>>, vector<16xf32>,
          tpu.vector_store %arg12[%swap3A_1178, %swap3A_1179], %mul3A_1177 {strides = array<i32>} : memref<128x128xf32, #tpu.memory_space<vmem>>, vector<16xf32>,
          %get3A_1181 = arith.index_cast %add3A_1159 : i32 to index
          %get3A_1182 = arith.constant 48 : index
          %get3A_1183 = tpu.vector_load %arg12[%get3A_1181, %get3A_1182] {strides = array<i32>} : memref<128x128xf32, #tpu.memory_space<vmem>>, vector<16xf32>,
          %mul3A_1184 = arith.mulf %get3A_1183, %gather3A_1157 : vector<16xf32>
          %swap3A_1185 = arith.index_cast %add3A_1159 : i32 to index
          %swap3A_1186 = arith.constant 48 : index
          %swap3A_1187 = tpu.vector_load %arg12[%swap3A_1185, %swap3A_1186] {strides = array<i32>} : memref<128x128xf32, #tpu.memory_space<vmem>>, vector<16xf32>,
          tpu.vector_store %arg12[%swap3A_1185, %swap3A_1186], %mul3A_1184 {strides = array<i32>} : memref<128x128xf32, #tpu.memory_space<vmem>>, vector<16xf32>,
          %get3A_1188 = arith.index_cast %add3A_1159 : i32 to index
          %get3A_1189 = arith.constant 64 : index
          %get3A_1190 = tpu.vector_load %arg12[%get3A_1188, %get3A_1189] {strides = array<i32>} : memref<128x128xf32, #tpu.memory_space<vmem>>, vector<16xf32>,
          %mul3A_1191 = arith.mulf %get3A_1190, %gather3A_1157 : vector<16xf32>
          %swap3A_1192 = arith.index_cast %add3A_1159 : i32 to index
          %swap3A_1193 = arith.constant 64 : index
          %swap3A_1194 = tpu.vector_load %arg12[%swap3A_1192, %swap3A_1193] {strides = array<i32>} : memref<128x128xf32, #tpu.memory_space<vmem>>, vector<16xf32>,
          tpu.vector_store %arg12[%swap3A_1192, %swap3A_1193], %mul3A_1191 {strides = array<i32>} : memref<128x128xf32, #tpu.memory_space<vmem>>, vector<16xf32>,
          %get3A_1195 = arith.index_cast %add3A_1159 : i32 to index
          %get3A_1196 = arith.constant 80 : index
          %get3A_1197 = tpu.vector_load %arg12[%get3A_1195, %get3A_1196] {strides = array<i32>} : memref<128x128xf32, #tpu.memory_space<vmem>>, vector<16xf32>,
          %mul3A_1198 = arith.mulf %get3A_1197, %gather3A_1157 : vector<16xf32>
          %swap3A_1199 = arith.index_cast %add3A_1159 : i32 to index
          %swap3A_1200 = arith.constant 80 : index
          %swap3A_1201 = tpu.vector_load %arg12[%swap3A_1199, %swap3A_1200] {strides = array<i32>} : memref<128x128xf32, #tpu.memory_space<vmem>>, vector<16xf32>,
          tpu.vector_store %arg12[%swap3A_1199, %swap3A_1200], %mul3A_1198 {strides = array<i32>} : memref<128x128xf32, #tpu.memory_space<vmem>>, vector<16xf32>,
          %get3A_1202 = arith.index_cast %add3A_1159 : i32 to index
          %get3A_1203 = arith.constant 96 : index
          %get3A_1204 = tpu.vector_load %arg12[%get3A_1202, %get3A_1203] {strides = array<i32>} : memref<128x128xf32, #tpu.memory_space<vmem>>, vector<16xf32>,
          %mul3A_1205 = arith.mulf %get3A_1204, %gather3A_1157 : vector<16xf32>
          %swap3A_1206 = arith.index_cast %add3A_1159 : i32 to index
          %swap3A_1207 = arith.constant 96 : index
          %swap3A_1208 = tpu.vector_load %arg12[%swap3A_1206, %swap3A_1207] {strides = array<i32>} : memref<128x128xf32, #tpu.memory_space<vmem>>, vector<16xf32>,
          tpu.vector_store %arg12[%swap3A_1206, %swap3A_1207], %mul3A_1205 {strides = array<i32>} : memref<128x128xf32, #tpu.memory_space<vmem>>, vector<16xf32>,
          %get3A_1209 = arith.index_cast %add3A_1159 : i32 to index
          %get3A_1210 = arith.constant 112 : index
          %get3A_1211 = tpu.vector_load %arg12[%get3A_1209, %get3A_1210] {strides = array<i32>} : memref<128x128xf32, #tpu.memory_space<vmem>>, vector<16xf32>,
          %mul3A_1212 = arith.mulf %get3A_1211, %gather3A_1157 : vector<16xf32>
          %swap3A_1213 = arith.index_cast %add3A_1159 : i32 to index
          %swap3A_1214 = arith.constant 112 : index
          %swap3A_1215 = tpu.vector_load %arg12[%swap3A_1213, %swap3A_1214] {strides = array<i32>} : memref<128x128xf32, #tpu.memory_space<vmem>>, vector<16xf32>,
          tpu.vector_store %arg12[%swap3A_1213, %swap3A_1214], %mul3A_1212 {strides = array<i32>} : memref<128x128xf32, #tpu.memory_space<vmem>>, vector<16xf32>,
          %lt3A_1216 = arith.constant 0 : i32
          %lt3A_1217 = vector.broadcast %lt3A_1216 : i32 to vector<16xi32>
          %lt3A_1218 = arith.cmpi slt, %broadcast_in_dim3A_52, %lt3A_1217 : vector<16xi32>
          %add3A_1219 = arith.constant 16 : i32
          %add3A_1220 = vector.broadcast %add3A_1219 : i32 to vector<16xi32>
          %add3A_1221 = arith.addi %broadcast_in_dim3A_52, %add3A_1220 : vector<16xi32>
          %select_n3A_1222 = arith.select %lt3A_1218, %add3A_1221, %broadcast_in_dim3A_52 : vector<16xi1>, vector<16xi32>
          %broadcast_in_dim3A_1223 = vector.shape_cast %select_n3A_1222 : vector<16xi32> to vector<16x1xi32>
          %gather3A_1224 = vector.shape_cast %broadcast_in_dim3A_1223 : vector<16x1xi32> to vector<16xi32>
          %gather3A_1225 = tpu.dynamic_gather %get3A_191[%gather3A_1224] in [0] : vector<16xf32>, vector<16xi32> -> vector<16xf32>
          %add3A_1226 = arith.constant 15 : i32
          %add3A_1227 = arith.addi %mul3A_189, %add3A_1226 : i32
          %get3A_1228 = arith.index_cast %add3A_1227 : i32 to index
          %get3A_1229 = arith.constant 0 : index
          %get3A_1230 = tpu.vector_load %arg12[%get3A_1228, %get3A_1229] {strides = array<i32>} : memref<128x128xf32, #tpu.memory_space<vmem>>, vector<16xf32>,
          %mul3A_1231 = arith.mulf %get3A_1230, %gather3A_1225 : vector<16xf32>
          %swap3A_1232 = arith.index_cast %add3A_1227 : i32 to index
          %swap3A_1233 = arith.constant 0 : index
          %swap3A_1234 = tpu.vector_load %arg12[%swap3A_1232, %swap3A_1233] {strides = array<i32>} : memref<128x128xf32, #tpu.memory_space<vmem>>, vector<16xf32>,
          tpu.vector_store %arg12[%swap3A_1232, %swap3A_1233], %mul3A_1231 {strides = array<i32>} : memref<128x128xf32, #tpu.memory_space<vmem>>, vector<16xf32>,
          %get3A_1235 = arith.index_cast %add3A_1227 : i32 to index
          %get3A_1236 = arith.constant 16 : index
          %get3A_1237 = tpu.vector_load %arg12[%get3A_1235, %get3A_1236] {strides = array<i32>} : memref<128x128xf32, #tpu.memory_space<vmem>>, vector<16xf32>,
          %mul3A_1238 = arith.mulf %get3A_1237, %gather3A_1225 : vector<16xf32>
          %swap3A_1239 = arith.index_cast %add3A_1227 : i32 to index
          %swap3A_1240 = arith.constant 16 : index
          %swap3A_1241 = tpu.vector_load %arg12[%swap3A_1239, %swap3A_1240] {strides = array<i32>} : memref<128x128xf32, #tpu.memory_space<vmem>>, vector<16xf32>,
          tpu.vector_store %arg12[%swap3A_1239, %swap3A_1240], %mul3A_1238 {strides = array<i32>} : memref<128x128xf32, #tpu.memory_space<vmem>>, vector<16xf32>,
          %get3A_1242 = arith.index_cast %add3A_1227 : i32 to index
          %get3A_1243 = arith.constant 32 : index
          %get3A_1244 = tpu.vector_load %arg12[%get3A_1242, %get3A_1243] {strides = array<i32>} : memref<128x128xf32, #tpu.memory_space<vmem>>, vector<16xf32>,
          %mul3A_1245 = arith.mulf %get3A_1244, %gather3A_1225 : vector<16xf32>
          %swap3A_1246 = arith.index_cast %add3A_1227 : i32 to index
          %swap3A_1247 = arith.constant 32 : index
          %swap3A_1248 = tpu.vector_load %arg12[%swap3A_1246, %swap3A_1247] {strides = array<i32>} : memref<128x128xf32, #tpu.memory_space<vmem>>, vector<16xf32>,
          tpu.vector_store %arg12[%swap3A_1246, %swap3A_1247], %mul3A_1245 {strides = array<i32>} : memref<128x128xf32, #tpu.memory_space<vmem>>, vector<16xf32>,
          %get3A_1249 = arith.index_cast %add3A_1227 : i32 to index
          %get3A_1250 = arith.constant 48 : index
          %get3A_1251 = tpu.vector_load %arg12[%get3A_1249, %get3A_1250] {strides = array<i32>} : memref<128x128xf32, #tpu.memory_space<vmem>>, vector<16xf32>,
          %mul3A_1252 = arith.mulf %get3A_1251, %gather3A_1225 : vector<16xf32>
          %swap3A_1253 = arith.index_cast %add3A_1227 : i32 to index
          %swap3A_1254 = arith.constant 48 : index
          %swap3A_1255 = tpu.vector_load %arg12[%swap3A_1253, %swap3A_1254] {strides = array<i32>} : memref<128x128xf32, #tpu.memory_space<vmem>>, vector<16xf32>,
          tpu.vector_store %arg12[%swap3A_1253, %swap3A_1254], %mul3A_1252 {strides = array<i32>} : memref<128x128xf32, #tpu.memory_space<vmem>>, vector<16xf32>,
          %get3A_1256 = arith.index_cast %add3A_1227 : i32 to index
          %get3A_1257 = arith.constant 64 : index
          %get3A_1258 = tpu.vector_load %arg12[%get3A_1256, %get3A_1257] {strides = array<i32>} : memref<128x128xf32, #tpu.memory_space<vmem>>, vector<16xf32>,
          %mul3A_1259 = arith.mulf %get3A_1258, %gather3A_1225 : vector<16xf32>
          %swap3A_1260 = arith.index_cast %add3A_1227 : i32 to index
          %swap3A_1261 = arith.constant 64 : index
          %swap3A_1262 = tpu.vector_load %arg12[%swap3A_1260, %swap3A_1261] {strides = array<i32>} : memref<128x128xf32, #tpu.memory_space<vmem>>, vector<16xf32>,
          tpu.vector_store %arg12[%swap3A_1260, %swap3A_1261], %mul3A_1259 {strides = array<i32>} : memref<128x128xf32, #tpu.memory_space<vmem>>, vector<16xf32>,
          %get3A_1263 = arith.index_cast %add3A_1227 : i32 to index
          %get3A_1264 = arith.constant 80 : index
          %get3A_1265 = tpu.vector_load %arg12[%get3A_1263, %get3A_1264] {strides = array<i32>} : memref<128x128xf32, #tpu.memory_space<vmem>>, vector<16xf32>,
          %mul3A_1266 = arith.mulf %get3A_1265, %gather3A_1225 : vector<16xf32>
          %swap3A_1267 = arith.index_cast %add3A_1227 : i32 to index
          %swap3A_1268 = arith.constant 80 : index
          %swap3A_1269 = tpu.vector_load %arg12[%swap3A_1267, %swap3A_1268] {strides = array<i32>} : memref<128x128xf32, #tpu.memory_space<vmem>>, vector<16xf32>,
          tpu.vector_store %arg12[%swap3A_1267, %swap3A_1268], %mul3A_1266 {strides = array<i32>} : memref<128x128xf32, #tpu.memory_space<vmem>>, vector<16xf32>,
          %get3A_1270 = arith.index_cast %add3A_1227 : i32 to index
          %get3A_1271 = arith.constant 96 : index
          %get3A_1272 = tpu.vector_load %arg12[%get3A_1270, %get3A_1271] {strides = array<i32>} : memref<128x128xf32, #tpu.memory_space<vmem>>, vector<16xf32>,
          %mul3A_1273 = arith.mulf %get3A_1272, %gather3A_1225 : vector<16xf32>
          %swap3A_1274 = arith.index_cast %add3A_1227 : i32 to index
          %swap3A_1275 = arith.constant 96 : index
          %swap3A_1276 = tpu.vector_load %arg12[%swap3A_1274, %swap3A_1275] {strides = array<i32>} : memref<128x128xf32, #tpu.memory_space<vmem>>, vector<16xf32>,
          tpu.vector_store %arg12[%swap3A_1274, %swap3A_1275], %mul3A_1273 {strides = array<i32>} : memref<128x128xf32, #tpu.memory_space<vmem>>, vector<16xf32>,
          %get3A_1277 = arith.index_cast %add3A_1227 : i32 to index
          %get3A_1278 = arith.constant 112 : index
          %get3A_1279 = tpu.vector_load %arg12[%get3A_1277, %get3A_1278] {strides = array<i32>} : memref<128x128xf32, #tpu.memory_space<vmem>>, vector<16xf32>,
          %mul3A_1280 = arith.mulf %get3A_1279, %gather3A_1225 : vector<16xf32>
          %swap3A_1281 = arith.index_cast %add3A_1227 : i32 to index
          %swap3A_1282 = arith.constant 112 : index
          %swap3A_1283 = tpu.vector_load %arg12[%swap3A_1281, %swap3A_1282] {strides = array<i32>} : memref<128x128xf32, #tpu.memory_space<vmem>>, vector<16xf32>,
          tpu.vector_store %arg12[%swap3A_1281, %swap3A_1282], %mul3A_1280 {strides = array<i32>} : memref<128x128xf32, #tpu.memory_space<vmem>>, vector<16xf32>,
        }
        %scan3A_180 = arith.constant 8 : i32
        %dma_start3A_181 = arith.constant 0 : i32
        %dma_start3A_182 = tpu.memref_slice %arg9[%add3A_156, %dma_start3A_181] : memref<8x128xi32, #tpu.memory_space<vmem>> -> memref<1x128xi32, #tpu.memory_space<vmem>>
        %dma_start3A_183 = tpu.memref_squeeze %dma_start3A_182 : memref<1x128xi32, #tpu.memory_space<vmem>> -> memref<128xi32, #tpu.memory_space<vmem>>
        %dma_start3A_184 = arith.constant 0 : i32
        %dma_start3A_185 = arith.constant 0 : i32
        %dma_start3A_186 = tpu.memref_slice %arg14[%dma_start3A_184, %dma_start3A_185] : memref<10240x128xf32, #tpu.memory_space<vmem_shared>> -> memref<10240x128xf32, #tpu.memory_space<vmem_shared>>
        tpu.enqueue_indirect_dma source(%arg12 : memref<128x128xf32, #tpu.memory_space<vmem>>) target(%dma_start3A_186 : memref<10240x128xf32, #tpu.memory_space<vmem_shared>>) offsets(%dma_start3A_183 : memref<128xi32, #tpu.memory_space<vmem>>) semaphore(%arg18 : memref<!tpu.dma_semaphore, #tpu.memory_space<semaphore_mem>>) {add = true}
      }
      %scan3A_118 = arith.constant 4 : i32
      %dma_wait3A = arith.constant 0 : i32
      %dma_wait3A_119 = arith.constant 0 : i32
      %dma_wait3A_120 = tpu.memref_slice %arg2[%dma_wait3A, %dma_wait3A_119] : memref<10000x128xf32, #tpu.memory_space<hbm>> -> memref<128x128xf32, #tpu.memory_space<hbm>>
      %dma_wait3A_121 = arith.constant 0 : i32
      %dma_wait3A_122 = arith.constant 0 : i32
      %dma_wait3A_123 = tpu.memref_slice %arg2[%dma_wait3A_121, %dma_wait3A_122] : memref<10000x128xf32, #tpu.memory_space<hbm>> -> memref<128x128xf32, #tpu.memory_space<hbm>>
      tpu.wait_dma2 semaphore(%arg18 : memref<!tpu.dma_semaphore, #tpu.memory_space<semaphore_mem>>) src(%dma_wait3A_123 : memref<128x128xf32, #tpu.memory_space<hbm>>) dst(%arg12 : memref<128x128xf32, #tpu.memory_space<vmem>>)
    }
    %scan3A_60 = arith.constant 10 : i32
    %barrier3A_61 = arith.constant 0 : index
    tpu.barrier barrier_id(%barrier3A_61)
    %mul3A_62 = arith.constant 10240 : i32
    %mul3A_63 = arith.muli %arg0, %mul3A_62 : i32
    %add3A_64 = arith.addi %mul3A_63, %mul3A_2 : i32
    "tpu.region"() ({
      %run_scoped3A = tpu.sem_alloc : memref<!tpu.dma_semaphore, #tpu.memory_space<semaphore_mem>>
      %dma_start3A = arith.constant 0 : i32
      %dma_start3A_65 = tpu.memref_slice %arg6[%add3A_64, %dma_start3A] : memref<20480x128xf32, #tpu.memory_space<hbm>> -> memref<640x128xf32, #tpu.memory_space<hbm>>
      %dma_start3A_66 = arith.constant 0 : i32
      %dma_start3A_67 = tpu.memref_slice %arg14[%mul3A_2, %dma_start3A_66] : memref<10240x128xf32, #tpu.memory_space<vmem_shared>> -> memref<640x128xf32, #tpu.memory_space<vmem_shared>>
      tpu.enqueue_dma source(%dma_start3A_67 : memref<640x128xf32, #tpu.memory_space<vmem_shared>>) target(%dma_start3A_65 : memref<640x128xf32, #tpu.memory_space<hbm>>) target_semaphore(%run_scoped3A : memref<!tpu.dma_semaphore, #tpu.memory_space<semaphore_mem>>)
      %dma_wait3A = arith.constant 0 : i32
      %dma_wait3A_68 = tpu.memref_slice %arg6[%add3A_64, %dma_wait3A] : memref<20480x128xf32, #tpu.memory_space<hbm>> -> memref<640x128xf32, #tpu.memory_space<hbm>>
      %dma_wait3A_69 = arith.constant 0 : i32
      %dma_wait3A_70 = tpu.memref_slice %arg14[%mul3A_2, %dma_wait3A_69] : memref<10240x128xf32, #tpu.memory_space<vmem_shared>> -> memref<640x128xf32, #tpu.memory_space<vmem_shared>>
      tpu.wait_dma2 semaphore(%run_scoped3A : memref<!tpu.dma_semaphore, #tpu.memory_space<semaphore_mem>>) src(%dma_wait3A_70 : memref<640x128xf32, #tpu.memory_space<vmem_shared>>) dst(%dma_wait3A_68 : memref<640x128xf32, #tpu.memory_space<hbm>>)
      tpu.yield
    }) : () -> ()
    "tpu.region"() ({
      %run_scoped3A = tpu.sem_alloc : memref<!tpu.dma_semaphore, #tpu.memory_space<semaphore_mem>>
      %dma_start3A = arith.constant 0 : i32
      %dma_start3A_65 = arith.constant 0 : i32
      %dma_start3A_66 = tpu.memref_slice %arg7[%add3A, %dma_start3A, %dma_start3A_65] : memref<32x80x128xf32, #tpu.memory_space<hbm>> -> memref<1x80x128xf32, #tpu.memory_space<hbm>>
      %dma_start3A_67 = tpu.memref_squeeze %dma_start3A_66 : memref<1x80x128xf32, #tpu.memory_space<hbm>> -> memref<80x128xf32, #tpu.memory_space<hbm>>
      %dma_start3A_68 = arith.constant 0 : i32
      %dma_start3A_69 = arith.constant 0 : i32
      %dma_start3A_70 = tpu.memref_slice %arg7[%add3A, %dma_start3A_68, %dma_start3A_69] : memref<32x80x128xf32, #tpu.memory_space<hbm>> -> memref<1x80x128xf32, #tpu.memory_space<hbm>>
      %dma_start3A_71 = tpu.memref_squeeze %dma_start3A_70 : memref<1x80x128xf32, #tpu.memory_space<hbm>> -> memref<80x128xf32, #tpu.memory_space<hbm>>
      tpu.enqueue_dma source(%arg13 : memref<80x128xf32, #tpu.memory_space<vmem>>) target(%dma_start3A_71 : memref<80x128xf32, #tpu.memory_space<hbm>>) target_semaphore(%run_scoped3A : memref<!tpu.dma_semaphore, #tpu.memory_space<semaphore_mem>>)
      %dma_wait3A = arith.constant 0 : i32
      %dma_wait3A_72 = arith.constant 0 : i32
      %dma_wait3A_73 = tpu.memref_slice %arg7[%add3A, %dma_wait3A, %dma_wait3A_72] : memref<32x80x128xf32, #tpu.memory_space<hbm>> -> memref<1x80x128xf32, #tpu.memory_space<hbm>>
      %dma_wait3A_74 = tpu.memref_squeeze %dma_wait3A_73 : memref<1x80x128xf32, #tpu.memory_space<hbm>> -> memref<80x128xf32, #tpu.memory_space<hbm>>
      %dma_wait3A_75 = arith.constant 0 : i32
      %dma_wait3A_76 = arith.constant 0 : i32
      %dma_wait3A_77 = tpu.memref_slice %arg7[%add3A, %dma_wait3A_75, %dma_wait3A_76] : memref<32x80x128xf32, #tpu.memory_space<hbm>> -> memref<1x80x128xf32, #tpu.memory_space<hbm>>
      %dma_wait3A_78 = tpu.memref_squeeze %dma_wait3A_77 : memref<1x80x128xf32, #tpu.memory_space<hbm>> -> memref<80x128xf32, #tpu.memory_space<hbm>>
      tpu.wait_dma2 semaphore(%run_scoped3A : memref<!tpu.dma_semaphore, #tpu.memory_space<semaphore_mem>>) src(%arg13 : memref<80x128xf32, #tpu.memory_space<vmem>>) dst(%dma_wait3A_78 : memref<80x128xf32, #tpu.memory_space<hbm>>)
      tpu.yield
    }) : () -> ()
    return
  }
}

module attributes {stable_mosaic.version = 14 : i64} {
  func.func @_gate_body(%arg0: i32, %arg1: memref<3200x16xf32, #tpu.memory_space<vmem>>, %arg2: memref<128x16xf32, #tpu.memory_space<vmem>>, %arg3: memref<1x128xf32, #tpu.memory_space<vmem>>, %arg4: memref<1x128xf32, #tpu.memory_space<vmem>>, %arg5: memref<1x1xf32, #tpu.memory_space<vmem>>, %arg6: memref<1x3200xf32, #tpu.memory_space<vmem>>) attributes {dimension_semantics = [#tpu.dimension_semantics<arbitrary>], iteration_bounds = array<i64: 100>, scalar_prefetch = 0 : i64, scratch_operands = 0 : i64, tpu.core_type = #tpu.core_type<tc>, window_params = [{transform_indices = @transform_0, window_bounds = array<i64: 3200, 16>}, {pipeline_mode = #tpu.pipeline_mode<synchronous>, transform_indices = @transform_1, window_bounds = array<i64: 128, 16>}, {pipeline_mode = #tpu.pipeline_mode<synchronous>, transform_indices = @transform_2, window_bounds = array<i64: 1, 128>}, {pipeline_mode = #tpu.pipeline_mode<synchronous>, transform_indices = @transform_3, window_bounds = array<i64: 1, 128>}, {pipeline_mode = #tpu.pipeline_mode<synchronous>, transform_indices = @transform_4, window_bounds = array<i64: 1, 1>}, {transform_indices = @transform_5, window_bounds = array<i64: 1, 3200>}]} {
    %get3A = arith.constant 0 : index
    %get3A_0 = arith.constant 0 : index
    %get3A_1 = vector.load %arg1[%get3A, %get3A_0] : memref<3200x16xf32, #tpu.memory_space<vmem>>, vector<3200x16xf32>
    %get3A_2 = arith.constant 0 : index
    %get3A_3 = arith.constant 0 : index
    %get3A_4 = vector.load %arg2[%get3A_2, %get3A_3] : memref<128x16xf32, #tpu.memory_space<vmem>>, vector<128x16xf32>
    %dot_general3A = arith.constant dense<0.000000e+00> : vector<3200x128xf32>
    %dot_general3A_5 = tpu.matmul %get3A_1, %get3A_4, %dot_general3A {dimension_numbers = #tpu.dot_dimension_numbers<[1], [1], [0], [0], [0, 0, 1, 0], [], []>, transpose_lhs_hint = false} : vector<3200x16xf32>, vector<128x16xf32>, vector<3200x128xf32> -> vector<3200x128xf32>
    %get3A_6 = arith.constant 0 : index
    %get3A_7 = arith.constant 0 : index
    %get3A_8 = vector.load %arg3[%get3A_6, %get3A_7] : memref<1x128xf32, #tpu.memory_space<vmem>>, vector<1x128xf32>
    %add3A = vector.broadcast %get3A_8 : vector<1x128xf32> to vector<3200x128xf32>
    %add3A_9 = arith.addf %dot_general3A_5, %add3A : vector<3200x128xf32>
    %mul3A = arith.constant 5.000000e-01 : f32
    %mul3A_10 = vector.broadcast %mul3A : f32 to vector<3200x128xf32>
    %mul3A_11 = arith.mulf %mul3A_10, %add3A_9 : vector<3200x128xf32>
    %mul3A_12 = arith.constant 0.707106769 : f32
    %mul3A_13 = vector.broadcast %mul3A_12 : f32 to vector<3200x128xf32>
    %mul3A_14 = arith.mulf %add3A_9, %mul3A_13 : vector<3200x128xf32>
    %erf3A = math.erf %mul3A_14 : vector<3200x128xf32>
    %add3A_15 = arith.constant 1.000000e+00 : f32
    %add3A_16 = vector.broadcast %add3A_15 : f32 to vector<3200x128xf32>
    %add3A_17 = arith.addf %add3A_16, %erf3A : vector<3200x128xf32>
    %mul3A_18 = arith.mulf %mul3A_11, %add3A_17 : vector<3200x128xf32>
    %get3A_19 = arith.constant 0 : index
    %get3A_20 = arith.constant 0 : index
    %get3A_21 = vector.load %arg4[%get3A_19, %get3A_20] : memref<1x128xf32, #tpu.memory_space<vmem>>, vector<1x128xf32>
    %dot_general3A_22 = arith.constant dense<0.000000e+00> : vector<1x3200xf32>
    %dot_general3A_23 = tpu.matmul %get3A_21, %mul3A_18, %dot_general3A_22 {dimension_numbers = #tpu.dot_dimension_numbers<[1], [1], [0], [0], [0, 0, 1, 0], [], []>, transpose_lhs_hint = false} : vector<1x128xf32>, vector<3200x128xf32>, vector<1x3200xf32> -> vector<1x3200xf32>
    %get3A_24 = arith.constant 0 : index
    %get3A_25 = arith.constant 0 : index
    %get3A_26 = vector.load %arg5[%get3A_24, %get3A_25] : memref<1x1xf32, #tpu.memory_space<vmem>>, vector<1x1xf32>
    %add3A_27 = vector.broadcast %get3A_26 : vector<1x1xf32> to vector<1x3200xf32>
    %add3A_28 = arith.addf %dot_general3A_23, %add3A_27 : vector<1x3200xf32>
    %logistic3A = arith.negf %add3A_28 : vector<1x3200xf32>
    %logistic3A_29 = math.exp %logistic3A : vector<1x3200xf32>
    %logistic3A_30 = arith.constant 1.000000e+00 : f32
    %logistic3A_31 = vector.broadcast %logistic3A_30 : f32 to vector<1x3200xf32>
    %logistic3A_32 = arith.addf %logistic3A_31, %logistic3A_29 : vector<1x3200xf32>
    %logistic3A_33 = arith.divf %logistic3A_31, %logistic3A_32 : vector<1x3200xf32>
    %swap3A = arith.constant 0 : index
    %swap3A_34 = arith.constant 0 : index
    %swap3A_35 = vector.load %arg6[%swap3A, %swap3A_34] : memref<1x3200xf32, #tpu.memory_space<vmem>>, vector<1x3200xf32>
    tpu.vector_store %arg6[%swap3A, %swap3A_34], %logistic3A_33 {strides = array<i32>} : memref<1x3200xf32, #tpu.memory_space<vmem>>, vector<1x3200xf32>,
    return
  }
  func.func @transform_0(%arg0: i32) -> (i32, i32) {
    %c0_i32 = arith.constant 0 : i32
    %c0_i32_0 = arith.constant 0 : i32
    return %arg0, %c0_i32 : i32, i32
  }
  func.func @transform_1(%arg0: i32) -> (i32, i32) {
    %c0_i32 = arith.constant 0 : i32
    %c0_i32_0 = arith.constant 0 : i32
    %c0_i32_1 = arith.constant 0 : i32
    return %c0_i32, %c0_i32_0 : i32, i32
  }
  func.func @transform_2(%arg0: i32) -> (i32, i32) {
    %c0_i32 = arith.constant 0 : i32
    %c0_i32_0 = arith.constant 0 : i32
    %c0_i32_1 = arith.constant 0 : i32
    return %c0_i32, %c0_i32_0 : i32, i32
  }
  func.func @transform_3(%arg0: i32) -> (i32, i32) {
    %c0_i32 = arith.constant 0 : i32
    %c0_i32_0 = arith.constant 0 : i32
    %c0_i32_1 = arith.constant 0 : i32
    return %c0_i32, %c0_i32_0 : i32, i32
  }
  func.func @transform_4(%arg0: i32) -> (i32, i32) {
    %c0_i32 = arith.constant 0 : i32
    %c0_i32_0 = arith.constant 0 : i32
    %c0_i32_1 = arith.constant 0 : i32
    return %c0_i32, %c0_i32_0 : i32, i32
  }
  func.func @transform_5(%arg0: i32) -> (i32, i32) {
    %c0_i32 = arith.constant 0 : i32
    %c0_i32_0 = arith.constant 0 : i32
    return %c0_i32, %arg0 : i32, i32
  }
}

module attributes {stable_mosaic.version = 14 : i64} {
  func.func @_node_matmul_body(%arg0: i32, %arg1: memref<2000x128xf32, #tpu.memory_space<vmem>>, %arg2: memref<128x128xf32, #tpu.memory_space<vmem>>, %arg3: memref<2000x128xf32, #tpu.memory_space<vmem>>) attributes {dimension_semantics = [#tpu.dimension_semantics<arbitrary>], iteration_bounds = array<i64: 5>, scalar_prefetch = 0 : i64, scratch_operands = 0 : i64, tpu.core_type = #tpu.core_type<tc>, window_params = [{transform_indices = @transform_0, window_bounds = array<i64: 2000, 128>}, {pipeline_mode = #tpu.pipeline_mode<synchronous>, transform_indices = @transform_1, window_bounds = array<i64: 128, 128>}, {transform_indices = @transform_2, window_bounds = array<i64: 2000, 128>}]} {
    %get3A = arith.constant 0 : index
    %get3A_0 = arith.constant 0 : index
    %get3A_1 = vector.load %arg1[%get3A, %get3A_0] : memref<2000x128xf32, #tpu.memory_space<vmem>>, vector<2000x128xf32>
    %get3A_2 = arith.constant 0 : index
    %get3A_3 = arith.constant 0 : index
    %get3A_4 = vector.load %arg2[%get3A_2, %get3A_3] : memref<128x128xf32, #tpu.memory_space<vmem>>, vector<128x128xf32>
    %dot_general3A = arith.constant dense<0.000000e+00> : vector<2000x128xf32>
    %dot_general3A_5 = tpu.matmul %get3A_1, %get3A_4, %dot_general3A {dimension_numbers = #tpu.dot_dimension_numbers<[1], [1], [0], [0], [0, 0, 1, 0], [], []>, transpose_lhs_hint = false} : vector<2000x128xf32>, vector<128x128xf32>, vector<2000x128xf32> -> vector<2000x128xf32>
    %swap3A = arith.constant 0 : index
    %swap3A_6 = arith.constant 0 : index
    %swap3A_7 = vector.load %arg3[%swap3A, %swap3A_6] : memref<2000x128xf32, #tpu.memory_space<vmem>>, vector<2000x128xf32>
    tpu.vector_store %arg3[%swap3A, %swap3A_6], %dot_general3A_5 {strides = array<i32>} : memref<2000x128xf32, #tpu.memory_space<vmem>>, vector<2000x128xf32>,
    return
  }
  func.func @transform_0(%arg0: i32) -> (i32, i32) {
    %c0_i32 = arith.constant 0 : i32
    %c0_i32_0 = arith.constant 0 : i32
    return %arg0, %c0_i32 : i32, i32
  }
  func.func @transform_1(%arg0: i32) -> (i32, i32) {
    %c0_i32 = arith.constant 0 : i32
    %c0_i32_0 = arith.constant 0 : i32
    %c0_i32_1 = arith.constant 0 : i32
    return %c0_i32, %c0_i32_0 : i32, i32
  }
  func.func @transform_2(%arg0: i32) -> (i32, i32) {
    %c0_i32 = arith.constant 0 : i32
    %c0_i32_0 = arith.constant 0 : i32
    return %arg0, %c0_i32 : i32, i32
  }
}

module attributes {stable_mosaic.version = 14 : i64} {
  func.func @_final_body(%arg0: i32, %arg1: memref<2x2048x128xf32, #tpu.memory_space<vmem>>, %arg2: memref<32x16x128xf32, #tpu.memory_space<vmem>>, %arg3: memref<2048x128xf32, #tpu.memory_space<vmem>>, %arg4: memref<128x128xf32, #tpu.memory_space<vmem>>, %arg5: memref<1x128xf32, #tpu.memory_space<vmem>>, %arg6: memref<1x128xf32, #tpu.memory_space<vmem>>, %arg7: memref<1x128xf32, #tpu.memory_space<vmem>>, %arg8: memref<2048x128xf32, #tpu.memory_space<vmem>>) attributes {dimension_semantics = [#tpu.dimension_semantics<arbitrary>], iteration_bounds = array<i64: 5>, scalar_prefetch = 0 : i64, scratch_operands = 0 : i64, tpu.core_type = #tpu.core_type<tc>, window_params = [{transform_indices = @transform_0, window_bounds = array<i64: 2, 2048, 128>}, {transform_indices = @transform_1, window_bounds = array<i64: 32, 16, 128>}, {transform_indices = @transform_2, window_bounds = array<i64: 2048, 128>}, {pipeline_mode = #tpu.pipeline_mode<synchronous>, transform_indices = @transform_3, window_bounds = array<i64: 128, 128>}, {pipeline_mode = #tpu.pipeline_mode<synchronous>, transform_indices = @transform_4, window_bounds = array<i64: 1, 128>}, {pipeline_mode = #tpu.pipeline_mode<synchronous>, transform_indices = @transform_5, window_bounds = array<i64: 1, 128>}, {pipeline_mode = #tpu.pipeline_mode<synchronous>, transform_indices = @transform_6, window_bounds = array<i64: 1, 128>}, {transform_indices = @transform_7, window_bounds = array<i64: 2048, 128>}]} {
    %get3A = arith.constant 0 : index
    %get3A_0 = arith.constant 0 : index
    %get3A_1 = arith.constant 0 : index
    %get3A_2 = vector.load %arg1[%get3A, %get3A_0, %get3A_1] : memref<2x2048x128xf32, #tpu.memory_space<vmem>>, vector<1x2048x128xf32>
    %get3A_3 = vector.shape_cast %get3A_2 : vector<1x2048x128xf32> to vector<2048x128xf32>
    %get3A_4 = arith.constant 1 : index
    %get3A_5 = arith.constant 0 : index
    %get3A_6 = arith.constant 0 : index
    %get3A_7 = vector.load %arg1[%get3A_4, %get3A_5, %get3A_6] : memref<2x2048x128xf32, #tpu.memory_space<vmem>>, vector<1x2048x128xf32>
    %get3A_8 = vector.shape_cast %get3A_7 : vector<1x2048x128xf32> to vector<2048x128xf32>
    %add3A = arith.addf %get3A_3, %get3A_8 : vector<2048x128xf32>
    %get3A_9 = arith.constant 0 : index
    %get3A_10 = arith.constant 0 : index
    %get3A_11 = arith.constant 0 : index
    %get3A_12 = vector.load %arg2[%get3A_9, %get3A_10, %get3A_11] : memref<32x16x128xf32, #tpu.memory_space<vmem>>, vector<32x16x128xf32>
    %reduce_sum3A = arith.constant dense<0.000000e+00> : vector<16x128xf32>
    %reduce_sum3A_13 = vector.multi_reduction <add>, %get3A_12, %reduce_sum3A [0] : vector<32x16x128xf32> to vector<16x128xf32>
    %max3A = arith.constant 1.000000e+00 : f32
    %max3A_14 = vector.broadcast %max3A : f32 to vector<16x128xf32>
    %max3A_15 = arith.maximumf %reduce_sum3A_13, %max3A_14 : vector<16x128xf32>
    %reshape3A = vector.shape_cast %add3A : vector<2048x128xf32> to vector<16x128x128xf32>
    %broadcast_in_dim3A = vector.shape_cast %max3A_15 : vector<16x128xf32> to vector<16x128x1xf32>
    %div3A = vector.broadcast %broadcast_in_dim3A : vector<16x128x1xf32> to vector<16x128x128xf32>
    %div3A_16 = arith.divf %reshape3A, %div3A : vector<16x128x128xf32>
    %reshape3A_17 = vector.shape_cast %div3A_16 : vector<16x128x128xf32> to vector<2048x128xf32>
    %get3A_18 = arith.constant 0 : index
    %get3A_19 = arith.constant 0 : index
    %get3A_20 = vector.load %arg3[%get3A_18, %get3A_19] : memref<2048x128xf32, #tpu.memory_space<vmem>>, vector<2048x128xf32>
    %get3A_21 = arith.constant 0 : index
    %get3A_22 = arith.constant 0 : index
    %get3A_23 = vector.load %arg4[%get3A_21, %get3A_22] : memref<128x128xf32, #tpu.memory_space<vmem>>, vector<128x128xf32>
    %dot_general3A = arith.constant dense<0.000000e+00> : vector<2048x128xf32>
    %dot_general3A_24 = tpu.matmul %get3A_20, %get3A_23, %dot_general3A {dimension_numbers = #tpu.dot_dimension_numbers<[1], [1], [0], [0], [0, 0, 1, 0], [], []>, transpose_lhs_hint = false} : vector<2048x128xf32>, vector<128x128xf32>, vector<2048x128xf32> -> vector<2048x128xf32>
    %get3A_25 = arith.constant 0 : index
    %get3A_26 = arith.constant 0 : index
    %get3A_27 = vector.load %arg5[%get3A_25, %get3A_26] : memref<1x128xf32, #tpu.memory_space<vmem>>, vector<1x128xf32>
    %add3A_28 = vector.broadcast %get3A_27 : vector<1x128xf32> to vector<2048x128xf32>
    %add3A_29 = arith.addf %dot_general3A_24, %add3A_28 : vector<2048x128xf32>
    %add3A_30 = arith.addf %reshape3A_17, %add3A_29 : vector<2048x128xf32>
    %reduce_sum3A_31 = arith.constant dense<0.000000e+00> : vector<2048xf32>
    %reduce_sum3A_32 = vector.multi_reduction <add>, %add3A_30, %reduce_sum3A_31 [1] : vector<2048x128xf32> to vector<2048xf32>
    %broadcast_in_dim3A_33 = vector.shape_cast %reduce_sum3A_32 : vector<2048xf32> to vector<2048x1xf32>
    %div3A_34 = arith.constant 1.280000e+02 : f32
    %div3A_35 = vector.broadcast %div3A_34 : f32 to vector<2048x1xf32>
    %div3A_36 = arith.divf %broadcast_in_dim3A_33, %div3A_35 : vector<2048x1xf32>
    %sub3A = vector.broadcast %div3A_36 : vector<2048x1xf32> to vector<2048x128xf32>
    %sub3A_37 = arith.subf %add3A_30, %sub3A : vector<2048x128xf32>
    %integer_pow3A = arith.mulf %sub3A_37, %sub3A_37 : vector<2048x128xf32>
    %reduce_sum3A_38 = arith.constant dense<0.000000e+00> : vector<2048xf32>
    %reduce_sum3A_39 = vector.multi_reduction <add>, %integer_pow3A, %reduce_sum3A_38 [1] : vector<2048x128xf32> to vector<2048xf32>
    %broadcast_in_dim3A_40 = vector.shape_cast %reduce_sum3A_39 : vector<2048xf32> to vector<2048x1xf32>
    %div3A_41 = arith.constant 1.280000e+02 : f32
    %div3A_42 = vector.broadcast %div3A_41 : f32 to vector<2048x1xf32>
    %div3A_43 = arith.divf %broadcast_in_dim3A_40, %div3A_42 : vector<2048x1xf32>
    %sub3A_44 = vector.broadcast %div3A_36 : vector<2048x1xf32> to vector<2048x128xf32>
    %sub3A_45 = arith.subf %add3A_30, %sub3A_44 : vector<2048x128xf32>
    %add3A_46 = arith.constant 9.99999974E-6 : f32
    %add3A_47 = vector.broadcast %add3A_46 : f32 to vector<2048x1xf32>
    %add3A_48 = arith.addf %div3A_43, %add3A_47 : vector<2048x1xf32>
    %sqrt3A = math.sqrt %add3A_48 : vector<2048x1xf32>
    %div3A_49 = vector.broadcast %sqrt3A : vector<2048x1xf32> to vector<2048x128xf32>
    %div3A_50 = arith.divf %sub3A_45, %div3A_49 : vector<2048x128xf32>
    %get3A_51 = arith.constant 0 : index
    %get3A_52 = arith.constant 0 : index
    %get3A_53 = vector.load %arg6[%get3A_51, %get3A_52] : memref<1x128xf32, #tpu.memory_space<vmem>>, vector<1x128xf32>
    %mul3A = vector.broadcast %get3A_53 : vector<1x128xf32> to vector<2048x128xf32>
    %mul3A_54 = arith.mulf %div3A_50, %mul3A : vector<2048x128xf32>
    %get3A_55 = arith.constant 0 : index
    %get3A_56 = arith.constant 0 : index
    %get3A_57 = vector.load %arg7[%get3A_55, %get3A_56] : memref<1x128xf32, #tpu.memory_space<vmem>>, vector<1x128xf32>
    %add3A_58 = vector.broadcast %get3A_57 : vector<1x128xf32> to vector<2048x128xf32>
    %add3A_59 = arith.addf %mul3A_54, %add3A_58 : vector<2048x128xf32>
    %mul3A_60 = arith.constant 5.000000e-01 : f32
    %mul3A_61 = vector.broadcast %mul3A_60 : f32 to vector<2048x128xf32>
    %mul3A_62 = arith.mulf %mul3A_61, %add3A_59 : vector<2048x128xf32>
    %mul3A_63 = arith.constant 0.707106769 : f32
    %mul3A_64 = vector.broadcast %mul3A_63 : f32 to vector<2048x128xf32>
    %mul3A_65 = arith.mulf %add3A_59, %mul3A_64 : vector<2048x128xf32>
    %erf3A = math.erf %mul3A_65 : vector<2048x128xf32>
    %add3A_66 = arith.constant 1.000000e+00 : f32
    %add3A_67 = vector.broadcast %add3A_66 : f32 to vector<2048x128xf32>
    %add3A_68 = arith.addf %add3A_67, %erf3A : vector<2048x128xf32>
    %mul3A_69 = arith.mulf %mul3A_62, %add3A_68 : vector<2048x128xf32>
    %swap3A = arith.constant 0 : index
    %swap3A_70 = arith.constant 0 : index
    %swap3A_71 = vector.load %arg8[%swap3A, %swap3A_70] : memref<2048x128xf32, #tpu.memory_space<vmem>>, vector<2048x128xf32>
    tpu.vector_store %arg8[%swap3A, %swap3A_70], %mul3A_69 {strides = array<i32>} : memref<2048x128xf32, #tpu.memory_space<vmem>>, vector<2048x128xf32>,
    return
  }
  func.func @transform_0(%arg0: i32) -> (i32, i32, i32) {
    %c0_i32 = arith.constant 0 : i32
    %c0_i32_0 = arith.constant 0 : i32
    %c0_i32_1 = arith.constant 0 : i32
    return %c0_i32, %arg0, %c0_i32_0 : i32, i32, i32
  }
  func.func @transform_1(%arg0: i32) -> (i32, i32, i32) {
    %c0_i32 = arith.constant 0 : i32
    %c0_i32_0 = arith.constant 0 : i32
    %c0_i32_1 = arith.constant 0 : i32
    return %c0_i32, %arg0, %c0_i32_0 : i32, i32, i32
  }
  func.func @transform_2(%arg0: i32) -> (i32, i32) {
    %c0_i32 = arith.constant 0 : i32
    %c0_i32_0 = arith.constant 0 : i32
    return %arg0, %c0_i32 : i32, i32
  }
  func.func @transform_3(%arg0: i32) -> (i32, i32) {
    %c0_i32 = arith.constant 0 : i32
    %c0_i32_0 = arith.constant 0 : i32
    %c0_i32_1 = arith.constant 0 : i32
    return %c0_i32, %c0_i32_0 : i32, i32
  }
  func.func @transform_4(%arg0: i32) -> (i32, i32) {
    %c0_i32 = arith.constant 0 : i32
    %c0_i32_0 = arith.constant 0 : i32
    %c0_i32_1 = arith.constant 0 : i32
    return %c0_i32, %c0_i32_0 : i32, i32
  }
  func.func @transform_5(%arg0: i32) -> (i32, i32) {
    %c0_i32 = arith.constant 0 : i32
    %c0_i32_0 = arith.constant 0 : i32
    %c0_i32_1 = arith.constant 0 : i32
    return %c0_i32, %c0_i32_0 : i32, i32
  }
  func.func @transform_6(%arg0: i32) -> (i32, i32) {
    %c0_i32 = arith.constant 0 : i32
    %c0_i32_0 = arith.constant 0 : i32
    %c0_i32_1 = arith.constant 0 : i32
    return %c0_i32, %c0_i32_0 : i32, i32
  }
  func.func @transform_7(%arg0: i32) -> (i32, i32) {
    %c0_i32 = arith.constant 0 : i32
    %c0_i32_0 = arith.constant 0 : i32
    return %arg0, %c0_i32 : i32, i32
  }
}

</mosaic_0001>

<sc_bundles>
// kernel: kernel.6.cloned.1.call-start
scs
__scs_entry_jumppad:
0x0: {  	(pc) =	sbr.rel $0x88, $3  }
0x1: {  	(tag) =	ssettag $0x0;
	lr =	simm.s32 $0x1  }
0x2: {  	[smem:$0x3F94] =	sst lr;
	_ =	strace $0xD0000000  }
0x3: {  	_ = 	snop  }
0x4: {  	_ = 	snop  }
0x5: {  	_ = 	snop  }
0x6: {  	_ = 	snop  }
0x7: {  	_ = 	snop  }
__scs_overlays_trampoline_lowered:
0x8: {  	[smem:$0x3FA3] =	sst s0  }
0x9: {  	[smem:$0x3FA4] =	sst s1  }
0xa: {  	[smem:$0x3FA5] =	sst s2  }
0xb: {  	[smem:$0x3FA6] =	sst s3  }
0xc: {  	[smem:$0x3FA7] =	sst s4  }
0xd: {  	[smem:$0x3FA8] =	sst s5  }
0xe: {  	[smem:$0x3FA9] =	sst s6  }
0xf: {  	[smem:$0x3FAA] =	sst s7  }
0x10: {  	[smem:$0x3FAB] =	sst s8  }
0x11: {  	[smem:$0x3FAC] =	sst s9;
	s0 =	simm.s32 @!p0 $0x0  }
0x12: {  	s1 =	sld [smem:$0x3F92];
	s0 =	simm.s32 @p0 $0x1  }
0x13: {  	[smem:$0x3FAD] =	sst s0;
	s0 =	simm.s32 @!p1 $0x0  }
0x14: {  	s2 =	sld [smem:$0x3F91];
	s0 =	simm.s32 @p1 $0x1  }
0x15: {  	[smem:$0x3FAE] =	sst s0;
	s0 =	simm.s32 @!p2 $0x0  }
0x16: {  	s3 =	sld [smem:$0x3FDB];
	s0 =	simm.s32 @p2 $0x1  }
0x17: {  	s4 =	simm.s32 $0x1BF5;
	[smem:$0x3FB0] =	sst s0  }
0x18: {  	s0 =	sld [smem:$0x3F93];
	_ =	swait.ge [sflag:s4], $0x0  }
0x19: {  	s7 =	sld [smem:$0x3F94]  }
0x1a: {  	s8 =	sadd.s32 $0xFFFFE003, lr  }
0x1b: {  	s9 =	sadd.s32 $0xFFFFFEF7, lr;
	s5 =	simm.s32 $0xFFFFFFFF;
	p2 =	slt.u32 s8, $0xFFFFF086  }
0x1c: {  	p1 =	slt.u32 s9, $0xF7A;
	s5 =	simm.s32 @!p2 $0x0  }
0x1d: {  	s5 =	simm.s32 @p1 $0x1;
	p0 =	seq.s32 s7, s2  }
0x1e: {  	s7 =	smul.u32 @!p0 $0xF7A, s2;
	p2 =	seq.s32 @!p0 s5, $0x0  }
0x1f: {  	s9 =	smul.u32 $0xF7A, s1;
	s8 =	simm.s32 @!p0 $0x1BF5;
	p2 =	por !p2, p0  }
0x20: {  	[sflag:s8] =	ssyncset.s32 @!p0 $0xFFFFF086;
	s6 =	sadd.s32 @!p0 s3, s7;
	s7 =	simm.s32 @!p0 $0x108  }
0x21: {  	s3 =	sadd.s32 s3, s9;
	s6 =	sadd.s32 @!p0 $0x88, s6;
	s7 =	simm.s32 @p2 $0x1082  }
0x22: {  	[simem:s7], [sflag:s8] =	dma.local @!p0 [hbm:s6], $0xF7A  }
0x23: {  	s9 =	sor.u32 $0xD0000000, s2;
	s6 =	simm.s32 $0x108;
	_ =	swait.ge @!p0 [sflag:s8], $0x0  }
0x24: {  	s3 =	sadd.s32 $0x88, s3;
	s6 =	simm.s32 @!p1 $0x1082;
	[sflag:s4] =	ssyncset.s32 $0xFFFFF086  }
0x25: {  	[simem:s6], [sflag:s4] =	dma.local [hbm:s3], $0xF7A  }
0x26: {  	[smem:$0x3F94] =	sst s1;
	(tag) =	ssettag s2;
	_ =	strace s9  }
0x27: {  	s1 =	sld [smem:$0x3FA4]  }
0x28: {  	s2 =	sld [smem:$0x3FA5]  }
0x29: {  	s4 =	sld [smem:$0x3FA7]  }
0x2a: {  	p0 =	seq.s32 s5, $0x0;
	s5 =	sld [smem:$0x3FA8]  }
0x2b: {  	s6 =	sld [smem:$0x3FA9]  }
0x2c: {  	s7 =	sld [smem:$0x3FAA]  }
0x2d: {  	s3 =	simm.s32 $0x108;
	s8 =	sld [smem:$0x3FAB]  }
0x2e: {  	s3 =	simm.s32 @!p0 $0x1082;
	s9 =	sld [smem:$0x3FAC]  }
0x2f: {  	lr =	sadd.s32 s0, s3;
	s0 =	sld [smem:$0x3FA3]  }
0x30: {  	s3 =	sld [smem:$0x3FA6]  }
0x31: {  	[smem:$0x3FAF] =	sst s10  }
0x32: {  	s10 =	sld [smem:$0x3FAD];
	_ =	sdelay $0x3  }
0x33: {  	p0 =	seq.s32 s10, $0x1;
	s10 =	sld [smem:$0x3FAF];
	_ =	sdelay $0x3  }
0x34: {  	[smem:$0x3FAF] =	sst s10  }
0x35: {  	s10 =	sld [smem:$0x3FAE];
	_ =	sdelay $0x3  }
0x36: {  	p1 =	seq.s32 s10, $0x1;
	s10 =	sld [smem:$0x3FAF];
	_ =	sdelay $0x3  }
0x37: {  	[smem:$0x3FAF] =	sst s10  }
0x38: {  	s10 =	sld [smem:$0x3FB0]  }
0x39: {  	_ = 	snop;
	(pc) =	sbr.ind lr, $3  }
0x3a: {  	_ = 	snop  }
0x3b: {  	_ = 	snop  }
0x3c: {  	p2 =	seq.s32 s10, $0x1;
	s10 =	sld [smem:$0x3FAF]  }
0x3d: {  	_ =	shalt  }
0x3e: {  	_ =	shalt  }
0x3f: {  	_ =	shalt  }
0x40: {  	_ =	shalt  }
0x41: {  	_ =	shalt  }
0x42: {  	_ =	shalt  }
0x43: {  	_ =	shalt  }
0x44: {  	_ =	shalt  }
0x45: {  	_ =	shalt  }
0x46: {  	_ =	shalt  }
0x47: {  	_ =	shalt  }
0x48: {  	_ =	shalt  }
0x49: {  	_ =	shalt  }
0x4a: {  	_ =	shalt  }
0x4b: {  	_ =	shalt  }
0x4c: {  	_ =	shalt  }
0x4d: {  	_ =	shalt  }
0x4e: {  	_ =	shalt  }
0x4f: {  	_ =	shalt  }
0x50: {  	_ =	shalt  }
0x51: {  	_ =	shalt  }
0x52: {  	_ =	shalt  }
0x53: {  	_ =	shalt  }
0x54: {  	_ =	shalt  }
0x55: {  	_ =	shalt  }
0x56: {  	_ =	shalt  }
0x57: {  	_ =	shalt  }
0x58: {  	_ =	shalt  }
0x59: {  	_ =	shalt  }
0x5a: {  	_ =	shalt  }
0x5b: {  	_ =	shalt  }
0x5c: {  	_ =	shalt  }
0x5d: {  	_ =	shalt  }
0x5e: {  	_ =	shalt  }
0x5f: {  	_ =	shalt  }
0x60: {  	_ =	shalt  }
0x61: {  	_ =	shalt  }
0x62: {  	_ =	shalt  }
0x63: {  	_ =	shalt  }
0x64: {  	_ =	shalt  }
0x65: {  	_ =	shalt  }
0x66: {  	_ =	shalt  }
0x67: {  	_ =	shalt  }
0x68: {  	_ =	shalt  }
0x69: {  	_ =	shalt  }
0x6a: {  	_ =	shalt  }
0x6b: {  	_ =	shalt  }
0x6c: {  	_ =	shalt  }
0x6d: {  	_ =	shalt  }
0x6e: {  	_ =	shalt  }
0x6f: {  	_ =	shalt  }
0x70: {  	_ =	shalt  }
0x71: {  	_ =	shalt  }
0x72: {  	_ =	shalt  }
0x73: {  	_ =	shalt  }
0x74: {  	_ =	shalt  }
0x75: {  	_ =	shalt  }
0x76: {  	_ =	shalt  }
0x77: {  	_ =	shalt  }
0x78: {  	_ =	shalt  }
0x79: {  	_ =	shalt  }
0x7a: {  	_ =	shalt  }
0x7b: {  	_ =	shalt  }
0x7c: {  	_ =	shalt  }
0x7d: {  	_ =	shalt  }
0x7e: {  	_ =	shalt  }
0x7f: {  	_ =	shalt  }
0x80: {  	_ =	shalt  }
0x81: {  	_ =	shalt  }
0x82: {  	_ =	shalt  }
0x83: {  	_ =	shalt  }
0x84: {  	_ =	shalt  }
0x85: {  	_ =	shalt  }
0x86: {  	_ =	shalt  }
0x87: {  	_ =	shalt  }
.Lfunc_end0:
.L_simem_size_0:
called_computation_lowered:
.L_overlay_start_0:
0x88: {  	s2 =	sld [smem:$0x3FD9]  }
0x89: {  	s3 =	sld [smem:$0x3FFE];
	_ =	sdelay $0x1  }
0x8a: {  	s1 =	srdreg.scid  }
0x8b: {  	s0 =	sand.u32 $0x1, s1  }
0x8c: {  	s17 =	sshll.u32 s0, $0xA;
	s2 =	sadd.s32 s3, s2  }
0x8d: {  	s2 =	sadd.s32 s2, s17  }
0x8e: {  	[smem:$0x3FBB] =	sst s2  }
0x8f: {  	_ = 	snop  }
0x90: {  	s2 =	sld [smem:$0x3FD0];
	(tm) =	ssettm $0x1  }
0x91: {  	s18 =	sld [smem:$0x3FFB];
	_ =	sdelay $0x3  }
0x92: {  	_ =	strace s18  }
0x93: {  	s3 =	sld [smem:$0x3FFC];
	_ =	sdelay $0x3  }
0x94: {  	_ =	strace s3  }
0x95: {  	s3 =	sld [smem:$0x3FFD];
	_ =	sdelay $0x3  }
0x96: {  	_ =	strace s3  }
0x97: {  	_ =	strace $0x8FFFFFFF  }
0x98: {  	s19 =	sld [smem:$0x3FDB];
	_ =	sdelay $0x1  }
0x99: {  	s4 =	simm.s32 $_scs_section_size  }
0x9a: {  	s5 =	simm.s32 $_size__tile_overlayer_lowered;
	s6 =	simm.s32 $_tile_overlayer_lowered  }
0x9b: {  	s22 =	simm.s32 $0x1BFF;
	s21 =	sshll.u32 s6, $0x1;
	s3 =	sadd.s32 s4, s19  }
0x9c: {  	s7 =	simm.s32 $0x0;
	s20 =	sshll.u32 s5, $0x1;
	s5 =	sadd.s32 s21, s3  }
0x9d: {  	[timem:s7], [sflag:s22] =	dma.local [hbm:s5], s20  }
0x9e: {  	_ =	swait.ge [sflag:s22], s20  }
0x9f: {  	s4 =	ssub.s32 $0x0, s20;
	[sflag:s22] =	ssyncset.done $0x0  }
0xa0: {  	[sflag:s22] =	ssyncadd.s32 s4;
	_ =	sdelay $0x1  }
0xa1: {  	s23 =	simm.s32 $0x1B8B  }
0xa2: {  	_ =	swait.ge [sflag:s23], $0x1  }
0xa3: {  	[sflag:s23] =	ssyncset.done $0x0  }
0xa4: {  	s25 =	simm.s32 $0x1B8E;
	s24 =	sld [smem:$0x3FFE];
	[sflag:s23] =	ssyncadd.s32 $0xFFFFFFFF  }
0xa5: {  	s26 =	simm.s32 $execute0_lowered;
	[smem:$0x3FD2] =	sst s25  }
0xa6: {  	s5 =	sshll.u32 s26, $0x1;
	_ =	strace $0x80000046;
	[dreg:$0x1] =	wrdreg $0xFFFFFFFF  }
0xa7: {  	s28 =	simm.s32 $_size_execute0_lowered;
	s3 =	sadd.s32 s3, s5;
	[dreg:$0x0] =	wrdreg $0x0  }
0xa8: {  	s5 =	sshll.u32 s28, $0x1;
	[dreg:$0x2] =	wrdreg s3  }
0xa9: {  	[dreg:$0x3] =	wrdreg s5  }
0xaa: {  	[dreg:$0x4] =	wrdreg $0xC0  }
0xab: {  	_ =	task [dreg:s7], $0x5FFFF  }
0xac: {  	[dreg:$0x1] =	wrdreg $0xFFFFFFFF  }
0xad: {  	[dreg:$0x0] =	wrdreg $0x60  }
0xae: {  	[dreg:$0x2] =	wrdreg s2  }
0xaf: {  	[dreg:$0x3] =	wrdreg s24  }
0xb0: {  	[dreg:$0x4] =	wrdreg $0xB4000  }
0xb1: {  	[dreg:$0x5] =	wrdreg $0x9  }
0xb2: {  	_ =	task.clear_ibuf [dreg:s7], $0x6FFFF;
	_ =	strace $0x90000046  }
0xb3: {  	s29 =	simm.s32 $0x9;
	_ =	strace $0x80000048  }
0xb4: {  	_ =	swait.ge [sflag:s29], $0x1  }
0xb5: {  	[sflag:s29] =	ssyncadd.s32 $0xFFFFFFFF  }
0xb6: {  	_ =	strace $0x90000048  }
0xb7: {  	_ =	sfence  }
0xb8: {  	s30 =	sld [smem:$0x0];
	_ =	sdelay $0x2  }
0xb9: {  	s31 =	sshll.u32 s1, $0xD;
	s1 =	sshrl.u32 s1, $0x2  }
0xba: {  	s3 =	sand.u32 $0x4000, s31;
	s1 =	sadd.s32 s1, s30  }
0xbb: {  	s0 =	sor.u32 s3, s0;
	s1 =	sshll.u32 s1, $0x11  }
0xbc: {  	s0 =	sor.u32 s1, s0  }
0xbd: {  	s0 =	sadd.s32 $0x8F2B, s0  }
0xbe: {  	[sflag:s0] =	ssyncadd.remote.s32 $0x1  }
0xbf: {  	_ =	sfence.sel $0xFFFF  }
0xc0: {  	[dreg:$0x0] =	wrdreg $0xFFFFFFFF;
	(pc) =	sbr.abs _section_cstart, $3  }
0xc1: {  	[dreg:$0x1] =	wrdreg $0xFFFFFFFF  }
0xc2: {  	_ =	task.clear_ibuf [dreg:s7], $0x2FFFF;
	_ =	strace $0x9FFFFFFF  }
0xc3: {  	(tm) =	ssettm $0x7FFFFFFF  }
tec
execute0_lowered:
.L_overlay_start_1:
0x0: {  	(tag) =	ssettag $0x1  }
0x1: {  	s1 =	rddreg [dreg:$0x0]  }
0x2: {  	s0 =	rddreg [dreg:$0x1]  }
0x3: {  	s2 =	rddreg [dreg:$0x2];
	s3 =	simm.s32 $0x0;
	s20 =	srdreg.scid  }
0x4: {  	s10 =	stileid.u32;
	s17 =	simm.s32 $0xC00;
	s18 =	simm.s32 $0x5  }
0x5: {  	s28 =	simm.s32 $0x1;
	s29 =	simm.s32 $0x4C00;
	s30 =	simm.s32 $0x5C00  }
0x6: {  	s31 =	simm.s32 $0x6C00;
	s12 =	simm.s32 $0x4;
	s13 =	simm.s32 $0x0  }
0x7: {  	[smem:$0x7FF] =	sst s3;
	s3 =	sand.u32 $0x1, s20;
	s4 =	smul.u32 $0x2800, s10  }
0x8: {  	s5 =	sshll.u32 s10, $0x1;
	s6 =	sadd.s32 $0x4EE000, s0;
	s10 =	smul.u32 $0x50000, s10  }
0x9: {  	_ =	strace $0x80000047;
	s7 =	smul.u32 $0x28000, s3;
	s8 =	sor.u32 s3, s5  }
0xa: {  	s5 =	sadd.s32 $0x4E4000, s0;
	s3 =	ssub.s32 $0x2, s3;
	s9 =	smul.u32 $0x500, s8  }
0xb: {  	s11 =	sshrl.u32 s3, $0x1;
	s21 =	sshrl.u32 s10, $0x2;
	s10 =	simm.s32 $0x2  }
0xc: {  	s4 =	sadd.s32 s4, s7;
	s7 =	sadd.s32 $0x2000, s0;
	s3 =	ssub.s32 s3, s11  }
0xd: {  	s14 =	sadd.s32 s21, s2;
	s21 =	simm.s32 $0x20;
	s11 =	simm.s32 $0x3  }
0xe: {  	s4 =	sadd.s32 s4, s0;
	s22 =	smax.u32 s3, $0x1;
	[dreg:$0x4] =	wrdreg s14  }
0xf: {  	s0 =	sadd.s32 s9, s0;
	s23 =	sadd.s32 $0x4000, s14;
	[dreg:$0x7] =	wrdreg s22  }
0x10: {  	v0 =	vimm.f32 $0.0e+00;
	v1 =	vimm.f32 $1.000000000e+00;
	v2 =	vimm.s32 $0x0;
	s9 =	smul.u32 $0x2800, s8;
	s24 =	sadd.s32 $0x8000, s14;
	[dreg:$0x8] =	wrdreg s23  }
0x11: {  	v3 =	vimm.s32 $0x1;
	v4 =	vimm.s32 $0x2;
	v5 =	vimm.s32 $0x3;
	s25 =	sadd.s32 $0xC000, s14;
	s26 =	sadd.s32 $0x10000, s14;
	[dreg:$0x9] =	wrdreg s24  }
0x12: {  	v6 =	vimm.s32 $0x4;
	v7 =	vimm.s32 $0x5;
	v8 =	vimm.s32 $0x6;
	s3 =	simm.s32 $0x80;
	s4 =	sadd.s32 $0xC000, s4;
	[dreg:$0xa] =	wrdreg s25  }
0x13: {  	v9 =	vimm.s32 $0x7;
	v10 =	vimm.s32 $0x8;
	v11 =	vimm.s32 $0x9;
	s0 =	sadd.s32 $0x5C000, s0;
	[dreg:$0xb] =	wrdreg s26;
	s24 =	simm.s32 $0x2C00  }
0x14: {  	v12 =	vimm.s32 $0xA;
	v13 =	vimm.s32 $0xB;
	v14 =	vimm.s32 $0xC;
	s25 =	simm.s32 $0x60;
	s26 =	simm.s32 $0x3C00;
	[dreg:$0x5] =	wrdreg s4  }
0x15: {  	v15 =	vimm.s32 $0xD;
	v16 =	vimm.s32 $0xE;
	v17 =	vimm.s32 $0xF;
	[dreg:$0x6] =	wrdreg s0;
	s0 =	simm.s32 $0x7C00;
	s4 =	simm.s32 $0x8C00  }
.LBB2_1:
0x16: {  	[dreg:$0xc] =	wrdreg s13;
	s8 =	simm.s32 $0x0;
	s13 =	simm.s32 $0x200  }
.LBB2_2:
0x17: {  	p0 =	sne.s32 s13, $0xFE00;
	[tilespmem:s8+$0xC70] =	vst v0  }
0x18: {  	[tilespmem:s8+$0xC00] =	vst v0  }
0x19: {  	[tilespmem:s8+$0xC10] =	vst v0  }
.Ltmp0:
0x1a: {  	[tilespmem:s8+$0xC20] =	vst v0;
	(pc) =	sbr.rel @p0 .LBB2_2-.Ltmp0, $4  }
0x1b: {  	[tilespmem:s8+$0xC30] =	vst v0  }
0x1c: {  	[tilespmem:s8+$0xC40] =	vst v0  }
0x1d: {  	[tilespmem:s8+$0xC50] =	vst v0  }
0x1e: {  	[tilespmem:s8+$0xC60] =	vst v0;
	s8 =	sshra.s32 s13, $0x2;
	s13 =	sadd.s32 $0x200, s13  }
0x1f: {  	[tilespmem:s8+$0xC70] =	vst v0  }
0x20: {  	[tilespmem:s8+$0xC00] =	vst v0  }
0x21: {  	[tilespmem:s8+$0xC10] =	vst v0  }
0x22: {  	[tilespmem:s8+$0xC20] =	vst v0  }
0x23: {  	[tilespmem:s8+$0xC30] =	vst v0  }
0x24: {  	[tilespmem:s8+$0xC40] =	vst v0  }
0x25: {  	[tilespmem:s8+$0xC50] =	vst v0  }
0x26: {  	[tilespmem:s8+$0xC60] =	vst v0;
	s8 =	simm.s32 $0x0;
	s13 =	simm.s32 $0x200  }
.LBB2_4:
0x27: {  	p0 =	sne.s32 s13, $0x9E00;
	[tilespmem:s8+$0x8C70] =	vst v0  }
0x28: {  	[tilespmem:s8+$0x8C00] =	vst v0  }
0x29: {  	[tilespmem:s8+$0x8C10] =	vst v0  }
.Ltmp1:
0x2a: {  	[tilespmem:s8+$0x8C20] =	vst v0;
	(pc) =	sbr.rel @p0 .LBB2_4-.Ltmp1, $4  }
0x2b: {  	[tilespmem:s8+$0x8C30] =	vst v0  }
0x2c: {  	[tilespmem:s8+$0x8C40] =	vst v0  }
0x2d: {  	[tilespmem:s8+$0x8C50] =	vst v0  }
0x2e: {  	[tilespmem:s8+$0x8C60] =	vst v0;
	s8 =	sshra.s32 s13, $0x2;
	s13 =	sadd.s32 $0x200, s13  }
0x2f: {  	[tilespmem:s8+$0x8C70] =	vst v0  }
0x30: {  	[tilespmem:s8+$0x8C00] =	vst v0  }
0x31: {  	[tilespmem:s8+$0x8C10] =	vst v0  }
0x32: {  	[tilespmem:s8+$0x8C20] =	vst v0  }
0x33: {  	[tilespmem:s8+$0x8C30] =	vst v0  }
0x34: {  	[tilespmem:s8+$0x8C40] =	vst v0  }
0x35: {  	[tilespmem:s8+$0x8C50] =	vst v0  }
0x36: {  	[tilespmem:s8+$0x8C60] =	vst v0  }
0x37: {  	[spmem:s14] =	stream.linear.scatter [tilespmem:s17], [sflag:$0x5], $0x4000, $0x38;
	[tilespmem:$0x1F400] =	vst v63  }
0x38: {  	_ =	swait.ge [sflag:s18], $0x4000  }
0x39: {  	[sflag:s18] =	ssyncset.done $0x0  }
0x3a: {  	s19 =	rddreg [dreg:$0x8];
	[sflag:s18] =	ssyncadd.s32 $0xFFFFC000  }
0x3b: {  	[spmem:s19] =	stream.linear.scatter [tilespmem:s17], [sflag:$0x5], $0x4000, $0x38;
	[tilespmem:$0x1F400] =	vst v63  }
0x3c: {  	_ =	swait.ge [sflag:s18], $0x4000  }
0x3d: {  	[sflag:s18] =	ssyncset.done $0x0  }
0x3e: {  	s20 =	rddreg [dreg:$0x9];
	[sflag:s18] =	ssyncadd.s32 $0xFFFFC000  }
0x3f: {  	[spmem:s20] =	stream.linear.scatter [tilespmem:s17], [sflag:$0x5], $0x4000, $0x38;
	[tilespmem:$0x1F400] =	vst v63  }
0x40: {  	_ =	swait.ge [sflag:s18], $0x4000  }
0x41: {  	[sflag:s18] =	ssyncset.done $0x0  }
0x42: {  	s22 =	rddreg [dreg:$0xa];
	[sflag:s18] =	ssyncadd.s32 $0xFFFFC000  }
0x43: {  	[spmem:s22] =	stream.linear.scatter [tilespmem:s17], [sflag:$0x5], $0x4000, $0x38;
	[tilespmem:$0x1F400] =	vst v63  }
0x44: {  	_ =	swait.ge [sflag:s18], $0x4000  }
0x45: {  	[sflag:s18] =	ssyncset.done $0x0  }
0x46: {  	s23 =	rddreg [dreg:$0xb];
	[sflag:s18] =	ssyncadd.s32 $0xFFFFC000  }
0x47: {  	[spmem:s23] =	stream.linear.scatter [tilespmem:s17], [sflag:$0x5], $0x4000, $0x38;
	[tilespmem:$0x1F400] =	vst v63  }
0x48: {  	_ =	swait.ge [sflag:s18], $0x4000  }
0x49: {  	[sflag:s18] =	ssyncset.done $0x0  }
0x4a: {  	[sflag:s18] =	ssyncadd.s32 $0xFFFFC000  }
0x4b: {  	s15 =	simm.s32 $0x0;
	s14 =	simm.s32 $0x0;
	[bflag:$0x0] =	sbarrier.arrive $0xFFFF  }
.LBB2_6:
0x4c: {  	s8 =	sshll.u32 s15, $0xA  }
0x4d: {  	s8 =	sadd.s32 s9, s8  }
0x4e: {  	s8 =	sshrl.u32 s8, $0x3  }
0x4f: {  	s13 =	sadd.s32 s5, s8  }
0x50: {  	[tilespmem:s14], [sflag:$0x5] =	stream.linear.gather [hbm4b:s13+s14], $0x400, $0x38;
	[tilespmem:$0x1F400] =	vst v63  }
0x51: {  	_ =	swait.ge [sflag:s18], $0x400  }
0x52: {  	[sflag:s18] =	ssyncset.done $0x0  }
0x53: {  	s16 =	simm.s32 $0x400;
	s19 =	sadd.s32 s6, s8;
	[sflag:s18] =	ssyncadd.s32 $0xFFFFFC00  }
0x54: {  	[tilespmem:s16], [sflag:$0x5] =	stream.linear.gather [hbm4b:s19+s14], $0x400, $0x38;
	[tilespmem:$0x1F400] =	vst v63  }
0x55: {  	_ =	swait.ge [sflag:s18], $0x400  }
0x56: {  	[sflag:s18] =	ssyncset.done $0x0  }
0x57: {  	s20 =	simm.s32 $0x800;
	s8 =	sadd.s32 s7, s8;
	[sflag:s18] =	ssyncadd.s32 $0xFFFFFC00  }
0x58: {  	[tilespmem:s20], [sflag:$0x5] =	stream.linear.gather [hbm4b:s8+s14], $0x400, $0x38;
	[tilespmem:$0x1F400] =	vst v63  }
0x59: {  	_ =	swait.ge [sflag:s18], $0x400  }
0x5a: {  	[sflag:s18] =	ssyncset.done $0x0  }
0x5b: {  	[sflag:s18] =	ssyncadd.s32 $0xFFFFFC00  }
0x5c: {  	[tilespmem:s17], [sflag:$0x1] =	stream.indirect.gather [hbm4b:s1+s21], $0x80, s14, s21, $0xb8;
	[tilespmem:$0x1F400] =	vst v63  }
0x5d: {  	s22 =	simm.s32 $0x1C00  }
0x5e: {  	[tilespmem:s22], [sflag:$0x1] =	stream.indirect.gather [hbm4b:s1+s21], $0x80, s21, s21, $0xb8;
	[tilespmem:$0x1F400] =	vst v63  }
0x5f: {  	s23 =	simm.s32 $0x40  }
0x60: {  	[tilespmem:s24], [sflag:$0x1] =	stream.indirect.gather [hbm4b:s1+s21], $0x80, s23, s21, $0xb8;
	[tilespmem:$0x1F400] =	vst v63  }
0x61: {  	s16 =	simm.s32 $0x0  }
0x62: {  	[tilespmem:s26], [sflag:$0x1] =	stream.indirect.gather [hbm4b:s1+s21], $0x80, s25, s21, $0xb8;
	[tilespmem:$0x1F400] =	vst v63  }
.LBB2_7:
0x63: {  	_ =	swait.ge [sflag:s28], $0x4000  }
0x64: {  	p0 =	seq.s32 s16, $0x0;
	[sflag:s28] =	ssyncset.done $0x0  }
0x65: {  	s8 =	sshll.u32 s16, $0x1;
	s19 =	simm.s32 @!p0 $0x4;
	[sflag:s28] =	ssyncadd.s32 $0xFFFFC000  }
0x66: {  	s13 =	sor.u32 $0x1, s8;
	_ =	swait.ge @!p0 [sflag:s19], $0x4000  }
0x67: {  	s8 =	sshll.u32 s13, $0x9;
	[sflag:s19] =	ssyncset.done @!p0 $0x0  }
0x68: {  	s8 =	sshrl.u32 s8, $0x2;
	[sflag:s19] =	ssyncadd.s32 @!p0 $0xFFFFC000  }
0x69: {  	[tilespmem:s29], [sflag:$0x2] =	stream.indirect.gather [hbm4b:s1+s21], $0x80, s8, s21, $0xb8;
	[tilespmem:$0x1F400] =	vst v63  }
0x6a: {  	s20 =	sor.u32 $0x20, s8  }
0x6b: {  	[tilespmem:s30], [sflag:$0x2] =	stream.indirect.gather [hbm4b:s1+s21], $0x80, s20, s21, $0xb8;
	[tilespmem:$0x1F400] =	vst v63  }
0x6c: {  	s20 =	sshll.u32 s16, $0x8  }
0x6d: {  	s22 =	sor.u32 $0x40, s8;
	v18 =	vmov s20  }
0x6e: {  	[tilespmem:s31], [sflag:$0x2] =	stream.indirect.gather [hbm4b:s1+s21], $0x80, s22, s21, $0xb8;
	[tilespmem:$0x1F400] =	vst v63  }
0x6f: {  	s23 =	sor.u32 $0x60, s8;
	s19 =	simm.s32 $0x0  }
0x70: {  	[tilespmem:s0], [sflag:$0x2] =	stream.indirect.gather [hbm4b:s1+s21], $0x80, s23, s21, $0xb8;
	[tilespmem:$0x1F400] =	vst v63  }
.LBB2_8:
0x71: {  	s20 =	sshll.u32 s19, $0x4  }
0x72: {  	v20 =	vld.idx.msk [tilespmem:v18+s20+$0x400 ss:$0x1], $0xffff;
	_ =	sdelay $0x6  }
0x73: {  	s23 =	sshll.u32 s19, $0xB;
	v19 =	vld.idx.msk [tilespmem:v18+s20+$0x800 ss:$0x1], $0xffff  }
0x74: {  	s20 =	sand.u32 $0x3FFFF800, s23;
	[tilespmem:v20+s4+$0x0] =	vst.idx.add.f32.msk $0xffff, v1  }
0x75: {  	v20 =	vld [tilespmem:s20+$0xC00]  }
0x76: {  	v21 =	vld [tilespmem:s20+$0xC10]  }
0x77: {  	v22 =	vld [tilespmem:s20+$0xC20]  }
0x78: {  	v24 =	vld [tilespmem:s20+$0xC30]  }
0x79: {  	v23 =	vperm.xlane v19, v2;
	v25 =	vld [tilespmem:s20+$0xC40]  }
0x7a: {  	v26 =	vld [tilespmem:s20+$0xC50]  }
0x7b: {  	v27 =	vld [tilespmem:s20+$0xC60];
	v20 =	vmul.f32 v20, v23  }
0x7c: {  	v63 =	vld [tilespmem:s20+$0xC70];
	v21 =	vmul.f32 v21, v23  }
0x7d: {  	v33 =	vld [tilespmem:s20+$0xC80];
	[tilespmem:s20+$0xC00] =	vst v20;
	v20 =	vmul.f32 v22, v23  }
0x7e: {  	v34 =	vld [tilespmem:s20+$0xC90];
	v32 =	vmul.f32 v24, v23;
	[tilespmem:s20+$0xC10] =	vst v21  }
0x7f: {  	v36 =	vld [tilespmem:s20+$0xCA0];
	[tilespmem:s20+$0xC20] =	vst v20;
	v20 =	vmul.f32 v25, v23  }
0x80: {  	v28 =	vld [tilespmem:s20+$0xCB0];
	v35 =	vmul.f32 v26, v23;
	[tilespmem:s20+$0xC30] =	vst v32  }
0x81: {  	v37 =	vperm.xlane v19, v3;
	v39 =	vld [tilespmem:s20+$0xCC0];
	[tilespmem:s20+$0xC40] =	vst v20;
	v20 =	vmul.f32 v27, v23  }
0x82: {  	v40 =	vld [tilespmem:s20+$0xCD0];
	v38 =	vmul.f32 v63, v23;
	[tilespmem:s20+$0xC50] =	vst v35  }
0x83: {  	v42 =	vld [tilespmem:s20+$0xCE0];
	[tilespmem:s20+$0xC60] =	vst v20;
	v20 =	vmul.f32 v33, v37  }
0x84: {  	v43 =	vld [tilespmem:s20+$0xCF0];
	v41 =	vmul.f32 v34, v37;
	[tilespmem:s20+$0xC70] =	vst v38  }
0x85: {  	v45 =	vld [tilespmem:s20+$0xD00];
	[tilespmem:s20+$0xC80] =	vst v20;
	v20 =	vmul.f32 v36, v37  }
0x86: {  	v46 =	vld [tilespmem:s20+$0xD10];
	v44 =	vmul.f32 v28, v37;
	[tilespmem:s20+$0xC90] =	vst v41  }
0x87: {  	v48 =	vld [tilespmem:s20+$0xD20];
	[tilespmem:s20+$0xCA0] =	vst v20;
	v20 =	vmul.f32 v39, v37  }
0x88: {  	v50 =	vld [tilespmem:s20+$0xD30];
	v47 =	vmul.f32 v40, v37;
	[tilespmem:s20+$0xCB0] =	vst v44  }
0x89: {  	v49 =	vperm.xlane v19, v4;
	v52 =	vld [tilespmem:s20+$0xD40];
	[tilespmem:s20+$0xCC0] =	vst v20;
	v20 =	vmul.f32 v42, v37  }
0x8a: {  	v53 =	vld [tilespmem:s20+$0xD50];
	v51 =	vmul.f32 v43, v37;
	[tilespmem:s20+$0xCD0] =	vst v47  }
0x8b: {  	v55 =	vld [tilespmem:s20+$0xD60];
	[tilespmem:s20+$0xCE0] =	vst v20;
	v20 =	vmul.f32 v45, v49  }
0x8c: {  	v56 =	vld [tilespmem:s20+$0xD70];
	v54 =	vmul.f32 v46, v49;
	[tilespmem:s20+$0xCF0] =	vst v51  }
0x8d: {  	v58 =	vld [tilespmem:s20+$0xD80];
	[tilespmem:s20+$0xD00] =	vst v20;
	v20 =	vmul.f32 v48, v49  }
0x8e: {  	v59 =	vld [tilespmem:s20+$0xD90];
	v57 =	vmul.f32 v50, v49;
	[tilespmem:s20+$0xD10] =	vst v54  }
0x8f: {  	v61 =	vld [tilespmem:s20+$0xDA0];
	[tilespmem:s20+$0xD20] =	vst v20;
	v20 =	vmul.f32 v52, v49  }
0x90: {  	v60 =	vmul.f32 v53, v49;
	v63 =	vld [tilespmem:s20+$0xDB0];
	[tilespmem:s20+$0xD30] =	vst v57  }
0x91: {  	v62 =	vperm.xlane v19, v5;
	v34 =	vld [tilespmem:s20+$0xDD0];
	[tilespmem:s20+$0xD40] =	vst v20;
	v20 =	vmul.f32 v55, v49  }
0x92: {  	[tilespmem:s20+$0xD50] =	vst v60;
	v32 =	vmul.f32 v56, v49;
	v33 =	vld [tilespmem:s20+$0xDC0]  }
0x93: {  	v40 =	vld [tilespmem:s20+$0xE10];
	[tilespmem:s20+$0xD60] =	vst v20;
	v20 =	vmul.f32 v58, v62  }
0x94: {  	v35 =	vmul.f32 v59, v62;
	[tilespmem:s20+$0xD70] =	vst v32;
	v36 =	vld [tilespmem:s20+$0xDE0]  }
0x95: {  	v44 =	vld [tilespmem:s20+$0xE30];
	[tilespmem:s20+$0xD80] =	vst v20;
	v20 =	vmul.f32 v61, v62  }
0x96: {  	[tilespmem:s20+$0xD90] =	vst v35;
	v38 =	vmul.f32 v63, v62;
	v39 =	vld [tilespmem:s20+$0xE00]  }
0x97: {  	v47 =	vld [tilespmem:s20+$0xE50];
	[tilespmem:s20+$0xDA0] =	vst v20;
	v20 =	vmul.f32 v33, v62  }
0x98: {  	v43 =	vperm.xlane v19, v6;
	v41 =	vmul.f32 v34, v62;
	[tilespmem:s20+$0xDB0] =	vst v38;
	v42 =	vld [tilespmem:s20+$0xE20]  }
0x99: {  	v57 =	vld [tilespmem:s20+$0xEB0];
	[tilespmem:s20+$0xDC0] =	vst v20;
	v20 =	vmul.f32 v36, v62  }
0x9a: {  	v46 =	vld [tilespmem:s20+$0xE40];
	[tilespmem:s20+$0xDD0] =	vst v41;
	v51 =	vmul.f32 v44, v43  }
0x9b: {  	v60 =	vld [tilespmem:s20+$0xED0];
	[tilespmem:s20+$0xDE0] =	vst v20;
	v20 =	vmul.f32 v39, v43  }
0x9c: {  	v56 =	vperm.xlane v19, v7;
	v54 =	vmul.f32 v47, v43;
	[tilespmem:s20+$0xE30] =	vst v51;
	v49 =	vld [tilespmem:s20+$0xE60]  }
0x9d: {  	v63 =	vld [tilespmem:s20+$0xEF0];
	[tilespmem:s20+$0xE00] =	vst v20;
	v20 =	vmul.f32 v42, v43  }
0x9e: {  	v31 =	vmul.f32 v57, v56;
	[tilespmem:s20+$0xE50] =	vst v54;
	v52 =	vld [tilespmem:s20+$0xE80]  }
0x9f: {  	v37 =	vld [tilespmem:s20+$0xDF0];
	[tilespmem:s20+$0xE20] =	vst v20;
	v20 =	vmul.f32 v46, v43  }
0xa0: {  	v34 =	vmul.f32 v60, v56;
	[tilespmem:s20+$0xEB0] =	vst v31;
	v55 =	vld [tilespmem:s20+$0xEA0]  }
0xa1: {  	[tilespmem:s20+$0xE40] =	vst v20;
	v20 =	vmul.f32 v49, v43  }
0xa2: {  	v59 =	vld [tilespmem:s20+$0xEC0];
	[tilespmem:s20+$0xED0] =	vst v34;
	v38 =	vmul.f32 v63, v56  }
0xa3: {  	v50 =	vld [tilespmem:s20+$0xE70];
	[tilespmem:s20+$0xE60] =	vst v20;
	v20 =	vmul.f32 v52, v56  }
0xa4: {  	[tilespmem:s20+$0xEF0] =	vst v38;
	v48 =	vmul.f32 v40, v43;
	v45 =	vmul.f32 v37, v62;
	v62 =	vld [tilespmem:s20+$0xEE0]  }
0xa5: {  	v53 =	vld [tilespmem:s20+$0xE90];
	[tilespmem:s20+$0xE80] =	vst v20;
	v20 =	vmul.f32 v55, v56  }
0xa6: {  	v32 =	vld [tilespmem:s20+$0xF00];
	[tilespmem:s20+$0xE10] =	vst v48  }
0xa7: {  	v37 =	vld [tilespmem:s20+$0xF30];
	[tilespmem:s20+$0xEA0] =	vst v20;
	v20 =	vmul.f32 v59, v56  }
0xa8: {  	v35 =	vld [tilespmem:s20+$0xF20];
	[tilespmem:s20+$0xDF0] =	vst v45;
	v58 =	vmul.f32 v50, v43  }
0xa9: {  	v40 =	vld [tilespmem:s20+$0xF50];
	v36 =	vperm.xlane v19, v8;
	[tilespmem:s20+$0xEC0] =	vst v20;
	v20 =	vmul.f32 v62, v56  }
0xaa: {  	[tilespmem:s20+$0xE70] =	vst v58;
	v61 =	vmul.f32 v53, v56;
	v39 =	vld [tilespmem:s20+$0xF40]  }
0xab: {  	v33 =	vld [tilespmem:s20+$0xF10];
	[tilespmem:s20+$0xEE0] =	vst v20;
	v20 =	vmul.f32 v32, v36  }
0xac: {  	[tilespmem:s20+$0xE90] =	vst v61;
	v44 =	vmul.f32 v37, v36;
	v42 =	vld [tilespmem:s20+$0xF60]  }
0xad: {  	v50 =	vld [tilespmem:s20+$0xFB0];
	[tilespmem:s20+$0xF00] =	vst v20;
	v20 =	vmul.f32 v35, v36  }
0xae: {  	v45 =	vld [tilespmem:s20+$0xF80];
	v47 =	vmul.f32 v40, v36;
	[tilespmem:s20+$0xF30] =	vst v44  }
0xaf: {  	v53 =	vld [tilespmem:s20+$0xFD0];
	[tilespmem:s20+$0xF20] =	vst v20;
	v20 =	vmul.f32 v39, v36  }
0xb0: {  	v48 =	vld [tilespmem:s20+$0xFA0];
	v41 =	vmul.f32 v33, v36;
	[tilespmem:s20+$0xF50] =	vst v47;
	v49 =	vperm.xlane v19, v9  }
0xb1: {  	v46 =	vld [tilespmem:s20+$0xF90];
	[tilespmem:s20+$0xF40] =	vst v20;
	v20 =	vmul.f32 v42, v36  }
0xb2: {  	[tilespmem:s20+$0xF10] =	vst v41;
	v52 =	vld [tilespmem:s20+$0xFC0];
	v57 =	vmul.f32 v50, v49  }
0xb3: {  	v43 =	vld [tilespmem:s20+$0xF70];
	[tilespmem:s20+$0xF60] =	vst v20;
	v20 =	vmul.f32 v45, v49  }
0xb4: {  	v60 =	vmul.f32 v53, v49;
	v55 =	vld [tilespmem:s20+$0xFE0];
	[tilespmem:s20+$0xFB0] =	vst v57  }
0xb5: {  	v44 =	vld [tilespmem:s20+$0x10B0];
	[tilespmem:s20+$0xF80] =	vst v20;
	v20 =	vmul.f32 v48, v49  }
0xb6: {  	v58 =	vld [tilespmem:s20+$0x1000];
	v54 =	vmul.f32 v46, v49;
	[tilespmem:s20+$0xFD0] =	vst v60  }
0xb7: {  	v47 =	vld [tilespmem:s20+$0x10D0];
	[tilespmem:s20+$0xFA0] =	vst v20;
	v20 =	vmul.f32 v52, v49  }
0xb8: {  	v61 =	vld [tilespmem:s20+$0x1020];
	v51 =	vmul.f32 v43, v36;
	[tilespmem:s20+$0xF90] =	vst v54;
	v43 =	vperm.xlane v19, v11  }
0xb9: {  	v63 =	vld [tilespmem:s20+$0x1030];
	v62 =	vperm.xlane v19, v10;
	[tilespmem:s20+$0xFC0] =	vst v20;
	v20 =	vmul.f32 v55, v49  }
0xba: {  	v33 =	vld [tilespmem:s20+$0x1040];
	[tilespmem:s20+$0xF70] =	vst v51;
	v51 =	vmul.f32 v44, v43  }
0xbb: {  	v34 =	vld [tilespmem:s20+$0x1050];
	[tilespmem:s20+$0xFE0] =	vst v20;
	v20 =	vmul.f32 v58, v62  }
0xbc: {  	v54 =	vmul.f32 v47, v43;
	[tilespmem:s20+$0x10B0] =	vst v51;
	v36 =	vld [tilespmem:s20+$0x1060]  }
0xbd: {  	v59 =	vld [tilespmem:s20+$0x1010];
	[tilespmem:s20+$0x1000] =	vst v20;
	v20 =	vmul.f32 v61, v62  }
0xbe: {  	[tilespmem:s20+$0x10D0] =	vst v54;
	v38 =	vmul.f32 v63, v62;
	v39 =	vld [tilespmem:s20+$0x1080]  }
0xbf: {  	v56 =	vld [tilespmem:s20+$0xFF0];
	[tilespmem:s20+$0x1020] =	vst v20;
	v20 =	vmul.f32 v33, v62  }
0xc0: {  	v41 =	vmul.f32 v34, v62;
	[tilespmem:s20+$0x1030] =	vst v38;
	v42 =	vld [tilespmem:s20+$0x10A0]  }
0xc1: {  	v57 =	vld [tilespmem:s20+$0x1130];
	[tilespmem:s20+$0x1040] =	vst v20;
	v20 =	vmul.f32 v36, v62  }
0xc2: {  	v46 =	vld [tilespmem:s20+$0x10C0];
	v35 =	vmul.f32 v59, v62;
	[tilespmem:s20+$0x1050] =	vst v41  }
0xc3: {  	v60 =	vld [tilespmem:s20+$0x1150];
	[tilespmem:s20+$0x1060] =	vst v20;
	v20 =	vmul.f32 v39, v43  }
0xc4: {  	v32 =	vmul.f32 v56, v49;
	v56 =	vperm.xlane v19, v12;
	[tilespmem:s20+$0x1010] =	vst v35;
	v49 =	vld [tilespmem:s20+$0x10E0]  }
0xc5: {  	v63 =	vld [tilespmem:s20+$0x1170];
	[tilespmem:s20+$0x1080] =	vst v20;
	v20 =	vmul.f32 v42, v43  }
0xc6: {  	[tilespmem:s20+$0xFF0] =	vst v32;
	v31 =	vmul.f32 v57, v56;
	v52 =	vld [tilespmem:s20+$0x1100]  }
0xc7: {  	v37 =	vld [tilespmem:s20+$0x1070];
	[tilespmem:s20+$0x10A0] =	vst v20;
	v20 =	vmul.f32 v46, v43  }
0xc8: {  	v34 =	vmul.f32 v60, v56;
	[tilespmem:s20+$0x1130] =	vst v31;
	v55 =	vld [tilespmem:s20+$0x1120]  }
0xc9: {  	v40 =	vld [tilespmem:s20+$0x1090];
	[tilespmem:s20+$0x10C0] =	vst v20;
	v20 =	vmul.f32 v49, v43  }
0xca: {  	v59 =	vld [tilespmem:s20+$0x1140];
	v38 =	vmul.f32 v63, v56;
	[tilespmem:s20+$0x1150] =	vst v34  }
0xcb: {  	v50 =	vld [tilespmem:s20+$0x10F0];
	[tilespmem:s20+$0x10E0] =	vst v20;
	v20 =	vmul.f32 v52, v56  }
0xcc: {  	[tilespmem:s20+$0x1170] =	vst v38;
	v45 =	vmul.f32 v37, v62;
	v62 =	vld [tilespmem:s20+$0x1160]  }
0xcd: {  	v53 =	vld [tilespmem:s20+$0x1110];
	[tilespmem:s20+$0x1100] =	vst v20;
	v20 =	vmul.f32 v55, v56  }
0xce: {  	v32 =	vld [tilespmem:s20+$0x1180];
	[tilespmem:s20+$0x1070] =	vst v45;
	v48 =	vmul.f32 v40, v43  }
0xcf: {  	v37 =	vld [tilespmem:s20+$0x11B0];
	[tilespmem:s20+$0x1120] =	vst v20;
	v20 =	vmul.f32 v59, v56  }
0xd0: {  	v35 =	vld [tilespmem:s20+$0x11A0];
	[tilespmem:s20+$0x1090] =	vst v48;
	v58 =	vmul.f32 v50, v43  }
0xd1: {  	v40 =	vld [tilespmem:s20+$0x11D0];
	v36 =	vperm.xlane v19, v13;
	[tilespmem:s20+$0x1140] =	vst v20;
	v20 =	vmul.f32 v62, v56  }
0xd2: {  	[tilespmem:s20+$0x10F0] =	vst v58;
	v61 =	vmul.f32 v53, v56;
	v39 =	vld [tilespmem:s20+$0x11C0]  }
0xd3: {  	v33 =	vld [tilespmem:s20+$0x1190];
	[tilespmem:s20+$0x1160] =	vst v20;
	v20 =	vmul.f32 v32, v36  }
0xd4: {  	[tilespmem:s20+$0x1110] =	vst v61;
	v44 =	vmul.f32 v37, v36;
	v42 =	vld [tilespmem:s20+$0x11E0]  }
0xd5: {  	v50 =	vld [tilespmem:s20+$0x1230];
	[tilespmem:s20+$0x1180] =	vst v20;
	v20 =	vmul.f32 v35, v36  }
0xd6: {  	v45 =	vld [tilespmem:s20+$0x1200];
	v47 =	vmul.f32 v40, v36;
	[tilespmem:s20+$0x11B0] =	vst v44  }
0xd7: {  	v53 =	vld [tilespmem:s20+$0x1250];
	[tilespmem:s20+$0x11A0] =	vst v20;
	v20 =	vmul.f32 v39, v36  }
0xd8: {  	v48 =	vld [tilespmem:s20+$0x1220];
	v41 =	vmul.f32 v33, v36;
	[tilespmem:s20+$0x11D0] =	vst v47;
	v49 =	vperm.xlane v19, v14  }
0xd9: {  	v46 =	vld [tilespmem:s20+$0x1210];
	[tilespmem:s20+$0x11C0] =	vst v20;
	v20 =	vmul.f32 v42, v36  }
0xda: {  	[tilespmem:s20+$0x1190] =	vst v41;
	v52 =	vld [tilespmem:s20+$0x1240];
	v57 =	vmul.f32 v50, v49  }
0xdb: {  	v43 =	vld [tilespmem:s20+$0x11F0];
	[tilespmem:s20+$0x11E0] =	vst v20;
	v20 =	vmul.f32 v45, v49  }
0xdc: {  	v60 =	vmul.f32 v53, v49;
	v55 =	vld [tilespmem:s20+$0x1260];
	[tilespmem:s20+$0x1230] =	vst v57  }
0xdd: {  	v63 =	vld [tilespmem:s20+$0x12B0];
	[tilespmem:s20+$0x1200] =	vst v20;
	v20 =	vmul.f32 v48, v49  }
0xde: {  	v58 =	vld [tilespmem:s20+$0x1280];
	v54 =	vmul.f32 v46, v49;
	[tilespmem:s20+$0x1250] =	vst v60  }
0xdf: {  	v33 =	vld [tilespmem:s20+$0x12D0];
	[tilespmem:s20+$0x1220] =	vst v20;
	v20 =	vmul.f32 v52, v49  }
0xe0: {  	v61 =	vld [tilespmem:s20+$0x12A0];
	v51 =	vmul.f32 v43, v36;
	[tilespmem:s20+$0x1210] =	vst v54;
	v62 =	vperm.xlane v19, v15  }
0xe1: {  	v59 =	vld [tilespmem:s20+$0x1290];
	[tilespmem:s20+$0x1240] =	vst v20;
	v20 =	vmul.f32 v55, v49  }
0xe2: {  	[tilespmem:s20+$0x11F0] =	vst v51;
	v32 =	vld [tilespmem:s20+$0x12C0];
	v37 =	vmul.f32 v63, v62  }
0xe3: {  	v56 =	vld [tilespmem:s20+$0x1270];
	[tilespmem:s20+$0x1260] =	vst v20;
	v20 =	vmul.f32 v58, v62  }
0xe4: {  	v40 =	vmul.f32 v33, v62;
	v35 =	vld [tilespmem:s20+$0x12E0];
	[tilespmem:s20+$0x12B0] =	vst v37  }
0xe5: {  	v43 =	vld [tilespmem:s20+$0x1330];
	[tilespmem:s20+$0x1280] =	vst v20;
	v20 =	vmul.f32 v61, v62  }
0xe6: {  	v38 =	vld [tilespmem:s20+$0x1300];
	v34 =	vmul.f32 v59, v62;
	[tilespmem:s20+$0x12D0] =	vst v40  }
0xe7: {  	v46 =	vld [tilespmem:s20+$0x1350];
	[tilespmem:s20+$0x12A0] =	vst v20;
	v20 =	vmul.f32 v32, v62  }
0xe8: {  	v41 =	vld [tilespmem:s20+$0x1320];
	v31 =	vmul.f32 v56, v49;
	[tilespmem:s20+$0x1290] =	vst v34;
	v42 =	vperm.xlane v19, v16  }
0xe9: {  	v39 =	vld [tilespmem:s20+$0x1310];
	[tilespmem:s20+$0x12C0] =	vst v20;
	v20 =	vmul.f32 v35, v62  }
0xea: {  	[tilespmem:s20+$0x1270] =	vst v31;
	v45 =	vld [tilespmem:s20+$0x1340];
	v50 =	vmul.f32 v43, v42  }
0xeb: {  	v36 =	vld [tilespmem:s20+$0x12F0];
	[tilespmem:s20+$0x12E0] =	vst v20;
	v20 =	vmul.f32 v38, v42  }
0xec: {  	v53 =	vmul.f32 v46, v42;
	v48 =	vld [tilespmem:s20+$0x1360];
	[tilespmem:s20+$0x1330] =	vst v50  }
0xed: {  	v52 =	vld [tilespmem:s20+$0x1390];
	[tilespmem:s20+$0x1300] =	vst v20;
	v20 =	vmul.f32 v41, v42  }
0xee: {  	v51 =	vld [tilespmem:s20+$0x1380];
	v47 =	vmul.f32 v39, v42;
	[tilespmem:s20+$0x1350] =	vst v53  }
0xef: {  	v49 =	vld [tilespmem:s20+$0x1370];
	[tilespmem:s20+$0x1320] =	vst v20;
	v20 =	vmul.f32 v45, v42  }
0xf0: {  	v54 =	vld [tilespmem:s20+$0x13A0];
	v19 =	vperm.xlane v19, v17;
	v44 =	vmul.f32 v36, v62;
	[tilespmem:s20+$0x1310] =	vst v47  }
0xf1: {  	v58 =	vld [tilespmem:s20+$0x13D0];
	[tilespmem:s20+$0x1340] =	vst v20;
	v20 =	vmul.f32 v48, v42  }
0xf2: {  	v57 =	vld [tilespmem:s20+$0x13C0];
	[tilespmem:s20+$0x12F0] =	vst v44;
	v59 =	vmul.f32 v52, v19  }
0xf3: {  	v55 =	vld [tilespmem:s20+$0x13B0];
	[tilespmem:s20+$0x1360] =	vst v20;
	v20 =	vmul.f32 v51, v19  }
0xf4: {  	v60 =	vld [tilespmem:s20+$0x13E0];
	v56 =	vmul.f32 v49, v42;
	[tilespmem:s20+$0x1390] =	vst v59  }
0xf5: {  	v61 =	vld [tilespmem:s20+$0x13F0];
	[tilespmem:s20+$0x1380] =	vst v20;
	v20 =	vmul.f32 v54, v19  }
0xf6: {  	[tilespmem:s20+$0x1370] =	vst v56;
	v63 =	vmul.f32 v58, v19  }
0xf7: {  	p0 =	sne.s32 s19, $0x7;
	[tilespmem:s20+$0x13A0] =	vst v20;
	v20 =	vmul.f32 v57, v19  }
.Ltmp2:
0xf8: {  	v62 =	vmul.f32 v55, v19;
	[tilespmem:s20+$0x13D0] =	vst v63;
	(pc) =	sbr.rel @p0 .LBB2_8-.Ltmp2, $4  }
0xf9: {  	[tilespmem:s20+$0x13C0] =	vst v20;
	v20 =	vmul.f32 v60, v19  }
0xfa: {  	[tilespmem:s20+$0x13B0] =	vst v62;
	v19 =	vmul.f32 v61, v19  }
0xfb: {  	[tilespmem:s20+$0x13E0] =	vst v20  }
0xfc: {  	s19 =	sadd.s32 $0x1, s19;
	[tilespmem:s20+$0x13F0] =	vst v19  }
0xfd: {  	s19 =	sshll.u32 s16, $0xA  }
0xfe: {  	s20 =	sshrl.u32 s19, $0x2  }
0xff: {  	s20 =	sadd.s32 $0x400, s20  }
0x100: {  	[spmem:s2] =	stream.indirect.scatter.add.f32 [tilespmem:s17], [sflag:$0x3], $0x80, s20, s3, $0xb8;
	[tilespmem:$0x1F400] =	vst v63  }
0x101: {  	_ =	swait.ge [sflag:s10], $0x4000  }
0x102: {  	[sflag:s10] =	ssyncset.done $0x0  }
0x103: {  	[sflag:s10] =	ssyncadd.s32 $0xFFFFC000  }
0x104: {  	p0 =	seq.s32 s16, $0x3;
	_ =	swait.ge [sflag:s11], $0x4000  }
0x105: {  	s19 =	sshrl.u32 @!p0 s19, $0x2;
	s22 =	simm.s32 @!p0 $0x20;
	[sflag:s11] =	ssyncset.done $0x0  }
0x106: {  	s23 =	simm.s32 @!p0 $0xC00;
	s20 =	sadd.s32 @!p0 $0x100, s19;
	[sflag:s11] =	ssyncadd.s32 $0xFFFFC000  }
0x107: {  	[tilespmem:s23], [sflag:$0x1] =	stream.indirect.gather @!p0 [hbm4b:s1+s22], $0x80, s20, s22, $0xb8;
	[tilespmem:$0x1F400] =	vst v63  }
0x108: {  	s20 =	sadd.s32 @!p0 $0x120, s19;
	s23 =	simm.s32 @!p0 $0x1C00  }
0x109: {  	[tilespmem:s23], [sflag:$0x1] =	stream.indirect.gather @!p0 [hbm4b:s1+s22], $0x80, s20, s22, $0xb8;
	[tilespmem:$0x1F400] =	vst v63  }
0x10a: {  	s20 =	sadd.s32 @!p0 $0x140, s19;
	s23 =	simm.s32 @!p0 $0x2C00  }
0x10b: {  	[tilespmem:s23], [sflag:$0x1] =	stream.indirect.gather @!p0 [hbm4b:s1+s22], $0x80, s20, s22, $0xb8;
	[tilespmem:$0x1F400] =	vst v63  }
0x10c: {  	s23 =	sshll.u32 s13, $0x7  }
0x10d: {  	v18 =	vmov s23;
	_ =	sdelay $0x1  }
0x10e: {  	s19 =	sadd.s32 @!p0 $0x160, s19;
	s20 =	simm.s32 @!p0 $0x3C00;
	s13 =	simm.s32 $0x0  }
0x10f: {  	[tilespmem:s20], [sflag:$0x1] =	stream.indirect.gather @!p0 [hbm4b:s1+s22], $0x80, s19, s22, $0xb8;
	[tilespmem:$0x1F400] =	vst v63  }
.LBB2_10:
0x110: {  	s19 =	sshll.u32 s13, $0x4  }
0x111: {  	v20 =	vld.idx.msk [tilespmem:v18+s19+$0x400 ss:$0x1], $0xffff;
	_ =	sdelay $0x6  }
0x112: {  	s23 =	sshll.u32 s13, $0xB;
	v19 =	vld.idx.msk [tilespmem:v18+s19+$0x800 ss:$0x1], $0xffff  }
0x113: {  	s19 =	sand.u32 $0x3FFFF800, s23;
	[tilespmem:v20+s4+$0x0] =	vst.idx.add.f32.msk $0xffff, v1  }
0x114: {  	v20 =	vld [tilespmem:s19+$0x4C00]  }
0x115: {  	v21 =	vld [tilespmem:s19+$0x4C10]  }
0x116: {  	v22 =	vld [tilespmem:s19+$0x4C20]  }
0x117: {  	v24 =	vld [tilespmem:s19+$0x4C30]  }
0x118: {  	v23 =	vperm.xlane v19, v2;
	v25 =	vld [tilespmem:s19+$0x4C40]  }
0x119: {  	v26 =	vld [tilespmem:s19+$0x4C50]  }
0x11a: {  	v27 =	vld [tilespmem:s19+$0x4C60];
	v20 =	vmul.f32 v20, v23  }
0x11b: {  	v63 =	vld [tilespmem:s19+$0x4C70];
	v21 =	vmul.f32 v21, v23  }
0x11c: {  	v33 =	vld [tilespmem:s19+$0x4C80];
	[tilespmem:s19+$0x4C00] =	vst v20;
	v20 =	vmul.f32 v22, v23  }
0x11d: {  	v34 =	vld [tilespmem:s19+$0x4C90];
	v32 =	vmul.f32 v24, v23;
	[tilespmem:s19+$0x4C10] =	vst v21  }
0x11e: {  	v36 =	vld [tilespmem:s19+$0x4CA0];
	[tilespmem:s19+$0x4C20] =	vst v20;
	v20 =	vmul.f32 v25, v23  }
0x11f: {  	v28 =	vld [tilespmem:s19+$0x4CB0];
	v35 =	vmul.f32 v26, v23;
	[tilespmem:s19+$0x4C30] =	vst v32  }
0x120: {  	v37 =	vperm.xlane v19, v3;
	v39 =	vld [tilespmem:s19+$0x4CC0];
	[tilespmem:s19+$0x4C40] =	vst v20;
	v20 =	vmul.f32 v27, v23  }
0x121: {  	v40 =	vld [tilespmem:s19+$0x4CD0];
	v38 =	vmul.f32 v63, v23;
	[tilespmem:s19+$0x4C50] =	vst v35  }
0x122: {  	v42 =	vld [tilespmem:s19+$0x4CE0];
	[tilespmem:s19+$0x4C60] =	vst v20;
	v20 =	vmul.f32 v33, v37  }
0x123: {  	v43 =	vld [tilespmem:s19+$0x4CF0];
	v41 =	vmul.f32 v34, v37;
	[tilespmem:s19+$0x4C70] =	vst v38  }
0x124: {  	v45 =	vld [tilespmem:s19+$0x4D00];
	[tilespmem:s19+$0x4C80] =	vst v20;
	v20 =	vmul.f32 v36, v37  }
0x125: {  	v46 =	vld [tilespmem:s19+$0x4D10];
	v44 =	vmul.f32 v28, v37;
	[tilespmem:s19+$0x4C90] =	vst v41  }
0x126: {  	v48 =	vld [tilespmem:s19+$0x4D20];
	[tilespmem:s19+$0x4CA0] =	vst v20;
	v20 =	vmul.f32 v39, v37  }
0x127: {  	v50 =	vld [tilespmem:s19+$0x4D30];
	v47 =	vmul.f32 v40, v37;
	[tilespmem:s19+$0x4CB0] =	vst v44  }
0x128: {  	v49 =	vperm.xlane v19, v4;
	v52 =	vld [tilespmem:s19+$0x4D40];
	[tilespmem:s19+$0x4CC0] =	vst v20;
	v20 =	vmul.f32 v42, v37  }
0x129: {  	v53 =	vld [tilespmem:s19+$0x4D50];
	v51 =	vmul.f32 v43, v37;
	[tilespmem:s19+$0x4CD0] =	vst v47  }
0x12a: {  	v55 =	vld [tilespmem:s19+$0x4D60];
	[tilespmem:s19+$0x4CE0] =	vst v20;
	v20 =	vmul.f32 v45, v49  }
0x12b: {  	v56 =	vld [tilespmem:s19+$0x4D70];
	v54 =	vmul.f32 v46, v49;
	[tilespmem:s19+$0x4CF0] =	vst v51  }
0x12c: {  	v58 =	vld [tilespmem:s19+$0x4D80];
	[tilespmem:s19+$0x4D00] =	vst v20;
	v20 =	vmul.f32 v48, v49  }
0x12d: {  	v59 =	vld [tilespmem:s19+$0x4D90];
	v57 =	vmul.f32 v50, v49;
	[tilespmem:s19+$0x4D10] =	vst v54  }
0x12e: {  	v61 =	vld [tilespmem:s19+$0x4DA0];
	[tilespmem:s19+$0x4D20] =	vst v20;
	v20 =	vmul.f32 v52, v49  }
0x12f: {  	v60 =	vmul.f32 v53, v49;
	v63 =	vld [tilespmem:s19+$0x4DB0];
	[tilespmem:s19+$0x4D30] =	vst v57  }
0x130: {  	v62 =	vperm.xlane v19, v5;
	v34 =	vld [tilespmem:s19+$0x4DD0];
	[tilespmem:s19+$0x4D40] =	vst v20;
	v20 =	vmul.f32 v55, v49  }
0x131: {  	[tilespmem:s19+$0x4D50] =	vst v60;
	v32 =	vmul.f32 v56, v49;
	v33 =	vld [tilespmem:s19+$0x4DC0]  }
0x132: {  	v40 =	vld [tilespmem:s19+$0x4E10];
	[tilespmem:s19+$0x4D60] =	vst v20;
	v20 =	vmul.f32 v58, v62  }
0x133: {  	v35 =	vmul.f32 v59, v62;
	[tilespmem:s19+$0x4D70] =	vst v32;
	v36 =	vld [tilespmem:s19+$0x4DE0]  }
0x134: {  	v44 =	vld [tilespmem:s19+$0x4E30];
	[tilespmem:s19+$0x4D80] =	vst v20;
	v20 =	vmul.f32 v61, v62  }
0x135: {  	[tilespmem:s19+$0x4D90] =	vst v35;
	v38 =	vmul.f32 v63, v62;
	v39 =	vld [tilespmem:s19+$0x4E00]  }
0x136: {  	v47 =	vld [tilespmem:s19+$0x4E50];
	[tilespmem:s19+$0x4DA0] =	vst v20;
	v20 =	vmul.f32 v33, v62  }
0x137: {  	v43 =	vperm.xlane v19, v6;
	v41 =	vmul.f32 v34, v62;
	[tilespmem:s19+$0x4DB0] =	vst v38;
	v42 =	vld [tilespmem:s19+$0x4E20]  }
0x138: {  	v57 =	vld [tilespmem:s19+$0x4EB0];
	[tilespmem:s19+$0x4DC0] =	vst v20;
	v20 =	vmul.f32 v36, v62  }
0x139: {  	v46 =	vld [tilespmem:s19+$0x4E40];
	[tilespmem:s19+$0x4DD0] =	vst v41;
	v51 =	vmul.f32 v44, v43  }
0x13a: {  	v60 =	vld [tilespmem:s19+$0x4ED0];
	[tilespmem:s19+$0x4DE0] =	vst v20;
	v20 =	vmul.f32 v39, v43  }
0x13b: {  	v56 =	vperm.xlane v19, v7;
	v54 =	vmul.f32 v47, v43;
	[tilespmem:s19+$0x4E30] =	vst v51;
	v49 =	vld [tilespmem:s19+$0x4E60]  }
0x13c: {  	v63 =	vld [tilespmem:s19+$0x4EF0];
	[tilespmem:s19+$0x4E00] =	vst v20;
	v20 =	vmul.f32 v42, v43  }
0x13d: {  	v31 =	vmul.f32 v57, v56;
	[tilespmem:s19+$0x4E50] =	vst v54;
	v52 =	vld [tilespmem:s19+$0x4E80]  }
0x13e: {  	v37 =	vld [tilespmem:s19+$0x4DF0];
	[tilespmem:s19+$0x4E20] =	vst v20;
	v20 =	vmul.f32 v46, v43  }
0x13f: {  	v34 =	vmul.f32 v60, v56;
	[tilespmem:s19+$0x4EB0] =	vst v31;
	v55 =	vld [tilespmem:s19+$0x4EA0]  }
0x140: {  	[tilespmem:s19+$0x4E40] =	vst v20;
	v20 =	vmul.f32 v49, v43  }
0x141: {  	v59 =	vld [tilespmem:s19+$0x4EC0];
	[tilespmem:s19+$0x4ED0] =	vst v34;
	v38 =	vmul.f32 v63, v56  }
0x142: {  	v50 =	vld [tilespmem:s19+$0x4E70];
	[tilespmem:s19+$0x4E60] =	vst v20;
	v20 =	vmul.f32 v52, v56  }
0x143: {  	[tilespmem:s19+$0x4EF0] =	vst v38;
	v48 =	vmul.f32 v40, v43;
	v45 =	vmul.f32 v37, v62;
	v62 =	vld [tilespmem:s19+$0x4EE0]  }
0x144: {  	v53 =	vld [tilespmem:s19+$0x4E90];
	[tilespmem:s19+$0x4E80] =	vst v20;
	v20 =	vmul.f32 v55, v56  }
0x145: {  	v32 =	vld [tilespmem:s19+$0x4F00];
	[tilespmem:s19+$0x4E10] =	vst v48  }
0x146: {  	v37 =	vld [tilespmem:s19+$0x4F30];
	[tilespmem:s19+$0x4EA0] =	vst v20;
	v20 =	vmul.f32 v59, v56  }
0x147: {  	v35 =	vld [tilespmem:s19+$0x4F20];
	[tilespmem:s19+$0x4DF0] =	vst v45;
	v58 =	vmul.f32 v50, v43  }
0x148: {  	v40 =	vld [tilespmem:s19+$0x4F50];
	v36 =	vperm.xlane v19, v8;
	[tilespmem:s19+$0x4EC0] =	vst v20;
	v20 =	vmul.f32 v62, v56  }
0x149: {  	[tilespmem:s19+$0x4E70] =	vst v58;
	v61 =	vmul.f32 v53, v56;
	v39 =	vld [tilespmem:s19+$0x4F40]  }
0x14a: {  	v33 =	vld [tilespmem:s19+$0x4F10];
	[tilespmem:s19+$0x4EE0] =	vst v20;
	v20 =	vmul.f32 v32, v36  }
0x14b: {  	[tilespmem:s19+$0x4E90] =	vst v61;
	v44 =	vmul.f32 v37, v36;
	v42 =	vld [tilespmem:s19+$0x4F60]  }
0x14c: {  	v50 =	vld [tilespmem:s19+$0x4FB0];
	[tilespmem:s19+$0x4F00] =	vst v20;
	v20 =	vmul.f32 v35, v36  }
0x14d: {  	v45 =	vld [tilespmem:s19+$0x4F80];
	v47 =	vmul.f32 v40, v36;
	[tilespmem:s19+$0x4F30] =	vst v44  }
0x14e: {  	v53 =	vld [tilespmem:s19+$0x4FD0];
	[tilespmem:s19+$0x4F20] =	vst v20;
	v20 =	vmul.f32 v39, v36  }
0x14f: {  	v48 =	vld [tilespmem:s19+$0x4FA0];
	v41 =	vmul.f32 v33, v36;
	[tilespmem:s19+$0x4F50] =	vst v47;
	v49 =	vperm.xlane v19, v9  }
0x150: {  	v46 =	vld [tilespmem:s19+$0x4F90];
	[tilespmem:s19+$0x4F40] =	vst v20;
	v20 =	vmul.f32 v42, v36  }
0x151: {  	[tilespmem:s19+$0x4F10] =	vst v41;
	v52 =	vld [tilespmem:s19+$0x4FC0];
	v57 =	vmul.f32 v50, v49  }
0x152: {  	v43 =	vld [tilespmem:s19+$0x4F70];
	[tilespmem:s19+$0x4F60] =	vst v20;
	v20 =	vmul.f32 v45, v49  }
0x153: {  	v60 =	vmul.f32 v53, v49;
	v55 =	vld [tilespmem:s19+$0x4FE0];
	[tilespmem:s19+$0x4FB0] =	vst v57  }
0x154: {  	v44 =	vld [tilespmem:s19+$0x50B0];
	[tilespmem:s19+$0x4F80] =	vst v20;
	v20 =	vmul.f32 v48, v49  }
0x155: {  	v58 =	vld [tilespmem:s19+$0x5000];
	v54 =	vmul.f32 v46, v49;
	[tilespmem:s19+$0x4FD0] =	vst v60  }
0x156: {  	v47 =	vld [tilespmem:s19+$0x50D0];
	[tilespmem:s19+$0x4FA0] =	vst v20;
	v20 =	vmul.f32 v52, v49  }
0x157: {  	v61 =	vld [tilespmem:s19+$0x5020];
	v51 =	vmul.f32 v43, v36;
	[tilespmem:s19+$0x4F90] =	vst v54;
	v43 =	vperm.xlane v19, v11  }
0x158: {  	v63 =	vld [tilespmem:s19+$0x5030];
	v62 =	vperm.xlane v19, v10;
	[tilespmem:s19+$0x4FC0] =	vst v20;
	v20 =	vmul.f32 v55, v49  }
0x159: {  	v33 =	vld [tilespmem:s19+$0x5040];
	[tilespmem:s19+$0x4F70] =	vst v51;
	v51 =	vmul.f32 v44, v43  }
0x15a: {  	v34 =	vld [tilespmem:s19+$0x5050];
	[tilespmem:s19+$0x4FE0] =	vst v20;
	v20 =	vmul.f32 v58, v62  }
0x15b: {  	v54 =	vmul.f32 v47, v43;
	[tilespmem:s19+$0x50B0] =	vst v51;
	v36 =	vld [tilespmem:s19+$0x5060]  }
0x15c: {  	v59 =	vld [tilespmem:s19+$0x5010];
	[tilespmem:s19+$0x5000] =	vst v20;
	v20 =	vmul.f32 v61, v62  }
0x15d: {  	[tilespmem:s19+$0x50D0] =	vst v54;
	v38 =	vmul.f32 v63, v62;
	v39 =	vld [tilespmem:s19+$0x5080]  }
0x15e: {  	v56 =	vld [tilespmem:s19+$0x4FF0];
	[tilespmem:s19+$0x5020] =	vst v20;
	v20 =	vmul.f32 v33, v62  }
0x15f: {  	v41 =	vmul.f32 v34, v62;
	[tilespmem:s19+$0x5030] =	vst v38;
	v42 =	vld [tilespmem:s19+$0x50A0]  }
0x160: {  	v57 =	vld [tilespmem:s19+$0x5130];
	[tilespmem:s19+$0x5040] =	vst v20;
	v20 =	vmul.f32 v36, v62  }
0x161: {  	v46 =	vld [tilespmem:s19+$0x50C0];
	v35 =	vmul.f32 v59, v62;
	[tilespmem:s19+$0x5050] =	vst v41  }
0x162: {  	v60 =	vld [tilespmem:s19+$0x5150];
	[tilespmem:s19+$0x5060] =	vst v20;
	v20 =	vmul.f32 v39, v43  }
0x163: {  	v32 =	vmul.f32 v56, v49;
	v56 =	vperm.xlane v19, v12;
	[tilespmem:s19+$0x5010] =	vst v35;
	v49 =	vld [tilespmem:s19+$0x50E0]  }
0x164: {  	v63 =	vld [tilespmem:s19+$0x5170];
	[tilespmem:s19+$0x5080] =	vst v20;
	v20 =	vmul.f32 v42, v43  }
0x165: {  	[tilespmem:s19+$0x4FF0] =	vst v32;
	v31 =	vmul.f32 v57, v56;
	v52 =	vld [tilespmem:s19+$0x5100]  }
0x166: {  	v37 =	vld [tilespmem:s19+$0x5070];
	[tilespmem:s19+$0x50A0] =	vst v20;
	v20 =	vmul.f32 v46, v43  }
0x167: {  	v34 =	vmul.f32 v60, v56;
	[tilespmem:s19+$0x5130] =	vst v31;
	v55 =	vld [tilespmem:s19+$0x5120]  }
0x168: {  	v40 =	vld [tilespmem:s19+$0x5090];
	[tilespmem:s19+$0x50C0] =	vst v20;
	v20 =	vmul.f32 v49, v43  }
0x169: {  	v59 =	vld [tilespmem:s19+$0x5140];
	v38 =	vmul.f32 v63, v56;
	[tilespmem:s19+$0x5150] =	vst v34  }
0x16a: {  	v50 =	vld [tilespmem:s19+$0x50F0];
	[tilespmem:s19+$0x50E0] =	vst v20;
	v20 =	vmul.f32 v52, v56  }
0x16b: {  	[tilespmem:s19+$0x5170] =	vst v38;
	v45 =	vmul.f32 v37, v62;
	v62 =	vld [tilespmem:s19+$0x5160]  }
0x16c: {  	v53 =	vld [tilespmem:s19+$0x5110];
	[tilespmem:s19+$0x5100] =	vst v20;
	v20 =	vmul.f32 v55, v56  }
0x16d: {  	v32 =	vld [tilespmem:s19+$0x5180];
	[tilespmem:s19+$0x5070] =	vst v45;
	v48 =	vmul.f32 v40, v43  }
0x16e: {  	v37 =	vld [tilespmem:s19+$0x51B0];
	[tilespmem:s19+$0x5120] =	vst v20;
	v20 =	vmul.f32 v59, v56  }
0x16f: {  	v35 =	vld [tilespmem:s19+$0x51A0];
	[tilespmem:s19+$0x5090] =	vst v48;
	v58 =	vmul.f32 v50, v43  }
0x170: {  	v40 =	vld [tilespmem:s19+$0x51D0];
	v36 =	vperm.xlane v19, v13;
	[tilespmem:s19+$0x5140] =	vst v20;
	v20 =	vmul.f32 v62, v56  }
0x171: {  	[tilespmem:s19+$0x50F0] =	vst v58;
	v61 =	vmul.f32 v53, v56;
	v39 =	vld [tilespmem:s19+$0x51C0]  }
0x172: {  	v33 =	vld [tilespmem:s19+$0x5190];
	[tilespmem:s19+$0x5160] =	vst v20;
	v20 =	vmul.f32 v32, v36  }
0x173: {  	[tilespmem:s19+$0x5110] =	vst v61;
	v44 =	vmul.f32 v37, v36;
	v42 =	vld [tilespmem:s19+$0x51E0]  }
0x174: {  	v50 =	vld [tilespmem:s19+$0x5230];
	[tilespmem:s19+$0x5180] =	vst v20;
	v20 =	vmul.f32 v35, v36  }
0x175: {  	v45 =	vld [tilespmem:s19+$0x5200];
	v47 =	vmul.f32 v40, v36;
	[tilespmem:s19+$0x51B0] =	vst v44  }
0x176: {  	v53 =	vld [tilespmem:s19+$0x5250];
	[tilespmem:s19+$0x51A0] =	vst v20;
	v20 =	vmul.f32 v39, v36  }
0x177: {  	v48 =	vld [tilespmem:s19+$0x5220];
	v41 =	vmul.f32 v33, v36;
	[tilespmem:s19+$0x51D0] =	vst v47;
	v49 =	vperm.xlane v19, v14  }
0x178: {  	v46 =	vld [tilespmem:s19+$0x5210];
	[tilespmem:s19+$0x51C0] =	vst v20;
	v20 =	vmul.f32 v42, v36  }
0x179: {  	[tilespmem:s19+$0x5190] =	vst v41;
	v52 =	vld [tilespmem:s19+$0x5240];
	v57 =	vmul.f32 v50, v49  }
0x17a: {  	v43 =	vld [tilespmem:s19+$0x51F0];
	[tilespmem:s19+$0x51E0] =	vst v20;
	v20 =	vmul.f32 v45, v49  }
0x17b: {  	v60 =	vmul.f32 v53, v49;
	v55 =	vld [tilespmem:s19+$0x5260];
	[tilespmem:s19+$0x5230] =	vst v57  }
0x17c: {  	v63 =	vld [tilespmem:s19+$0x52B0];
	[tilespmem:s19+$0x5200] =	vst v20;
	v20 =	vmul.f32 v48, v49  }
0x17d: {  	v58 =	vld [tilespmem:s19+$0x5280];
	v54 =	vmul.f32 v46, v49;
	[tilespmem:s19+$0x5250] =	vst v60  }
0x17e: {  	v33 =	vld [tilespmem:s19+$0x52D0];
	[tilespmem:s19+$0x5220] =	vst v20;
	v20 =	vmul.f32 v52, v49  }
0x17f: {  	v61 =	vld [tilespmem:s19+$0x52A0];
	v51 =	vmul.f32 v43, v36;
	[tilespmem:s19+$0x5210] =	vst v54;
	v62 =	vperm.xlane v19, v15  }
0x180: {  	v59 =	vld [tilespmem:s19+$0x5290];
	[tilespmem:s19+$0x5240] =	vst v20;
	v20 =	vmul.f32 v55, v49  }
0x181: {  	[tilespmem:s19+$0x51F0] =	vst v51;
	v32 =	vld [tilespmem:s19+$0x52C0];
	v37 =	vmul.f32 v63, v62  }
0x182: {  	v56 =	vld [tilespmem:s19+$0x5270];
	[tilespmem:s19+$0x5260] =	vst v20;
	v20 =	vmul.f32 v58, v62  }
0x183: {  	v40 =	vmul.f32 v33, v62;
	v35 =	vld [tilespmem:s19+$0x52E0];
	[tilespmem:s19+$0x52B0] =	vst v37  }
0x184: {  	v43 =	vld [tilespmem:s19+$0x5330];
	[tilespmem:s19+$0x5280] =	vst v20;
	v20 =	vmul.f32 v61, v62  }
0x185: {  	v38 =	vld [tilespmem:s19+$0x5300];
	v34 =	vmul.f32 v59, v62;
	[tilespmem:s19+$0x52D0] =	vst v40  }
0x186: {  	v46 =	vld [tilespmem:s19+$0x5350];
	[tilespmem:s19+$0x52A0] =	vst v20;
	v20 =	vmul.f32 v32, v62  }
0x187: {  	v41 =	vld [tilespmem:s19+$0x5320];
	v31 =	vmul.f32 v56, v49;
	[tilespmem:s19+$0x5290] =	vst v34;
	v42 =	vperm.xlane v19, v16  }
0x188: {  	v39 =	vld [tilespmem:s19+$0x5310];
	[tilespmem:s19+$0x52C0] =	vst v20;
	v20 =	vmul.f32 v35, v62  }
0x189: {  	[tilespmem:s19+$0x5270] =	vst v31;
	v45 =	vld [tilespmem:s19+$0x5340];
	v50 =	vmul.f32 v43, v42  }
0x18a: {  	v36 =	vld [tilespmem:s19+$0x52F0];
	[tilespmem:s19+$0x52E0] =	vst v20;
	v20 =	vmul.f32 v38, v42  }
0x18b: {  	v53 =	vmul.f32 v46, v42;
	v48 =	vld [tilespmem:s19+$0x5360];
	[tilespmem:s19+$0x5330] =	vst v50  }
0x18c: {  	v52 =	vld [tilespmem:s19+$0x5390];
	[tilespmem:s19+$0x5300] =	vst v20;
	v20 =	vmul.f32 v41, v42  }
0x18d: {  	v51 =	vld [tilespmem:s19+$0x5380];
	v47 =	vmul.f32 v39, v42;
	[tilespmem:s19+$0x5350] =	vst v53  }
0x18e: {  	v49 =	vld [tilespmem:s19+$0x5370];
	[tilespmem:s19+$0x5320] =	vst v20;
	v20 =	vmul.f32 v45, v42  }
0x18f: {  	v54 =	vld [tilespmem:s19+$0x53A0];
	v19 =	vperm.xlane v19, v17;
	v44 =	vmul.f32 v36, v62;
	[tilespmem:s19+$0x5310] =	vst v47  }
0x190: {  	v58 =	vld [tilespmem:s19+$0x53D0];
	[tilespmem:s19+$0x5340] =	vst v20;
	v20 =	vmul.f32 v48, v42  }
0x191: {  	v57 =	vld [tilespmem:s19+$0x53C0];
	[tilespmem:s19+$0x52F0] =	vst v44;
	v59 =	vmul.f32 v52, v19  }
0x192: {  	v55 =	vld [tilespmem:s19+$0x53B0];
	[tilespmem:s19+$0x5360] =	vst v20;
	v20 =	vmul.f32 v51, v19  }
0x193: {  	v60 =	vld [tilespmem:s19+$0x53E0];
	v56 =	vmul.f32 v49, v42;
	[tilespmem:s19+$0x5390] =	vst v59  }
0x194: {  	v61 =	vld [tilespmem:s19+$0x53F0];
	[tilespmem:s19+$0x5380] =	vst v20;
	v20 =	vmul.f32 v54, v19  }
0x195: {  	[tilespmem:s19+$0x5370] =	vst v56;
	v63 =	vmul.f32 v58, v19  }
0x196: {  	p0 =	sne.s32 s13, $0x7;
	[tilespmem:s19+$0x53A0] =	vst v20;
	v20 =	vmul.f32 v57, v19  }
.Ltmp3:
0x197: {  	v62 =	vmul.f32 v55, v19;
	[tilespmem:s19+$0x53D0] =	vst v63;
	(pc) =	sbr.rel @p0 .LBB2_10-.Ltmp3, $4  }
0x198: {  	[tilespmem:s19+$0x53C0] =	vst v20;
	v20 =	vmul.f32 v60, v19  }
0x199: {  	[tilespmem:s19+$0x53B0] =	vst v62;
	v19 =	vmul.f32 v61, v19  }
0x19a: {  	[tilespmem:s19+$0x53E0] =	vst v20  }
0x19b: {  	s13 =	sadd.s32 $0x1, s13;
	[tilespmem:s19+$0x53F0] =	vst v19  }
0x19c: {  	s16 =	sadd.s32 $0x1, s16  }
0x19d: {  	p0 =	sne.s32 s16, $0x4  }
.Ltmp4:
0x19e: {  	_ = 	snop;
	(pc) =	sbr.rel @p0 .LBB2_7-.Ltmp4, $3  }
0x19f: {  	_ =	sdelay $0x1  }
0x1a0: {  	s8 =	sadd.s32 $0x400, s8  }
0x1a1: {  	[spmem:s2] =	stream.indirect.scatter.add.f32 [tilespmem:s29], [sflag:$0x4], $0x80, s8, s3, $0xb8;
	[tilespmem:$0x1F400] =	vst v63  }
0x1a2: {  	s15 =	sadd.s32 $0x1, s15  }
0x1a3: {  	p0 =	sne.s32 s15, $0xA  }
.Ltmp5:
0x1a4: {  	_ = 	snop;
	(pc) =	sbr.rel @p0 .LBB2_6-.Ltmp5, $4  }
0x1a5: {  	_ = 	snop  }
0x1a6: {  	_ =	swait.ge [sflag:s12], $0x4000  }
0x1a7: {  	[sflag:s12] =	ssyncset.done $0x0  }
0x1a8: {  	[sflag:s12] =	ssyncadd.s32 $0xFFFFC000  }
0x1a9: {  	s8 =	stileid.u32;
	[bflag:$0x0] =	sbarrier.arrive $0xFFFF  }
0x1aa: {  	s8 =	sshll.u32 s8, $0x6;
	s14 =	rddreg [dreg:$0x4]  }
0x1ab: {  	s15 =	rddreg [dreg:$0x5];
	s8 =	sor.u32 $0x1C05, s8;
	s13 =	sshrl.u32 s14, $0x3  }
0x1ac: {  	[hbm:s15], [sflag:s8] =	dma.local [spmem:s13], $0x2800  }
0x1ad: {  	_ =	swait.ge [sflag:s18], $0x2800  }
0x1ae: {  	[sflag:s18] =	ssyncset.done $0x0  }
0x1af: {  	s19 =	simm.s32 $0x0;
	s20 =	rddreg [dreg:$0x6];
	[sflag:s18] =	ssyncadd.s32 $0xFFFFD800  }
0x1b0: {  	[hbm4b:s20+s19] =	stream.linear.scatter [tilespmem:s4], [sflag:$0x5], $0x2800, $0x38;
	[tilespmem:$0x1F400] =	vst v63  }
0x1b1: {  	_ =	swait.ge [sflag:s18], $0x2800  }
0x1b2: {  	s22 =	rddreg [dreg:$0xc]  }
0x1b3: {  	s23 =	rddreg [dreg:$0x7];
	s13 =	sadd.s32 $0x1, s22  }
0x1b4: {  	p0 =	sne.s32 s13, s23  }
.Ltmp6:
0x1b5: {  	_ = 	snop;
	(pc) =	sbr.rel @p0 .LBB2_1-.Ltmp6, $3  }
0x1b6: {  	_ =	sdelay $0x1  }
0x1b7: {  	[sflag:s18] =	ssyncset.done $0x0  }
0x1b8: {  	[sflag:s18] =	ssyncadd.s32 $0xFFFFD800  }
0x1b9: {  	_ =	sfence.sel $0x180000  }
0x1ba: {  	[bflag:$0x0] =	sbarrier.arrive $0xFFFF  }
0x1bb: {  	_ =	strace $0x90000047  }
0x1bc: {  	s0 =	stileid.u32;
	[bflag:$0x2] =	sbarrier.arrive $0xFFFF  }
0x1bd: {  	p0 =	sne.s32 s0, $0x0;
	s0 =	rddreg [dreg:$0x3]  }
0x1be: {  	s0 =	sadd.s32 @!p0 $0x100000, s0  }
0x1bf: {  	[sflag:s0] =	ssyncadd.tile.s32 @!p0 $0x1;
	_ =	shalt  }
.Lfunc_end2:
_tile_overlayer_lowered:
.L_overlay_start_2:
0x1c0: {  	(tag) =	ssettag $0x2  }
0x1c1: {  	s0 =	rddreg [dreg:$0x0];
	s2 =	stileid.u32  }
0x1c2: {  	s1 =	rddreg [dreg:$0x1];
	p0 =	sne.s32 s2, $0x0  }
0x1c3: {  	s3 =	rddreg [dreg:$0x2];
	[bflag:$0x3] =	sbarrier.arrive $0xFFFF;
	s2 =	simm.s32 @!p0 $0x1C05  }
0x1c4: {  	[timem:s3], [sflag:s2] =	dma.local @!p0 [hbm:s0], s1  }
0x1c5: {  	s0 =	simm.s32 @!p0 $0x5  }
0x1c6: {  	_ =	swait.ge @!p0 [sflag:s0], s1  }
0x1c7: {  	s1 =	ssub.s32 @!p0 $0x0, s1;
	[sflag:s0] =	ssyncset.done @!p0 $0x0  }
0x1c8: {  	[sflag:s0] =	ssyncadd.s32 @!p0 s1  }
0x1c9: {  	[bflag:$0x3] =	sbarrier.arrive $0xFFFF  }
0x1ca: {  	_ =	shalt  }

</sc_bundles>
